<compile_context>
chip_gen: v7x
topology: tpu7x:2x2x1
jax: 0.10.2.dev20260603
libtpu: 0.0.44.dev20260713+nightly
codegen_flags: <defaults>
</compile_context>

<pallas_src>
import functools

import jax
import jax.numpy as jnp
from jax import lax
from jax.experimental import pallas as pl
from jax.experimental.pallas import tpu as pltpu
from jax.experimental.pallas import tpu_sc as plsc

N_NODES = 100000
N_PAD = 100096
STRIPE = N_PAD // 16
CH = STRIPE // 8
EB = 128
U = 12
NW = 32
BN = 5888
GRID = N_PAD // BN

_mesh = plsc.VectorSubcoreMesh(core_axis_name="c", subcore_axis_name="s")


def _make_deg(n_rows2d):
    rows_w = n_rows2d // NW
    g_per_w = rows_w // U

    @functools.partial(
        pl.kernel,
        out_type=jax.ShapeDtypeStruct((2 * N_PAD,), jnp.float32),
        mesh=_mesh,
        compiler_params=pltpu.CompilerParams(use_tc_tiling_on_sc=False),
        scratch_types=[
            pltpu.VMEM_SHARED((N_PAD,), jnp.float32),
            pltpu.VMEM((STRIPE,), jnp.float32),
            pltpu.VMEM((STRIPE,), jnp.float32),
            pltpu.VMEM((U, EB), jnp.int32),
            pltpu.VMEM((EB,), jnp.float32),
            pltpu.SemaphoreType.DMA,
        ],
    )
    def deg_kernel(dstp, out, deg_sh, zbuf, zbuf2, didx, ones_v, sem):
        c = lax.axis_index("c")
        s = lax.axis_index("s")
        wid = c * 16 + s
        z = jnp.zeros((16,), jnp.float32)
        one = jnp.ones((16,), jnp.float32)

        def zbody(i, carry):
            zbuf[pl.ds(i * 16, 16)] = z
            return carry

        lax.fori_loop(0, STRIPE // 16, zbody, 0)
        for k in range(EB // 16):
            ones_v[pl.ds(k * 16, 16)] = one
        pltpu.sync_copy(zbuf, deg_sh.at[pl.ds(s * STRIPE, STRIPE)])
        plsc.subcore_barrier()

        def body(g, carry):
            pltpu.sync_copy(dstp.at[pl.ds(wid * rows_w + g * U, U)], didx)
            cps = [pltpu.async_copy(ones_v, deg_sh.at[didx.at[j]], sem,
                                    add=True)
                   for j in range(U)]
            for cp in cps:
                cp.wait()
            return carry

        lax.fori_loop(0, g_per_w, body, 0)
        plsc.subcore_barrier()
        pltpu.sync_copy(deg_sh.at[pl.ds(s * STRIPE, STRIPE)], zbuf)

        def cbody(i, carry):
            zbuf2[pl.ds(i * 16, 16)] = zbuf[pl.ds(i * 16, 16)]
            return carry

        lax.fori_loop(0, STRIPE // 16, cbody, 0)
        pltpu.sync_copy(zbuf2, out.at[pl.ds(c * N_PAD + s * STRIPE, STRIPE)])

    return deg_kernel


def _make_agg(n_rows2d):
    rows_w = n_rows2d // NW
    g_per_w = rows_w // U

    @functools.partial(
        pl.kernel,
        out_type=jax.ShapeDtypeStruct((2, N_PAD, 16), jnp.float32),
        mesh=_mesh,
        compiler_params=pltpu.CompilerParams(use_tc_tiling_on_sc=False),
        scratch_types=[
            pltpu.VMEM_SHARED((N_PAD, 16), jnp.float32),
            pltpu.VMEM((128, 16), jnp.float32),
            pltpu.VMEM((U, EB), jnp.int32),
            pltpu.VMEM((U, EB), jnp.int32),
            pltpu.VMEM((U, EB, 16), jnp.float32),
            pltpu.SemaphoreType.DMA,
            pltpu.SemaphoreType.DMA,
        ],
    )
    def agg_kernel(table, srcp, dstp, out, acc_sh, stage, sidx, didx, rows,
                   sem, sem2):
        c = lax.axis_index("c")
        s = lax.axis_index("s")
        wid = c * 16 + s
        z = jnp.zeros((16,), jnp.float32)

        def zrow(i, carry):
            stage[i, :] = z
            return carry

        lax.fori_loop(0, 128, zrow, 0)

        n_tiles = N_PAD // 128
        q_max = -(-n_tiles // 16)

        def ibody(q, carry):
            t = s + q * 16

            @pl.when(t < n_tiles)
            def _():
                pltpu.sync_copy(stage, acc_sh.at[pl.ds(t * 128, 128)])
            return carry

        lax.fori_loop(0, q_max, ibody, 0)
        plsc.subcore_barrier()

        def body(g, carry):
            row = wid * rows_w + g * U
            ci = [pltpu.async_copy(srcp.at[pl.ds(row, U)], sidx, sem2),
                  pltpu.async_copy(dstp.at[pl.ds(row, U)], didx, sem2)]
            for cp in ci:
                cp.wait()
            h = U // 4
            parts = [range(k * h, (k + 1) * h) for k in range(4)]
            gth = [[pltpu.async_copy(table.at[sidx.at[j]], rows.at[j], sem)
                    for j in p] for p in parts]
            sct = []
            for gp, p in zip(gth, parts):
                for cp in gp:
                    cp.wait()
                sct += [pltpu.async_copy(rows.at[j], acc_sh.at[didx.at[j]],
                                         sem2, add=True)
                        for j in p]
            for cp in sct:
                cp.wait()
            return carry

        lax.fori_loop(0, g_per_w, body, 0)
        plsc.subcore_barrier()

        def obody(q, carry):
            t = s + q * 16

            @pl.when(t < n_tiles)
            def _():
                pltpu.sync_copy(acc_sh.at[pl.ds(t * 128, 128)], stage)
                pltpu.sync_copy(stage, out.at[c, pl.ds(t * 128, 128)])
            return carry

        lax.fori_loop(0, q_max, obody, 0)

    return agg_kernel


def _tc_scale1(degs, xpad, W1):
    def body(deg_ref, x_ref, w_ref, dis_ref, h_ref):
        deg = jnp.sum(deg_ref[...], axis=0) + 1.0
        dis = lax.rsqrt(deg)[:, None]
        h = jnp.dot(x_ref[...], w_ref[...], preferred_element_type=jnp.float32)
        dis_ref[...] = dis
        h_ref[...] = h * dis

    return pl.pallas_call(
        body,
        grid=(GRID,),
        in_specs=[
            pl.BlockSpec((2, BN), lambda i: (0, i)),
            pl.BlockSpec((BN, 8), lambda i: (i, 0)),
            pl.BlockSpec((8, 16), lambda i: (0, 0)),
        ],
        out_specs=[
            pl.BlockSpec((BN, 1), lambda i: (i, 0)),
            pl.BlockSpec((BN, 16), lambda i: (i, 0)),
        ],
        out_shape=[
            jax.ShapeDtypeStruct((N_PAD, 1), jnp.float32),
            jax.ShapeDtypeStruct((N_PAD, 16), jnp.float32),
        ],
    )(degs, xpad, W1)


def _tc_mid(acc, h1p, dis, b1, W2p):
    def body(a_ref, h_ref, dis_ref, b_ref, w_ref, o_ref):
        dis = dis_ref[...]
        p = (a_ref[0] + a_ref[1] + h_ref[...]) * dis + b_ref[...]
        r = jnp.maximum(p, 0.0)
        o_ref[...] = jnp.dot(r, w_ref[...],
                             preferred_element_type=jnp.float32) * dis

    return pl.pallas_call(
        body,
        grid=(GRID,),
        in_specs=[
            pl.BlockSpec((2, BN, 16), lambda i: (0, i, 0)),
            pl.BlockSpec((BN, 16), lambda i: (i, 0)),
            pl.BlockSpec((BN, 1), lambda i: (i, 0)),
            pl.BlockSpec((1, 16), lambda i: (0, 0)),
            pl.BlockSpec((16, 16), lambda i: (0, 0)),
        ],
        out_specs=pl.BlockSpec((BN, 16), lambda i: (i, 0)),
        out_shape=jax.ShapeDtypeStruct((N_PAD, 16), jnp.float32),
    )(acc, h1p, dis, b1, W2p)


def _tc_final(acc, h2p, dis, b2p):
    def body(a_ref, h_ref, dis_ref, b_ref, o_ref):
        o_ref[...] = jax.nn.sigmoid(
            (a_ref[0] + a_ref[1] + h_ref[...]) * dis_ref[...] + b_ref[...])

    return pl.pallas_call(
        body,
        grid=(GRID,),
        in_specs=[
            pl.BlockSpec((2, BN, 16), lambda i: (0, i, 0)),
            pl.BlockSpec((BN, 16), lambda i: (i, 0)),
            pl.BlockSpec((BN, 1), lambda i: (i, 0)),
            pl.BlockSpec((1, 16), lambda i: (0, 0)),
        ],
        out_specs=pl.BlockSpec((BN, 16), lambda i: (i, 0)),
        out_shape=jax.ShapeDtypeStruct((N_PAD, 16), jnp.float32),
    )(acc, h2p, dis, b2p)


def kernel(x, edge_index, W1, b1, W2, b2):
    n_edges = edge_index.shape[1]
    chunk = NW * EB * U
    epad = -(-n_edges // chunk) * chunk
    pad = epad - n_edges

    src = edge_index[0].astype(jnp.int32)
    dst = edge_index[1].astype(jnp.int32)
    junk = jnp.full((pad,), N_NODES, jnp.int32)
    srcp = jnp.concatenate([src, junk]).reshape(-1, EB)
    dstp = jnp.concatenate([dst, junk]).reshape(-1, EB)
    n_rows2d = srcp.shape[0]

    xpad = jnp.pad(x, ((0, N_PAD - N_NODES), (0, 0)))
    W2p = jnp.pad(W2, ((0, 0), (0, 16 - W2.shape[1])))
    b1r = b1.reshape(1, 16)
    b2p = jnp.pad(b2, (0, 16 - b2.shape[0])).reshape(1, 16)

    degs = _make_deg(n_rows2d)(dstp).reshape(2, N_PAD)
    dis, h1p = _tc_scale1(degs, xpad, W1)

    agg = _make_agg(n_rows2d)
    acc1 = agg(h1p, srcp, dstp)
    h2p = _tc_mid(acc1, h1p, dis, b1r, W2p)
    acc2 = agg(h2p, srcp, dstp)
    out2 = _tc_final(acc2, h2p, dis, b2p)
    return out2[:N_NODES, :W2.shape[1]]

# --- scband reference (transcript-rebuilt; emitter-appended) ---
"""Pipeline reference for scband-decoder-22789096472706 (READ-ONLY COPY).

The authoritative reference and input builder live on the scoring server;
editing this copy changes nothing except your own understanding.
"""

import jax, jax.numpy as jnp
import numpy as np

N_NODES = 100000
N_EDGES = 6400000


def _glorot(key, shape):
    fan_in, fan_out = shape[0], shape[1]
    limit = float(np.sqrt(6.0 / (fan_in + fan_out)))
    return jax.random.uniform(key, shape, dtype=jnp.float32, minval=-limit, maxval=limit)


def setup_inputs(seed: int = 0) -> dict:
    key = jax.random.key(seed)
    k1, k2, k3, k4 = jax.random.split(key, 4)
    x = jax.random.normal(k1, (N_NODES, 8), dtype=jnp.float32)
    edge_index = jax.random.randint(k2, (2, N_EDGES), 0, N_NODES, dtype=jnp.int64)
    W1 = _glorot(k3, (8, 16))
    b1 = jnp.zeros((16,), dtype=jnp.float32)
    W2 = _glorot(k4, (16, 12))
    b2 = jnp.zeros((12,), dtype=jnp.float32)
    return {"x": x, "edge_index": edge_index, "W1": W1, "b1": b1, "W2": W2, "b2": b2}


def _gcn_conv(x, edge_index, W, b):
    # PyG GCNConv with default add_self_loops=True and symmetric normalization:
    # out = D^{-1/2} (A + I) D^{-1/2} X W + b
    num_nodes = x.shape[0]
    src = edge_index[0]
    dst = edge_index[1]
    self_loops = jnp.arange(num_nodes, dtype=edge_index.dtype)
    src = jnp.concatenate([src, self_loops])
    dst = jnp.concatenate([dst, self_loops])
    deg = jnp.zeros((num_nodes,), dtype=x.dtype).at[dst].add(1.0)
    deg_inv_sqrt = jnp.where(deg > 0, 1.0 / jnp.sqrt(deg), 0.0)
    norm = deg_inv_sqrt[src] * deg_inv_sqrt[dst]
    h = x @ W
    msg = jnp.take(h, src, axis=0) * norm[:, None]
    out = jnp.zeros((num_nodes, h.shape[1]), dtype=h.dtype).at[dst].add(msg)
    return out + b


def reference(x, edge_index, W1, b1, W2, b2):
    h = jax.nn.relu(_gcn_conv(x, edge_index, W1, b1))
    out = jax.nn.sigmoid(_gcn_conv(h, edge_index, W2, b2))
    return out

if __name__ == "__main__":
    import jax
    _d = setup_inputs()
    print(jax.jit(kernel)(*tuple(_d.values())))

</pallas_src>

<mosaic_0001>
#map = affine_map<(d0, d1) -> (0, 0)>
#map1 = affine_map<(d0, d1) -> (0)>
module attributes {stable_mosaic.version = 14 : i64} {
  func.func @deg_kernel(%arg0: i32, %arg1: i32, %arg2: memref<50304x128xi32, #tpu.memory_space<hbm>>, %arg3: memref<200192xf32, #tpu.memory_space<hbm>>, %arg4: memref<100096xf32, #tpu.memory_space<vmem_shared>>, %arg5: memref<6256xf32, #tpu.memory_space<vmem>>, %arg6: memref<6256xf32, #tpu.memory_space<vmem>>, %arg7: memref<12x128xi32, #tpu.memory_space<vmem>>, %arg8: memref<128xf32, #tpu.memory_space<vmem>>, %arg9: memref<!tpu.dma_semaphore, #tpu.memory_space<semaphore_mem>>) attributes {dimension_semantics = [#tpu.dimension_semantics<core_parallel>, #tpu.dimension_semantics<subcore_parallel>], iteration_bounds = array<i64: 2, 16>, scalar_prefetch = 0 : i64, scratch_operands = 6 : i64, tpu.core_type = #tpu.core_type<sc_vector_subcore>, window_params = [{transform_indices = #map}, {transform_indices = #map1}]} {
    %mul3A = arith.constant 16 : i32
    %mul3A_0 = arith.muli %arg0, %mul3A : i32
    %add3A = arith.addi %mul3A_0, %arg1 : i32
    %broadcast_in_dim3A = arith.constant 0.000000e+00 : f32
    %broadcast_in_dim3A_1 = vector.broadcast %broadcast_in_dim3A : f32 to vector<16xf32>
    %broadcast_in_dim3A_2 = arith.constant 1.000000e+00 : f32
    %broadcast_in_dim3A_3 = vector.broadcast %broadcast_in_dim3A_2 : f32 to vector<16xf32>
    %scan3A = arith.constant 0 : i32
    %scan3A_4 = arith.constant 0 : i32
    %scan3A_5 = arith.constant 391 : i32
    %scan3A_6 = arith.addi %scan3A_4, %scan3A_5 : i32
    %scan3A_7 = arith.constant 1 : i32
    scf.for %scan3A_62 = %scan3A_4 to %scan3A_6 step %scan3A_7  : i32 {
      %mul3A_63 = arith.constant 16 : i32
      %mul3A_64 = arith.muli %scan3A_62, %mul3A_63 : i32
      %swap3A_65 = arith.index_cast %mul3A_64 : i32 to index
      %swap3A_66 = tpu.vector_load %arg5[%swap3A_65] {strides = array<i32>} : memref<6256xf32, #tpu.memory_space<vmem>>, vector<16xf32>,
      %swap3A_67 = vector.shape_cast %swap3A_66 : vector<16xf32> to vector<16xf32>
      %swap3A_68 = vector.shape_cast %broadcast_in_dim3A_1 : vector<16xf32> to vector<16xf32>
      tpu.vector_store %arg5[%swap3A_65], %swap3A_68 {strides = array<i32>} : memref<6256xf32, #tpu.memory_space<vmem>>, vector<16xf32>,
    }
    %scan3A_8 = arith.constant 391 : i32
    %swap3A = arith.constant 0 : index
    %swap3A_9 = tpu.vector_load %arg8[%swap3A] {strides = array<i32>} : memref<128xf32, #tpu.memory_space<vmem>>, vector<16xf32>,
    %swap3A_10 = vector.shape_cast %swap3A_9 : vector<16xf32> to vector<16xf32>
    %swap3A_11 = vector.shape_cast %broadcast_in_dim3A_3 : vector<16xf32> to vector<16xf32>
    tpu.vector_store %arg8[%swap3A], %swap3A_11 {strides = array<i32>} : memref<128xf32, #tpu.memory_space<vmem>>, vector<16xf32>,
    %swap3A_12 = arith.constant 16 : index
    %swap3A_13 = tpu.vector_load %arg8[%swap3A_12] {strides = array<i32>} : memref<128xf32, #tpu.memory_space<vmem>>, vector<16xf32>,
    %swap3A_14 = vector.shape_cast %swap3A_13 : vector<16xf32> to vector<16xf32>
    %swap3A_15 = vector.shape_cast %broadcast_in_dim3A_3 : vector<16xf32> to vector<16xf32>
    tpu.vector_store %arg8[%swap3A_12], %swap3A_15 {strides = array<i32>} : memref<128xf32, #tpu.memory_space<vmem>>, vector<16xf32>,
    %swap3A_16 = arith.constant 32 : index
    %swap3A_17 = tpu.vector_load %arg8[%swap3A_16] {strides = array<i32>} : memref<128xf32, #tpu.memory_space<vmem>>, vector<16xf32>,
    %swap3A_18 = vector.shape_cast %swap3A_17 : vector<16xf32> to vector<16xf32>
    %swap3A_19 = vector.shape_cast %broadcast_in_dim3A_3 : vector<16xf32> to vector<16xf32>
    tpu.vector_store %arg8[%swap3A_16], %swap3A_19 {strides = array<i32>} : memref<128xf32, #tpu.memory_space<vmem>>, vector<16xf32>,
    %swap3A_20 = arith.constant 48 : index
    %swap3A_21 = tpu.vector_load %arg8[%swap3A_20] {strides = array<i32>} : memref<128xf32, #tpu.memory_space<vmem>>, vector<16xf32>,
    %swap3A_22 = vector.shape_cast %swap3A_21 : vector<16xf32> to vector<16xf32>
    %swap3A_23 = vector.shape_cast %broadcast_in_dim3A_3 : vector<16xf32> to vector<16xf32>
    tpu.vector_store %arg8[%swap3A_20], %swap3A_23 {strides = array<i32>} : memref<128xf32, #tpu.memory_space<vmem>>, vector<16xf32>,
    %swap3A_24 = arith.constant 64 : index
    %swap3A_25 = tpu.vector_load %arg8[%swap3A_24] {strides = array<i32>} : memref<128xf32, #tpu.memory_space<vmem>>, vector<16xf32>,
    %swap3A_26 = vector.shape_cast %swap3A_25 : vector<16xf32> to vector<16xf32>
    %swap3A_27 = vector.shape_cast %broadcast_in_dim3A_3 : vector<16xf32> to vector<16xf32>
    tpu.vector_store %arg8[%swap3A_24], %swap3A_27 {strides = array<i32>} : memref<128xf32, #tpu.memory_space<vmem>>, vector<16xf32>,
    %swap3A_28 = arith.constant 80 : index
    %swap3A_29 = tpu.vector_load %arg8[%swap3A_28] {strides = array<i32>} : memref<128xf32, #tpu.memory_space<vmem>>, vector<16xf32>,
    %swap3A_30 = vector.shape_cast %swap3A_29 : vector<16xf32> to vector<16xf32>
    %swap3A_31 = vector.shape_cast %broadcast_in_dim3A_3 : vector<16xf32> to vector<16xf32>
    tpu.vector_store %arg8[%swap3A_28], %swap3A_31 {strides = array<i32>} : memref<128xf32, #tpu.memory_space<vmem>>, vector<16xf32>,
    %swap3A_32 = arith.constant 96 : index
    %swap3A_33 = tpu.vector_load %arg8[%swap3A_32] {strides = array<i32>} : memref<128xf32, #tpu.memory_space<vmem>>, vector<16xf32>,
    %swap3A_34 = vector.shape_cast %swap3A_33 : vector<16xf32> to vector<16xf32>
    %swap3A_35 = vector.shape_cast %broadcast_in_dim3A_3 : vector<16xf32> to vector<16xf32>
    tpu.vector_store %arg8[%swap3A_32], %swap3A_35 {strides = array<i32>} : memref<128xf32, #tpu.memory_space<vmem>>, vector<16xf32>,
    %swap3A_36 = arith.constant 112 : index
    %swap3A_37 = tpu.vector_load %arg8[%swap3A_36] {strides = array<i32>} : memref<128xf32, #tpu.memory_space<vmem>>, vector<16xf32>,
    %swap3A_38 = vector.shape_cast %swap3A_37 : vector<16xf32> to vector<16xf32>
    %swap3A_39 = vector.shape_cast %broadcast_in_dim3A_3 : vector<16xf32> to vector<16xf32>
    tpu.vector_store %arg8[%swap3A_36], %swap3A_39 {strides = array<i32>} : memref<128xf32, #tpu.memory_space<vmem>>, vector<16xf32>,
    %mul3A_40 = arith.constant 6256 : i32
    %mul3A_41 = arith.muli %arg1, %mul3A_40 : i32
    "tpu.region"() ({
      %run_scoped3A = tpu.sem_alloc : memref<!tpu.dma_semaphore, #tpu.memory_space<semaphore_mem>>
      %dma_start3A = tpu.memref_slice %arg4[%mul3A_41] : memref<100096xf32, #tpu.memory_space<vmem_shared>> -> memref<6256xf32, #tpu.memory_space<vmem_shared>>
      %dma_start3A_62 = tpu.memref_slice %arg4[%mul3A_41] : memref<100096xf32, #tpu.memory_space<vmem_shared>> -> memref<6256xf32, #tpu.memory_space<vmem_shared>>
      tpu.enqueue_dma source(%arg5 : memref<6256xf32, #tpu.memory_space<vmem>>) target(%dma_start3A_62 : memref<6256xf32, #tpu.memory_space<vmem_shared>>) target_semaphore(%run_scoped3A : memref<!tpu.dma_semaphore, #tpu.memory_space<semaphore_mem>>)
      %dma_wait3A = tpu.memref_slice %arg4[%mul3A_41] : memref<100096xf32, #tpu.memory_space<vmem_shared>> -> memref<6256xf32, #tpu.memory_space<vmem_shared>>
      %dma_wait3A_63 = tpu.memref_slice %arg4[%mul3A_41] : memref<100096xf32, #tpu.memory_space<vmem_shared>> -> memref<6256xf32, #tpu.memory_space<vmem_shared>>
      tpu.wait_dma2 semaphore(%run_scoped3A : memref<!tpu.dma_semaphore, #tpu.memory_space<semaphore_mem>>) src(%arg5 : memref<6256xf32, #tpu.memory_space<vmem>>) dst(%dma_wait3A_63 : memref<6256xf32, #tpu.memory_space<vmem_shared>>)
      tpu.yield
    }) : () -> ()
    %barrier3A = arith.constant 0 : index
    tpu.barrier barrier_id(%barrier3A)
    %scan3A_42 = arith.constant 0 : i32
    %scan3A_43 = arith.constant 0 : i32
    %scan3A_44 = arith.constant 131 : i32
    %scan3A_45 = arith.addi %scan3A_43, %scan3A_44 : i32
    %scan3A_46 = arith.constant 1 : i32
    scf.for %scan3A_62 = %scan3A_43 to %scan3A_45 step %scan3A_46  : i32 {
      %mul3A_63 = arith.constant 1572 : i32
      %mul3A_64 = arith.muli %add3A, %mul3A_63 : i32
      %mul3A_65 = arith.constant 12 : i32
      %mul3A_66 = arith.muli %scan3A_62, %mul3A_65 : i32
      %add3A_67 = arith.addi %mul3A_64, %mul3A_66 : i32
      "tpu.region"() ({
        %run_scoped3A = tpu.sem_alloc : memref<!tpu.dma_semaphore, #tpu.memory_space<semaphore_mem>>
        %dma_start3A_210 = arith.constant 0 : i32
        %dma_start3A_211 = tpu.memref_slice %arg2[%add3A_67, %dma_start3A_210] : memref<50304x128xi32, #tpu.memory_space<hbm>> -> memref<12x128xi32, #tpu.memory_space<hbm>>
        %dma_start3A_212 = arith.constant 0 : i32
        %dma_start3A_213 = tpu.memref_slice %arg2[%add3A_67, %dma_start3A_212] : memref<50304x128xi32, #tpu.memory_space<hbm>> -> memref<12x128xi32, #tpu.memory_space<hbm>>
        tpu.enqueue_dma source(%dma_start3A_213 : memref<12x128xi32, #tpu.memory_space<hbm>>) target(%arg7 : memref<12x128xi32, #tpu.memory_space<vmem>>) target_semaphore(%run_scoped3A : memref<!tpu.dma_semaphore, #tpu.memory_space<semaphore_mem>>)
        %dma_wait3A_214 = arith.constant 0 : i32
        %dma_wait3A_215 = tpu.memref_slice %arg2[%add3A_67, %dma_wait3A_214] : memref<50304x128xi32, #tpu.memory_space<hbm>> -> memref<12x128xi32, #tpu.memory_space<hbm>>
        %dma_wait3A_216 = arith.constant 0 : i32
        %dma_wait3A_217 = tpu.memref_slice %arg2[%add3A_67, %dma_wait3A_216] : memref<50304x128xi32, #tpu.memory_space<hbm>> -> memref<12x128xi32, #tpu.memory_space<hbm>>
        tpu.wait_dma2 semaphore(%run_scoped3A : memref<!tpu.dma_semaphore, #tpu.memory_space<semaphore_mem>>) src(%dma_wait3A_217 : memref<12x128xi32, #tpu.memory_space<hbm>>) dst(%arg7 : memref<12x128xi32, #tpu.memory_space<vmem>>)
        tpu.yield
      }) : () -> ()
      %dma_start3A = arith.constant 0 : i32
      %dma_start3A_68 = arith.constant 0 : i32
      %dma_start3A_69 = tpu.memref_slice %arg7[%dma_start3A, %dma_start3A_68] : memref<12x128xi32, #tpu.memory_space<vmem>> -> memref<1x128xi32, #tpu.memory_space<vmem>>
      %dma_start3A_70 = tpu.memref_squeeze %dma_start3A_69 : memref<1x128xi32, #tpu.memory_space<vmem>> -> memref<128xi32, #tpu.memory_space<vmem>>
      %dma_start3A_71 = arith.constant 0 : i32
      %dma_start3A_72 = tpu.memref_slice %arg4[%dma_start3A_71] : memref<100096xf32, #tpu.memory_space<vmem_shared>> -> memref<100096xf32, #tpu.memory_space<vmem_shared>>
      tpu.enqueue_indirect_dma source(%arg8 : memref<128xf32, #tpu.memory_space<vmem>>) target(%dma_start3A_72 : memref<100096xf32, #tpu.memory_space<vmem_shared>>) offsets(%dma_start3A_70 : memref<128xi32, #tpu.memory_space<vmem>>) semaphore(%arg9 : memref<!tpu.dma_semaphore, #tpu.memory_space<semaphore_mem>>) {add = true}
      %dma_start3A_73 = arith.constant 1 : i32
      %dma_start3A_74 = arith.constant 0 : i32
      %dma_start3A_75 = tpu.memref_slice %arg7[%dma_start3A_73, %dma_start3A_74] : memref<12x128xi32, #tpu.memory_space<vmem>> -> memref<1x128xi32, #tpu.memory_space<vmem>>
      %dma_start3A_76 = tpu.memref_squeeze %dma_start3A_75 : memref<1x128xi32, #tpu.memory_space<vmem>> -> memref<128xi32, #tpu.memory_space<vmem>>
      %dma_start3A_77 = arith.constant 0 : i32
      %dma_start3A_78 = tpu.memref_slice %arg4[%dma_start3A_77] : memref<100096xf32, #tpu.memory_space<vmem_shared>> -> memref<100096xf32, #tpu.memory_space<vmem_shared>>
      tpu.enqueue_indirect_dma source(%arg8 : memref<128xf32, #tpu.memory_space<vmem>>) target(%dma_start3A_78 : memref<100096xf32, #tpu.memory_space<vmem_shared>>) offsets(%dma_start3A_76 : memref<128xi32, #tpu.memory_space<vmem>>) semaphore(%arg9 : memref<!tpu.dma_semaphore, #tpu.memory_space<semaphore_mem>>) {add = true}
      %dma_start3A_79 = arith.constant 2 : i32
      %dma_start3A_80 = arith.constant 0 : i32
      %dma_start3A_81 = tpu.memref_slice %arg7[%dma_start3A_79, %dma_start3A_80] : memref<12x128xi32, #tpu.memory_space<vmem>> -> memref<1x128xi32, #tpu.memory_space<vmem>>
      %dma_start3A_82 = tpu.memref_squeeze %dma_start3A_81 : memref<1x128xi32, #tpu.memory_space<vmem>> -> memref<128xi32, #tpu.memory_space<vmem>>
      %dma_start3A_83 = arith.constant 0 : i32
      %dma_start3A_84 = tpu.memref_slice %arg4[%dma_start3A_83] : memref<100096xf32, #tpu.memory_space<vmem_shared>> -> memref<100096xf32, #tpu.memory_space<vmem_shared>>
      tpu.enqueue_indirect_dma source(%arg8 : memref<128xf32, #tpu.memory_space<vmem>>) target(%dma_start3A_84 : memref<100096xf32, #tpu.memory_space<vmem_shared>>) offsets(%dma_start3A_82 : memref<128xi32, #tpu.memory_space<vmem>>) semaphore(%arg9 : memref<!tpu.dma_semaphore, #tpu.memory_space<semaphore_mem>>) {add = true}
      %dma_start3A_85 = arith.constant 3 : i32
      %dma_start3A_86 = arith.constant 0 : i32
      %dma_start3A_87 = tpu.memref_slice %arg7[%dma_start3A_85, %dma_start3A_86] : memref<12x128xi32, #tpu.memory_space<vmem>> -> memref<1x128xi32, #tpu.memory_space<vmem>>
      %dma_start3A_88 = tpu.memref_squeeze %dma_start3A_87 : memref<1x128xi32, #tpu.memory_space<vmem>> -> memref<128xi32, #tpu.memory_space<vmem>>
      %dma_start3A_89 = arith.constant 0 : i32
      %dma_start3A_90 = tpu.memref_slice %arg4[%dma_start3A_89] : memref<100096xf32, #tpu.memory_space<vmem_shared>> -> memref<100096xf32, #tpu.memory_space<vmem_shared>>
      tpu.enqueue_indirect_dma source(%arg8 : memref<128xf32, #tpu.memory_space<vmem>>) target(%dma_start3A_90 : memref<100096xf32, #tpu.memory_space<vmem_shared>>) offsets(%dma_start3A_88 : memref<128xi32, #tpu.memory_space<vmem>>) semaphore(%arg9 : memref<!tpu.dma_semaphore, #tpu.memory_space<semaphore_mem>>) {add = true}
      %dma_start3A_91 = arith.constant 4 : i32
      %dma_start3A_92 = arith.constant 0 : i32
      %dma_start3A_93 = tpu.memref_slice %arg7[%dma_start3A_91, %dma_start3A_92] : memref<12x128xi32, #tpu.memory_space<vmem>> -> memref<1x128xi32, #tpu.memory_space<vmem>>
      %dma_start3A_94 = tpu.memref_squeeze %dma_start3A_93 : memref<1x128xi32, #tpu.memory_space<vmem>> -> memref<128xi32, #tpu.memory_space<vmem>>
      %dma_start3A_95 = arith.constant 0 : i32
      %dma_start3A_96 = tpu.memref_slice %arg4[%dma_start3A_95] : memref<100096xf32, #tpu.memory_space<vmem_shared>> -> memref<100096xf32, #tpu.memory_space<vmem_shared>>
      tpu.enqueue_indirect_dma source(%arg8 : memref<128xf32, #tpu.memory_space<vmem>>) target(%dma_start3A_96 : memref<100096xf32, #tpu.memory_space<vmem_shared>>) offsets(%dma_start3A_94 : memref<128xi32, #tpu.memory_space<vmem>>) semaphore(%arg9 : memref<!tpu.dma_semaphore, #tpu.memory_space<semaphore_mem>>) {add = true}
      %dma_start3A_97 = arith.constant 5 : i32
      %dma_start3A_98 = arith.constant 0 : i32
      %dma_start3A_99 = tpu.memref_slice %arg7[%dma_start3A_97, %dma_start3A_98] : memref<12x128xi32, #tpu.memory_space<vmem>> -> memref<1x128xi32, #tpu.memory_space<vmem>>
      %dma_start3A_100 = tpu.memref_squeeze %dma_start3A_99 : memref<1x128xi32, #tpu.memory_space<vmem>> -> memref<128xi32, #tpu.memory_space<vmem>>
      %dma_start3A_101 = arith.constant 0 : i32
      %dma_start3A_102 = tpu.memref_slice %arg4[%dma_start3A_101] : memref<100096xf32, #tpu.memory_space<vmem_shared>> -> memref<100096xf32, #tpu.memory_space<vmem_shared>>
      tpu.enqueue_indirect_dma source(%arg8 : memref<128xf32, #tpu.memory_space<vmem>>) target(%dma_start3A_102 : memref<100096xf32, #tpu.memory_space<vmem_shared>>) offsets(%dma_start3A_100 : memref<128xi32, #tpu.memory_space<vmem>>) semaphore(%arg9 : memref<!tpu.dma_semaphore, #tpu.memory_space<semaphore_mem>>) {add = true}
      %dma_start3A_103 = arith.constant 6 : i32
      %dma_start3A_104 = arith.constant 0 : i32
      %dma_start3A_105 = tpu.memref_slice %arg7[%dma_start3A_103, %dma_start3A_104] : memref<12x128xi32, #tpu.memory_space<vmem>> -> memref<1x128xi32, #tpu.memory_space<vmem>>
      %dma_start3A_106 = tpu.memref_squeeze %dma_start3A_105 : memref<1x128xi32, #tpu.memory_space<vmem>> -> memref<128xi32, #tpu.memory_space<vmem>>
      %dma_start3A_107 = arith.constant 0 : i32
      %dma_start3A_108 = tpu.memref_slice %arg4[%dma_start3A_107] : memref<100096xf32, #tpu.memory_space<vmem_shared>> -> memref<100096xf32, #tpu.memory_space<vmem_shared>>
      tpu.enqueue_indirect_dma source(%arg8 : memref<128xf32, #tpu.memory_space<vmem>>) target(%dma_start3A_108 : memref<100096xf32, #tpu.memory_space<vmem_shared>>) offsets(%dma_start3A_106 : memref<128xi32, #tpu.memory_space<vmem>>) semaphore(%arg9 : memref<!tpu.dma_semaphore, #tpu.memory_space<semaphore_mem>>) {add = true}
      %dma_start3A_109 = arith.constant 7 : i32
      %dma_start3A_110 = arith.constant 0 : i32
      %dma_start3A_111 = tpu.memref_slice %arg7[%dma_start3A_109, %dma_start3A_110] : memref<12x128xi32, #tpu.memory_space<vmem>> -> memref<1x128xi32, #tpu.memory_space<vmem>>
      %dma_start3A_112 = tpu.memref_squeeze %dma_start3A_111 : memref<1x128xi32, #tpu.memory_space<vmem>> -> memref<128xi32, #tpu.memory_space<vmem>>
      %dma_start3A_113 = arith.constant 0 : i32
      %dma_start3A_114 = tpu.memref_slice %arg4[%dma_start3A_113] : memref<100096xf32, #tpu.memory_space<vmem_shared>> -> memref<100096xf32, #tpu.memory_space<vmem_shared>>
      tpu.enqueue_indirect_dma source(%arg8 : memref<128xf32, #tpu.memory_space<vmem>>) target(%dma_start3A_114 : memref<100096xf32, #tpu.memory_space<vmem_shared>>) offsets(%dma_start3A_112 : memref<128xi32, #tpu.memory_space<vmem>>) semaphore(%arg9 : memref<!tpu.dma_semaphore, #tpu.memory_space<semaphore_mem>>) {add = true}
      %dma_start3A_115 = arith.constant 8 : i32
      %dma_start3A_116 = arith.constant 0 : i32
      %dma_start3A_117 = tpu.memref_slice %arg7[%dma_start3A_115, %dma_start3A_116] : memref<12x128xi32, #tpu.memory_space<vmem>> -> memref<1x128xi32, #tpu.memory_space<vmem>>
      %dma_start3A_118 = tpu.memref_squeeze %dma_start3A_117 : memref<1x128xi32, #tpu.memory_space<vmem>> -> memref<128xi32, #tpu.memory_space<vmem>>
      %dma_start3A_119 = arith.constant 0 : i32
      %dma_start3A_120 = tpu.memref_slice %arg4[%dma_start3A_119] : memref<100096xf32, #tpu.memory_space<vmem_shared>> -> memref<100096xf32, #tpu.memory_space<vmem_shared>>
      tpu.enqueue_indirect_dma source(%arg8 : memref<128xf32, #tpu.memory_space<vmem>>) target(%dma_start3A_120 : memref<100096xf32, #tpu.memory_space<vmem_shared>>) offsets(%dma_start3A_118 : memref<128xi32, #tpu.memory_space<vmem>>) semaphore(%arg9 : memref<!tpu.dma_semaphore, #tpu.memory_space<semaphore_mem>>) {add = true}
      %dma_start3A_121 = arith.constant 9 : i32
      %dma_start3A_122 = arith.constant 0 : i32
      %dma_start3A_123 = tpu.memref_slice %arg7[%dma_start3A_121, %dma_start3A_122] : memref<12x128xi32, #tpu.memory_space<vmem>> -> memref<1x128xi32, #tpu.memory_space<vmem>>
      %dma_start3A_124 = tpu.memref_squeeze %dma_start3A_123 : memref<1x128xi32, #tpu.memory_space<vmem>> -> memref<128xi32, #tpu.memory_space<vmem>>
      %dma_start3A_125 = arith.constant 0 : i32
      %dma_start3A_126 = tpu.memref_slice %arg4[%dma_start3A_125] : memref<100096xf32, #tpu.memory_space<vmem_shared>> -> memref<100096xf32, #tpu.memory_space<vmem_shared>>
      tpu.enqueue_indirect_dma source(%arg8 : memref<128xf32, #tpu.memory_space<vmem>>) target(%dma_start3A_126 : memref<100096xf32, #tpu.memory_space<vmem_shared>>) offsets(%dma_start3A_124 : memref<128xi32, #tpu.memory_space<vmem>>) semaphore(%arg9 : memref<!tpu.dma_semaphore, #tpu.memory_space<semaphore_mem>>) {add = true}
      %dma_start3A_127 = arith.constant 10 : i32
      %dma_start3A_128 = arith.constant 0 : i32
      %dma_start3A_129 = tpu.memref_slice %arg7[%dma_start3A_127, %dma_start3A_128] : memref<12x128xi32, #tpu.memory_space<vmem>> -> memref<1x128xi32, #tpu.memory_space<vmem>>
      %dma_start3A_130 = tpu.memref_squeeze %dma_start3A_129 : memref<1x128xi32, #tpu.memory_space<vmem>> -> memref<128xi32, #tpu.memory_space<vmem>>
      %dma_start3A_131 = arith.constant 0 : i32
      %dma_start3A_132 = tpu.memref_slice %arg4[%dma_start3A_131] : memref<100096xf32, #tpu.memory_space<vmem_shared>> -> memref<100096xf32, #tpu.memory_space<vmem_shared>>
      tpu.enqueue_indirect_dma source(%arg8 : memref<128xf32, #tpu.memory_space<vmem>>) target(%dma_start3A_132 : memref<100096xf32, #tpu.memory_space<vmem_shared>>) offsets(%dma_start3A_130 : memref<128xi32, #tpu.memory_space<vmem>>) semaphore(%arg9 : memref<!tpu.dma_semaphore, #tpu.memory_space<semaphore_mem>>) {add = true}
      %dma_start3A_133 = arith.constant 11 : i32
      %dma_start3A_134 = arith.constant 0 : i32
      %dma_start3A_135 = tpu.memref_slice %arg7[%dma_start3A_133, %dma_start3A_134] : memref<12x128xi32, #tpu.memory_space<vmem>> -> memref<1x128xi32, #tpu.memory_space<vmem>>
      %dma_start3A_136 = tpu.memref_squeeze %dma_start3A_135 : memref<1x128xi32, #tpu.memory_space<vmem>> -> memref<128xi32, #tpu.memory_space<vmem>>
      %dma_start3A_137 = arith.constant 0 : i32
      %dma_start3A_138 = tpu.memref_slice %arg4[%dma_start3A_137] : memref<100096xf32, #tpu.memory_space<vmem_shared>> -> memref<100096xf32, #tpu.memory_space<vmem_shared>>
      tpu.enqueue_indirect_dma source(%arg8 : memref<128xf32, #tpu.memory_space<vmem>>) target(%dma_start3A_138 : memref<100096xf32, #tpu.memory_space<vmem_shared>>) offsets(%dma_start3A_136 : memref<128xi32, #tpu.memory_space<vmem>>) semaphore(%arg9 : memref<!tpu.dma_semaphore, #tpu.memory_space<semaphore_mem>>) {add = true}
      %dma_wait3A = arith.constant 0 : i32
      %dma_wait3A_139 = arith.constant 0 : i32
      %dma_wait3A_140 = tpu.memref_slice %arg7[%dma_wait3A, %dma_wait3A_139] : memref<12x128xi32, #tpu.memory_space<vmem>> -> memref<1x128xi32, #tpu.memory_space<vmem>>
      %dma_wait3A_141 = tpu.memref_squeeze %dma_wait3A_140 : memref<1x128xi32, #tpu.memory_space<vmem>> -> memref<128xi32, #tpu.memory_space<vmem>>
      %dma_wait3A_142 = arith.constant 0 : i32
      %dma_wait3A_143 = tpu.memref_slice %arg4[%dma_wait3A_142] : memref<100096xf32, #tpu.memory_space<vmem_shared>> -> memref<100096xf32, #tpu.memory_space<vmem_shared>>
      tpu.wait_indirect_dma semaphore(%arg9 : memref<!tpu.dma_semaphore, #tpu.memory_space<semaphore_mem>>) src(%arg8 : memref<128xf32, #tpu.memory_space<vmem>>) dst(%dma_wait3A_143 : memref<100096xf32, #tpu.memory_space<vmem_shared>>)
      %dma_wait3A_144 = arith.constant 1 : i32
      %dma_wait3A_145 = arith.constant 0 : i32
      %dma_wait3A_146 = tpu.memref_slice %arg7[%dma_wait3A_144, %dma_wait3A_145] : memref<12x128xi32, #tpu.memory_space<vmem>> -> memref<1x128xi32, #tpu.memory_space<vmem>>
      %dma_wait3A_147 = tpu.memref_squeeze %dma_wait3A_146 : memref<1x128xi32, #tpu.memory_space<vmem>> -> memref<128xi32, #tpu.memory_space<vmem>>
      %dma_wait3A_148 = arith.constant 0 : i32
      %dma_wait3A_149 = tpu.memref_slice %arg4[%dma_wait3A_148] : memref<100096xf32, #tpu.memory_space<vmem_shared>> -> memref<100096xf32, #tpu.memory_space<vmem_shared>>
      tpu.wait_indirect_dma semaphore(%arg9 : memref<!tpu.dma_semaphore, #tpu.memory_space<semaphore_mem>>) src(%arg8 : memref<128xf32, #tpu.memory_space<vmem>>) dst(%dma_wait3A_149 : memref<100096xf32, #tpu.memory_space<vmem_shared>>)
      %dma_wait3A_150 = arith.constant 2 : i32
      %dma_wait3A_151 = arith.constant 0 : i32
      %dma_wait3A_152 = tpu.memref_slice %arg7[%dma_wait3A_150, %dma_wait3A_151] : memref<12x128xi32, #tpu.memory_space<vmem>> -> memref<1x128xi32, #tpu.memory_space<vmem>>
      %dma_wait3A_153 = tpu.memref_squeeze %dma_wait3A_152 : memref<1x128xi32, #tpu.memory_space<vmem>> -> memref<128xi32, #tpu.memory_space<vmem>>
      %dma_wait3A_154 = arith.constant 0 : i32
      %dma_wait3A_155 = tpu.memref_slice %arg4[%dma_wait3A_154] : memref<100096xf32, #tpu.memory_space<vmem_shared>> -> memref<100096xf32, #tpu.memory_space<vmem_shared>>
      tpu.wait_indirect_dma semaphore(%arg9 : memref<!tpu.dma_semaphore, #tpu.memory_space<semaphore_mem>>) src(%arg8 : memref<128xf32, #tpu.memory_space<vmem>>) dst(%dma_wait3A_155 : memref<100096xf32, #tpu.memory_space<vmem_shared>>)
      %dma_wait3A_156 = arith.constant 3 : i32
      %dma_wait3A_157 = arith.constant 0 : i32
      %dma_wait3A_158 = tpu.memref_slice %arg7[%dma_wait3A_156, %dma_wait3A_157] : memref<12x128xi32, #tpu.memory_space<vmem>> -> memref<1x128xi32, #tpu.memory_space<vmem>>
      %dma_wait3A_159 = tpu.memref_squeeze %dma_wait3A_158 : memref<1x128xi32, #tpu.memory_space<vmem>> -> memref<128xi32, #tpu.memory_space<vmem>>
      %dma_wait3A_160 = arith.constant 0 : i32
      %dma_wait3A_161 = tpu.memref_slice %arg4[%dma_wait3A_160] : memref<100096xf32, #tpu.memory_space<vmem_shared>> -> memref<100096xf32, #tpu.memory_space<vmem_shared>>
      tpu.wait_indirect_dma semaphore(%arg9 : memref<!tpu.dma_semaphore, #tpu.memory_space<semaphore_mem>>) src(%arg8 : memref<128xf32, #tpu.memory_space<vmem>>) dst(%dma_wait3A_161 : memref<100096xf32, #tpu.memory_space<vmem_shared>>)
      %dma_wait3A_162 = arith.constant 4 : i32
      %dma_wait3A_163 = arith.constant 0 : i32
      %dma_wait3A_164 = tpu.memref_slice %arg7[%dma_wait3A_162, %dma_wait3A_163] : memref<12x128xi32, #tpu.memory_space<vmem>> -> memref<1x128xi32, #tpu.memory_space<vmem>>
      %dma_wait3A_165 = tpu.memref_squeeze %dma_wait3A_164 : memref<1x128xi32, #tpu.memory_space<vmem>> -> memref<128xi32, #tpu.memory_space<vmem>>
      %dma_wait3A_166 = arith.constant 0 : i32
      %dma_wait3A_167 = tpu.memref_slice %arg4[%dma_wait3A_166] : memref<100096xf32, #tpu.memory_space<vmem_shared>> -> memref<100096xf32, #tpu.memory_space<vmem_shared>>
      tpu.wait_indirect_dma semaphore(%arg9 : memref<!tpu.dma_semaphore, #tpu.memory_space<semaphore_mem>>) src(%arg8 : memref<128xf32, #tpu.memory_space<vmem>>) dst(%dma_wait3A_167 : memref<100096xf32, #tpu.memory_space<vmem_shared>>)
      %dma_wait3A_168 = arith.constant 5 : i32
      %dma_wait3A_169 = arith.constant 0 : i32
      %dma_wait3A_170 = tpu.memref_slice %arg7[%dma_wait3A_168, %dma_wait3A_169] : memref<12x128xi32, #tpu.memory_space<vmem>> -> memref<1x128xi32, #tpu.memory_space<vmem>>
      %dma_wait3A_171 = tpu.memref_squeeze %dma_wait3A_170 : memref<1x128xi32, #tpu.memory_space<vmem>> -> memref<128xi32, #tpu.memory_space<vmem>>
      %dma_wait3A_172 = arith.constant 0 : i32
      %dma_wait3A_173 = tpu.memref_slice %arg4[%dma_wait3A_172] : memref<100096xf32, #tpu.memory_space<vmem_shared>> -> memref<100096xf32, #tpu.memory_space<vmem_shared>>
      tpu.wait_indirect_dma semaphore(%arg9 : memref<!tpu.dma_semaphore, #tpu.memory_space<semaphore_mem>>) src(%arg8 : memref<128xf32, #tpu.memory_space<vmem>>) dst(%dma_wait3A_173 : memref<100096xf32, #tpu.memory_space<vmem_shared>>)
      %dma_wait3A_174 = arith.constant 6 : i32
      %dma_wait3A_175 = arith.constant 0 : i32
      %dma_wait3A_176 = tpu.memref_slice %arg7[%dma_wait3A_174, %dma_wait3A_175] : memref<12x128xi32, #tpu.memory_space<vmem>> -> memref<1x128xi32, #tpu.memory_space<vmem>>
      %dma_wait3A_177 = tpu.memref_squeeze %dma_wait3A_176 : memref<1x128xi32, #tpu.memory_space<vmem>> -> memref<128xi32, #tpu.memory_space<vmem>>
      %dma_wait3A_178 = arith.constant 0 : i32
      %dma_wait3A_179 = tpu.memref_slice %arg4[%dma_wait3A_178] : memref<100096xf32, #tpu.memory_space<vmem_shared>> -> memref<100096xf32, #tpu.memory_space<vmem_shared>>
      tpu.wait_indirect_dma semaphore(%arg9 : memref<!tpu.dma_semaphore, #tpu.memory_space<semaphore_mem>>) src(%arg8 : memref<128xf32, #tpu.memory_space<vmem>>) dst(%dma_wait3A_179 : memref<100096xf32, #tpu.memory_space<vmem_shared>>)
      %dma_wait3A_180 = arith.constant 7 : i32
      %dma_wait3A_181 = arith.constant 0 : i32
      %dma_wait3A_182 = tpu.memref_slice %arg7[%dma_wait3A_180, %dma_wait3A_181] : memref<12x128xi32, #tpu.memory_space<vmem>> -> memref<1x128xi32, #tpu.memory_space<vmem>>
      %dma_wait3A_183 = tpu.memref_squeeze %dma_wait3A_182 : memref<1x128xi32, #tpu.memory_space<vmem>> -> memref<128xi32, #tpu.memory_space<vmem>>
      %dma_wait3A_184 = arith.constant 0 : i32
      %dma_wait3A_185 = tpu.memref_slice %arg4[%dma_wait3A_184] : memref<100096xf32, #tpu.memory_space<vmem_shared>> -> memref<100096xf32, #tpu.memory_space<vmem_shared>>
      tpu.wait_indirect_dma semaphore(%arg9 : memref<!tpu.dma_semaphore, #tpu.memory_space<semaphore_mem>>) src(%arg8 : memref<128xf32, #tpu.memory_space<vmem>>) dst(%dma_wait3A_185 : memref<100096xf32, #tpu.memory_space<vmem_shared>>)
      %dma_wait3A_186 = arith.constant 8 : i32
      %dma_wait3A_187 = arith.constant 0 : i32
      %dma_wait3A_188 = tpu.memref_slice %arg7[%dma_wait3A_186, %dma_wait3A_187] : memref<12x128xi32, #tpu.memory_space<vmem>> -> memref<1x128xi32, #tpu.memory_space<vmem>>
      %dma_wait3A_189 = tpu.memref_squeeze %dma_wait3A_188 : memref<1x128xi32, #tpu.memory_space<vmem>> -> memref<128xi32, #tpu.memory_space<vmem>>
      %dma_wait3A_190 = arith.constant 0 : i32
      %dma_wait3A_191 = tpu.memref_slice %arg4[%dma_wait3A_190] : memref<100096xf32, #tpu.memory_space<vmem_shared>> -> memref<100096xf32, #tpu.memory_space<vmem_shared>>
      tpu.wait_indirect_dma semaphore(%arg9 : memref<!tpu.dma_semaphore, #tpu.memory_space<semaphore_mem>>) src(%arg8 : memref<128xf32, #tpu.memory_space<vmem>>) dst(%dma_wait3A_191 : memref<100096xf32, #tpu.memory_space<vmem_shared>>)
      %dma_wait3A_192 = arith.constant 9 : i32
      %dma_wait3A_193 = arith.constant 0 : i32
      %dma_wait3A_194 = tpu.memref_slice %arg7[%dma_wait3A_192, %dma_wait3A_193] : memref<12x128xi32, #tpu.memory_space<vmem>> -> memref<1x128xi32, #tpu.memory_space<vmem>>
      %dma_wait3A_195 = tpu.memref_squeeze %dma_wait3A_194 : memref<1x128xi32, #tpu.memory_space<vmem>> -> memref<128xi32, #tpu.memory_space<vmem>>
      %dma_wait3A_196 = arith.constant 0 : i32
      %dma_wait3A_197 = tpu.memref_slice %arg4[%dma_wait3A_196] : memref<100096xf32, #tpu.memory_space<vmem_shared>> -> memref<100096xf32, #tpu.memory_space<vmem_shared>>
      tpu.wait_indirect_dma semaphore(%arg9 : memref<!tpu.dma_semaphore, #tpu.memory_space<semaphore_mem>>) src(%arg8 : memref<128xf32, #tpu.memory_space<vmem>>) dst(%dma_wait3A_197 : memref<100096xf32, #tpu.memory_space<vmem_shared>>)
      %dma_wait3A_198 = arith.constant 10 : i32
      %dma_wait3A_199 = arith.constant 0 : i32
      %dma_wait3A_200 = tpu.memref_slice %arg7[%dma_wait3A_198, %dma_wait3A_199] : memref<12x128xi32, #tpu.memory_space<vmem>> -> memref<1x128xi32, #tpu.memory_space<vmem>>
      %dma_wait3A_201 = tpu.memref_squeeze %dma_wait3A_200 : memref<1x128xi32, #tpu.memory_space<vmem>> -> memref<128xi32, #tpu.memory_space<vmem>>
      %dma_wait3A_202 = arith.constant 0 : i32
      %dma_wait3A_203 = tpu.memref_slice %arg4[%dma_wait3A_202] : memref<100096xf32, #tpu.memory_space<vmem_shared>> -> memref<100096xf32, #tpu.memory_space<vmem_shared>>
      tpu.wait_indirect_dma semaphore(%arg9 : memref<!tpu.dma_semaphore, #tpu.memory_space<semaphore_mem>>) src(%arg8 : memref<128xf32, #tpu.memory_space<vmem>>) dst(%dma_wait3A_203 : memref<100096xf32, #tpu.memory_space<vmem_shared>>)
      %dma_wait3A_204 = arith.constant 11 : i32
      %dma_wait3A_205 = arith.constant 0 : i32
      %dma_wait3A_206 = tpu.memref_slice %arg7[%dma_wait3A_204, %dma_wait3A_205] : memref<12x128xi32, #tpu.memory_space<vmem>> -> memref<1x128xi32, #tpu.memory_space<vmem>>
      %dma_wait3A_207 = tpu.memref_squeeze %dma_wait3A_206 : memref<1x128xi32, #tpu.memory_space<vmem>> -> memref<128xi32, #tpu.memory_space<vmem>>
      %dma_wait3A_208 = arith.constant 0 : i32
      %dma_wait3A_209 = tpu.memref_slice %arg4[%dma_wait3A_208] : memref<100096xf32, #tpu.memory_space<vmem_shared>> -> memref<100096xf32, #tpu.memory_space<vmem_shared>>
      tpu.wait_indirect_dma semaphore(%arg9 : memref<!tpu.dma_semaphore, #tpu.memory_space<semaphore_mem>>) src(%arg8 : memref<128xf32, #tpu.memory_space<vmem>>) dst(%dma_wait3A_209 : memref<100096xf32, #tpu.memory_space<vmem_shared>>)
    }
    %scan3A_47 = arith.constant 131 : i32
    %barrier3A_48 = arith.constant 0 : index
    tpu.barrier barrier_id(%barrier3A_48)
    %mul3A_49 = arith.constant 6256 : i32
    %mul3A_50 = arith.muli %arg1, %mul3A_49 : i32
    "tpu.region"() ({
      %run_scoped3A = tpu.sem_alloc : memref<!tpu.dma_semaphore, #tpu.memory_space<semaphore_mem>>
      %dma_start3A = tpu.memref_slice %arg4[%mul3A_50] : memref<100096xf32, #tpu.memory_space<vmem_shared>> -> memref<6256xf32, #tpu.memory_space<vmem_shared>>
      %dma_start3A_62 = tpu.memref_slice %arg4[%mul3A_50] : memref<100096xf32, #tpu.memory_space<vmem_shared>> -> memref<6256xf32, #tpu.memory_space<vmem_shared>>
      tpu.enqueue_dma source(%dma_start3A_62 : memref<6256xf32, #tpu.memory_space<vmem_shared>>) target(%arg5 : memref<6256xf32, #tpu.memory_space<vmem>>) target_semaphore(%run_scoped3A : memref<!tpu.dma_semaphore, #tpu.memory_space<semaphore_mem>>)
      %dma_wait3A = tpu.memref_slice %arg4[%mul3A_50] : memref<100096xf32, #tpu.memory_space<vmem_shared>> -> memref<6256xf32, #tpu.memory_space<vmem_shared>>
      %dma_wait3A_63 = tpu.memref_slice %arg4[%mul3A_50] : memref<100096xf32, #tpu.memory_space<vmem_shared>> -> memref<6256xf32, #tpu.memory_space<vmem_shared>>
      tpu.wait_dma2 semaphore(%run_scoped3A : memref<!tpu.dma_semaphore, #tpu.memory_space<semaphore_mem>>) src(%dma_wait3A_63 : memref<6256xf32, #tpu.memory_space<vmem_shared>>) dst(%arg5 : memref<6256xf32, #tpu.memory_space<vmem>>)
      tpu.yield
    }) : () -> ()
    %scan3A_51 = arith.constant 0 : i32
    %scan3A_52 = arith.constant 0 : i32
    %scan3A_53 = arith.constant 391 : i32
    %scan3A_54 = arith.addi %scan3A_52, %scan3A_53 : i32
    %scan3A_55 = arith.constant 1 : i32
    scf.for %scan3A_62 = %scan3A_52 to %scan3A_54 step %scan3A_55  : i32 {
      %mul3A_63 = arith.constant 16 : i32
      %mul3A_64 = arith.muli %scan3A_62, %mul3A_63 : i32
      %get3A = arith.index_cast %mul3A_64 : i32 to index
      %get3A_65 = tpu.vector_load %arg5[%get3A] {strides = array<i32>} : memref<6256xf32, #tpu.memory_space<vmem>>, vector<16xf32>,
      %get3A_66 = vector.shape_cast %get3A_65 : vector<16xf32> to vector<16xf32>
      %mul3A_67 = arith.constant 16 : i32
      %mul3A_68 = arith.muli %scan3A_62, %mul3A_67 : i32
      %swap3A_69 = arith.index_cast %mul3A_68 : i32 to index
      %swap3A_70 = tpu.vector_load %arg6[%swap3A_69] {strides = array<i32>} : memref<6256xf32, #tpu.memory_space<vmem>>, vector<16xf32>,
      %swap3A_71 = vector.shape_cast %swap3A_70 : vector<16xf32> to vector<16xf32>
      %swap3A_72 = vector.shape_cast %get3A_66 : vector<16xf32> to vector<16xf32>
      tpu.vector_store %arg6[%swap3A_69], %swap3A_72 {strides = array<i32>} : memref<6256xf32, #tpu.memory_space<vmem>>, vector<16xf32>,
    }
    %scan3A_56 = arith.constant 391 : i32
    %mul3A_57 = arith.constant 100096 : i32
    %mul3A_58 = arith.muli %arg0, %mul3A_57 : i32
    %mul3A_59 = arith.constant 6256 : i32
    %mul3A_60 = arith.muli %arg1, %mul3A_59 : i32
    %add3A_61 = arith.addi %mul3A_58, %mul3A_60 : i32
    "tpu.region"() ({
      %run_scoped3A = tpu.sem_alloc : memref<!tpu.dma_semaphore, #tpu.memory_space<semaphore_mem>>
      %dma_start3A = tpu.memref_slice %arg3[%add3A_61] : memref<200192xf32, #tpu.memory_space<hbm>> -> memref<6256xf32, #tpu.memory_space<hbm>>
      %dma_start3A_62 = tpu.memref_slice %arg3[%add3A_61] : memref<200192xf32, #tpu.memory_space<hbm>> -> memref<6256xf32, #tpu.memory_space<hbm>>
      tpu.enqueue_dma source(%arg6 : memref<6256xf32, #tpu.memory_space<vmem>>) target(%dma_start3A_62 : memref<6256xf32, #tpu.memory_space<hbm>>) target_semaphore(%run_scoped3A : memref<!tpu.dma_semaphore, #tpu.memory_space<semaphore_mem>>)
      %dma_wait3A = tpu.memref_slice %arg3[%add3A_61] : memref<200192xf32, #tpu.memory_space<hbm>> -> memref<6256xf32, #tpu.memory_space<hbm>>
      %dma_wait3A_63 = tpu.memref_slice %arg3[%add3A_61] : memref<200192xf32, #tpu.memory_space<hbm>> -> memref<6256xf32, #tpu.memory_space<hbm>>
      tpu.wait_dma2 semaphore(%run_scoped3A : memref<!tpu.dma_semaphore, #tpu.memory_space<semaphore_mem>>) src(%arg6 : memref<6256xf32, #tpu.memory_space<vmem>>) dst(%dma_wait3A_63 : memref<6256xf32, #tpu.memory_space<hbm>>)
      tpu.yield
    }) : () -> ()
    return
  }
}

#map = affine_map<(d0, d1) -> (0, 0)>
#map1 = affine_map<(d0, d1) -> (0, 0, 0)>
module attributes {stable_mosaic.version = 14 : i64} {
  func.func @agg_kernel(%arg0: i32, %arg1: i32, %arg2: memref<100096x16xf32, #tpu.memory_space<hbm>>, %arg3: memref<50304x128xi32, #tpu.memory_space<hbm>>, %arg4: memref<50304x128xi32, #tpu.memory_space<hbm>>, %arg5: memref<2x100096x16xf32, #tpu.memory_space<hbm>>, %arg6: memref<100096x16xf32, #tpu.memory_space<vmem_shared>>, %arg7: memref<128x16xf32, #tpu.memory_space<vmem>>, %arg8: memref<12x128xi32, #tpu.memory_space<vmem>>, %arg9: memref<12x128xi32, #tpu.memory_space<vmem>>, %arg10: memref<12x128x16xf32, #tpu.memory_space<vmem>>, %arg11: memref<!tpu.dma_semaphore, #tpu.memory_space<semaphore_mem>>, %arg12: memref<!tpu.dma_semaphore, #tpu.memory_space<semaphore_mem>>) attributes {dimension_semantics = [#tpu.dimension_semantics<core_parallel>, #tpu.dimension_semantics<subcore_parallel>], iteration_bounds = array<i64: 2, 16>, scalar_prefetch = 0 : i64, scratch_operands = 7 : i64, tpu.core_type = #tpu.core_type<sc_vector_subcore>, window_params = [{transform_indices = #map}, {transform_indices = #map}, {transform_indices = #map}, {transform_indices = #map1}]} {
    %mul3A = arith.constant 16 : i32
    %mul3A_0 = arith.muli %arg0, %mul3A : i32
    %add3A = arith.addi %mul3A_0, %arg1 : i32
    %broadcast_in_dim3A = arith.constant 0.000000e+00 : f32
    %broadcast_in_dim3A_1 = vector.broadcast %broadcast_in_dim3A : f32 to vector<16xf32>
    %scan3A = arith.constant 0 : i32
    %scan3A_2 = arith.constant 0 : i32
    %scan3A_3 = arith.constant 128 : i32
    %scan3A_4 = arith.addi %scan3A_2, %scan3A_3 : i32
    %scan3A_5 = arith.constant 1 : i32
    scf.for %scan3A_26 = %scan3A_2 to %scan3A_4 step %scan3A_5  : i32 {
      %swap3A = arith.index_cast %scan3A_26 : i32 to index
      %swap3A_27 = arith.constant 0 : index
      %swap3A_28 = tpu.vector_load %arg7[%swap3A, %swap3A_27] {strides = array<i32>} : memref<128x16xf32, #tpu.memory_space<vmem>>, vector<1x16xf32>,
      %swap3A_29 = vector.shape_cast %swap3A_28 : vector<1x16xf32> to vector<16xf32>
      %swap3A_30 = vector.shape_cast %broadcast_in_dim3A_1 : vector<16xf32> to vector<1x16xf32>
      tpu.vector_store %arg7[%swap3A, %swap3A_27], %swap3A_30 {strides = array<i32>} : memref<128x16xf32, #tpu.memory_space<vmem>>, vector<1x16xf32>,
    }
    %scan3A_6 = arith.constant 128 : i32
    %scan3A_7 = arith.constant 0 : i32
    %scan3A_8 = arith.constant 0 : i32
    %scan3A_9 = arith.constant 49 : i32
    %scan3A_10 = arith.addi %scan3A_8, %scan3A_9 : i32
    %scan3A_11 = arith.constant 1 : i32
    scf.for %scan3A_26 = %scan3A_8 to %scan3A_10 step %scan3A_11  : i32 {
      %mul3A_27 = arith.constant 16 : i32
      %mul3A_28 = arith.muli %scan3A_26, %mul3A_27 : i32
      %add3A_29 = arith.addi %arg1, %mul3A_28 : i32
      %lt3A = arith.constant 782 : i32
      %lt3A_30 = arith.cmpi slt, %add3A_29, %lt3A : i32
      %convert_element_type3A = arith.extui %lt3A_30 : i1 to i32
      %cond3A = arith.constant 0 : i32
      %cond3A_31 = arith.cmpi ne, %convert_element_type3A, %cond3A : i32
      scf.if %cond3A_31 {
        %mul3A_32 = arith.constant 128 : i32
        %mul3A_33 = arith.muli %add3A_29, %mul3A_32 : i32
        "tpu.region"() ({
          %run_scoped3A = tpu.sem_alloc : memref<!tpu.dma_semaphore, #tpu.memory_space<semaphore_mem>>
          %dma_start3A = arith.constant 0 : i32
          %dma_start3A_34 = tpu.memref_slice %arg6[%mul3A_33, %dma_start3A] : memref<100096x16xf32, #tpu.memory_space<vmem_shared>> -> memref<128x16xf32, #tpu.memory_space<vmem_shared>>
          %dma_start3A_35 = arith.constant 0 : i32
          %dma_start3A_36 = tpu.memref_slice %arg6[%mul3A_33, %dma_start3A_35] : memref<100096x16xf32, #tpu.memory_space<vmem_shared>> -> memref<128x16xf32, #tpu.memory_space<vmem_shared>>
          tpu.enqueue_dma source(%arg7 : memref<128x16xf32, #tpu.memory_space<vmem>>) target(%dma_start3A_36 : memref<128x16xf32, #tpu.memory_space<vmem_shared>>) target_semaphore(%run_scoped3A : memref<!tpu.dma_semaphore, #tpu.memory_space<semaphore_mem>>)
          %dma_wait3A = arith.constant 0 : i32
          %dma_wait3A_37 = tpu.memref_slice %arg6[%mul3A_33, %dma_wait3A] : memref<100096x16xf32, #tpu.memory_space<vmem_shared>> -> memref<128x16xf32, #tpu.memory_space<vmem_shared>>
          %dma_wait3A_38 = arith.constant 0 : i32
          %dma_wait3A_39 = tpu.memref_slice %arg6[%mul3A_33, %dma_wait3A_38] : memref<100096x16xf32, #tpu.memory_space<vmem_shared>> -> memref<128x16xf32, #tpu.memory_space<vmem_shared>>
          tpu.wait_dma2 semaphore(%run_scoped3A : memref<!tpu.dma_semaphore, #tpu.memory_space<semaphore_mem>>) src(%arg7 : memref<128x16xf32, #tpu.memory_space<vmem>>) dst(%dma_wait3A_39 : memref<128x16xf32, #tpu.memory_space<vmem_shared>>)
          tpu.yield
        }) : () -> ()
      } else {
      }
    }
    %scan3A_12 = arith.constant 49 : i32
    %barrier3A = arith.constant 0 : index
    tpu.barrier barrier_id(%barrier3A)
    %scan3A_13 = arith.constant 0 : i32
    %scan3A_14 = arith.constant 0 : i32
    %scan3A_15 = arith.constant 131 : i32
    %scan3A_16 = arith.addi %scan3A_14, %scan3A_15 : i32
    %scan3A_17 = arith.constant 1 : i32
    scf.for %scan3A_26 = %scan3A_14 to %scan3A_16 step %scan3A_17  : i32 {
      %mul3A_27 = arith.constant 1572 : i32
      %mul3A_28 = arith.muli %add3A, %mul3A_27 : i32
      %mul3A_29 = arith.constant 12 : i32
      %mul3A_30 = arith.muli %scan3A_26, %mul3A_29 : i32
      %add3A_31 = arith.addi %mul3A_28, %mul3A_30 : i32
      %dma_start3A = arith.constant 0 : i32
      %dma_start3A_32 = tpu.memref_slice %arg3[%add3A_31, %dma_start3A] : memref<50304x128xi32, #tpu.memory_space<hbm>> -> memref<12x128xi32, #tpu.memory_space<hbm>>
      %dma_start3A_33 = arith.constant 0 : i32
      %dma_start3A_34 = tpu.memref_slice %arg3[%add3A_31, %dma_start3A_33] : memref<50304x128xi32, #tpu.memory_space<hbm>> -> memref<12x128xi32, #tpu.memory_space<hbm>>
      tpu.enqueue_dma source(%dma_start3A_34 : memref<12x128xi32, #tpu.memory_space<hbm>>) target(%arg8 : memref<12x128xi32, #tpu.memory_space<vmem>>) target_semaphore(%arg12 : memref<!tpu.dma_semaphore, #tpu.memory_space<semaphore_mem>>)
      %dma_start3A_35 = arith.constant 0 : i32
      %dma_start3A_36 = tpu.memref_slice %arg4[%add3A_31, %dma_start3A_35] : memref<50304x128xi32, #tpu.memory_space<hbm>> -> memref<12x128xi32, #tpu.memory_space<hbm>>
      %dma_start3A_37 = arith.constant 0 : i32
      %dma_start3A_38 = tpu.memref_slice %arg4[%add3A_31, %dma_start3A_37] : memref<50304x128xi32, #tpu.memory_space<hbm>> -> memref<12x128xi32, #tpu.memory_space<hbm>>
      tpu.enqueue_dma source(%dma_start3A_38 : memref<12x128xi32, #tpu.memory_space<hbm>>) target(%arg9 : memref<12x128xi32, #tpu.memory_space<vmem>>) target_semaphore(%arg12 : memref<!tpu.dma_semaphore, #tpu.memory_space<semaphore_mem>>)
      %dma_wait3A = arith.constant 0 : i32
      %dma_wait3A_39 = tpu.memref_slice %arg3[%add3A_31, %dma_wait3A] : memref<50304x128xi32, #tpu.memory_space<hbm>> -> memref<12x128xi32, #tpu.memory_space<hbm>>
      %dma_wait3A_40 = arith.constant 0 : i32
      %dma_wait3A_41 = tpu.memref_slice %arg3[%add3A_31, %dma_wait3A_40] : memref<50304x128xi32, #tpu.memory_space<hbm>> -> memref<12x128xi32, #tpu.memory_space<hbm>>
      tpu.wait_dma2 semaphore(%arg12 : memref<!tpu.dma_semaphore, #tpu.memory_space<semaphore_mem>>) src(%dma_wait3A_41 : memref<12x128xi32, #tpu.memory_space<hbm>>) dst(%arg8 : memref<12x128xi32, #tpu.memory_space<vmem>>)
      %dma_wait3A_42 = arith.constant 0 : i32
      %dma_wait3A_43 = tpu.memref_slice %arg4[%add3A_31, %dma_wait3A_42] : memref<50304x128xi32, #tpu.memory_space<hbm>> -> memref<12x128xi32, #tpu.memory_space<hbm>>
      %dma_wait3A_44 = arith.constant 0 : i32
      %dma_wait3A_45 = tpu.memref_slice %arg4[%add3A_31, %dma_wait3A_44] : memref<50304x128xi32, #tpu.memory_space<hbm>> -> memref<12x128xi32, #tpu.memory_space<hbm>>
      tpu.wait_dma2 semaphore(%arg12 : memref<!tpu.dma_semaphore, #tpu.memory_space<semaphore_mem>>) src(%dma_wait3A_45 : memref<12x128xi32, #tpu.memory_space<hbm>>) dst(%arg9 : memref<12x128xi32, #tpu.memory_space<vmem>>)
      %dma_start3A_46 = arith.constant 0 : i32
      %dma_start3A_47 = arith.constant 0 : i32
      %dma_start3A_48 = arith.constant 0 : i32
      %dma_start3A_49 = arith.constant 0 : i32
      %dma_start3A_50 = tpu.memref_slice %arg10[%dma_start3A_47, %dma_start3A_48, %dma_start3A_49] : memref<12x128x16xf32, #tpu.memory_space<vmem>> -> memref<1x128x16xf32, #tpu.memory_space<vmem>>
      %dma_start3A_51 = tpu.memref_squeeze %dma_start3A_50 : memref<1x128x16xf32, #tpu.memory_space<vmem>> -> memref<128x16xf32, #tpu.memory_space<vmem>>
      %dma_start3A_52 = arith.constant 0 : i32
      %dma_start3A_53 = tpu.memref_slice %arg8[%dma_start3A_46, %dma_start3A_52] : memref<12x128xi32, #tpu.memory_space<vmem>> -> memref<1x128xi32, #tpu.memory_space<vmem>>
      %dma_start3A_54 = tpu.memref_squeeze %dma_start3A_53 : memref<1x128xi32, #tpu.memory_space<vmem>> -> memref<128xi32, #tpu.memory_space<vmem>>
      %dma_start3A_55 = arith.constant 0 : i32
      %dma_start3A_56 = arith.constant 0 : i32
      %dma_start3A_57 = tpu.memref_slice %arg2[%dma_start3A_55, %dma_start3A_56] : memref<100096x16xf32, #tpu.memory_space<hbm>> -> memref<100096x16xf32, #tpu.memory_space<hbm>>
      tpu.enqueue_indirect_dma source(%dma_start3A_57 : memref<100096x16xf32, #tpu.memory_space<hbm>>) target(%dma_start3A_51 : memref<128x16xf32, #tpu.memory_space<vmem>>) offsets(%dma_start3A_54 : memref<128xi32, #tpu.memory_space<vmem>>) semaphore(%arg11 : memref<!tpu.dma_semaphore, #tpu.memory_space<semaphore_mem>>)
      %dma_start3A_58 = arith.constant 1 : i32
      %dma_start3A_59 = arith.constant 1 : i32
      %dma_start3A_60 = arith.constant 0 : i32
      %dma_start3A_61 = arith.constant 0 : i32
      %dma_start3A_62 = tpu.memref_slice %arg10[%dma_start3A_59, %dma_start3A_60, %dma_start3A_61] : memref<12x128x16xf32, #tpu.memory_space<vmem>> -> memref<1x128x16xf32, #tpu.memory_space<vmem>>
      %dma_start3A_63 = tpu.memref_squeeze %dma_start3A_62 : memref<1x128x16xf32, #tpu.memory_space<vmem>> -> memref<128x16xf32, #tpu.memory_space<vmem>>
      %dma_start3A_64 = arith.constant 0 : i32
      %dma_start3A_65 = tpu.memref_slice %arg8[%dma_start3A_58, %dma_start3A_64] : memref<12x128xi32, #tpu.memory_space<vmem>> -> memref<1x128xi32, #tpu.memory_space<vmem>>
      %dma_start3A_66 = tpu.memref_squeeze %dma_start3A_65 : memref<1x128xi32, #tpu.memory_space<vmem>> -> memref<128xi32, #tpu.memory_space<vmem>>
      %dma_start3A_67 = arith.constant 0 : i32
      %dma_start3A_68 = arith.constant 0 : i32
      %dma_start3A_69 = tpu.memref_slice %arg2[%dma_start3A_67, %dma_start3A_68] : memref<100096x16xf32, #tpu.memory_space<hbm>> -> memref<100096x16xf32, #tpu.memory_space<hbm>>
      tpu.enqueue_indirect_dma source(%dma_start3A_69 : memref<100096x16xf32, #tpu.memory_space<hbm>>) target(%dma_start3A_63 : memref<128x16xf32, #tpu.memory_space<vmem>>) offsets(%dma_start3A_66 : memref<128xi32, #tpu.memory_space<vmem>>) semaphore(%arg11 : memref<!tpu.dma_semaphore, #tpu.memory_space<semaphore_mem>>)
      %dma_start3A_70 = arith.constant 2 : i32
      %dma_start3A_71 = arith.constant 2 : i32
      %dma_start3A_72 = arith.constant 0 : i32
      %dma_start3A_73 = arith.constant 0 : i32
      %dma_start3A_74 = tpu.memref_slice %arg10[%dma_start3A_71, %dma_start3A_72, %dma_start3A_73] : memref<12x128x16xf32, #tpu.memory_space<vmem>> -> memref<1x128x16xf32, #tpu.memory_space<vmem>>
      %dma_start3A_75 = tpu.memref_squeeze %dma_start3A_74 : memref<1x128x16xf32, #tpu.memory_space<vmem>> -> memref<128x16xf32, #tpu.memory_space<vmem>>
      %dma_start3A_76 = arith.constant 0 : i32
      %dma_start3A_77 = tpu.memref_slice %arg8[%dma_start3A_70, %dma_start3A_76] : memref<12x128xi32, #tpu.memory_space<vmem>> -> memref<1x128xi32, #tpu.memory_space<vmem>>
      %dma_start3A_78 = tpu.memref_squeeze %dma_start3A_77 : memref<1x128xi32, #tpu.memory_space<vmem>> -> memref<128xi32, #tpu.memory_space<vmem>>
      %dma_start3A_79 = arith.constant 0 : i32
      %dma_start3A_80 = arith.constant 0 : i32
      %dma_start3A_81 = tpu.memref_slice %arg2[%dma_start3A_79, %dma_start3A_80] : memref<100096x16xf32, #tpu.memory_space<hbm>> -> memref<100096x16xf32, #tpu.memory_space<hbm>>
      tpu.enqueue_indirect_dma source(%dma_start3A_81 : memref<100096x16xf32, #tpu.memory_space<hbm>>) target(%dma_start3A_75 : memref<128x16xf32, #tpu.memory_space<vmem>>) offsets(%dma_start3A_78 : memref<128xi32, #tpu.memory_space<vmem>>) semaphore(%arg11 : memref<!tpu.dma_semaphore, #tpu.memory_space<semaphore_mem>>)
      %dma_start3A_82 = arith.constant 3 : i32
      %dma_start3A_83 = arith.constant 3 : i32
      %dma_start3A_84 = arith.constant 0 : i32
      %dma_start3A_85 = arith.constant 0 : i32
      %dma_start3A_86 = tpu.memref_slice %arg10[%dma_start3A_83, %dma_start3A_84, %dma_start3A_85] : memref<12x128x16xf32, #tpu.memory_space<vmem>> -> memref<1x128x16xf32, #tpu.memory_space<vmem>>
      %dma_start3A_87 = tpu.memref_squeeze %dma_start3A_86 : memref<1x128x16xf32, #tpu.memory_space<vmem>> -> memref<128x16xf32, #tpu.memory_space<vmem>>
      %dma_start3A_88 = arith.constant 0 : i32
      %dma_start3A_89 = tpu.memref_slice %arg8[%dma_start3A_82, %dma_start3A_88] : memref<12x128xi32, #tpu.memory_space<vmem>> -> memref<1x128xi32, #tpu.memory_space<vmem>>
      %dma_start3A_90 = tpu.memref_squeeze %dma_start3A_89 : memref<1x128xi32, #tpu.memory_space<vmem>> -> memref<128xi32, #tpu.memory_space<vmem>>
      %dma_start3A_91 = arith.constant 0 : i32
      %dma_start3A_92 = arith.constant 0 : i32
      %dma_start3A_93 = tpu.memref_slice %arg2[%dma_start3A_91, %dma_start3A_92] : memref<100096x16xf32, #tpu.memory_space<hbm>> -> memref<100096x16xf32, #tpu.memory_space<hbm>>
      tpu.enqueue_indirect_dma source(%dma_start3A_93 : memref<100096x16xf32, #tpu.memory_space<hbm>>) target(%dma_start3A_87 : memref<128x16xf32, #tpu.memory_space<vmem>>) offsets(%dma_start3A_90 : memref<128xi32, #tpu.memory_space<vmem>>) semaphore(%arg11 : memref<!tpu.dma_semaphore, #tpu.memory_space<semaphore_mem>>)
      %dma_start3A_94 = arith.constant 4 : i32
      %dma_start3A_95 = arith.constant 4 : i32
      %dma_start3A_96 = arith.constant 0 : i32
      %dma_start3A_97 = arith.constant 0 : i32
      %dma_start3A_98 = tpu.memref_slice %arg10[%dma_start3A_95, %dma_start3A_96, %dma_start3A_97] : memref<12x128x16xf32, #tpu.memory_space<vmem>> -> memref<1x128x16xf32, #tpu.memory_space<vmem>>
      %dma_start3A_99 = tpu.memref_squeeze %dma_start3A_98 : memref<1x128x16xf32, #tpu.memory_space<vmem>> -> memref<128x16xf32, #tpu.memory_space<vmem>>
      %dma_start3A_100 = arith.constant 0 : i32
      %dma_start3A_101 = tpu.memref_slice %arg8[%dma_start3A_94, %dma_start3A_100] : memref<12x128xi32, #tpu.memory_space<vmem>> -> memref<1x128xi32, #tpu.memory_space<vmem>>
      %dma_start3A_102 = tpu.memref_squeeze %dma_start3A_101 : memref<1x128xi32, #tpu.memory_space<vmem>> -> memref<128xi32, #tpu.memory_space<vmem>>
      %dma_start3A_103 = arith.constant 0 : i32
      %dma_start3A_104 = arith.constant 0 : i32
      %dma_start3A_105 = tpu.memref_slice %arg2[%dma_start3A_103, %dma_start3A_104] : memref<100096x16xf32, #tpu.memory_space<hbm>> -> memref<100096x16xf32, #tpu.memory_space<hbm>>
      tpu.enqueue_indirect_dma source(%dma_start3A_105 : memref<100096x16xf32, #tpu.memory_space<hbm>>) target(%dma_start3A_99 : memref<128x16xf32, #tpu.memory_space<vmem>>) offsets(%dma_start3A_102 : memref<128xi32, #tpu.memory_space<vmem>>) semaphore(%arg11 : memref<!tpu.dma_semaphore, #tpu.memory_space<semaphore_mem>>)
      %dma_start3A_106 = arith.constant 5 : i32
      %dma_start3A_107 = arith.constant 5 : i32
      %dma_start3A_108 = arith.constant 0 : i32
      %dma_start3A_109 = arith.constant 0 : i32
      %dma_start3A_110 = tpu.memref_slice %arg10[%dma_start3A_107, %dma_start3A_108, %dma_start3A_109] : memref<12x128x16xf32, #tpu.memory_space<vmem>> -> memref<1x128x16xf32, #tpu.memory_space<vmem>>
      %dma_start3A_111 = tpu.memref_squeeze %dma_start3A_110 : memref<1x128x16xf32, #tpu.memory_space<vmem>> -> memref<128x16xf32, #tpu.memory_space<vmem>>
      %dma_start3A_112 = arith.constant 0 : i32
      %dma_start3A_113 = tpu.memref_slice %arg8[%dma_start3A_106, %dma_start3A_112] : memref<12x128xi32, #tpu.memory_space<vmem>> -> memref<1x128xi32, #tpu.memory_space<vmem>>
      %dma_start3A_114 = tpu.memref_squeeze %dma_start3A_113 : memref<1x128xi32, #tpu.memory_space<vmem>> -> memref<128xi32, #tpu.memory_space<vmem>>
      %dma_start3A_115 = arith.constant 0 : i32
      %dma_start3A_116 = arith.constant 0 : i32
      %dma_start3A_117 = tpu.memref_slice %arg2[%dma_start3A_115, %dma_start3A_116] : memref<100096x16xf32, #tpu.memory_space<hbm>> -> memref<100096x16xf32, #tpu.memory_space<hbm>>
      tpu.enqueue_indirect_dma source(%dma_start3A_117 : memref<100096x16xf32, #tpu.memory_space<hbm>>) target(%dma_start3A_111 : memref<128x16xf32, #tpu.memory_space<vmem>>) offsets(%dma_start3A_114 : memref<128xi32, #tpu.memory_space<vmem>>) semaphore(%arg11 : memref<!tpu.dma_semaphore, #tpu.memory_space<semaphore_mem>>)
      %dma_start3A_118 = arith.constant 6 : i32
      %dma_start3A_119 = arith.constant 6 : i32
      %dma_start3A_120 = arith.constant 0 : i32
      %dma_start3A_121 = arith.constant 0 : i32
      %dma_start3A_122 = tpu.memref_slice %arg10[%dma_start3A_119, %dma_start3A_120, %dma_start3A_121] : memref<12x128x16xf32, #tpu.memory_space<vmem>> -> memref<1x128x16xf32, #tpu.memory_space<vmem>>
      %dma_start3A_123 = tpu.memref_squeeze %dma_start3A_122 : memref<1x128x16xf32, #tpu.memory_space<vmem>> -> memref<128x16xf32, #tpu.memory_space<vmem>>
      %dma_start3A_124 = arith.constant 0 : i32
      %dma_start3A_125 = tpu.memref_slice %arg8[%dma_start3A_118, %dma_start3A_124] : memref<12x128xi32, #tpu.memory_space<vmem>> -> memref<1x128xi32, #tpu.memory_space<vmem>>
      %dma_start3A_126 = tpu.memref_squeeze %dma_start3A_125 : memref<1x128xi32, #tpu.memory_space<vmem>> -> memref<128xi32, #tpu.memory_space<vmem>>
      %dma_start3A_127 = arith.constant 0 : i32
      %dma_start3A_128 = arith.constant 0 : i32
      %dma_start3A_129 = tpu.memref_slice %arg2[%dma_start3A_127, %dma_start3A_128] : memref<100096x16xf32, #tpu.memory_space<hbm>> -> memref<100096x16xf32, #tpu.memory_space<hbm>>
      tpu.enqueue_indirect_dma source(%dma_start3A_129 : memref<100096x16xf32, #tpu.memory_space<hbm>>) target(%dma_start3A_123 : memref<128x16xf32, #tpu.memory_space<vmem>>) offsets(%dma_start3A_126 : memref<128xi32, #tpu.memory_space<vmem>>) semaphore(%arg11 : memref<!tpu.dma_semaphore, #tpu.memory_space<semaphore_mem>>)
      %dma_start3A_130 = arith.constant 7 : i32
      %dma_start3A_131 = arith.constant 7 : i32
      %dma_start3A_132 = arith.constant 0 : i32
      %dma_start3A_133 = arith.constant 0 : i32
      %dma_start3A_134 = tpu.memref_slice %arg10[%dma_start3A_131, %dma_start3A_132, %dma_start3A_133] : memref<12x128x16xf32, #tpu.memory_space<vmem>> -> memref<1x128x16xf32, #tpu.memory_space<vmem>>
      %dma_start3A_135 = tpu.memref_squeeze %dma_start3A_134 : memref<1x128x16xf32, #tpu.memory_space<vmem>> -> memref<128x16xf32, #tpu.memory_space<vmem>>
      %dma_start3A_136 = arith.constant 0 : i32
      %dma_start3A_137 = tpu.memref_slice %arg8[%dma_start3A_130, %dma_start3A_136] : memref<12x128xi32, #tpu.memory_space<vmem>> -> memref<1x128xi32, #tpu.memory_space<vmem>>
      %dma_start3A_138 = tpu.memref_squeeze %dma_start3A_137 : memref<1x128xi32, #tpu.memory_space<vmem>> -> memref<128xi32, #tpu.memory_space<vmem>>
      %dma_start3A_139 = arith.constant 0 : i32
      %dma_start3A_140 = arith.constant 0 : i32
      %dma_start3A_141 = tpu.memref_slice %arg2[%dma_start3A_139, %dma_start3A_140] : memref<100096x16xf32, #tpu.memory_space<hbm>> -> memref<100096x16xf32, #tpu.memory_space<hbm>>
      tpu.enqueue_indirect_dma source(%dma_start3A_141 : memref<100096x16xf32, #tpu.memory_space<hbm>>) target(%dma_start3A_135 : memref<128x16xf32, #tpu.memory_space<vmem>>) offsets(%dma_start3A_138 : memref<128xi32, #tpu.memory_space<vmem>>) semaphore(%arg11 : memref<!tpu.dma_semaphore, #tpu.memory_space<semaphore_mem>>)
      %dma_start3A_142 = arith.constant 8 : i32
      %dma_start3A_143 = arith.constant 8 : i32
      %dma_start3A_144 = arith.constant 0 : i32
      %dma_start3A_145 = arith.constant 0 : i32
      %dma_start3A_146 = tpu.memref_slice %arg10[%dma_start3A_143, %dma_start3A_144, %dma_start3A_145] : memref<12x128x16xf32, #tpu.memory_space<vmem>> -> memref<1x128x16xf32, #tpu.memory_space<vmem>>
      %dma_start3A_147 = tpu.memref_squeeze %dma_start3A_146 : memref<1x128x16xf32, #tpu.memory_space<vmem>> -> memref<128x16xf32, #tpu.memory_space<vmem>>
      %dma_start3A_148 = arith.constant 0 : i32
      %dma_start3A_149 = tpu.memref_slice %arg8[%dma_start3A_142, %dma_start3A_148] : memref<12x128xi32, #tpu.memory_space<vmem>> -> memref<1x128xi32, #tpu.memory_space<vmem>>
      %dma_start3A_150 = tpu.memref_squeeze %dma_start3A_149 : memref<1x128xi32, #tpu.memory_space<vmem>> -> memref<128xi32, #tpu.memory_space<vmem>>
      %dma_start3A_151 = arith.constant 0 : i32
      %dma_start3A_152 = arith.constant 0 : i32
      %dma_start3A_153 = tpu.memref_slice %arg2[%dma_start3A_151, %dma_start3A_152] : memref<100096x16xf32, #tpu.memory_space<hbm>> -> memref<100096x16xf32, #tpu.memory_space<hbm>>
      tpu.enqueue_indirect_dma source(%dma_start3A_153 : memref<100096x16xf32, #tpu.memory_space<hbm>>) target(%dma_start3A_147 : memref<128x16xf32, #tpu.memory_space<vmem>>) offsets(%dma_start3A_150 : memref<128xi32, #tpu.memory_space<vmem>>) semaphore(%arg11 : memref<!tpu.dma_semaphore, #tpu.memory_space<semaphore_mem>>)
      %dma_start3A_154 = arith.constant 9 : i32
      %dma_start3A_155 = arith.constant 9 : i32
      %dma_start3A_156 = arith.constant 0 : i32
      %dma_start3A_157 = arith.constant 0 : i32
      %dma_start3A_158 = tpu.memref_slice %arg10[%dma_start3A_155, %dma_start3A_156, %dma_start3A_157] : memref<12x128x16xf32, #tpu.memory_space<vmem>> -> memref<1x128x16xf32, #tpu.memory_space<vmem>>
      %dma_start3A_159 = tpu.memref_squeeze %dma_start3A_158 : memref<1x128x16xf32, #tpu.memory_space<vmem>> -> memref<128x16xf32, #tpu.memory_space<vmem>>
      %dma_start3A_160 = arith.constant 0 : i32
      %dma_start3A_161 = tpu.memref_slice %arg8[%dma_start3A_154, %dma_start3A_160] : memref<12x128xi32, #tpu.memory_space<vmem>> -> memref<1x128xi32, #tpu.memory_space<vmem>>
      %dma_start3A_162 = tpu.memref_squeeze %dma_start3A_161 : memref<1x128xi32, #tpu.memory_space<vmem>> -> memref<128xi32, #tpu.memory_space<vmem>>
      %dma_start3A_163 = arith.constant 0 : i32
      %dma_start3A_164 = arith.constant 0 : i32
      %dma_start3A_165 = tpu.memref_slice %arg2[%dma_start3A_163, %dma_start3A_164] : memref<100096x16xf32, #tpu.memory_space<hbm>> -> memref<100096x16xf32, #tpu.memory_space<hbm>>
      tpu.enqueue_indirect_dma source(%dma_start3A_165 : memref<100096x16xf32, #tpu.memory_space<hbm>>) target(%dma_start3A_159 : memref<128x16xf32, #tpu.memory_space<vmem>>) offsets(%dma_start3A_162 : memref<128xi32, #tpu.memory_space<vmem>>) semaphore(%arg11 : memref<!tpu.dma_semaphore, #tpu.memory_space<semaphore_mem>>)
      %dma_start3A_166 = arith.constant 10 : i32
      %dma_start3A_167 = arith.constant 10 : i32
      %dma_start3A_168 = arith.constant 0 : i32
      %dma_start3A_169 = arith.constant 0 : i32
      %dma_start3A_170 = tpu.memref_slice %arg10[%dma_start3A_167, %dma_start3A_168, %dma_start3A_169] : memref<12x128x16xf32, #tpu.memory_space<vmem>> -> memref<1x128x16xf32, #tpu.memory_space<vmem>>
      %dma_start3A_171 = tpu.memref_squeeze %dma_start3A_170 : memref<1x128x16xf32, #tpu.memory_space<vmem>> -> memref<128x16xf32, #tpu.memory_space<vmem>>
      %dma_start3A_172 = arith.constant 0 : i32
      %dma_start3A_173 = tpu.memref_slice %arg8[%dma_start3A_166, %dma_start3A_172] : memref<12x128xi32, #tpu.memory_space<vmem>> -> memref<1x128xi32, #tpu.memory_space<vmem>>
      %dma_start3A_174 = tpu.memref_squeeze %dma_start3A_173 : memref<1x128xi32, #tpu.memory_space<vmem>> -> memref<128xi32, #tpu.memory_space<vmem>>
      %dma_start3A_175 = arith.constant 0 : i32
      %dma_start3A_176 = arith.constant 0 : i32
      %dma_start3A_177 = tpu.memref_slice %arg2[%dma_start3A_175, %dma_start3A_176] : memref<100096x16xf32, #tpu.memory_space<hbm>> -> memref<100096x16xf32, #tpu.memory_space<hbm>>
      tpu.enqueue_indirect_dma source(%dma_start3A_177 : memref<100096x16xf32, #tpu.memory_space<hbm>>) target(%dma_start3A_171 : memref<128x16xf32, #tpu.memory_space<vmem>>) offsets(%dma_start3A_174 : memref<128xi32, #tpu.memory_space<vmem>>) semaphore(%arg11 : memref<!tpu.dma_semaphore, #tpu.memory_space<semaphore_mem>>)
      %dma_start3A_178 = arith.constant 11 : i32
      %dma_start3A_179 = arith.constant 11 : i32
      %dma_start3A_180 = arith.constant 0 : i32
      %dma_start3A_181 = arith.constant 0 : i32
      %dma_start3A_182 = tpu.memref_slice %arg10[%dma_start3A_179, %dma_start3A_180, %dma_start3A_181] : memref<12x128x16xf32, #tpu.memory_space<vmem>> -> memref<1x128x16xf32, #tpu.memory_space<vmem>>
      %dma_start3A_183 = tpu.memref_squeeze %dma_start3A_182 : memref<1x128x16xf32, #tpu.memory_space<vmem>> -> memref<128x16xf32, #tpu.memory_space<vmem>>
      %dma_start3A_184 = arith.constant 0 : i32
      %dma_start3A_185 = tpu.memref_slice %arg8[%dma_start3A_178, %dma_start3A_184] : memref<12x128xi32, #tpu.memory_space<vmem>> -> memref<1x128xi32, #tpu.memory_space<vmem>>
      %dma_start3A_186 = tpu.memref_squeeze %dma_start3A_185 : memref<1x128xi32, #tpu.memory_space<vmem>> -> memref<128xi32, #tpu.memory_space<vmem>>
      %dma_start3A_187 = arith.constant 0 : i32
      %dma_start3A_188 = arith.constant 0 : i32
      %dma_start3A_189 = tpu.memref_slice %arg2[%dma_start3A_187, %dma_start3A_188] : memref<100096x16xf32, #tpu.memory_space<hbm>> -> memref<100096x16xf32, #tpu.memory_space<hbm>>
      tpu.enqueue_indirect_dma source(%dma_start3A_189 : memref<100096x16xf32, #tpu.memory_space<hbm>>) target(%dma_start3A_183 : memref<128x16xf32, #tpu.memory_space<vmem>>) offsets(%dma_start3A_186 : memref<128xi32, #tpu.memory_space<vmem>>) semaphore(%arg11 : memref<!tpu.dma_semaphore, #tpu.memory_space<semaphore_mem>>)
      %dma_wait3A_190 = arith.constant 0 : i32
      %dma_wait3A_191 = arith.constant 0 : i32
      %dma_wait3A_192 = arith.constant 0 : i32
      %dma_wait3A_193 = arith.constant 0 : i32
      %dma_wait3A_194 = tpu.memref_slice %arg10[%dma_wait3A_191, %dma_wait3A_192, %dma_wait3A_193] : memref<12x128x16xf32, #tpu.memory_space<vmem>> -> memref<1x128x16xf32, #tpu.memory_space<vmem>>
      %dma_wait3A_195 = tpu.memref_squeeze %dma_wait3A_194 : memref<1x128x16xf32, #tpu.memory_space<vmem>> -> memref<128x16xf32, #tpu.memory_space<vmem>>
      %dma_wait3A_196 = arith.constant 0 : i32
      %dma_wait3A_197 = tpu.memref_slice %arg8[%dma_wait3A_190, %dma_wait3A_196] : memref<12x128xi32, #tpu.memory_space<vmem>> -> memref<1x128xi32, #tpu.memory_space<vmem>>
      %dma_wait3A_198 = tpu.memref_squeeze %dma_wait3A_197 : memref<1x128xi32, #tpu.memory_space<vmem>> -> memref<128xi32, #tpu.memory_space<vmem>>
      %dma_wait3A_199 = arith.constant 0 : i32
      %dma_wait3A_200 = arith.constant 0 : i32
      %dma_wait3A_201 = tpu.memref_slice %arg2[%dma_wait3A_199, %dma_wait3A_200] : memref<100096x16xf32, #tpu.memory_space<hbm>> -> memref<100096x16xf32, #tpu.memory_space<hbm>>
      tpu.wait_indirect_dma semaphore(%arg11 : memref<!tpu.dma_semaphore, #tpu.memory_space<semaphore_mem>>) src(%dma_wait3A_201 : memref<100096x16xf32, #tpu.memory_space<hbm>>) dst(%dma_wait3A_195 : memref<128x16xf32, #tpu.memory_space<vmem>>)
      %dma_wait3A_202 = arith.constant 1 : i32
      %dma_wait3A_203 = arith.constant 1 : i32
      %dma_wait3A_204 = arith.constant 0 : i32
      %dma_wait3A_205 = arith.constant 0 : i32
      %dma_wait3A_206 = tpu.memref_slice %arg10[%dma_wait3A_203, %dma_wait3A_204, %dma_wait3A_205] : memref<12x128x16xf32, #tpu.memory_space<vmem>> -> memref<1x128x16xf32, #tpu.memory_space<vmem>>
      %dma_wait3A_207 = tpu.memref_squeeze %dma_wait3A_206 : memref<1x128x16xf32, #tpu.memory_space<vmem>> -> memref<128x16xf32, #tpu.memory_space<vmem>>
      %dma_wait3A_208 = arith.constant 0 : i32
      %dma_wait3A_209 = tpu.memref_slice %arg8[%dma_wait3A_202, %dma_wait3A_208] : memref<12x128xi32, #tpu.memory_space<vmem>> -> memref<1x128xi32, #tpu.memory_space<vmem>>
      %dma_wait3A_210 = tpu.memref_squeeze %dma_wait3A_209 : memref<1x128xi32, #tpu.memory_space<vmem>> -> memref<128xi32, #tpu.memory_space<vmem>>
      %dma_wait3A_211 = arith.constant 0 : i32
      %dma_wait3A_212 = arith.constant 0 : i32
      %dma_wait3A_213 = tpu.memref_slice %arg2[%dma_wait3A_211, %dma_wait3A_212] : memref<100096x16xf32, #tpu.memory_space<hbm>> -> memref<100096x16xf32, #tpu.memory_space<hbm>>
      tpu.wait_indirect_dma semaphore(%arg11 : memref<!tpu.dma_semaphore, #tpu.memory_space<semaphore_mem>>) src(%dma_wait3A_213 : memref<100096x16xf32, #tpu.memory_space<hbm>>) dst(%dma_wait3A_207 : memref<128x16xf32, #tpu.memory_space<vmem>>)
      %dma_wait3A_214 = arith.constant 2 : i32
      %dma_wait3A_215 = arith.constant 2 : i32
      %dma_wait3A_216 = arith.constant 0 : i32
      %dma_wait3A_217 = arith.constant 0 : i32
      %dma_wait3A_218 = tpu.memref_slice %arg10[%dma_wait3A_215, %dma_wait3A_216, %dma_wait3A_217] : memref<12x128x16xf32, #tpu.memory_space<vmem>> -> memref<1x128x16xf32, #tpu.memory_space<vmem>>
      %dma_wait3A_219 = tpu.memref_squeeze %dma_wait3A_218 : memref<1x128x16xf32, #tpu.memory_space<vmem>> -> memref<128x16xf32, #tpu.memory_space<vmem>>
      %dma_wait3A_220 = arith.constant 0 : i32
      %dma_wait3A_221 = tpu.memref_slice %arg8[%dma_wait3A_214, %dma_wait3A_220] : memref<12x128xi32, #tpu.memory_space<vmem>> -> memref<1x128xi32, #tpu.memory_space<vmem>>
      %dma_wait3A_222 = tpu.memref_squeeze %dma_wait3A_221 : memref<1x128xi32, #tpu.memory_space<vmem>> -> memref<128xi32, #tpu.memory_space<vmem>>
      %dma_wait3A_223 = arith.constant 0 : i32
      %dma_wait3A_224 = arith.constant 0 : i32
      %dma_wait3A_225 = tpu.memref_slice %arg2[%dma_wait3A_223, %dma_wait3A_224] : memref<100096x16xf32, #tpu.memory_space<hbm>> -> memref<100096x16xf32, #tpu.memory_space<hbm>>
      tpu.wait_indirect_dma semaphore(%arg11 : memref<!tpu.dma_semaphore, #tpu.memory_space<semaphore_mem>>) src(%dma_wait3A_225 : memref<100096x16xf32, #tpu.memory_space<hbm>>) dst(%dma_wait3A_219 : memref<128x16xf32, #tpu.memory_space<vmem>>)
      %dma_start3A_226 = arith.constant 0 : i32
      %dma_start3A_227 = arith.constant 0 : i32
      %dma_start3A_228 = arith.constant 0 : i32
      %dma_start3A_229 = arith.constant 0 : i32
      %dma_start3A_230 = tpu.memref_slice %arg10[%dma_start3A_226, %dma_start3A_228, %dma_start3A_229] : memref<12x128x16xf32, #tpu.memory_space<vmem>> -> memref<1x128x16xf32, #tpu.memory_space<vmem>>
      %dma_start3A_231 = tpu.memref_squeeze %dma_start3A_230 : memref<1x128x16xf32, #tpu.memory_space<vmem>> -> memref<128x16xf32, #tpu.memory_space<vmem>>
      %dma_start3A_232 = arith.constant 0 : i32
      %dma_start3A_233 = tpu.memref_slice %arg9[%dma_start3A_227, %dma_start3A_232] : memref<12x128xi32, #tpu.memory_space<vmem>> -> memref<1x128xi32, #tpu.memory_space<vmem>>
      %dma_start3A_234 = tpu.memref_squeeze %dma_start3A_233 : memref<1x128xi32, #tpu.memory_space<vmem>> -> memref<128xi32, #tpu.memory_space<vmem>>
      %dma_start3A_235 = arith.constant 0 : i32
      %dma_start3A_236 = arith.constant 0 : i32
      %dma_start3A_237 = tpu.memref_slice %arg6[%dma_start3A_235, %dma_start3A_236] : memref<100096x16xf32, #tpu.memory_space<vmem_shared>> -> memref<100096x16xf32, #tpu.memory_space<vmem_shared>>
      tpu.enqueue_indirect_dma source(%dma_start3A_231 : memref<128x16xf32, #tpu.memory_space<vmem>>) target(%dma_start3A_237 : memref<100096x16xf32, #tpu.memory_space<vmem_shared>>) offsets(%dma_start3A_234 : memref<128xi32, #tpu.memory_space<vmem>>) semaphore(%arg12 : memref<!tpu.dma_semaphore, #tpu.memory_space<semaphore_mem>>) {add = true}
      %dma_start3A_238 = arith.constant 1 : i32
      %dma_start3A_239 = arith.constant 1 : i32
      %dma_start3A_240 = arith.constant 0 : i32
      %dma_start3A_241 = arith.constant 0 : i32
      %dma_start3A_242 = tpu.memref_slice %arg10[%dma_start3A_238, %dma_start3A_240, %dma_start3A_241] : memref<12x128x16xf32, #tpu.memory_space<vmem>> -> memref<1x128x16xf32, #tpu.memory_space<vmem>>
      %dma_start3A_243 = tpu.memref_squeeze %dma_start3A_242 : memref<1x128x16xf32, #tpu.memory_space<vmem>> -> memref<128x16xf32, #tpu.memory_space<vmem>>
      %dma_start3A_244 = arith.constant 0 : i32
      %dma_start3A_245 = tpu.memref_slice %arg9[%dma_start3A_239, %dma_start3A_244] : memref<12x128xi32, #tpu.memory_space<vmem>> -> memref<1x128xi32, #tpu.memory_space<vmem>>
      %dma_start3A_246 = tpu.memref_squeeze %dma_start3A_245 : memref<1x128xi32, #tpu.memory_space<vmem>> -> memref<128xi32, #tpu.memory_space<vmem>>
      %dma_start3A_247 = arith.constant 0 : i32
      %dma_start3A_248 = arith.constant 0 : i32
      %dma_start3A_249 = tpu.memref_slice %arg6[%dma_start3A_247, %dma_start3A_248] : memref<100096x16xf32, #tpu.memory_space<vmem_shared>> -> memref<100096x16xf32, #tpu.memory_space<vmem_shared>>
      tpu.enqueue_indirect_dma source(%dma_start3A_243 : memref<128x16xf32, #tpu.memory_space<vmem>>) target(%dma_start3A_249 : memref<100096x16xf32, #tpu.memory_space<vmem_shared>>) offsets(%dma_start3A_246 : memref<128xi32, #tpu.memory_space<vmem>>) semaphore(%arg12 : memref<!tpu.dma_semaphore, #tpu.memory_space<semaphore_mem>>) {add = true}
      %dma_start3A_250 = arith.constant 2 : i32
      %dma_start3A_251 = arith.constant 2 : i32
      %dma_start3A_252 = arith.constant 0 : i32
      %dma_start3A_253 = arith.constant 0 : i32
      %dma_start3A_254 = tpu.memref_slice %arg10[%dma_start3A_250, %dma_start3A_252, %dma_start3A_253] : memref<12x128x16xf32, #tpu.memory_space<vmem>> -> memref<1x128x16xf32, #tpu.memory_space<vmem>>
      %dma_start3A_255 = tpu.memref_squeeze %dma_start3A_254 : memref<1x128x16xf32, #tpu.memory_space<vmem>> -> memref<128x16xf32, #tpu.memory_space<vmem>>
      %dma_start3A_256 = arith.constant 0 : i32
      %dma_start3A_257 = tpu.memref_slice %arg9[%dma_start3A_251, %dma_start3A_256] : memref<12x128xi32, #tpu.memory_space<vmem>> -> memref<1x128xi32, #tpu.memory_space<vmem>>
      %dma_start3A_258 = tpu.memref_squeeze %dma_start3A_257 : memref<1x128xi32, #tpu.memory_space<vmem>> -> memref<128xi32, #tpu.memory_space<vmem>>
      %dma_start3A_259 = arith.constant 0 : i32
      %dma_start3A_260 = arith.constant 0 : i32
      %dma_start3A_261 = tpu.memref_slice %arg6[%dma_start3A_259, %dma_start3A_260] : memref<100096x16xf32, #tpu.memory_space<vmem_shared>> -> memref<100096x16xf32, #tpu.memory_space<vmem_shared>>
      tpu.enqueue_indirect_dma source(%dma_start3A_255 : memref<128x16xf32, #tpu.memory_space<vmem>>) target(%dma_start3A_261 : memref<100096x16xf32, #tpu.memory_space<vmem_shared>>) offsets(%dma_start3A_258 : memref<128xi32, #tpu.memory_space<vmem>>) semaphore(%arg12 : memref<!tpu.dma_semaphore, #tpu.memory_space<semaphore_mem>>) {add = true}
      %dma_wait3A_262 = arith.constant 3 : i32
      %dma_wait3A_263 = arith.constant 3 : i32
      %dma_wait3A_264 = arith.constant 0 : i32
      %dma_wait3A_265 = arith.constant 0 : i32
      %dma_wait3A_266 = tpu.memref_slice %arg10[%dma_wait3A_263, %dma_wait3A_264, %dma_wait3A_265] : memref<12x128x16xf32, #tpu.memory_space<vmem>> -> memref<1x128x16xf32, #tpu.memory_space<vmem>>
      %dma_wait3A_267 = tpu.memref_squeeze %dma_wait3A_266 : memref<1x128x16xf32, #tpu.memory_space<vmem>> -> memref<128x16xf32, #tpu.memory_space<vmem>>
      %dma_wait3A_268 = arith.constant 0 : i32
      %dma_wait3A_269 = tpu.memref_slice %arg8[%dma_wait3A_262, %dma_wait3A_268] : memref<12x128xi32, #tpu.memory_space<vmem>> -> memref<1x128xi32, #tpu.memory_space<vmem>>
      %dma_wait3A_270 = tpu.memref_squeeze %dma_wait3A_269 : memref<1x128xi32, #tpu.memory_space<vmem>> -> memref<128xi32, #tpu.memory_space<vmem>>
      %dma_wait3A_271 = arith.constant 0 : i32
      %dma_wait3A_272 = arith.constant 0 : i32
      %dma_wait3A_273 = tpu.memref_slice %arg2[%dma_wait3A_271, %dma_wait3A_272] : memref<100096x16xf32, #tpu.memory_space<hbm>> -> memref<100096x16xf32, #tpu.memory_space<hbm>>
      tpu.wait_indirect_dma semaphore(%arg11 : memref<!tpu.dma_semaphore, #tpu.memory_space<semaphore_mem>>) src(%dma_wait3A_273 : memref<100096x16xf32, #tpu.memory_space<hbm>>) dst(%dma_wait3A_267 : memref<128x16xf32, #tpu.memory_space<vmem>>)
      %dma_wait3A_274 = arith.constant 4 : i32
      %dma_wait3A_275 = arith.constant 4 : i32
      %dma_wait3A_276 = arith.constant 0 : i32
      %dma_wait3A_277 = arith.constant 0 : i32
      %dma_wait3A_278 = tpu.memref_slice %arg10[%dma_wait3A_275, %dma_wait3A_276, %dma_wait3A_277] : memref<12x128x16xf32, #tpu.memory_space<vmem>> -> memref<1x128x16xf32, #tpu.memory_space<vmem>>
      %dma_wait3A_279 = tpu.memref_squeeze %dma_wait3A_278 : memref<1x128x16xf32, #tpu.memory_space<vmem>> -> memref<128x16xf32, #tpu.memory_space<vmem>>
      %dma_wait3A_280 = arith.constant 0 : i32
      %dma_wait3A_281 = tpu.memref_slice %arg8[%dma_wait3A_274, %dma_wait3A_280] : memref<12x128xi32, #tpu.memory_space<vmem>> -> memref<1x128xi32, #tpu.memory_space<vmem>>
      %dma_wait3A_282 = tpu.memref_squeeze %dma_wait3A_281 : memref<1x128xi32, #tpu.memory_space<vmem>> -> memref<128xi32, #tpu.memory_space<vmem>>
      %dma_wait3A_283 = arith.constant 0 : i32
      %dma_wait3A_284 = arith.constant 0 : i32
      %dma_wait3A_285 = tpu.memref_slice %arg2[%dma_wait3A_283, %dma_wait3A_284] : memref<100096x16xf32, #tpu.memory_space<hbm>> -> memref<100096x16xf32, #tpu.memory_space<hbm>>
      tpu.wait_indirect_dma semaphore(%arg11 : memref<!tpu.dma_semaphore, #tpu.memory_space<semaphore_mem>>) src(%dma_wait3A_285 : memref<100096x16xf32, #tpu.memory_space<hbm>>) dst(%dma_wait3A_279 : memref<128x16xf32, #tpu.memory_space<vmem>>)
      %dma_wait3A_286 = arith.constant 5 : i32
      %dma_wait3A_287 = arith.constant 5 : i32
      %dma_wait3A_288 = arith.constant 0 : i32
      %dma_wait3A_289 = arith.constant 0 : i32
      %dma_wait3A_290 = tpu.memref_slice %arg10[%dma_wait3A_287, %dma_wait3A_288, %dma_wait3A_289] : memref<12x128x16xf32, #tpu.memory_space<vmem>> -> memref<1x128x16xf32, #tpu.memory_space<vmem>>
      %dma_wait3A_291 = tpu.memref_squeeze %dma_wait3A_290 : memref<1x128x16xf32, #tpu.memory_space<vmem>> -> memref<128x16xf32, #tpu.memory_space<vmem>>
      %dma_wait3A_292 = arith.constant 0 : i32
      %dma_wait3A_293 = tpu.memref_slice %arg8[%dma_wait3A_286, %dma_wait3A_292] : memref<12x128xi32, #tpu.memory_space<vmem>> -> memref<1x128xi32, #tpu.memory_space<vmem>>
      %dma_wait3A_294 = tpu.memref_squeeze %dma_wait3A_293 : memref<1x128xi32, #tpu.memory_space<vmem>> -> memref<128xi32, #tpu.memory_space<vmem>>
      %dma_wait3A_295 = arith.constant 0 : i32
      %dma_wait3A_296 = arith.constant 0 : i32
      %dma_wait3A_297 = tpu.memref_slice %arg2[%dma_wait3A_295, %dma_wait3A_296] : memref<100096x16xf32, #tpu.memory_space<hbm>> -> memref<100096x16xf32, #tpu.memory_space<hbm>>
      tpu.wait_indirect_dma semaphore(%arg11 : memref<!tpu.dma_semaphore, #tpu.memory_space<semaphore_mem>>) src(%dma_wait3A_297 : memref<100096x16xf32, #tpu.memory_space<hbm>>) dst(%dma_wait3A_291 : memref<128x16xf32, #tpu.memory_space<vmem>>)
      %dma_start3A_298 = arith.constant 3 : i32
      %dma_start3A_299 = arith.constant 3 : i32
      %dma_start3A_300 = arith.constant 0 : i32
      %dma_start3A_301 = arith.constant 0 : i32
      %dma_start3A_302 = tpu.memref_slice %arg10[%dma_start3A_298, %dma_start3A_300, %dma_start3A_301] : memref<12x128x16xf32, #tpu.memory_space<vmem>> -> memref<1x128x16xf32, #tpu.memory_space<vmem>>
      %dma_start3A_303 = tpu.memref_squeeze %dma_start3A_302 : memref<1x128x16xf32, #tpu.memory_space<vmem>> -> memref<128x16xf32, #tpu.memory_space<vmem>>
      %dma_start3A_304 = arith.constant 0 : i32
      %dma_start3A_305 = tpu.memref_slice %arg9[%dma_start3A_299, %dma_start3A_304] : memref<12x128xi32, #tpu.memory_space<vmem>> -> memref<1x128xi32, #tpu.memory_space<vmem>>
      %dma_start3A_306 = tpu.memref_squeeze %dma_start3A_305 : memref<1x128xi32, #tpu.memory_space<vmem>> -> memref<128xi32, #tpu.memory_space<vmem>>
      %dma_start3A_307 = arith.constant 0 : i32
      %dma_start3A_308 = arith.constant 0 : i32
      %dma_start3A_309 = tpu.memref_slice %arg6[%dma_start3A_307, %dma_start3A_308] : memref<100096x16xf32, #tpu.memory_space<vmem_shared>> -> memref<100096x16xf32, #tpu.memory_space<vmem_shared>>
      tpu.enqueue_indirect_dma source(%dma_start3A_303 : memref<128x16xf32, #tpu.memory_space<vmem>>) target(%dma_start3A_309 : memref<100096x16xf32, #tpu.memory_space<vmem_shared>>) offsets(%dma_start3A_306 : memref<128xi32, #tpu.memory_space<vmem>>) semaphore(%arg12 : memref<!tpu.dma_semaphore, #tpu.memory_space<semaphore_mem>>) {add = true}
      %dma_start3A_310 = arith.constant 4 : i32
      %dma_start3A_311 = arith.constant 4 : i32
      %dma_start3A_312 = arith.constant 0 : i32
      %dma_start3A_313 = arith.constant 0 : i32
      %dma_start3A_314 = tpu.memref_slice %arg10[%dma_start3A_310, %dma_start3A_312, %dma_start3A_313] : memref<12x128x16xf32, #tpu.memory_space<vmem>> -> memref<1x128x16xf32, #tpu.memory_space<vmem>>
      %dma_start3A_315 = tpu.memref_squeeze %dma_start3A_314 : memref<1x128x16xf32, #tpu.memory_space<vmem>> -> memref<128x16xf32, #tpu.memory_space<vmem>>
      %dma_start3A_316 = arith.constant 0 : i32
      %dma_start3A_317 = tpu.memref_slice %arg9[%dma_start3A_311, %dma_start3A_316] : memref<12x128xi32, #tpu.memory_space<vmem>> -> memref<1x128xi32, #tpu.memory_space<vmem>>
      %dma_start3A_318 = tpu.memref_squeeze %dma_start3A_317 : memref<1x128xi32, #tpu.memory_space<vmem>> -> memref<128xi32, #tpu.memory_space<vmem>>
      %dma_start3A_319 = arith.constant 0 : i32
      %dma_start3A_320 = arith.constant 0 : i32
      %dma_start3A_321 = tpu.memref_slice %arg6[%dma_start3A_319, %dma_start3A_320] : memref<100096x16xf32, #tpu.memory_space<vmem_shared>> -> memref<100096x16xf32, #tpu.memory_space<vmem_shared>>
      tpu.enqueue_indirect_dma source(%dma_start3A_315 : memref<128x16xf32, #tpu.memory_space<vmem>>) target(%dma_start3A_321 : memref<100096x16xf32, #tpu.memory_space<vmem_shared>>) offsets(%dma_start3A_318 : memref<128xi32, #tpu.memory_space<vmem>>) semaphore(%arg12 : memref<!tpu.dma_semaphore, #tpu.memory_space<semaphore_mem>>) {add = true}
      %dma_start3A_322 = arith.constant 5 : i32
      %dma_start3A_323 = arith.constant 5 : i32
      %dma_start3A_324 = arith.constant 0 : i32
      %dma_start3A_325 = arith.constant 0 : i32
      %dma_start3A_326 = tpu.memref_slice %arg10[%dma_start3A_322, %dma_start3A_324, %dma_start3A_325] : memref<12x128x16xf32, #tpu.memory_space<vmem>> -> memref<1x128x16xf32, #tpu.memory_space<vmem>>
      %dma_start3A_327 = tpu.memref_squeeze %dma_start3A_326 : memref<1x128x16xf32, #tpu.memory_space<vmem>> -> memref<128x16xf32, #tpu.memory_space<vmem>>
      %dma_start3A_328 = arith.constant 0 : i32
      %dma_start3A_329 = tpu.memref_slice %arg9[%dma_start3A_323, %dma_start3A_328] : memref<12x128xi32, #tpu.memory_space<vmem>> -> memref<1x128xi32, #tpu.memory_space<vmem>>
      %dma_start3A_330 = tpu.memref_squeeze %dma_start3A_329 : memref<1x128xi32, #tpu.memory_space<vmem>> -> memref<128xi32, #tpu.memory_space<vmem>>
      %dma_start3A_331 = arith.constant 0 : i32
      %dma_start3A_332 = arith.constant 0 : i32
      %dma_start3A_333 = tpu.memref_slice %arg6[%dma_start3A_331, %dma_start3A_332] : memref<100096x16xf32, #tpu.memory_space<vmem_shared>> -> memref<100096x16xf32, #tpu.memory_space<vmem_shared>>
      tpu.enqueue_indirect_dma source(%dma_start3A_327 : memref<128x16xf32, #tpu.memory_space<vmem>>) target(%dma_start3A_333 : memref<100096x16xf32, #tpu.memory_space<vmem_shared>>) offsets(%dma_start3A_330 : memref<128xi32, #tpu.memory_space<vmem>>) semaphore(%arg12 : memref<!tpu.dma_semaphore, #tpu.memory_space<semaphore_mem>>) {add = true}
      %dma_wait3A_334 = arith.constant 6 : i32
      %dma_wait3A_335 = arith.constant 6 : i32
      %dma_wait3A_336 = arith.constant 0 : i32
      %dma_wait3A_337 = arith.constant 0 : i32
      %dma_wait3A_338 = tpu.memref_slice %arg10[%dma_wait3A_335, %dma_wait3A_336, %dma_wait3A_337] : memref<12x128x16xf32, #tpu.memory_space<vmem>> -> memref<1x128x16xf32, #tpu.memory_space<vmem>>
      %dma_wait3A_339 = tpu.memref_squeeze %dma_wait3A_338 : memref<1x128x16xf32, #tpu.memory_space<vmem>> -> memref<128x16xf32, #tpu.memory_space<vmem>>
      %dma_wait3A_340 = arith.constant 0 : i32
      %dma_wait3A_341 = tpu.memref_slice %arg8[%dma_wait3A_334, %dma_wait3A_340] : memref<12x128xi32, #tpu.memory_space<vmem>> -> memref<1x128xi32, #tpu.memory_space<vmem>>
      %dma_wait3A_342 = tpu.memref_squeeze %dma_wait3A_341 : memref<1x128xi32, #tpu.memory_space<vmem>> -> memref<128xi32, #tpu.memory_space<vmem>>
      %dma_wait3A_343 = arith.constant 0 : i32
      %dma_wait3A_344 = arith.constant 0 : i32
      %dma_wait3A_345 = tpu.memref_slice %arg2[%dma_wait3A_343, %dma_wait3A_344] : memref<100096x16xf32, #tpu.memory_space<hbm>> -> memref<100096x16xf32, #tpu.memory_space<hbm>>
      tpu.wait_indirect_dma semaphore(%arg11 : memref<!tpu.dma_semaphore, #tpu.memory_space<semaphore_mem>>) src(%dma_wait3A_345 : memref<100096x16xf32, #tpu.memory_space<hbm>>) dst(%dma_wait3A_339 : memref<128x16xf32, #tpu.memory_space<vmem>>)
      %dma_wait3A_346 = arith.constant 7 : i32
      %dma_wait3A_347 = arith.constant 7 : i32
      %dma_wait3A_348 = arith.constant 0 : i32
      %dma_wait3A_349 = arith.constant 0 : i32
      %dma_wait3A_350 = tpu.memref_slice %arg10[%dma_wait3A_347, %dma_wait3A_348, %dma_wait3A_349] : memref<12x128x16xf32, #tpu.memory_space<vmem>> -> memref<1x128x16xf32, #tpu.memory_space<vmem>>
      %dma_wait3A_351 = tpu.memref_squeeze %dma_wait3A_350 : memref<1x128x16xf32, #tpu.memory_space<vmem>> -> memref<128x16xf32, #tpu.memory_space<vmem>>
      %dma_wait3A_352 = arith.constant 0 : i32
      %dma_wait3A_353 = tpu.memref_slice %arg8[%dma_wait3A_346, %dma_wait3A_352] : memref<12x128xi32, #tpu.memory_space<vmem>> -> memref<1x128xi32, #tpu.memory_space<vmem>>
      %dma_wait3A_354 = tpu.memref_squeeze %dma_wait3A_353 : memref<1x128xi32, #tpu.memory_space<vmem>> -> memref<128xi32, #tpu.memory_space<vmem>>
      %dma_wait3A_355 = arith.constant 0 : i32
      %dma_wait3A_356 = arith.constant 0 : i32
      %dma_wait3A_357 = tpu.memref_slice %arg2[%dma_wait3A_355, %dma_wait3A_356] : memref<100096x16xf32, #tpu.memory_space<hbm>> -> memref<100096x16xf32, #tpu.memory_space<hbm>>
      tpu.wait_indirect_dma semaphore(%arg11 : memref<!tpu.dma_semaphore, #tpu.memory_space<semaphore_mem>>) src(%dma_wait3A_357 : memref<100096x16xf32, #tpu.memory_space<hbm>>) dst(%dma_wait3A_351 : memref<128x16xf32, #tpu.memory_space<vmem>>)
      %dma_wait3A_358 = arith.constant 8 : i32
      %dma_wait3A_359 = arith.constant 8 : i32
      %dma_wait3A_360 = arith.constant 0 : i32
      %dma_wait3A_361 = arith.constant 0 : i32
      %dma_wait3A_362 = tpu.memref_slice %arg10[%dma_wait3A_359, %dma_wait3A_360, %dma_wait3A_361] : memref<12x128x16xf32, #tpu.memory_space<vmem>> -> memref<1x128x16xf32, #tpu.memory_space<vmem>>
      %dma_wait3A_363 = tpu.memref_squeeze %dma_wait3A_362 : memref<1x128x16xf32, #tpu.memory_space<vmem>> -> memref<128x16xf32, #tpu.memory_space<vmem>>
      %dma_wait3A_364 = arith.constant 0 : i32
      %dma_wait3A_365 = tpu.memref_slice %arg8[%dma_wait3A_358, %dma_wait3A_364] : memref<12x128xi32, #tpu.memory_space<vmem>> -> memref<1x128xi32, #tpu.memory_space<vmem>>
      %dma_wait3A_366 = tpu.memref_squeeze %dma_wait3A_365 : memref<1x128xi32, #tpu.memory_space<vmem>> -> memref<128xi32, #tpu.memory_space<vmem>>
      %dma_wait3A_367 = arith.constant 0 : i32
      %dma_wait3A_368 = arith.constant 0 : i32
      %dma_wait3A_369 = tpu.memref_slice %arg2[%dma_wait3A_367, %dma_wait3A_368] : memref<100096x16xf32, #tpu.memory_space<hbm>> -> memref<100096x16xf32, #tpu.memory_space<hbm>>
      tpu.wait_indirect_dma semaphore(%arg11 : memref<!tpu.dma_semaphore, #tpu.memory_space<semaphore_mem>>) src(%dma_wait3A_369 : memref<100096x16xf32, #tpu.memory_space<hbm>>) dst(%dma_wait3A_363 : memref<128x16xf32, #tpu.memory_space<vmem>>)
      %dma_start3A_370 = arith.constant 6 : i32
      %dma_start3A_371 = arith.constant 6 : i32
      %dma_start3A_372 = arith.constant 0 : i32
      %dma_start3A_373 = arith.constant 0 : i32
      %dma_start3A_374 = tpu.memref_slice %arg10[%dma_start3A_370, %dma_start3A_372, %dma_start3A_373] : memref<12x128x16xf32, #tpu.memory_space<vmem>> -> memref<1x128x16xf32, #tpu.memory_space<vmem>>
      %dma_start3A_375 = tpu.memref_squeeze %dma_start3A_374 : memref<1x128x16xf32, #tpu.memory_space<vmem>> -> memref<128x16xf32, #tpu.memory_space<vmem>>
      %dma_start3A_376 = arith.constant 0 : i32
      %dma_start3A_377 = tpu.memref_slice %arg9[%dma_start3A_371, %dma_start3A_376] : memref<12x128xi32, #tpu.memory_space<vmem>> -> memref<1x128xi32, #tpu.memory_space<vmem>>
      %dma_start3A_378 = tpu.memref_squeeze %dma_start3A_377 : memref<1x128xi32, #tpu.memory_space<vmem>> -> memref<128xi32, #tpu.memory_space<vmem>>
      %dma_start3A_379 = arith.constant 0 : i32
      %dma_start3A_380 = arith.constant 0 : i32
      %dma_start3A_381 = tpu.memref_slice %arg6[%dma_start3A_379, %dma_start3A_380] : memref<100096x16xf32, #tpu.memory_space<vmem_shared>> -> memref<100096x16xf32, #tpu.memory_space<vmem_shared>>
      tpu.enqueue_indirect_dma source(%dma_start3A_375 : memref<128x16xf32, #tpu.memory_space<vmem>>) target(%dma_start3A_381 : memref<100096x16xf32, #tpu.memory_space<vmem_shared>>) offsets(%dma_start3A_378 : memref<128xi32, #tpu.memory_space<vmem>>) semaphore(%arg12 : memref<!tpu.dma_semaphore, #tpu.memory_space<semaphore_mem>>) {add = true}
      %dma_start3A_382 = arith.constant 7 : i32
      %dma_start3A_383 = arith.constant 7 : i32
      %dma_start3A_384 = arith.constant 0 : i32
      %dma_start3A_385 = arith.constant 0 : i32
      %dma_start3A_386 = tpu.memref_slice %arg10[%dma_start3A_382, %dma_start3A_384, %dma_start3A_385] : memref<12x128x16xf32, #tpu.memory_space<vmem>> -> memref<1x128x16xf32, #tpu.memory_space<vmem>>
      %dma_start3A_387 = tpu.memref_squeeze %dma_start3A_386 : memref<1x128x16xf32, #tpu.memory_space<vmem>> -> memref<128x16xf32, #tpu.memory_space<vmem>>
      %dma_start3A_388 = arith.constant 0 : i32
      %dma_start3A_389 = tpu.memref_slice %arg9[%dma_start3A_383, %dma_start3A_388] : memref<12x128xi32, #tpu.memory_space<vmem>> -> memref<1x128xi32, #tpu.memory_space<vmem>>
      %dma_start3A_390 = tpu.memref_squeeze %dma_start3A_389 : memref<1x128xi32, #tpu.memory_space<vmem>> -> memref<128xi32, #tpu.memory_space<vmem>>
      %dma_start3A_391 = arith.constant 0 : i32
      %dma_start3A_392 = arith.constant 0 : i32
      %dma_start3A_393 = tpu.memref_slice %arg6[%dma_start3A_391, %dma_start3A_392] : memref<100096x16xf32, #tpu.memory_space<vmem_shared>> -> memref<100096x16xf32, #tpu.memory_space<vmem_shared>>
      tpu.enqueue_indirect_dma source(%dma_start3A_387 : memref<128x16xf32, #tpu.memory_space<vmem>>) target(%dma_start3A_393 : memref<100096x16xf32, #tpu.memory_space<vmem_shared>>) offsets(%dma_start3A_390 : memref<128xi32, #tpu.memory_space<vmem>>) semaphore(%arg12 : memref<!tpu.dma_semaphore, #tpu.memory_space<semaphore_mem>>) {add = true}
      %dma_start3A_394 = arith.constant 8 : i32
      %dma_start3A_395 = arith.constant 8 : i32
      %dma_start3A_396 = arith.constant 0 : i32
      %dma_start3A_397 = arith.constant 0 : i32
      %dma_start3A_398 = tpu.memref_slice %arg10[%dma_start3A_394, %dma_start3A_396, %dma_start3A_397] : memref<12x128x16xf32, #tpu.memory_space<vmem>> -> memref<1x128x16xf32, #tpu.memory_space<vmem>>
      %dma_start3A_399 = tpu.memref_squeeze %dma_start3A_398 : memref<1x128x16xf32, #tpu.memory_space<vmem>> -> memref<128x16xf32, #tpu.memory_space<vmem>>
      %dma_start3A_400 = arith.constant 0 : i32
      %dma_start3A_401 = tpu.memref_slice %arg9[%dma_start3A_395, %dma_start3A_400] : memref<12x128xi32, #tpu.memory_space<vmem>> -> memref<1x128xi32, #tpu.memory_space<vmem>>
      %dma_start3A_402 = tpu.memref_squeeze %dma_start3A_401 : memref<1x128xi32, #tpu.memory_space<vmem>> -> memref<128xi32, #tpu.memory_space<vmem>>
      %dma_start3A_403 = arith.constant 0 : i32
      %dma_start3A_404 = arith.constant 0 : i32
      %dma_start3A_405 = tpu.memref_slice %arg6[%dma_start3A_403, %dma_start3A_404] : memref<100096x16xf32, #tpu.memory_space<vmem_shared>> -> memref<100096x16xf32, #tpu.memory_space<vmem_shared>>
      tpu.enqueue_indirect_dma source(%dma_start3A_399 : memref<128x16xf32, #tpu.memory_space<vmem>>) target(%dma_start3A_405 : memref<100096x16xf32, #tpu.memory_space<vmem_shared>>) offsets(%dma_start3A_402 : memref<128xi32, #tpu.memory_space<vmem>>) semaphore(%arg12 : memref<!tpu.dma_semaphore, #tpu.memory_space<semaphore_mem>>) {add = true}
      %dma_wait3A_406 = arith.constant 9 : i32
      %dma_wait3A_407 = arith.constant 9 : i32
      %dma_wait3A_408 = arith.constant 0 : i32
      %dma_wait3A_409 = arith.constant 0 : i32
      %dma_wait3A_410 = tpu.memref_slice %arg10[%dma_wait3A_407, %dma_wait3A_408, %dma_wait3A_409] : memref<12x128x16xf32, #tpu.memory_space<vmem>> -> memref<1x128x16xf32, #tpu.memory_space<vmem>>
      %dma_wait3A_411 = tpu.memref_squeeze %dma_wait3A_410 : memref<1x128x16xf32, #tpu.memory_space<vmem>> -> memref<128x16xf32, #tpu.memory_space<vmem>>
      %dma_wait3A_412 = arith.constant 0 : i32
      %dma_wait3A_413 = tpu.memref_slice %arg8[%dma_wait3A_406, %dma_wait3A_412] : memref<12x128xi32, #tpu.memory_space<vmem>> -> memref<1x128xi32, #tpu.memory_space<vmem>>
      %dma_wait3A_414 = tpu.memref_squeeze %dma_wait3A_413 : memref<1x128xi32, #tpu.memory_space<vmem>> -> memref<128xi32, #tpu.memory_space<vmem>>
      %dma_wait3A_415 = arith.constant 0 : i32
      %dma_wait3A_416 = arith.constant 0 : i32
      %dma_wait3A_417 = tpu.memref_slice %arg2[%dma_wait3A_415, %dma_wait3A_416] : memref<100096x16xf32, #tpu.memory_space<hbm>> -> memref<100096x16xf32, #tpu.memory_space<hbm>>
      tpu.wait_indirect_dma semaphore(%arg11 : memref<!tpu.dma_semaphore, #tpu.memory_space<semaphore_mem>>) src(%dma_wait3A_417 : memref<100096x16xf32, #tpu.memory_space<hbm>>) dst(%dma_wait3A_411 : memref<128x16xf32, #tpu.memory_space<vmem>>)
      %dma_wait3A_418 = arith.constant 10 : i32
      %dma_wait3A_419 = arith.constant 10 : i32
      %dma_wait3A_420 = arith.constant 0 : i32
      %dma_wait3A_421 = arith.constant 0 : i32
      %dma_wait3A_422 = tpu.memref_slice %arg10[%dma_wait3A_419, %dma_wait3A_420, %dma_wait3A_421] : memref<12x128x16xf32, #tpu.memory_space<vmem>> -> memref<1x128x16xf32, #tpu.memory_space<vmem>>
      %dma_wait3A_423 = tpu.memref_squeeze %dma_wait3A_422 : memref<1x128x16xf32, #tpu.memory_space<vmem>> -> memref<128x16xf32, #tpu.memory_space<vmem>>
      %dma_wait3A_424 = arith.constant 0 : i32
      %dma_wait3A_425 = tpu.memref_slice %arg8[%dma_wait3A_418, %dma_wait3A_424] : memref<12x128xi32, #tpu.memory_space<vmem>> -> memref<1x128xi32, #tpu.memory_space<vmem>>
      %dma_wait3A_426 = tpu.memref_squeeze %dma_wait3A_425 : memref<1x128xi32, #tpu.memory_space<vmem>> -> memref<128xi32, #tpu.memory_space<vmem>>
      %dma_wait3A_427 = arith.constant 0 : i32
      %dma_wait3A_428 = arith.constant 0 : i32
      %dma_wait3A_429 = tpu.memref_slice %arg2[%dma_wait3A_427, %dma_wait3A_428] : memref<100096x16xf32, #tpu.memory_space<hbm>> -> memref<100096x16xf32, #tpu.memory_space<hbm>>
      tpu.wait_indirect_dma semaphore(%arg11 : memref<!tpu.dma_semaphore, #tpu.memory_space<semaphore_mem>>) src(%dma_wait3A_429 : memref<100096x16xf32, #tpu.memory_space<hbm>>) dst(%dma_wait3A_423 : memref<128x16xf32, #tpu.memory_space<vmem>>)
      %dma_wait3A_430 = arith.constant 11 : i32
      %dma_wait3A_431 = arith.constant 11 : i32
      %dma_wait3A_432 = arith.constant 0 : i32
      %dma_wait3A_433 = arith.constant 0 : i32
      %dma_wait3A_434 = tpu.memref_slice %arg10[%dma_wait3A_431, %dma_wait3A_432, %dma_wait3A_433] : memref<12x128x16xf32, #tpu.memory_space<vmem>> -> memref<1x128x16xf32, #tpu.memory_space<vmem>>
      %dma_wait3A_435 = tpu.memref_squeeze %dma_wait3A_434 : memref<1x128x16xf32, #tpu.memory_space<vmem>> -> memref<128x16xf32, #tpu.memory_space<vmem>>
      %dma_wait3A_436 = arith.constant 0 : i32
      %dma_wait3A_437 = tpu.memref_slice %arg8[%dma_wait3A_430, %dma_wait3A_436] : memref<12x128xi32, #tpu.memory_space<vmem>> -> memref<1x128xi32, #tpu.memory_space<vmem>>
      %dma_wait3A_438 = tpu.memref_squeeze %dma_wait3A_437 : memref<1x128xi32, #tpu.memory_space<vmem>> -> memref<128xi32, #tpu.memory_space<vmem>>
      %dma_wait3A_439 = arith.constant 0 : i32
      %dma_wait3A_440 = arith.constant 0 : i32
      %dma_wait3A_441 = tpu.memref_slice %arg2[%dma_wait3A_439, %dma_wait3A_440] : memref<100096x16xf32, #tpu.memory_space<hbm>> -> memref<100096x16xf32, #tpu.memory_space<hbm>>
      tpu.wait_indirect_dma semaphore(%arg11 : memref<!tpu.dma_semaphore, #tpu.memory_space<semaphore_mem>>) src(%dma_wait3A_441 : memref<100096x16xf32, #tpu.memory_space<hbm>>) dst(%dma_wait3A_435 : memref<128x16xf32, #tpu.memory_space<vmem>>)
      %dma_start3A_442 = arith.constant 9 : i32
      %dma_start3A_443 = arith.constant 9 : i32
      %dma_start3A_444 = arith.constant 0 : i32
      %dma_start3A_445 = arith.constant 0 : i32
      %dma_start3A_446 = tpu.memref_slice %arg10[%dma_start3A_442, %dma_start3A_444, %dma_start3A_445] : memref<12x128x16xf32, #tpu.memory_space<vmem>> -> memref<1x128x16xf32, #tpu.memory_space<vmem>>
      %dma_start3A_447 = tpu.memref_squeeze %dma_start3A_446 : memref<1x128x16xf32, #tpu.memory_space<vmem>> -> memref<128x16xf32, #tpu.memory_space<vmem>>
      %dma_start3A_448 = arith.constant 0 : i32
      %dma_start3A_449 = tpu.memref_slice %arg9[%dma_start3A_443, %dma_start3A_448] : memref<12x128xi32, #tpu.memory_space<vmem>> -> memref<1x128xi32, #tpu.memory_space<vmem>>
      %dma_start3A_450 = tpu.memref_squeeze %dma_start3A_449 : memref<1x128xi32, #tpu.memory_space<vmem>> -> memref<128xi32, #tpu.memory_space<vmem>>
      %dma_start3A_451 = arith.constant 0 : i32
      %dma_start3A_452 = arith.constant 0 : i32
      %dma_start3A_453 = tpu.memref_slice %arg6[%dma_start3A_451, %dma_start3A_452] : memref<100096x16xf32, #tpu.memory_space<vmem_shared>> -> memref<100096x16xf32, #tpu.memory_space<vmem_shared>>
      tpu.enqueue_indirect_dma source(%dma_start3A_447 : memref<128x16xf32, #tpu.memory_space<vmem>>) target(%dma_start3A_453 : memref<100096x16xf32, #tpu.memory_space<vmem_shared>>) offsets(%dma_start3A_450 : memref<128xi32, #tpu.memory_space<vmem>>) semaphore(%arg12 : memref<!tpu.dma_semaphore, #tpu.memory_space<semaphore_mem>>) {add = true}
      %dma_start3A_454 = arith.constant 10 : i32
      %dma_start3A_455 = arith.constant 10 : i32
      %dma_start3A_456 = arith.constant 0 : i32
      %dma_start3A_457 = arith.constant 0 : i32
      %dma_start3A_458 = tpu.memref_slice %arg10[%dma_start3A_454, %dma_start3A_456, %dma_start3A_457] : memref<12x128x16xf32, #tpu.memory_space<vmem>> -> memref<1x128x16xf32, #tpu.memory_space<vmem>>
      %dma_start3A_459 = tpu.memref_squeeze %dma_start3A_458 : memref<1x128x16xf32, #tpu.memory_space<vmem>> -> memref<128x16xf32, #tpu.memory_space<vmem>>
      %dma_start3A_460 = arith.constant 0 : i32
      %dma_start3A_461 = tpu.memref_slice %arg9[%dma_start3A_455, %dma_start3A_460] : memref<12x128xi32, #tpu.memory_space<vmem>> -> memref<1x128xi32, #tpu.memory_space<vmem>>
      %dma_start3A_462 = tpu.memref_squeeze %dma_start3A_461 : memref<1x128xi32, #tpu.memory_space<vmem>> -> memref<128xi32, #tpu.memory_space<vmem>>
      %dma_start3A_463 = arith.constant 0 : i32
      %dma_start3A_464 = arith.constant 0 : i32
      %dma_start3A_465 = tpu.memref_slice %arg6[%dma_start3A_463, %dma_start3A_464] : memref<100096x16xf32, #tpu.memory_space<vmem_shared>> -> memref<100096x16xf32, #tpu.memory_space<vmem_shared>>
      tpu.enqueue_indirect_dma source(%dma_start3A_459 : memref<128x16xf32, #tpu.memory_space<vmem>>) target(%dma_start3A_465 : memref<100096x16xf32, #tpu.memory_space<vmem_shared>>) offsets(%dma_start3A_462 : memref<128xi32, #tpu.memory_space<vmem>>) semaphore(%arg12 : memref<!tpu.dma_semaphore, #tpu.memory_space<semaphore_mem>>) {add = true}
      %dma_start3A_466 = arith.constant 11 : i32
      %dma_start3A_467 = arith.constant 11 : i32
      %dma_start3A_468 = arith.constant 0 : i32
      %dma_start3A_469 = arith.constant 0 : i32
      %dma_start3A_470 = tpu.memref_slice %arg10[%dma_start3A_466, %dma_start3A_468, %dma_start3A_469] : memref<12x128x16xf32, #tpu.memory_space<vmem>> -> memref<1x128x16xf32, #tpu.memory_space<vmem>>
      %dma_start3A_471 = tpu.memref_squeeze %dma_start3A_470 : memref<1x128x16xf32, #tpu.memory_space<vmem>> -> memref<128x16xf32, #tpu.memory_space<vmem>>
      %dma_start3A_472 = arith.constant 0 : i32
      %dma_start3A_473 = tpu.memref_slice %arg9[%dma_start3A_467, %dma_start3A_472] : memref<12x128xi32, #tpu.memory_space<vmem>> -> memref<1x128xi32, #tpu.memory_space<vmem>>
      %dma_start3A_474 = tpu.memref_squeeze %dma_start3A_473 : memref<1x128xi32, #tpu.memory_space<vmem>> -> memref<128xi32, #tpu.memory_space<vmem>>
      %dma_start3A_475 = arith.constant 0 : i32
      %dma_start3A_476 = arith.constant 0 : i32
      %dma_start3A_477 = tpu.memref_slice %arg6[%dma_start3A_475, %dma_start3A_476] : memref<100096x16xf32, #tpu.memory_space<vmem_shared>> -> memref<100096x16xf32, #tpu.memory_space<vmem_shared>>
      tpu.enqueue_indirect_dma source(%dma_start3A_471 : memref<128x16xf32, #tpu.memory_space<vmem>>) target(%dma_start3A_477 : memref<100096x16xf32, #tpu.memory_space<vmem_shared>>) offsets(%dma_start3A_474 : memref<128xi32, #tpu.memory_space<vmem>>) semaphore(%arg12 : memref<!tpu.dma_semaphore, #tpu.memory_space<semaphore_mem>>) {add = true}
      %dma_wait3A_478 = arith.constant 0 : i32
      %dma_wait3A_479 = arith.constant 0 : i32
      %dma_wait3A_480 = arith.constant 0 : i32
      %dma_wait3A_481 = arith.constant 0 : i32
      %dma_wait3A_482 = tpu.memref_slice %arg10[%dma_wait3A_478, %dma_wait3A_480, %dma_wait3A_481] : memref<12x128x16xf32, #tpu.memory_space<vmem>> -> memref<1x128x16xf32, #tpu.memory_space<vmem>>
      %dma_wait3A_483 = tpu.memref_squeeze %dma_wait3A_482 : memref<1x128x16xf32, #tpu.memory_space<vmem>> -> memref<128x16xf32, #tpu.memory_space<vmem>>
      %dma_wait3A_484 = arith.constant 0 : i32
      %dma_wait3A_485 = tpu.memref_slice %arg9[%dma_wait3A_479, %dma_wait3A_484] : memref<12x128xi32, #tpu.memory_space<vmem>> -> memref<1x128xi32, #tpu.memory_space<vmem>>
      %dma_wait3A_486 = tpu.memref_squeeze %dma_wait3A_485 : memref<1x128xi32, #tpu.memory_space<vmem>> -> memref<128xi32, #tpu.memory_space<vmem>>
      %dma_wait3A_487 = arith.constant 0 : i32
      %dma_wait3A_488 = arith.constant 0 : i32
      %dma_wait3A_489 = tpu.memref_slice %arg6[%dma_wait3A_487, %dma_wait3A_488] : memref<100096x16xf32, #tpu.memory_space<vmem_shared>> -> memref<100096x16xf32, #tpu.memory_space<vmem_shared>>
      tpu.wait_indirect_dma semaphore(%arg12 : memref<!tpu.dma_semaphore, #tpu.memory_space<semaphore_mem>>) src(%dma_wait3A_483 : memref<128x16xf32, #tpu.memory_space<vmem>>) dst(%dma_wait3A_489 : memref<100096x16xf32, #tpu.memory_space<vmem_shared>>)
      %dma_wait3A_490 = arith.constant 1 : i32
      %dma_wait3A_491 = arith.constant 1 : i32
      %dma_wait3A_492 = arith.constant 0 : i32
      %dma_wait3A_493 = arith.constant 0 : i32
      %dma_wait3A_494 = tpu.memref_slice %arg10[%dma_wait3A_490, %dma_wait3A_492, %dma_wait3A_493] : memref<12x128x16xf32, #tpu.memory_space<vmem>> -> memref<1x128x16xf32, #tpu.memory_space<vmem>>
      %dma_wait3A_495 = tpu.memref_squeeze %dma_wait3A_494 : memref<1x128x16xf32, #tpu.memory_space<vmem>> -> memref<128x16xf32, #tpu.memory_space<vmem>>
      %dma_wait3A_496 = arith.constant 0 : i32
      %dma_wait3A_497 = tpu.memref_slice %arg9[%dma_wait3A_491, %dma_wait3A_496] : memref<12x128xi32, #tpu.memory_space<vmem>> -> memref<1x128xi32, #tpu.memory_space<vmem>>
      %dma_wait3A_498 = tpu.memref_squeeze %dma_wait3A_497 : memref<1x128xi32, #tpu.memory_space<vmem>> -> memref<128xi32, #tpu.memory_space<vmem>>
      %dma_wait3A_499 = arith.constant 0 : i32
      %dma_wait3A_500 = arith.constant 0 : i32
      %dma_wait3A_501 = tpu.memref_slice %arg6[%dma_wait3A_499, %dma_wait3A_500] : memref<100096x16xf32, #tpu.memory_space<vmem_shared>> -> memref<100096x16xf32, #tpu.memory_space<vmem_shared>>
      tpu.wait_indirect_dma semaphore(%arg12 : memref<!tpu.dma_semaphore, #tpu.memory_space<semaphore_mem>>) src(%dma_wait3A_495 : memref<128x16xf32, #tpu.memory_space<vmem>>) dst(%dma_wait3A_501 : memref<100096x16xf32, #tpu.memory_space<vmem_shared>>)
      %dma_wait3A_502 = arith.constant 2 : i32
      %dma_wait3A_503 = arith.constant 2 : i32
      %dma_wait3A_504 = arith.constant 0 : i32
      %dma_wait3A_505 = arith.constant 0 : i32
      %dma_wait3A_506 = tpu.memref_slice %arg10[%dma_wait3A_502, %dma_wait3A_504, %dma_wait3A_505] : memref<12x128x16xf32, #tpu.memory_space<vmem>> -> memref<1x128x16xf32, #tpu.memory_space<vmem>>
      %dma_wait3A_507 = tpu.memref_squeeze %dma_wait3A_506 : memref<1x128x16xf32, #tpu.memory_space<vmem>> -> memref<128x16xf32, #tpu.memory_space<vmem>>
      %dma_wait3A_508 = arith.constant 0 : i32
      %dma_wait3A_509 = tpu.memref_slice %arg9[%dma_wait3A_503, %dma_wait3A_508] : memref<12x128xi32, #tpu.memory_space<vmem>> -> memref<1x128xi32, #tpu.memory_space<vmem>>
      %dma_wait3A_510 = tpu.memref_squeeze %dma_wait3A_509 : memref<1x128xi32, #tpu.memory_space<vmem>> -> memref<128xi32, #tpu.memory_space<vmem>>
      %dma_wait3A_511 = arith.constant 0 : i32
      %dma_wait3A_512 = arith.constant 0 : i32
      %dma_wait3A_513 = tpu.memref_slice %arg6[%dma_wait3A_511, %dma_wait3A_512] : memref<100096x16xf32, #tpu.memory_space<vmem_shared>> -> memref<100096x16xf32, #tpu.memory_space<vmem_shared>>
      tpu.wait_indirect_dma semaphore(%arg12 : memref<!tpu.dma_semaphore, #tpu.memory_space<semaphore_mem>>) src(%dma_wait3A_507 : memref<128x16xf32, #tpu.memory_space<vmem>>) dst(%dma_wait3A_513 : memref<100096x16xf32, #tpu.memory_space<vmem_shared>>)
      %dma_wait3A_514 = arith.constant 3 : i32
      %dma_wait3A_515 = arith.constant 3 : i32
      %dma_wait3A_516 = arith.constant 0 : i32
      %dma_wait3A_517 = arith.constant 0 : i32
      %dma_wait3A_518 = tpu.memref_slice %arg10[%dma_wait3A_514, %dma_wait3A_516, %dma_wait3A_517] : memref<12x128x16xf32, #tpu.memory_space<vmem>> -> memref<1x128x16xf32, #tpu.memory_space<vmem>>
      %dma_wait3A_519 = tpu.memref_squeeze %dma_wait3A_518 : memref<1x128x16xf32, #tpu.memory_space<vmem>> -> memref<128x16xf32, #tpu.memory_space<vmem>>
      %dma_wait3A_520 = arith.constant 0 : i32
      %dma_wait3A_521 = tpu.memref_slice %arg9[%dma_wait3A_515, %dma_wait3A_520] : memref<12x128xi32, #tpu.memory_space<vmem>> -> memref<1x128xi32, #tpu.memory_space<vmem>>
      %dma_wait3A_522 = tpu.memref_squeeze %dma_wait3A_521 : memref<1x128xi32, #tpu.memory_space<vmem>> -> memref<128xi32, #tpu.memory_space<vmem>>
      %dma_wait3A_523 = arith.constant 0 : i32
      %dma_wait3A_524 = arith.constant 0 : i32
      %dma_wait3A_525 = tpu.memref_slice %arg6[%dma_wait3A_523, %dma_wait3A_524] : memref<100096x16xf32, #tpu.memory_space<vmem_shared>> -> memref<100096x16xf32, #tpu.memory_space<vmem_shared>>
      tpu.wait_indirect_dma semaphore(%arg12 : memref<!tpu.dma_semaphore, #tpu.memory_space<semaphore_mem>>) src(%dma_wait3A_519 : memref<128x16xf32, #tpu.memory_space<vmem>>) dst(%dma_wait3A_525 : memref<100096x16xf32, #tpu.memory_space<vmem_shared>>)
      %dma_wait3A_526 = arith.constant 4 : i32
      %dma_wait3A_527 = arith.constant 4 : i32
      %dma_wait3A_528 = arith.constant 0 : i32
      %dma_wait3A_529 = arith.constant 0 : i32
      %dma_wait3A_530 = tpu.memref_slice %arg10[%dma_wait3A_526, %dma_wait3A_528, %dma_wait3A_529] : memref<12x128x16xf32, #tpu.memory_space<vmem>> -> memref<1x128x16xf32, #tpu.memory_space<vmem>>
      %dma_wait3A_531 = tpu.memref_squeeze %dma_wait3A_530 : memref<1x128x16xf32, #tpu.memory_space<vmem>> -> memref<128x16xf32, #tpu.memory_space<vmem>>
      %dma_wait3A_532 = arith.constant 0 : i32
      %dma_wait3A_533 = tpu.memref_slice %arg9[%dma_wait3A_527, %dma_wait3A_532] : memref<12x128xi32, #tpu.memory_space<vmem>> -> memref<1x128xi32, #tpu.memory_space<vmem>>
      %dma_wait3A_534 = tpu.memref_squeeze %dma_wait3A_533 : memref<1x128xi32, #tpu.memory_space<vmem>> -> memref<128xi32, #tpu.memory_space<vmem>>
      %dma_wait3A_535 = arith.constant 0 : i32
      %dma_wait3A_536 = arith.constant 0 : i32
      %dma_wait3A_537 = tpu.memref_slice %arg6[%dma_wait3A_535, %dma_wait3A_536] : memref<100096x16xf32, #tpu.memory_space<vmem_shared>> -> memref<100096x16xf32, #tpu.memory_space<vmem_shared>>
      tpu.wait_indirect_dma semaphore(%arg12 : memref<!tpu.dma_semaphore, #tpu.memory_space<semaphore_mem>>) src(%dma_wait3A_531 : memref<128x16xf32, #tpu.memory_space<vmem>>) dst(%dma_wait3A_537 : memref<100096x16xf32, #tpu.memory_space<vmem_shared>>)
      %dma_wait3A_538 = arith.constant 5 : i32
      %dma_wait3A_539 = arith.constant 5 : i32
      %dma_wait3A_540 = arith.constant 0 : i32
      %dma_wait3A_541 = arith.constant 0 : i32
      %dma_wait3A_542 = tpu.memref_slice %arg10[%dma_wait3A_538, %dma_wait3A_540, %dma_wait3A_541] : memref<12x128x16xf32, #tpu.memory_space<vmem>> -> memref<1x128x16xf32, #tpu.memory_space<vmem>>
      %dma_wait3A_543 = tpu.memref_squeeze %dma_wait3A_542 : memref<1x128x16xf32, #tpu.memory_space<vmem>> -> memref<128x16xf32, #tpu.memory_space<vmem>>
      %dma_wait3A_544 = arith.constant 0 : i32
      %dma_wait3A_545 = tpu.memref_slice %arg9[%dma_wait3A_539, %dma_wait3A_544] : memref<12x128xi32, #tpu.memory_space<vmem>> -> memref<1x128xi32, #tpu.memory_space<vmem>>
      %dma_wait3A_546 = tpu.memref_squeeze %dma_wait3A_545 : memref<1x128xi32, #tpu.memory_space<vmem>> -> memref<128xi32, #tpu.memory_space<vmem>>
      %dma_wait3A_547 = arith.constant 0 : i32
      %dma_wait3A_548 = arith.constant 0 : i32
      %dma_wait3A_549 = tpu.memref_slice %arg6[%dma_wait3A_547, %dma_wait3A_548] : memref<100096x16xf32, #tpu.memory_space<vmem_shared>> -> memref<100096x16xf32, #tpu.memory_space<vmem_shared>>
      tpu.wait_indirect_dma semaphore(%arg12 : memref<!tpu.dma_semaphore, #tpu.memory_space<semaphore_mem>>) src(%dma_wait3A_543 : memref<128x16xf32, #tpu.memory_space<vmem>>) dst(%dma_wait3A_549 : memref<100096x16xf32, #tpu.memory_space<vmem_shared>>)
      %dma_wait3A_550 = arith.constant 6 : i32
      %dma_wait3A_551 = arith.constant 6 : i32
      %dma_wait3A_552 = arith.constant 0 : i32
      %dma_wait3A_553 = arith.constant 0 : i32
      %dma_wait3A_554 = tpu.memref_slice %arg10[%dma_wait3A_550, %dma_wait3A_552, %dma_wait3A_553] : memref<12x128x16xf32, #tpu.memory_space<vmem>> -> memref<1x128x16xf32, #tpu.memory_space<vmem>>
      %dma_wait3A_555 = tpu.memref_squeeze %dma_wait3A_554 : memref<1x128x16xf32, #tpu.memory_space<vmem>> -> memref<128x16xf32, #tpu.memory_space<vmem>>
      %dma_wait3A_556 = arith.constant 0 : i32
      %dma_wait3A_557 = tpu.memref_slice %arg9[%dma_wait3A_551, %dma_wait3A_556] : memref<12x128xi32, #tpu.memory_space<vmem>> -> memref<1x128xi32, #tpu.memory_space<vmem>>
      %dma_wait3A_558 = tpu.memref_squeeze %dma_wait3A_557 : memref<1x128xi32, #tpu.memory_space<vmem>> -> memref<128xi32, #tpu.memory_space<vmem>>
      %dma_wait3A_559 = arith.constant 0 : i32
      %dma_wait3A_560 = arith.constant 0 : i32
      %dma_wait3A_561 = tpu.memref_slice %arg6[%dma_wait3A_559, %dma_wait3A_560] : memref<100096x16xf32, #tpu.memory_space<vmem_shared>> -> memref<100096x16xf32, #tpu.memory_space<vmem_shared>>
      tpu.wait_indirect_dma semaphore(%arg12 : memref<!tpu.dma_semaphore, #tpu.memory_space<semaphore_mem>>) src(%dma_wait3A_555 : memref<128x16xf32, #tpu.memory_space<vmem>>) dst(%dma_wait3A_561 : memref<100096x16xf32, #tpu.memory_space<vmem_shared>>)
      %dma_wait3A_562 = arith.constant 7 : i32
      %dma_wait3A_563 = arith.constant 7 : i32
      %dma_wait3A_564 = arith.constant 0 : i32
      %dma_wait3A_565 = arith.constant 0 : i32
      %dma_wait3A_566 = tpu.memref_slice %arg10[%dma_wait3A_562, %dma_wait3A_564, %dma_wait3A_565] : memref<12x128x16xf32, #tpu.memory_space<vmem>> -> memref<1x128x16xf32, #tpu.memory_space<vmem>>
      %dma_wait3A_567 = tpu.memref_squeeze %dma_wait3A_566 : memref<1x128x16xf32, #tpu.memory_space<vmem>> -> memref<128x16xf32, #tpu.memory_space<vmem>>
      %dma_wait3A_568 = arith.constant 0 : i32
      %dma_wait3A_569 = tpu.memref_slice %arg9[%dma_wait3A_563, %dma_wait3A_568] : memref<12x128xi32, #tpu.memory_space<vmem>> -> memref<1x128xi32, #tpu.memory_space<vmem>>
      %dma_wait3A_570 = tpu.memref_squeeze %dma_wait3A_569 : memref<1x128xi32, #tpu.memory_space<vmem>> -> memref<128xi32, #tpu.memory_space<vmem>>
      %dma_wait3A_571 = arith.constant 0 : i32
      %dma_wait3A_572 = arith.constant 0 : i32
      %dma_wait3A_573 = tpu.memref_slice %arg6[%dma_wait3A_571, %dma_wait3A_572] : memref<100096x16xf32, #tpu.memory_space<vmem_shared>> -> memref<100096x16xf32, #tpu.memory_space<vmem_shared>>
      tpu.wait_indirect_dma semaphore(%arg12 : memref<!tpu.dma_semaphore, #tpu.memory_space<semaphore_mem>>) src(%dma_wait3A_567 : memref<128x16xf32, #tpu.memory_space<vmem>>) dst(%dma_wait3A_573 : memref<100096x16xf32, #tpu.memory_space<vmem_shared>>)
      %dma_wait3A_574 = arith.constant 8 : i32
      %dma_wait3A_575 = arith.constant 8 : i32
      %dma_wait3A_576 = arith.constant 0 : i32
      %dma_wait3A_577 = arith.constant 0 : i32
      %dma_wait3A_578 = tpu.memref_slice %arg10[%dma_wait3A_574, %dma_wait3A_576, %dma_wait3A_577] : memref<12x128x16xf32, #tpu.memory_space<vmem>> -> memref<1x128x16xf32, #tpu.memory_space<vmem>>
      %dma_wait3A_579 = tpu.memref_squeeze %dma_wait3A_578 : memref<1x128x16xf32, #tpu.memory_space<vmem>> -> memref<128x16xf32, #tpu.memory_space<vmem>>
      %dma_wait3A_580 = arith.constant 0 : i32
      %dma_wait3A_581 = tpu.memref_slice %arg9[%dma_wait3A_575, %dma_wait3A_580] : memref<12x128xi32, #tpu.memory_space<vmem>> -> memref<1x128xi32, #tpu.memory_space<vmem>>
      %dma_wait3A_582 = tpu.memref_squeeze %dma_wait3A_581 : memref<1x128xi32, #tpu.memory_space<vmem>> -> memref<128xi32, #tpu.memory_space<vmem>>
      %dma_wait3A_583 = arith.constant 0 : i32
      %dma_wait3A_584 = arith.constant 0 : i32
      %dma_wait3A_585 = tpu.memref_slice %arg6[%dma_wait3A_583, %dma_wait3A_584] : memref<100096x16xf32, #tpu.memory_space<vmem_shared>> -> memref<100096x16xf32, #tpu.memory_space<vmem_shared>>
      tpu.wait_indirect_dma semaphore(%arg12 : memref<!tpu.dma_semaphore, #tpu.memory_space<semaphore_mem>>) src(%dma_wait3A_579 : memref<128x16xf32, #tpu.memory_space<vmem>>) dst(%dma_wait3A_585 : memref<100096x16xf32, #tpu.memory_space<vmem_shared>>)
      %dma_wait3A_586 = arith.constant 9 : i32
      %dma_wait3A_587 = arith.constant 9 : i32
      %dma_wait3A_588 = arith.constant 0 : i32
      %dma_wait3A_589 = arith.constant 0 : i32
      %dma_wait3A_590 = tpu.memref_slice %arg10[%dma_wait3A_586, %dma_wait3A_588, %dma_wait3A_589] : memref<12x128x16xf32, #tpu.memory_space<vmem>> -> memref<1x128x16xf32, #tpu.memory_space<vmem>>
      %dma_wait3A_591 = tpu.memref_squeeze %dma_wait3A_590 : memref<1x128x16xf32, #tpu.memory_space<vmem>> -> memref<128x16xf32, #tpu.memory_space<vmem>>
      %dma_wait3A_592 = arith.constant 0 : i32
      %dma_wait3A_593 = tpu.memref_slice %arg9[%dma_wait3A_587, %dma_wait3A_592] : memref<12x128xi32, #tpu.memory_space<vmem>> -> memref<1x128xi32, #tpu.memory_space<vmem>>
      %dma_wait3A_594 = tpu.memref_squeeze %dma_wait3A_593 : memref<1x128xi32, #tpu.memory_space<vmem>> -> memref<128xi32, #tpu.memory_space<vmem>>
      %dma_wait3A_595 = arith.constant 0 : i32
      %dma_wait3A_596 = arith.constant 0 : i32
      %dma_wait3A_597 = tpu.memref_slice %arg6[%dma_wait3A_595, %dma_wait3A_596] : memref<100096x16xf32, #tpu.memory_space<vmem_shared>> -> memref<100096x16xf32, #tpu.memory_space<vmem_shared>>
      tpu.wait_indirect_dma semaphore(%arg12 : memref<!tpu.dma_semaphore, #tpu.memory_space<semaphore_mem>>) src(%dma_wait3A_591 : memref<128x16xf32, #tpu.memory_space<vmem>>) dst(%dma_wait3A_597 : memref<100096x16xf32, #tpu.memory_space<vmem_shared>>)
      %dma_wait3A_598 = arith.constant 10 : i32
      %dma_wait3A_599 = arith.constant 10 : i32
      %dma_wait3A_600 = arith.constant 0 : i32
      %dma_wait3A_601 = arith.constant 0 : i32
      %dma_wait3A_602 = tpu.memref_slice %arg10[%dma_wait3A_598, %dma_wait3A_600, %dma_wait3A_601] : memref<12x128x16xf32, #tpu.memory_space<vmem>> -> memref<1x128x16xf32, #tpu.memory_space<vmem>>
      %dma_wait3A_603 = tpu.memref_squeeze %dma_wait3A_602 : memref<1x128x16xf32, #tpu.memory_space<vmem>> -> memref<128x16xf32, #tpu.memory_space<vmem>>
      %dma_wait3A_604 = arith.constant 0 : i32
      %dma_wait3A_605 = tpu.memref_slice %arg9[%dma_wait3A_599, %dma_wait3A_604] : memref<12x128xi32, #tpu.memory_space<vmem>> -> memref<1x128xi32, #tpu.memory_space<vmem>>
      %dma_wait3A_606 = tpu.memref_squeeze %dma_wait3A_605 : memref<1x128xi32, #tpu.memory_space<vmem>> -> memref<128xi32, #tpu.memory_space<vmem>>
      %dma_wait3A_607 = arith.constant 0 : i32
      %dma_wait3A_608 = arith.constant 0 : i32
      %dma_wait3A_609 = tpu.memref_slice %arg6[%dma_wait3A_607, %dma_wait3A_608] : memref<100096x16xf32, #tpu.memory_space<vmem_shared>> -> memref<100096x16xf32, #tpu.memory_space<vmem_shared>>
      tpu.wait_indirect_dma semaphore(%arg12 : memref<!tpu.dma_semaphore, #tpu.memory_space<semaphore_mem>>) src(%dma_wait3A_603 : memref<128x16xf32, #tpu.memory_space<vmem>>) dst(%dma_wait3A_609 : memref<100096x16xf32, #tpu.memory_space<vmem_shared>>)
      %dma_wait3A_610 = arith.constant 11 : i32
      %dma_wait3A_611 = arith.constant 11 : i32
      %dma_wait3A_612 = arith.constant 0 : i32
      %dma_wait3A_613 = arith.constant 0 : i32
      %dma_wait3A_614 = tpu.memref_slice %arg10[%dma_wait3A_610, %dma_wait3A_612, %dma_wait3A_613] : memref<12x128x16xf32, #tpu.memory_space<vmem>> -> memref<1x128x16xf32, #tpu.memory_space<vmem>>
      %dma_wait3A_615 = tpu.memref_squeeze %dma_wait3A_614 : memref<1x128x16xf32, #tpu.memory_space<vmem>> -> memref<128x16xf32, #tpu.memory_space<vmem>>
      %dma_wait3A_616 = arith.constant 0 : i32
      %dma_wait3A_617 = tpu.memref_slice %arg9[%dma_wait3A_611, %dma_wait3A_616] : memref<12x128xi32, #tpu.memory_space<vmem>> -> memref<1x128xi32, #tpu.memory_space<vmem>>
      %dma_wait3A_618 = tpu.memref_squeeze %dma_wait3A_617 : memref<1x128xi32, #tpu.memory_space<vmem>> -> memref<128xi32, #tpu.memory_space<vmem>>
      %dma_wait3A_619 = arith.constant 0 : i32
      %dma_wait3A_620 = arith.constant 0 : i32
      %dma_wait3A_621 = tpu.memref_slice %arg6[%dma_wait3A_619, %dma_wait3A_620] : memref<100096x16xf32, #tpu.memory_space<vmem_shared>> -> memref<100096x16xf32, #tpu.memory_space<vmem_shared>>
      tpu.wait_indirect_dma semaphore(%arg12 : memref<!tpu.dma_semaphore, #tpu.memory_space<semaphore_mem>>) src(%dma_wait3A_615 : memref<128x16xf32, #tpu.memory_space<vmem>>) dst(%dma_wait3A_621 : memref<100096x16xf32, #tpu.memory_space<vmem_shared>>)
    }
    %scan3A_18 = arith.constant 131 : i32
    %barrier3A_19 = arith.constant 0 : index
    tpu.barrier barrier_id(%barrier3A_19)
    %scan3A_20 = arith.constant 0 : i32
    %scan3A_21 = arith.constant 0 : i32
    %scan3A_22 = arith.constant 49 : i32
    %scan3A_23 = arith.addi %scan3A_21, %scan3A_22 : i32
    %scan3A_24 = arith.constant 1 : i32
    scf.for %scan3A_26 = %scan3A_21 to %scan3A_23 step %scan3A_24  : i32 {
      %mul3A_27 = arith.constant 16 : i32
      %mul3A_28 = arith.muli %scan3A_26, %mul3A_27 : i32
      %add3A_29 = arith.addi %arg1, %mul3A_28 : i32
      %lt3A = arith.constant 782 : i32
      %lt3A_30 = arith.cmpi slt, %add3A_29, %lt3A : i32
      %convert_element_type3A = arith.extui %lt3A_30 : i1 to i32
      %cond3A = arith.constant 0 : i32
      %cond3A_31 = arith.cmpi ne, %convert_element_type3A, %cond3A : i32
      scf.if %cond3A_31 {
        %mul3A_32 = arith.constant 128 : i32
        %mul3A_33 = arith.muli %add3A_29, %mul3A_32 : i32
        "tpu.region"() ({
          %run_scoped3A = tpu.sem_alloc : memref<!tpu.dma_semaphore, #tpu.memory_space<semaphore_mem>>
          %dma_start3A = arith.constant 0 : i32
          %dma_start3A_36 = tpu.memref_slice %arg6[%mul3A_33, %dma_start3A] : memref<100096x16xf32, #tpu.memory_space<vmem_shared>> -> memref<128x16xf32, #tpu.memory_space<vmem_shared>>
          %dma_start3A_37 = arith.constant 0 : i32
          %dma_start3A_38 = tpu.memref_slice %arg6[%mul3A_33, %dma_start3A_37] : memref<100096x16xf32, #tpu.memory_space<vmem_shared>> -> memref<128x16xf32, #tpu.memory_space<vmem_shared>>
          tpu.enqueue_dma source(%dma_start3A_38 : memref<128x16xf32, #tpu.memory_space<vmem_shared>>) target(%arg7 : memref<128x16xf32, #tpu.memory_space<vmem>>) target_semaphore(%run_scoped3A : memref<!tpu.dma_semaphore, #tpu.memory_space<semaphore_mem>>)
          %dma_wait3A = arith.constant 0 : i32
          %dma_wait3A_39 = tpu.memref_slice %arg6[%mul3A_33, %dma_wait3A] : memref<100096x16xf32, #tpu.memory_space<vmem_shared>> -> memref<128x16xf32, #tpu.memory_space<vmem_shared>>
          %dma_wait3A_40 = arith.constant 0 : i32
          %dma_wait3A_41 = tpu.memref_slice %arg6[%mul3A_33, %dma_wait3A_40] : memref<100096x16xf32, #tpu.memory_space<vmem_shared>> -> memref<128x16xf32, #tpu.memory_space<vmem_shared>>
          tpu.wait_dma2 semaphore(%run_scoped3A : memref<!tpu.dma_semaphore, #tpu.memory_space<semaphore_mem>>) src(%dma_wait3A_41 : memref<128x16xf32, #tpu.memory_space<vmem_shared>>) dst(%arg7 : memref<128x16xf32, #tpu.memory_space<vmem>>)
          tpu.yield
        }) : () -> ()
        %mul3A_34 = arith.constant 128 : i32
        %mul3A_35 = arith.muli %add3A_29, %mul3A_34 : i32
        "tpu.region"() ({
          %run_scoped3A = tpu.sem_alloc : memref<!tpu.dma_semaphore, #tpu.memory_space<semaphore_mem>>
          %dma_start3A = arith.constant 0 : i32
          %dma_start3A_36 = tpu.memref_slice %arg5[%arg0, %mul3A_35, %dma_start3A] : memref<2x100096x16xf32, #tpu.memory_space<hbm>> -> memref<1x128x16xf32, #tpu.memory_space<hbm>>
          %dma_start3A_37 = tpu.memref_squeeze %dma_start3A_36 : memref<1x128x16xf32, #tpu.memory_space<hbm>> -> memref<128x16xf32, #tpu.memory_space<hbm>>
          %dma_start3A_38 = arith.constant 0 : i32
          %dma_start3A_39 = tpu.memref_slice %arg5[%arg0, %mul3A_35, %dma_start3A_38] : memref<2x100096x16xf32, #tpu.memory_space<hbm>> -> memref<1x128x16xf32, #tpu.memory_space<hbm>>
          %dma_start3A_40 = tpu.memref_squeeze %dma_start3A_39 : memref<1x128x16xf32, #tpu.memory_space<hbm>> -> memref<128x16xf32, #tpu.memory_space<hbm>>
          tpu.enqueue_dma source(%arg7 : memref<128x16xf32, #tpu.memory_space<vmem>>) target(%dma_start3A_40 : memref<128x16xf32, #tpu.memory_space<hbm>>) target_semaphore(%run_scoped3A : memref<!tpu.dma_semaphore, #tpu.memory_space<semaphore_mem>>)
          %dma_wait3A = arith.constant 0 : i32
          %dma_wait3A_41 = tpu.memref_slice %arg5[%arg0, %mul3A_35, %dma_wait3A] : memref<2x100096x16xf32, #tpu.memory_space<hbm>> -> memref<1x128x16xf32, #tpu.memory_space<hbm>>
          %dma_wait3A_42 = tpu.memref_squeeze %dma_wait3A_41 : memref<1x128x16xf32, #tpu.memory_space<hbm>> -> memref<128x16xf32, #tpu.memory_space<hbm>>
          %dma_wait3A_43 = arith.constant 0 : i32
          %dma_wait3A_44 = tpu.memref_slice %arg5[%arg0, %mul3A_35, %dma_wait3A_43] : memref<2x100096x16xf32, #tpu.memory_space<hbm>> -> memref<1x128x16xf32, #tpu.memory_space<hbm>>
          %dma_wait3A_45 = tpu.memref_squeeze %dma_wait3A_44 : memref<1x128x16xf32, #tpu.memory_space<hbm>> -> memref<128x16xf32, #tpu.memory_space<hbm>>
          tpu.wait_dma2 semaphore(%run_scoped3A : memref<!tpu.dma_semaphore, #tpu.memory_space<semaphore_mem>>) src(%arg7 : memref<128x16xf32, #tpu.memory_space<vmem>>) dst(%dma_wait3A_45 : memref<128x16xf32, #tpu.memory_space<hbm>>)
          tpu.yield
        }) : () -> ()
      } else {
      }
    }
    %scan3A_25 = arith.constant 49 : i32
    return
  }
}

#map = affine_map<(d0, d1) -> (0, 0)>
#map1 = affine_map<(d0, d1) -> (0, 0, 0)>
module attributes {stable_mosaic.version = 14 : i64} {
  func.func @agg_kernel(%arg0: i32, %arg1: i32, %arg2: memref<100096x16xf32, #tpu.memory_space<hbm>>, %arg3: memref<50304x128xi32, #tpu.memory_space<hbm>>, %arg4: memref<50304x128xi32, #tpu.memory_space<hbm>>, %arg5: memref<2x100096x16xf32, #tpu.memory_space<hbm>>, %arg6: memref<100096x16xf32, #tpu.memory_space<vmem_shared>>, %arg7: memref<128x16xf32, #tpu.memory_space<vmem>>, %arg8: memref<12x128xi32, #tpu.memory_space<vmem>>, %arg9: memref<12x128xi32, #tpu.memory_space<vmem>>, %arg10: memref<12x128x16xf32, #tpu.memory_space<vmem>>, %arg11: memref<!tpu.dma_semaphore, #tpu.memory_space<semaphore_mem>>, %arg12: memref<!tpu.dma_semaphore, #tpu.memory_space<semaphore_mem>>) attributes {dimension_semantics = [#tpu.dimension_semantics<core_parallel>, #tpu.dimension_semantics<subcore_parallel>], iteration_bounds = array<i64: 2, 16>, scalar_prefetch = 0 : i64, scratch_operands = 7 : i64, tpu.core_type = #tpu.core_type<sc_vector_subcore>, window_params = [{transform_indices = #map}, {transform_indices = #map}, {transform_indices = #map}, {transform_indices = #map1}]} {
    %mul3A = arith.constant 16 : i32
    %mul3A_0 = arith.muli %arg0, %mul3A : i32
    %add3A = arith.addi %mul3A_0, %arg1 : i32
    %broadcast_in_dim3A = arith.constant 0.000000e+00 : f32
    %broadcast_in_dim3A_1 = vector.broadcast %broadcast_in_dim3A : f32 to vector<16xf32>
    %scan3A = arith.constant 0 : i32
    %scan3A_2 = arith.constant 0 : i32
    %scan3A_3 = arith.constant 128 : i32
    %scan3A_4 = arith.addi %scan3A_2, %scan3A_3 : i32
    %scan3A_5 = arith.constant 1 : i32
    scf.for %scan3A_26 = %scan3A_2 to %scan3A_4 step %scan3A_5  : i32 {
      %swap3A = arith.index_cast %scan3A_26 : i32 to index
      %swap3A_27 = arith.constant 0 : index
      %swap3A_28 = tpu.vector_load %arg7[%swap3A, %swap3A_27] {strides = array<i32>} : memref<128x16xf32, #tpu.memory_space<vmem>>, vector<1x16xf32>,
      %swap3A_29 = vector.shape_cast %swap3A_28 : vector<1x16xf32> to vector<16xf32>
      %swap3A_30 = vector.shape_cast %broadcast_in_dim3A_1 : vector<16xf32> to vector<1x16xf32>
      tpu.vector_store %arg7[%swap3A, %swap3A_27], %swap3A_30 {strides = array<i32>} : memref<128x16xf32, #tpu.memory_space<vmem>>, vector<1x16xf32>,
    }
    %scan3A_6 = arith.constant 128 : i32
    %scan3A_7 = arith.constant 0 : i32
    %scan3A_8 = arith.constant 0 : i32
    %scan3A_9 = arith.constant 49 : i32
    %scan3A_10 = arith.addi %scan3A_8, %scan3A_9 : i32
    %scan3A_11 = arith.constant 1 : i32
    scf.for %scan3A_26 = %scan3A_8 to %scan3A_10 step %scan3A_11  : i32 {
      %mul3A_27 = arith.constant 16 : i32
      %mul3A_28 = arith.muli %scan3A_26, %mul3A_27 : i32
      %add3A_29 = arith.addi %arg1, %mul3A_28 : i32
      %lt3A = arith.constant 782 : i32
      %lt3A_30 = arith.cmpi slt, %add3A_29, %lt3A : i32
      %convert_element_type3A = arith.extui %lt3A_30 : i1 to i32
      %cond3A = arith.constant 0 : i32
      %cond3A_31 = arith.cmpi ne, %convert_element_type3A, %cond3A : i32
      scf.if %cond3A_31 {
        %mul3A_32 = arith.constant 128 : i32
        %mul3A_33 = arith.muli %add3A_29, %mul3A_32 : i32
        "tpu.region"() ({
          %run_scoped3A = tpu.sem_alloc : memref<!tpu.dma_semaphore, #tpu.memory_space<semaphore_mem>>
          %dma_start3A = arith.constant 0 : i32
          %dma_start3A_34 = tpu.memref_slice %arg6[%mul3A_33, %dma_start3A] : memref<100096x16xf32, #tpu.memory_space<vmem_shared>> -> memref<128x16xf32, #tpu.memory_space<vmem_shared>>
          %dma_start3A_35 = arith.constant 0 : i32
          %dma_start3A_36 = tpu.memref_slice %arg6[%mul3A_33, %dma_start3A_35] : memref<100096x16xf32, #tpu.memory_space<vmem_shared>> -> memref<128x16xf32, #tpu.memory_space<vmem_shared>>
          tpu.enqueue_dma source(%arg7 : memref<128x16xf32, #tpu.memory_space<vmem>>) target(%dma_start3A_36 : memref<128x16xf32, #tpu.memory_space<vmem_shared>>) target_semaphore(%run_scoped3A : memref<!tpu.dma_semaphore, #tpu.memory_space<semaphore_mem>>)
          %dma_wait3A = arith.constant 0 : i32
          %dma_wait3A_37 = tpu.memref_slice %arg6[%mul3A_33, %dma_wait3A] : memref<100096x16xf32, #tpu.memory_space<vmem_shared>> -> memref<128x16xf32, #tpu.memory_space<vmem_shared>>
          %dma_wait3A_38 = arith.constant 0 : i32
          %dma_wait3A_39 = tpu.memref_slice %arg6[%mul3A_33, %dma_wait3A_38] : memref<100096x16xf32, #tpu.memory_space<vmem_shared>> -> memref<128x16xf32, #tpu.memory_space<vmem_shared>>
          tpu.wait_dma2 semaphore(%run_scoped3A : memref<!tpu.dma_semaphore, #tpu.memory_space<semaphore_mem>>) src(%arg7 : memref<128x16xf32, #tpu.memory_space<vmem>>) dst(%dma_wait3A_39 : memref<128x16xf32, #tpu.memory_space<vmem_shared>>)
          tpu.yield
        }) : () -> ()
      } else {
      }
    }
    %scan3A_12 = arith.constant 49 : i32
    %barrier3A = arith.constant 0 : index
    tpu.barrier barrier_id(%barrier3A)
    %scan3A_13 = arith.constant 0 : i32
    %scan3A_14 = arith.constant 0 : i32
    %scan3A_15 = arith.constant 131 : i32
    %scan3A_16 = arith.addi %scan3A_14, %scan3A_15 : i32
    %scan3A_17 = arith.constant 1 : i32
    scf.for %scan3A_26 = %scan3A_14 to %scan3A_16 step %scan3A_17  : i32 {
      %mul3A_27 = arith.constant 1572 : i32
      %mul3A_28 = arith.muli %add3A, %mul3A_27 : i32
      %mul3A_29 = arith.constant 12 : i32
      %mul3A_30 = arith.muli %scan3A_26, %mul3A_29 : i32
      %add3A_31 = arith.addi %mul3A_28, %mul3A_30 : i32
      %dma_start3A = arith.constant 0 : i32
      %dma_start3A_32 = tpu.memref_slice %arg3[%add3A_31, %dma_start3A] : memref<50304x128xi32, #tpu.memory_space<hbm>> -> memref<12x128xi32, #tpu.memory_space<hbm>>
      %dma_start3A_33 = arith.constant 0 : i32
      %dma_start3A_34 = tpu.memref_slice %arg3[%add3A_31, %dma_start3A_33] : memref<50304x128xi32, #tpu.memory_space<hbm>> -> memref<12x128xi32, #tpu.memory_space<hbm>>
      tpu.enqueue_dma source(%dma_start3A_34 : memref<12x128xi32, #tpu.memory_space<hbm>>) target(%arg8 : memref<12x128xi32, #tpu.memory_space<vmem>>) target_semaphore(%arg12 : memref<!tpu.dma_semaphore, #tpu.memory_space<semaphore_mem>>)
      %dma_start3A_35 = arith.constant 0 : i32
      %dma_start3A_36 = tpu.memref_slice %arg4[%add3A_31, %dma_start3A_35] : memref<50304x128xi32, #tpu.memory_space<hbm>> -> memref<12x128xi32, #tpu.memory_space<hbm>>
      %dma_start3A_37 = arith.constant 0 : i32
      %dma_start3A_38 = tpu.memref_slice %arg4[%add3A_31, %dma_start3A_37] : memref<50304x128xi32, #tpu.memory_space<hbm>> -> memref<12x128xi32, #tpu.memory_space<hbm>>
      tpu.enqueue_dma source(%dma_start3A_38 : memref<12x128xi32, #tpu.memory_space<hbm>>) target(%arg9 : memref<12x128xi32, #tpu.memory_space<vmem>>) target_semaphore(%arg12 : memref<!tpu.dma_semaphore, #tpu.memory_space<semaphore_mem>>)
      %dma_wait3A = arith.constant 0 : i32
      %dma_wait3A_39 = tpu.memref_slice %arg3[%add3A_31, %dma_wait3A] : memref<50304x128xi32, #tpu.memory_space<hbm>> -> memref<12x128xi32, #tpu.memory_space<hbm>>
      %dma_wait3A_40 = arith.constant 0 : i32
      %dma_wait3A_41 = tpu.memref_slice %arg3[%add3A_31, %dma_wait3A_40] : memref<50304x128xi32, #tpu.memory_space<hbm>> -> memref<12x128xi32, #tpu.memory_space<hbm>>
      tpu.wait_dma2 semaphore(%arg12 : memref<!tpu.dma_semaphore, #tpu.memory_space<semaphore_mem>>) src(%dma_wait3A_41 : memref<12x128xi32, #tpu.memory_space<hbm>>) dst(%arg8 : memref<12x128xi32, #tpu.memory_space<vmem>>)
      %dma_wait3A_42 = arith.constant 0 : i32
      %dma_wait3A_43 = tpu.memref_slice %arg4[%add3A_31, %dma_wait3A_42] : memref<50304x128xi32, #tpu.memory_space<hbm>> -> memref<12x128xi32, #tpu.memory_space<hbm>>
      %dma_wait3A_44 = arith.constant 0 : i32
      %dma_wait3A_45 = tpu.memref_slice %arg4[%add3A_31, %dma_wait3A_44] : memref<50304x128xi32, #tpu.memory_space<hbm>> -> memref<12x128xi32, #tpu.memory_space<hbm>>
      tpu.wait_dma2 semaphore(%arg12 : memref<!tpu.dma_semaphore, #tpu.memory_space<semaphore_mem>>) src(%dma_wait3A_45 : memref<12x128xi32, #tpu.memory_space<hbm>>) dst(%arg9 : memref<12x128xi32, #tpu.memory_space<vmem>>)
      %dma_start3A_46 = arith.constant 0 : i32
      %dma_start3A_47 = arith.constant 0 : i32
      %dma_start3A_48 = arith.constant 0 : i32
      %dma_start3A_49 = arith.constant 0 : i32
      %dma_start3A_50 = tpu.memref_slice %arg10[%dma_start3A_47, %dma_start3A_48, %dma_start3A_49] : memref<12x128x16xf32, #tpu.memory_space<vmem>> -> memref<1x128x16xf32, #tpu.memory_space<vmem>>
      %dma_start3A_51 = tpu.memref_squeeze %dma_start3A_50 : memref<1x128x16xf32, #tpu.memory_space<vmem>> -> memref<128x16xf32, #tpu.memory_space<vmem>>
      %dma_start3A_52 = arith.constant 0 : i32
      %dma_start3A_53 = tpu.memref_slice %arg8[%dma_start3A_46, %dma_start3A_52] : memref<12x128xi32, #tpu.memory_space<vmem>> -> memref<1x128xi32, #tpu.memory_space<vmem>>
      %dma_start3A_54 = tpu.memref_squeeze %dma_start3A_53 : memref<1x128xi32, #tpu.memory_space<vmem>> -> memref<128xi32, #tpu.memory_space<vmem>>
      %dma_start3A_55 = arith.constant 0 : i32
      %dma_start3A_56 = arith.constant 0 : i32
      %dma_start3A_57 = tpu.memref_slice %arg2[%dma_start3A_55, %dma_start3A_56] : memref<100096x16xf32, #tpu.memory_space<hbm>> -> memref<100096x16xf32, #tpu.memory_space<hbm>>
      tpu.enqueue_indirect_dma source(%dma_start3A_57 : memref<100096x16xf32, #tpu.memory_space<hbm>>) target(%dma_start3A_51 : memref<128x16xf32, #tpu.memory_space<vmem>>) offsets(%dma_start3A_54 : memref<128xi32, #tpu.memory_space<vmem>>) semaphore(%arg11 : memref<!tpu.dma_semaphore, #tpu.memory_space<semaphore_mem>>)
      %dma_start3A_58 = arith.constant 1 : i32
      %dma_start3A_59 = arith.constant 1 : i32
      %dma_start3A_60 = arith.constant 0 : i32
      %dma_start3A_61 = arith.constant 0 : i32
      %dma_start3A_62 = tpu.memref_slice %arg10[%dma_start3A_59, %dma_start3A_60, %dma_start3A_61] : memref<12x128x16xf32, #tpu.memory_space<vmem>> -> memref<1x128x16xf32, #tpu.memory_space<vmem>>
      %dma_start3A_63 = tpu.memref_squeeze %dma_start3A_62 : memref<1x128x16xf32, #tpu.memory_space<vmem>> -> memref<128x16xf32, #tpu.memory_space<vmem>>
      %dma_start3A_64 = arith.constant 0 : i32
      %dma_start3A_65 = tpu.memref_slice %arg8[%dma_start3A_58, %dma_start3A_64] : memref<12x128xi32, #tpu.memory_space<vmem>> -> memref<1x128xi32, #tpu.memory_space<vmem>>
      %dma_start3A_66 = tpu.memref_squeeze %dma_start3A_65 : memref<1x128xi32, #tpu.memory_space<vmem>> -> memref<128xi32, #tpu.memory_space<vmem>>
      %dma_start3A_67 = arith.constant 0 : i32
      %dma_start3A_68 = arith.constant 0 : i32
      %dma_start3A_69 = tpu.memref_slice %arg2[%dma_start3A_67, %dma_start3A_68] : memref<100096x16xf32, #tpu.memory_space<hbm>> -> memref<100096x16xf32, #tpu.memory_space<hbm>>
      tpu.enqueue_indirect_dma source(%dma_start3A_69 : memref<100096x16xf32, #tpu.memory_space<hbm>>) target(%dma_start3A_63 : memref<128x16xf32, #tpu.memory_space<vmem>>) offsets(%dma_start3A_66 : memref<128xi32, #tpu.memory_space<vmem>>) semaphore(%arg11 : memref<!tpu.dma_semaphore, #tpu.memory_space<semaphore_mem>>)
      %dma_start3A_70 = arith.constant 2 : i32
      %dma_start3A_71 = arith.constant 2 : i32
      %dma_start3A_72 = arith.constant 0 : i32
      %dma_start3A_73 = arith.constant 0 : i32
      %dma_start3A_74 = tpu.memref_slice %arg10[%dma_start3A_71, %dma_start3A_72, %dma_start3A_73] : memref<12x128x16xf32, #tpu.memory_space<vmem>> -> memref<1x128x16xf32, #tpu.memory_space<vmem>>
      %dma_start3A_75 = tpu.memref_squeeze %dma_start3A_74 : memref<1x128x16xf32, #tpu.memory_space<vmem>> -> memref<128x16xf32, #tpu.memory_space<vmem>>
      %dma_start3A_76 = arith.constant 0 : i32
      %dma_start3A_77 = tpu.memref_slice %arg8[%dma_start3A_70, %dma_start3A_76] : memref<12x128xi32, #tpu.memory_space<vmem>> -> memref<1x128xi32, #tpu.memory_space<vmem>>
      %dma_start3A_78 = tpu.memref_squeeze %dma_start3A_77 : memref<1x128xi32, #tpu.memory_space<vmem>> -> memref<128xi32, #tpu.memory_space<vmem>>
      %dma_start3A_79 = arith.constant 0 : i32
      %dma_start3A_80 = arith.constant 0 : i32
      %dma_start3A_81 = tpu.memref_slice %arg2[%dma_start3A_79, %dma_start3A_80] : memref<100096x16xf32, #tpu.memory_space<hbm>> -> memref<100096x16xf32, #tpu.memory_space<hbm>>
      tpu.enqueue_indirect_dma source(%dma_start3A_81 : memref<100096x16xf32, #tpu.memory_space<hbm>>) target(%dma_start3A_75 : memref<128x16xf32, #tpu.memory_space<vmem>>) offsets(%dma_start3A_78 : memref<128xi32, #tpu.memory_space<vmem>>) semaphore(%arg11 : memref<!tpu.dma_semaphore, #tpu.memory_space<semaphore_mem>>)
      %dma_start3A_82 = arith.constant 3 : i32
      %dma_start3A_83 = arith.constant 3 : i32
      %dma_start3A_84 = arith.constant 0 : i32
      %dma_start3A_85 = arith.constant 0 : i32
      %dma_start3A_86 = tpu.memref_slice %arg10[%dma_start3A_83, %dma_start3A_84, %dma_start3A_85] : memref<12x128x16xf32, #tpu.memory_space<vmem>> -> memref<1x128x16xf32, #tpu.memory_space<vmem>>
      %dma_start3A_87 = tpu.memref_squeeze %dma_start3A_86 : memref<1x128x16xf32, #tpu.memory_space<vmem>> -> memref<128x16xf32, #tpu.memory_space<vmem>>
      %dma_start3A_88 = arith.constant 0 : i32
      %dma_start3A_89 = tpu.memref_slice %arg8[%dma_start3A_82, %dma_start3A_88] : memref<12x128xi32, #tpu.memory_space<vmem>> -> memref<1x128xi32, #tpu.memory_space<vmem>>
      %dma_start3A_90 = tpu.memref_squeeze %dma_start3A_89 : memref<1x128xi32, #tpu.memory_space<vmem>> -> memref<128xi32, #tpu.memory_space<vmem>>
      %dma_start3A_91 = arith.constant 0 : i32
      %dma_start3A_92 = arith.constant 0 : i32
      %dma_start3A_93 = tpu.memref_slice %arg2[%dma_start3A_91, %dma_start3A_92] : memref<100096x16xf32, #tpu.memory_space<hbm>> -> memref<100096x16xf32, #tpu.memory_space<hbm>>
      tpu.enqueue_indirect_dma source(%dma_start3A_93 : memref<100096x16xf32, #tpu.memory_space<hbm>>) target(%dma_start3A_87 : memref<128x16xf32, #tpu.memory_space<vmem>>) offsets(%dma_start3A_90 : memref<128xi32, #tpu.memory_space<vmem>>) semaphore(%arg11 : memref<!tpu.dma_semaphore, #tpu.memory_space<semaphore_mem>>)
      %dma_start3A_94 = arith.constant 4 : i32
      %dma_start3A_95 = arith.constant 4 : i32
      %dma_start3A_96 = arith.constant 0 : i32
      %dma_start3A_97 = arith.constant 0 : i32
      %dma_start3A_98 = tpu.memref_slice %arg10[%dma_start3A_95, %dma_start3A_96, %dma_start3A_97] : memref<12x128x16xf32, #tpu.memory_space<vmem>> -> memref<1x128x16xf32, #tpu.memory_space<vmem>>
      %dma_start3A_99 = tpu.memref_squeeze %dma_start3A_98 : memref<1x128x16xf32, #tpu.memory_space<vmem>> -> memref<128x16xf32, #tpu.memory_space<vmem>>
      %dma_start3A_100 = arith.constant 0 : i32
      %dma_start3A_101 = tpu.memref_slice %arg8[%dma_start3A_94, %dma_start3A_100] : memref<12x128xi32, #tpu.memory_space<vmem>> -> memref<1x128xi32, #tpu.memory_space<vmem>>
      %dma_start3A_102 = tpu.memref_squeeze %dma_start3A_101 : memref<1x128xi32, #tpu.memory_space<vmem>> -> memref<128xi32, #tpu.memory_space<vmem>>
      %dma_start3A_103 = arith.constant 0 : i32
      %dma_start3A_104 = arith.constant 0 : i32
      %dma_start3A_105 = tpu.memref_slice %arg2[%dma_start3A_103, %dma_start3A_104] : memref<100096x16xf32, #tpu.memory_space<hbm>> -> memref<100096x16xf32, #tpu.memory_space<hbm>>
      tpu.enqueue_indirect_dma source(%dma_start3A_105 : memref<100096x16xf32, #tpu.memory_space<hbm>>) target(%dma_start3A_99 : memref<128x16xf32, #tpu.memory_space<vmem>>) offsets(%dma_start3A_102 : memref<128xi32, #tpu.memory_space<vmem>>) semaphore(%arg11 : memref<!tpu.dma_semaphore, #tpu.memory_space<semaphore_mem>>)
      %dma_start3A_106 = arith.constant 5 : i32
      %dma_start3A_107 = arith.constant 5 : i32
      %dma_start3A_108 = arith.constant 0 : i32
      %dma_start3A_109 = arith.constant 0 : i32
      %dma_start3A_110 = tpu.memref_slice %arg10[%dma_start3A_107, %dma_start3A_108, %dma_start3A_109] : memref<12x128x16xf32, #tpu.memory_space<vmem>> -> memref<1x128x16xf32, #tpu.memory_space<vmem>>
      %dma_start3A_111 = tpu.memref_squeeze %dma_start3A_110 : memref<1x128x16xf32, #tpu.memory_space<vmem>> -> memref<128x16xf32, #tpu.memory_space<vmem>>
      %dma_start3A_112 = arith.constant 0 : i32
      %dma_start3A_113 = tpu.memref_slice %arg8[%dma_start3A_106, %dma_start3A_112] : memref<12x128xi32, #tpu.memory_space<vmem>> -> memref<1x128xi32, #tpu.memory_space<vmem>>
      %dma_start3A_114 = tpu.memref_squeeze %dma_start3A_113 : memref<1x128xi32, #tpu.memory_space<vmem>> -> memref<128xi32, #tpu.memory_space<vmem>>
      %dma_start3A_115 = arith.constant 0 : i32
      %dma_start3A_116 = arith.constant 0 : i32
      %dma_start3A_117 = tpu.memref_slice %arg2[%dma_start3A_115, %dma_start3A_116] : memref<100096x16xf32, #tpu.memory_space<hbm>> -> memref<100096x16xf32, #tpu.memory_space<hbm>>
      tpu.enqueue_indirect_dma source(%dma_start3A_117 : memref<100096x16xf32, #tpu.memory_space<hbm>>) target(%dma_start3A_111 : memref<128x16xf32, #tpu.memory_space<vmem>>) offsets(%dma_start3A_114 : memref<128xi32, #tpu.memory_space<vmem>>) semaphore(%arg11 : memref<!tpu.dma_semaphore, #tpu.memory_space<semaphore_mem>>)
      %dma_start3A_118 = arith.constant 6 : i32
      %dma_start3A_119 = arith.constant 6 : i32
      %dma_start3A_120 = arith.constant 0 : i32
      %dma_start3A_121 = arith.constant 0 : i32
      %dma_start3A_122 = tpu.memref_slice %arg10[%dma_start3A_119, %dma_start3A_120, %dma_start3A_121] : memref<12x128x16xf32, #tpu.memory_space<vmem>> -> memref<1x128x16xf32, #tpu.memory_space<vmem>>
      %dma_start3A_123 = tpu.memref_squeeze %dma_start3A_122 : memref<1x128x16xf32, #tpu.memory_space<vmem>> -> memref<128x16xf32, #tpu.memory_space<vmem>>
      %dma_start3A_124 = arith.constant 0 : i32
      %dma_start3A_125 = tpu.memref_slice %arg8[%dma_start3A_118, %dma_start3A_124] : memref<12x128xi32, #tpu.memory_space<vmem>> -> memref<1x128xi32, #tpu.memory_space<vmem>>
      %dma_start3A_126 = tpu.memref_squeeze %dma_start3A_125 : memref<1x128xi32, #tpu.memory_space<vmem>> -> memref<128xi32, #tpu.memory_space<vmem>>
      %dma_start3A_127 = arith.constant 0 : i32
      %dma_start3A_128 = arith.constant 0 : i32
      %dma_start3A_129 = tpu.memref_slice %arg2[%dma_start3A_127, %dma_start3A_128] : memref<100096x16xf32, #tpu.memory_space<hbm>> -> memref<100096x16xf32, #tpu.memory_space<hbm>>
      tpu.enqueue_indirect_dma source(%dma_start3A_129 : memref<100096x16xf32, #tpu.memory_space<hbm>>) target(%dma_start3A_123 : memref<128x16xf32, #tpu.memory_space<vmem>>) offsets(%dma_start3A_126 : memref<128xi32, #tpu.memory_space<vmem>>) semaphore(%arg11 : memref<!tpu.dma_semaphore, #tpu.memory_space<semaphore_mem>>)
      %dma_start3A_130 = arith.constant 7 : i32
      %dma_start3A_131 = arith.constant 7 : i32
      %dma_start3A_132 = arith.constant 0 : i32
      %dma_start3A_133 = arith.constant 0 : i32
      %dma_start3A_134 = tpu.memref_slice %arg10[%dma_start3A_131, %dma_start3A_132, %dma_start3A_133] : memref<12x128x16xf32, #tpu.memory_space<vmem>> -> memref<1x128x16xf32, #tpu.memory_space<vmem>>
      %dma_start3A_135 = tpu.memref_squeeze %dma_start3A_134 : memref<1x128x16xf32, #tpu.memory_space<vmem>> -> memref<128x16xf32, #tpu.memory_space<vmem>>
      %dma_start3A_136 = arith.constant 0 : i32
      %dma_start3A_137 = tpu.memref_slice %arg8[%dma_start3A_130, %dma_start3A_136] : memref<12x128xi32, #tpu.memory_space<vmem>> -> memref<1x128xi32, #tpu.memory_space<vmem>>
      %dma_start3A_138 = tpu.memref_squeeze %dma_start3A_137 : memref<1x128xi32, #tpu.memory_space<vmem>> -> memref<128xi32, #tpu.memory_space<vmem>>
      %dma_start3A_139 = arith.constant 0 : i32
      %dma_start3A_140 = arith.constant 0 : i32
      %dma_start3A_141 = tpu.memref_slice %arg2[%dma_start3A_139, %dma_start3A_140] : memref<100096x16xf32, #tpu.memory_space<hbm>> -> memref<100096x16xf32, #tpu.memory_space<hbm>>
      tpu.enqueue_indirect_dma source(%dma_start3A_141 : memref<100096x16xf32, #tpu.memory_space<hbm>>) target(%dma_start3A_135 : memref<128x16xf32, #tpu.memory_space<vmem>>) offsets(%dma_start3A_138 : memref<128xi32, #tpu.memory_space<vmem>>) semaphore(%arg11 : memref<!tpu.dma_semaphore, #tpu.memory_space<semaphore_mem>>)
      %dma_start3A_142 = arith.constant 8 : i32
      %dma_start3A_143 = arith.constant 8 : i32
      %dma_start3A_144 = arith.constant 0 : i32
      %dma_start3A_145 = arith.constant 0 : i32
      %dma_start3A_146 = tpu.memref_slice %arg10[%dma_start3A_143, %dma_start3A_144, %dma_start3A_145] : memref<12x128x16xf32, #tpu.memory_space<vmem>> -> memref<1x128x16xf32, #tpu.memory_space<vmem>>
      %dma_start3A_147 = tpu.memref_squeeze %dma_start3A_146 : memref<1x128x16xf32, #tpu.memory_space<vmem>> -> memref<128x16xf32, #tpu.memory_space<vmem>>
      %dma_start3A_148 = arith.constant 0 : i32
      %dma_start3A_149 = tpu.memref_slice %arg8[%dma_start3A_142, %dma_start3A_148] : memref<12x128xi32, #tpu.memory_space<vmem>> -> memref<1x128xi32, #tpu.memory_space<vmem>>
      %dma_start3A_150 = tpu.memref_squeeze %dma_start3A_149 : memref<1x128xi32, #tpu.memory_space<vmem>> -> memref<128xi32, #tpu.memory_space<vmem>>
      %dma_start3A_151 = arith.constant 0 : i32
      %dma_start3A_152 = arith.constant 0 : i32
      %dma_start3A_153 = tpu.memref_slice %arg2[%dma_start3A_151, %dma_start3A_152] : memref<100096x16xf32, #tpu.memory_space<hbm>> -> memref<100096x16xf32, #tpu.memory_space<hbm>>
      tpu.enqueue_indirect_dma source(%dma_start3A_153 : memref<100096x16xf32, #tpu.memory_space<hbm>>) target(%dma_start3A_147 : memref<128x16xf32, #tpu.memory_space<vmem>>) offsets(%dma_start3A_150 : memref<128xi32, #tpu.memory_space<vmem>>) semaphore(%arg11 : memref<!tpu.dma_semaphore, #tpu.memory_space<semaphore_mem>>)
      %dma_start3A_154 = arith.constant 9 : i32
      %dma_start3A_155 = arith.constant 9 : i32
      %dma_start3A_156 = arith.constant 0 : i32
      %dma_start3A_157 = arith.constant 0 : i32
      %dma_start3A_158 = tpu.memref_slice %arg10[%dma_start3A_155, %dma_start3A_156, %dma_start3A_157] : memref<12x128x16xf32, #tpu.memory_space<vmem>> -> memref<1x128x16xf32, #tpu.memory_space<vmem>>
      %dma_start3A_159 = tpu.memref_squeeze %dma_start3A_158 : memref<1x128x16xf32, #tpu.memory_space<vmem>> -> memref<128x16xf32, #tpu.memory_space<vmem>>
      %dma_start3A_160 = arith.constant 0 : i32
      %dma_start3A_161 = tpu.memref_slice %arg8[%dma_start3A_154, %dma_start3A_160] : memref<12x128xi32, #tpu.memory_space<vmem>> -> memref<1x128xi32, #tpu.memory_space<vmem>>
      %dma_start3A_162 = tpu.memref_squeeze %dma_start3A_161 : memref<1x128xi32, #tpu.memory_space<vmem>> -> memref<128xi32, #tpu.memory_space<vmem>>
      %dma_start3A_163 = arith.constant 0 : i32
      %dma_start3A_164 = arith.constant 0 : i32
      %dma_start3A_165 = tpu.memref_slice %arg2[%dma_start3A_163, %dma_start3A_164] : memref<100096x16xf32, #tpu.memory_space<hbm>> -> memref<100096x16xf32, #tpu.memory_space<hbm>>
      tpu.enqueue_indirect_dma source(%dma_start3A_165 : memref<100096x16xf32, #tpu.memory_space<hbm>>) target(%dma_start3A_159 : memref<128x16xf32, #tpu.memory_space<vmem>>) offsets(%dma_start3A_162 : memref<128xi32, #tpu.memory_space<vmem>>) semaphore(%arg11 : memref<!tpu.dma_semaphore, #tpu.memory_space<semaphore_mem>>)
      %dma_start3A_166 = arith.constant 10 : i32
      %dma_start3A_167 = arith.constant 10 : i32
      %dma_start3A_168 = arith.constant 0 : i32
      %dma_start3A_169 = arith.constant 0 : i32
      %dma_start3A_170 = tpu.memref_slice %arg10[%dma_start3A_167, %dma_start3A_168, %dma_start3A_169] : memref<12x128x16xf32, #tpu.memory_space<vmem>> -> memref<1x128x16xf32, #tpu.memory_space<vmem>>
      %dma_start3A_171 = tpu.memref_squeeze %dma_start3A_170 : memref<1x128x16xf32, #tpu.memory_space<vmem>> -> memref<128x16xf32, #tpu.memory_space<vmem>>
      %dma_start3A_172 = arith.constant 0 : i32
      %dma_start3A_173 = tpu.memref_slice %arg8[%dma_start3A_166, %dma_start3A_172] : memref<12x128xi32, #tpu.memory_space<vmem>> -> memref<1x128xi32, #tpu.memory_space<vmem>>
      %dma_start3A_174 = tpu.memref_squeeze %dma_start3A_173 : memref<1x128xi32, #tpu.memory_space<vmem>> -> memref<128xi32, #tpu.memory_space<vmem>>
      %dma_start3A_175 = arith.constant 0 : i32
      %dma_start3A_176 = arith.constant 0 : i32
      %dma_start3A_177 = tpu.memref_slice %arg2[%dma_start3A_175, %dma_start3A_176] : memref<100096x16xf32, #tpu.memory_space<hbm>> -> memref<100096x16xf32, #tpu.memory_space<hbm>>
      tpu.enqueue_indirect_dma source(%dma_start3A_177 : memref<100096x16xf32, #tpu.memory_space<hbm>>) target(%dma_start3A_171 : memref<128x16xf32, #tpu.memory_space<vmem>>) offsets(%dma_start3A_174 : memref<128xi32, #tpu.memory_space<vmem>>) semaphore(%arg11 : memref<!tpu.dma_semaphore, #tpu.memory_space<semaphore_mem>>)
      %dma_start3A_178 = arith.constant 11 : i32
      %dma_start3A_179 = arith.constant 11 : i32
      %dma_start3A_180 = arith.constant 0 : i32
      %dma_start3A_181 = arith.constant 0 : i32
      %dma_start3A_182 = tpu.memref_slice %arg10[%dma_start3A_179, %dma_start3A_180, %dma_start3A_181] : memref<12x128x16xf32, #tpu.memory_space<vmem>> -> memref<1x128x16xf32, #tpu.memory_space<vmem>>
      %dma_start3A_183 = tpu.memref_squeeze %dma_start3A_182 : memref<1x128x16xf32, #tpu.memory_space<vmem>> -> memref<128x16xf32, #tpu.memory_space<vmem>>
      %dma_start3A_184 = arith.constant 0 : i32
      %dma_start3A_185 = tpu.memref_slice %arg8[%dma_start3A_178, %dma_start3A_184] : memref<12x128xi32, #tpu.memory_space<vmem>> -> memref<1x128xi32, #tpu.memory_space<vmem>>
      %dma_start3A_186 = tpu.memref_squeeze %dma_start3A_185 : memref<1x128xi32, #tpu.memory_space<vmem>> -> memref<128xi32, #tpu.memory_space<vmem>>
      %dma_start3A_187 = arith.constant 0 : i32
      %dma_start3A_188 = arith.constant 0 : i32
      %dma_start3A_189 = tpu.memref_slice %arg2[%dma_start3A_187, %dma_start3A_188] : memref<100096x16xf32, #tpu.memory_space<hbm>> -> memref<100096x16xf32, #tpu.memory_space<hbm>>
      tpu.enqueue_indirect_dma source(%dma_start3A_189 : memref<100096x16xf32, #tpu.memory_space<hbm>>) target(%dma_start3A_183 : memref<128x16xf32, #tpu.memory_space<vmem>>) offsets(%dma_start3A_186 : memref<128xi32, #tpu.memory_space<vmem>>) semaphore(%arg11 : memref<!tpu.dma_semaphore, #tpu.memory_space<semaphore_mem>>)
      %dma_wait3A_190 = arith.constant 0 : i32
      %dma_wait3A_191 = arith.constant 0 : i32
      %dma_wait3A_192 = arith.constant 0 : i32
      %dma_wait3A_193 = arith.constant 0 : i32
      %dma_wait3A_194 = tpu.memref_slice %arg10[%dma_wait3A_191, %dma_wait3A_192, %dma_wait3A_193] : memref<12x128x16xf32, #tpu.memory_space<vmem>> -> memref<1x128x16xf32, #tpu.memory_space<vmem>>
      %dma_wait3A_195 = tpu.memref_squeeze %dma_wait3A_194 : memref<1x128x16xf32, #tpu.memory_space<vmem>> -> memref<128x16xf32, #tpu.memory_space<vmem>>
      %dma_wait3A_196 = arith.constant 0 : i32
      %dma_wait3A_197 = tpu.memref_slice %arg8[%dma_wait3A_190, %dma_wait3A_196] : memref<12x128xi32, #tpu.memory_space<vmem>> -> memref<1x128xi32, #tpu.memory_space<vmem>>
      %dma_wait3A_198 = tpu.memref_squeeze %dma_wait3A_197 : memref<1x128xi32, #tpu.memory_space<vmem>> -> memref<128xi32, #tpu.memory_space<vmem>>
      %dma_wait3A_199 = arith.constant 0 : i32
      %dma_wait3A_200 = arith.constant 0 : i32
      %dma_wait3A_201 = tpu.memref_slice %arg2[%dma_wait3A_199, %dma_wait3A_200] : memref<100096x16xf32, #tpu.memory_space<hbm>> -> memref<100096x16xf32, #tpu.memory_space<hbm>>
      tpu.wait_indirect_dma semaphore(%arg11 : memref<!tpu.dma_semaphore, #tpu.memory_space<semaphore_mem>>) src(%dma_wait3A_201 : memref<100096x16xf32, #tpu.memory_space<hbm>>) dst(%dma_wait3A_195 : memref<128x16xf32, #tpu.memory_space<vmem>>)
      %dma_wait3A_202 = arith.constant 1 : i32
      %dma_wait3A_203 = arith.constant 1 : i32
      %dma_wait3A_204 = arith.constant 0 : i32
      %dma_wait3A_205 = arith.constant 0 : i32
      %dma_wait3A_206 = tpu.memref_slice %arg10[%dma_wait3A_203, %dma_wait3A_204, %dma_wait3A_205] : memref<12x128x16xf32, #tpu.memory_space<vmem>> -> memref<1x128x16xf32, #tpu.memory_space<vmem>>
      %dma_wait3A_207 = tpu.memref_squeeze %dma_wait3A_206 : memref<1x128x16xf32, #tpu.memory_space<vmem>> -> memref<128x16xf32, #tpu.memory_space<vmem>>
      %dma_wait3A_208 = arith.constant 0 : i32
      %dma_wait3A_209 = tpu.memref_slice %arg8[%dma_wait3A_202, %dma_wait3A_208] : memref<12x128xi32, #tpu.memory_space<vmem>> -> memref<1x128xi32, #tpu.memory_space<vmem>>
      %dma_wait3A_210 = tpu.memref_squeeze %dma_wait3A_209 : memref<1x128xi32, #tpu.memory_space<vmem>> -> memref<128xi32, #tpu.memory_space<vmem>>
      %dma_wait3A_211 = arith.constant 0 : i32
      %dma_wait3A_212 = arith.constant 0 : i32
      %dma_wait3A_213 = tpu.memref_slice %arg2[%dma_wait3A_211, %dma_wait3A_212] : memref<100096x16xf32, #tpu.memory_space<hbm>> -> memref<100096x16xf32, #tpu.memory_space<hbm>>
      tpu.wait_indirect_dma semaphore(%arg11 : memref<!tpu.dma_semaphore, #tpu.memory_space<semaphore_mem>>) src(%dma_wait3A_213 : memref<100096x16xf32, #tpu.memory_space<hbm>>) dst(%dma_wait3A_207 : memref<128x16xf32, #tpu.memory_space<vmem>>)
      %dma_wait3A_214 = arith.constant 2 : i32
      %dma_wait3A_215 = arith.constant 2 : i32
      %dma_wait3A_216 = arith.constant 0 : i32
      %dma_wait3A_217 = arith.constant 0 : i32
      %dma_wait3A_218 = tpu.memref_slice %arg10[%dma_wait3A_215, %dma_wait3A_216, %dma_wait3A_217] : memref<12x128x16xf32, #tpu.memory_space<vmem>> -> memref<1x128x16xf32, #tpu.memory_space<vmem>>
      %dma_wait3A_219 = tpu.memref_squeeze %dma_wait3A_218 : memref<1x128x16xf32, #tpu.memory_space<vmem>> -> memref<128x16xf32, #tpu.memory_space<vmem>>
      %dma_wait3A_220 = arith.constant 0 : i32
      %dma_wait3A_221 = tpu.memref_slice %arg8[%dma_wait3A_214, %dma_wait3A_220] : memref<12x128xi32, #tpu.memory_space<vmem>> -> memref<1x128xi32, #tpu.memory_space<vmem>>
      %dma_wait3A_222 = tpu.memref_squeeze %dma_wait3A_221 : memref<1x128xi32, #tpu.memory_space<vmem>> -> memref<128xi32, #tpu.memory_space<vmem>>
      %dma_wait3A_223 = arith.constant 0 : i32
      %dma_wait3A_224 = arith.constant 0 : i32
      %dma_wait3A_225 = tpu.memref_slice %arg2[%dma_wait3A_223, %dma_wait3A_224] : memref<100096x16xf32, #tpu.memory_space<hbm>> -> memref<100096x16xf32, #tpu.memory_space<hbm>>
      tpu.wait_indirect_dma semaphore(%arg11 : memref<!tpu.dma_semaphore, #tpu.memory_space<semaphore_mem>>) src(%dma_wait3A_225 : memref<100096x16xf32, #tpu.memory_space<hbm>>) dst(%dma_wait3A_219 : memref<128x16xf32, #tpu.memory_space<vmem>>)
      %dma_start3A_226 = arith.constant 0 : i32
      %dma_start3A_227 = arith.constant 0 : i32
      %dma_start3A_228 = arith.constant 0 : i32
      %dma_start3A_229 = arith.constant 0 : i32
      %dma_start3A_230 = tpu.memref_slice %arg10[%dma_start3A_226, %dma_start3A_228, %dma_start3A_229] : memref<12x128x16xf32, #tpu.memory_space<vmem>> -> memref<1x128x16xf32, #tpu.memory_space<vmem>>
      %dma_start3A_231 = tpu.memref_squeeze %dma_start3A_230 : memref<1x128x16xf32, #tpu.memory_space<vmem>> -> memref<128x16xf32, #tpu.memory_space<vmem>>
      %dma_start3A_232 = arith.constant 0 : i32
      %dma_start3A_233 = tpu.memref_slice %arg9[%dma_start3A_227, %dma_start3A_232] : memref<12x128xi32, #tpu.memory_space<vmem>> -> memref<1x128xi32, #tpu.memory_space<vmem>>
      %dma_start3A_234 = tpu.memref_squeeze %dma_start3A_233 : memref<1x128xi32, #tpu.memory_space<vmem>> -> memref<128xi32, #tpu.memory_space<vmem>>
      %dma_start3A_235 = arith.constant 0 : i32
      %dma_start3A_236 = arith.constant 0 : i32
      %dma_start3A_237 = tpu.memref_slice %arg6[%dma_start3A_235, %dma_start3A_236] : memref<100096x16xf32, #tpu.memory_space<vmem_shared>> -> memref<100096x16xf32, #tpu.memory_space<vmem_shared>>
      tpu.enqueue_indirect_dma source(%dma_start3A_231 : memref<128x16xf32, #tpu.memory_space<vmem>>) target(%dma_start3A_237 : memref<100096x16xf32, #tpu.memory_space<vmem_shared>>) offsets(%dma_start3A_234 : memref<128xi32, #tpu.memory_space<vmem>>) semaphore(%arg12 : memref<!tpu.dma_semaphore, #tpu.memory_space<semaphore_mem>>) {add = true}
      %dma_start3A_238 = arith.constant 1 : i32
      %dma_start3A_239 = arith.constant 1 : i32
      %dma_start3A_240 = arith.constant 0 : i32
      %dma_start3A_241 = arith.constant 0 : i32
      %dma_start3A_242 = tpu.memref_slice %arg10[%dma_start3A_238, %dma_start3A_240, %dma_start3A_241] : memref<12x128x16xf32, #tpu.memory_space<vmem>> -> memref<1x128x16xf32, #tpu.memory_space<vmem>>
      %dma_start3A_243 = tpu.memref_squeeze %dma_start3A_242 : memref<1x128x16xf32, #tpu.memory_space<vmem>> -> memref<128x16xf32, #tpu.memory_space<vmem>>
      %dma_start3A_244 = arith.constant 0 : i32
      %dma_start3A_245 = tpu.memref_slice %arg9[%dma_start3A_239, %dma_start3A_244] : memref<12x128xi32, #tpu.memory_space<vmem>> -> memref<1x128xi32, #tpu.memory_space<vmem>>
      %dma_start3A_246 = tpu.memref_squeeze %dma_start3A_245 : memref<1x128xi32, #tpu.memory_space<vmem>> -> memref<128xi32, #tpu.memory_space<vmem>>
      %dma_start3A_247 = arith.constant 0 : i32
      %dma_start3A_248 = arith.constant 0 : i32
      %dma_start3A_249 = tpu.memref_slice %arg6[%dma_start3A_247, %dma_start3A_248] : memref<100096x16xf32, #tpu.memory_space<vmem_shared>> -> memref<100096x16xf32, #tpu.memory_space<vmem_shared>>
      tpu.enqueue_indirect_dma source(%dma_start3A_243 : memref<128x16xf32, #tpu.memory_space<vmem>>) target(%dma_start3A_249 : memref<100096x16xf32, #tpu.memory_space<vmem_shared>>) offsets(%dma_start3A_246 : memref<128xi32, #tpu.memory_space<vmem>>) semaphore(%arg12 : memref<!tpu.dma_semaphore, #tpu.memory_space<semaphore_mem>>) {add = true}
      %dma_start3A_250 = arith.constant 2 : i32
      %dma_start3A_251 = arith.constant 2 : i32
      %dma_start3A_252 = arith.constant 0 : i32
      %dma_start3A_253 = arith.constant 0 : i32
      %dma_start3A_254 = tpu.memref_slice %arg10[%dma_start3A_250, %dma_start3A_252, %dma_start3A_253] : memref<12x128x16xf32, #tpu.memory_space<vmem>> -> memref<1x128x16xf32, #tpu.memory_space<vmem>>
      %dma_start3A_255 = tpu.memref_squeeze %dma_start3A_254 : memref<1x128x16xf32, #tpu.memory_space<vmem>> -> memref<128x16xf32, #tpu.memory_space<vmem>>
      %dma_start3A_256 = arith.constant 0 : i32
      %dma_start3A_257 = tpu.memref_slice %arg9[%dma_start3A_251, %dma_start3A_256] : memref<12x128xi32, #tpu.memory_space<vmem>> -> memref<1x128xi32, #tpu.memory_space<vmem>>
      %dma_start3A_258 = tpu.memref_squeeze %dma_start3A_257 : memref<1x128xi32, #tpu.memory_space<vmem>> -> memref<128xi32, #tpu.memory_space<vmem>>
      %dma_start3A_259 = arith.constant 0 : i32
      %dma_start3A_260 = arith.constant 0 : i32
      %dma_start3A_261 = tpu.memref_slice %arg6[%dma_start3A_259, %dma_start3A_260] : memref<100096x16xf32, #tpu.memory_space<vmem_shared>> -> memref<100096x16xf32, #tpu.memory_space<vmem_shared>>
      tpu.enqueue_indirect_dma source(%dma_start3A_255 : memref<128x16xf32, #tpu.memory_space<vmem>>) target(%dma_start3A_261 : memref<100096x16xf32, #tpu.memory_space<vmem_shared>>) offsets(%dma_start3A_258 : memref<128xi32, #tpu.memory_space<vmem>>) semaphore(%arg12 : memref<!tpu.dma_semaphore, #tpu.memory_space<semaphore_mem>>) {add = true}
      %dma_wait3A_262 = arith.constant 3 : i32
      %dma_wait3A_263 = arith.constant 3 : i32
      %dma_wait3A_264 = arith.constant 0 : i32
      %dma_wait3A_265 = arith.constant 0 : i32
      %dma_wait3A_266 = tpu.memref_slice %arg10[%dma_wait3A_263, %dma_wait3A_264, %dma_wait3A_265] : memref<12x128x16xf32, #tpu.memory_space<vmem>> -> memref<1x128x16xf32, #tpu.memory_space<vmem>>
      %dma_wait3A_267 = tpu.memref_squeeze %dma_wait3A_266 : memref<1x128x16xf32, #tpu.memory_space<vmem>> -> memref<128x16xf32, #tpu.memory_space<vmem>>
      %dma_wait3A_268 = arith.constant 0 : i32
      %dma_wait3A_269 = tpu.memref_slice %arg8[%dma_wait3A_262, %dma_wait3A_268] : memref<12x128xi32, #tpu.memory_space<vmem>> -> memref<1x128xi32, #tpu.memory_space<vmem>>
      %dma_wait3A_270 = tpu.memref_squeeze %dma_wait3A_269 : memref<1x128xi32, #tpu.memory_space<vmem>> -> memref<128xi32, #tpu.memory_space<vmem>>
      %dma_wait3A_271 = arith.constant 0 : i32
      %dma_wait3A_272 = arith.constant 0 : i32
      %dma_wait3A_273 = tpu.memref_slice %arg2[%dma_wait3A_271, %dma_wait3A_272] : memref<100096x16xf32, #tpu.memory_space<hbm>> -> memref<100096x16xf32, #tpu.memory_space<hbm>>
      tpu.wait_indirect_dma semaphore(%arg11 : memref<!tpu.dma_semaphore, #tpu.memory_space<semaphore_mem>>) src(%dma_wait3A_273 : memref<100096x16xf32, #tpu.memory_space<hbm>>) dst(%dma_wait3A_267 : memref<128x16xf32, #tpu.memory_space<vmem>>)
      %dma_wait3A_274 = arith.constant 4 : i32
      %dma_wait3A_275 = arith.constant 4 : i32
      %dma_wait3A_276 = arith.constant 0 : i32
      %dma_wait3A_277 = arith.constant 0 : i32
      %dma_wait3A_278 = tpu.memref_slice %arg10[%dma_wait3A_275, %dma_wait3A_276, %dma_wait3A_277] : memref<12x128x16xf32, #tpu.memory_space<vmem>> -> memref<1x128x16xf32, #tpu.memory_space<vmem>>
      %dma_wait3A_279 = tpu.memref_squeeze %dma_wait3A_278 : memref<1x128x16xf32, #tpu.memory_space<vmem>> -> memref<128x16xf32, #tpu.memory_space<vmem>>
      %dma_wait3A_280 = arith.constant 0 : i32
      %dma_wait3A_281 = tpu.memref_slice %arg8[%dma_wait3A_274, %dma_wait3A_280] : memref<12x128xi32, #tpu.memory_space<vmem>> -> memref<1x128xi32, #tpu.memory_space<vmem>>
      %dma_wait3A_282 = tpu.memref_squeeze %dma_wait3A_281 : memref<1x128xi32, #tpu.memory_space<vmem>> -> memref<128xi32, #tpu.memory_space<vmem>>
      %dma_wait3A_283 = arith.constant 0 : i32
      %dma_wait3A_284 = arith.constant 0 : i32
      %dma_wait3A_285 = tpu.memref_slice %arg2[%dma_wait3A_283, %dma_wait3A_284] : memref<100096x16xf32, #tpu.memory_space<hbm>> -> memref<100096x16xf32, #tpu.memory_space<hbm>>
      tpu.wait_indirect_dma semaphore(%arg11 : memref<!tpu.dma_semaphore, #tpu.memory_space<semaphore_mem>>) src(%dma_wait3A_285 : memref<100096x16xf32, #tpu.memory_space<hbm>>) dst(%dma_wait3A_279 : memref<128x16xf32, #tpu.memory_space<vmem>>)
      %dma_wait3A_286 = arith.constant 5 : i32
      %dma_wait3A_287 = arith.constant 5 : i32
      %dma_wait3A_288 = arith.constant 0 : i32
      %dma_wait3A_289 = arith.constant 0 : i32
      %dma_wait3A_290 = tpu.memref_slice %arg10[%dma_wait3A_287, %dma_wait3A_288, %dma_wait3A_289] : memref<12x128x16xf32, #tpu.memory_space<vmem>> -> memref<1x128x16xf32, #tpu.memory_space<vmem>>
      %dma_wait3A_291 = tpu.memref_squeeze %dma_wait3A_290 : memref<1x128x16xf32, #tpu.memory_space<vmem>> -> memref<128x16xf32, #tpu.memory_space<vmem>>
      %dma_wait3A_292 = arith.constant 0 : i32
      %dma_wait3A_293 = tpu.memref_slice %arg8[%dma_wait3A_286, %dma_wait3A_292] : memref<12x128xi32, #tpu.memory_space<vmem>> -> memref<1x128xi32, #tpu.memory_space<vmem>>
      %dma_wait3A_294 = tpu.memref_squeeze %dma_wait3A_293 : memref<1x128xi32, #tpu.memory_space<vmem>> -> memref<128xi32, #tpu.memory_space<vmem>>
      %dma_wait3A_295 = arith.constant 0 : i32
      %dma_wait3A_296 = arith.constant 0 : i32
      %dma_wait3A_297 = tpu.memref_slice %arg2[%dma_wait3A_295, %dma_wait3A_296] : memref<100096x16xf32, #tpu.memory_space<hbm>> -> memref<100096x16xf32, #tpu.memory_space<hbm>>
      tpu.wait_indirect_dma semaphore(%arg11 : memref<!tpu.dma_semaphore, #tpu.memory_space<semaphore_mem>>) src(%dma_wait3A_297 : memref<100096x16xf32, #tpu.memory_space<hbm>>) dst(%dma_wait3A_291 : memref<128x16xf32, #tpu.memory_space<vmem>>)
      %dma_start3A_298 = arith.constant 3 : i32
      %dma_start3A_299 = arith.constant 3 : i32
      %dma_start3A_300 = arith.constant 0 : i32
      %dma_start3A_301 = arith.constant 0 : i32
      %dma_start3A_302 = tpu.memref_slice %arg10[%dma_start3A_298, %dma_start3A_300, %dma_start3A_301] : memref<12x128x16xf32, #tpu.memory_space<vmem>> -> memref<1x128x16xf32, #tpu.memory_space<vmem>>
      %dma_start3A_303 = tpu.memref_squeeze %dma_start3A_302 : memref<1x128x16xf32, #tpu.memory_space<vmem>> -> memref<128x16xf32, #tpu.memory_space<vmem>>
      %dma_start3A_304 = arith.constant 0 : i32
      %dma_start3A_305 = tpu.memref_slice %arg9[%dma_start3A_299, %dma_start3A_304] : memref<12x128xi32, #tpu.memory_space<vmem>> -> memref<1x128xi32, #tpu.memory_space<vmem>>
      %dma_start3A_306 = tpu.memref_squeeze %dma_start3A_305 : memref<1x128xi32, #tpu.memory_space<vmem>> -> memref<128xi32, #tpu.memory_space<vmem>>
      %dma_start3A_307 = arith.constant 0 : i32
      %dma_start3A_308 = arith.constant 0 : i32
      %dma_start3A_309 = tpu.memref_slice %arg6[%dma_start3A_307, %dma_start3A_308] : memref<100096x16xf32, #tpu.memory_space<vmem_shared>> -> memref<100096x16xf32, #tpu.memory_space<vmem_shared>>
      tpu.enqueue_indirect_dma source(%dma_start3A_303 : memref<128x16xf32, #tpu.memory_space<vmem>>) target(%dma_start3A_309 : memref<100096x16xf32, #tpu.memory_space<vmem_shared>>) offsets(%dma_start3A_306 : memref<128xi32, #tpu.memory_space<vmem>>) semaphore(%arg12 : memref<!tpu.dma_semaphore, #tpu.memory_space<semaphore_mem>>) {add = true}
      %dma_start3A_310 = arith.constant 4 : i32
      %dma_start3A_311 = arith.constant 4 : i32
      %dma_start3A_312 = arith.constant 0 : i32
      %dma_start3A_313 = arith.constant 0 : i32
      %dma_start3A_314 = tpu.memref_slice %arg10[%dma_start3A_310, %dma_start3A_312, %dma_start3A_313] : memref<12x128x16xf32, #tpu.memory_space<vmem>> -> memref<1x128x16xf32, #tpu.memory_space<vmem>>
      %dma_start3A_315 = tpu.memref_squeeze %dma_start3A_314 : memref<1x128x16xf32, #tpu.memory_space<vmem>> -> memref<128x16xf32, #tpu.memory_space<vmem>>
      %dma_start3A_316 = arith.constant 0 : i32
      %dma_start3A_317 = tpu.memref_slice %arg9[%dma_start3A_311, %dma_start3A_316] : memref<12x128xi32, #tpu.memory_space<vmem>> -> memref<1x128xi32, #tpu.memory_space<vmem>>
      %dma_start3A_318 = tpu.memref_squeeze %dma_start3A_317 : memref<1x128xi32, #tpu.memory_space<vmem>> -> memref<128xi32, #tpu.memory_space<vmem>>
      %dma_start3A_319 = arith.constant 0 : i32
      %dma_start3A_320 = arith.constant 0 : i32
      %dma_start3A_321 = tpu.memref_slice %arg6[%dma_start3A_319, %dma_start3A_320] : memref<100096x16xf32, #tpu.memory_space<vmem_shared>> -> memref<100096x16xf32, #tpu.memory_space<vmem_shared>>
      tpu.enqueue_indirect_dma source(%dma_start3A_315 : memref<128x16xf32, #tpu.memory_space<vmem>>) target(%dma_start3A_321 : memref<100096x16xf32, #tpu.memory_space<vmem_shared>>) offsets(%dma_start3A_318 : memref<128xi32, #tpu.memory_space<vmem>>) semaphore(%arg12 : memref<!tpu.dma_semaphore, #tpu.memory_space<semaphore_mem>>) {add = true}
      %dma_start3A_322 = arith.constant 5 : i32
      %dma_start3A_323 = arith.constant 5 : i32
      %dma_start3A_324 = arith.constant 0 : i32
      %dma_start3A_325 = arith.constant 0 : i32
      %dma_start3A_326 = tpu.memref_slice %arg10[%dma_start3A_322, %dma_start3A_324, %dma_start3A_325] : memref<12x128x16xf32, #tpu.memory_space<vmem>> -> memref<1x128x16xf32, #tpu.memory_space<vmem>>
      %dma_start3A_327 = tpu.memref_squeeze %dma_start3A_326 : memref<1x128x16xf32, #tpu.memory_space<vmem>> -> memref<128x16xf32, #tpu.memory_space<vmem>>
      %dma_start3A_328 = arith.constant 0 : i32
      %dma_start3A_329 = tpu.memref_slice %arg9[%dma_start3A_323, %dma_start3A_328] : memref<12x128xi32, #tpu.memory_space<vmem>> -> memref<1x128xi32, #tpu.memory_space<vmem>>
      %dma_start3A_330 = tpu.memref_squeeze %dma_start3A_329 : memref<1x128xi32, #tpu.memory_space<vmem>> -> memref<128xi32, #tpu.memory_space<vmem>>
      %dma_start3A_331 = arith.constant 0 : i32
      %dma_start3A_332 = arith.constant 0 : i32
      %dma_start3A_333 = tpu.memref_slice %arg6[%dma_start3A_331, %dma_start3A_332] : memref<100096x16xf32, #tpu.memory_space<vmem_shared>> -> memref<100096x16xf32, #tpu.memory_space<vmem_shared>>
      tpu.enqueue_indirect_dma source(%dma_start3A_327 : memref<128x16xf32, #tpu.memory_space<vmem>>) target(%dma_start3A_333 : memref<100096x16xf32, #tpu.memory_space<vmem_shared>>) offsets(%dma_start3A_330 : memref<128xi32, #tpu.memory_space<vmem>>) semaphore(%arg12 : memref<!tpu.dma_semaphore, #tpu.memory_space<semaphore_mem>>) {add = true}
      %dma_wait3A_334 = arith.constant 6 : i32
      %dma_wait3A_335 = arith.constant 6 : i32
      %dma_wait3A_336 = arith.constant 0 : i32
      %dma_wait3A_337 = arith.constant 0 : i32
      %dma_wait3A_338 = tpu.memref_slice %arg10[%dma_wait3A_335, %dma_wait3A_336, %dma_wait3A_337] : memref<12x128x16xf32, #tpu.memory_space<vmem>> -> memref<1x128x16xf32, #tpu.memory_space<vmem>>
      %dma_wait3A_339 = tpu.memref_squeeze %dma_wait3A_338 : memref<1x128x16xf32, #tpu.memory_space<vmem>> -> memref<128x16xf32, #tpu.memory_space<vmem>>
      %dma_wait3A_340 = arith.constant 0 : i32
      %dma_wait3A_341 = tpu.memref_slice %arg8[%dma_wait3A_334, %dma_wait3A_340] : memref<12x128xi32, #tpu.memory_space<vmem>> -> memref<1x128xi32, #tpu.memory_space<vmem>>
      %dma_wait3A_342 = tpu.memref_squeeze %dma_wait3A_341 : memref<1x128xi32, #tpu.memory_space<vmem>> -> memref<128xi32, #tpu.memory_space<vmem>>
      %dma_wait3A_343 = arith.constant 0 : i32
      %dma_wait3A_344 = arith.constant 0 : i32
      %dma_wait3A_345 = tpu.memref_slice %arg2[%dma_wait3A_343, %dma_wait3A_344] : memref<100096x16xf32, #tpu.memory_space<hbm>> -> memref<100096x16xf32, #tpu.memory_space<hbm>>
      tpu.wait_indirect_dma semaphore(%arg11 : memref<!tpu.dma_semaphore, #tpu.memory_space<semaphore_mem>>) src(%dma_wait3A_345 : memref<100096x16xf32, #tpu.memory_space<hbm>>) dst(%dma_wait3A_339 : memref<128x16xf32, #tpu.memory_space<vmem>>)
      %dma_wait3A_346 = arith.constant 7 : i32
      %dma_wait3A_347 = arith.constant 7 : i32
      %dma_wait3A_348 = arith.constant 0 : i32
      %dma_wait3A_349 = arith.constant 0 : i32
      %dma_wait3A_350 = tpu.memref_slice %arg10[%dma_wait3A_347, %dma_wait3A_348, %dma_wait3A_349] : memref<12x128x16xf32, #tpu.memory_space<vmem>> -> memref<1x128x16xf32, #tpu.memory_space<vmem>>
      %dma_wait3A_351 = tpu.memref_squeeze %dma_wait3A_350 : memref<1x128x16xf32, #tpu.memory_space<vmem>> -> memref<128x16xf32, #tpu.memory_space<vmem>>
      %dma_wait3A_352 = arith.constant 0 : i32
      %dma_wait3A_353 = tpu.memref_slice %arg8[%dma_wait3A_346, %dma_wait3A_352] : memref<12x128xi32, #tpu.memory_space<vmem>> -> memref<1x128xi32, #tpu.memory_space<vmem>>
      %dma_wait3A_354 = tpu.memref_squeeze %dma_wait3A_353 : memref<1x128xi32, #tpu.memory_space<vmem>> -> memref<128xi32, #tpu.memory_space<vmem>>
      %dma_wait3A_355 = arith.constant 0 : i32
      %dma_wait3A_356 = arith.constant 0 : i32
      %dma_wait3A_357 = tpu.memref_slice %arg2[%dma_wait3A_355, %dma_wait3A_356] : memref<100096x16xf32, #tpu.memory_space<hbm>> -> memref<100096x16xf32, #tpu.memory_space<hbm>>
      tpu.wait_indirect_dma semaphore(%arg11 : memref<!tpu.dma_semaphore, #tpu.memory_space<semaphore_mem>>) src(%dma_wait3A_357 : memref<100096x16xf32, #tpu.memory_space<hbm>>) dst(%dma_wait3A_351 : memref<128x16xf32, #tpu.memory_space<vmem>>)
      %dma_wait3A_358 = arith.constant 8 : i32
      %dma_wait3A_359 = arith.constant 8 : i32
      %dma_wait3A_360 = arith.constant 0 : i32
      %dma_wait3A_361 = arith.constant 0 : i32
      %dma_wait3A_362 = tpu.memref_slice %arg10[%dma_wait3A_359, %dma_wait3A_360, %dma_wait3A_361] : memref<12x128x16xf32, #tpu.memory_space<vmem>> -> memref<1x128x16xf32, #tpu.memory_space<vmem>>
      %dma_wait3A_363 = tpu.memref_squeeze %dma_wait3A_362 : memref<1x128x16xf32, #tpu.memory_space<vmem>> -> memref<128x16xf32, #tpu.memory_space<vmem>>
      %dma_wait3A_364 = arith.constant 0 : i32
      %dma_wait3A_365 = tpu.memref_slice %arg8[%dma_wait3A_358, %dma_wait3A_364] : memref<12x128xi32, #tpu.memory_space<vmem>> -> memref<1x128xi32, #tpu.memory_space<vmem>>
      %dma_wait3A_366 = tpu.memref_squeeze %dma_wait3A_365 : memref<1x128xi32, #tpu.memory_space<vmem>> -> memref<128xi32, #tpu.memory_space<vmem>>
      %dma_wait3A_367 = arith.constant 0 : i32
      %dma_wait3A_368 = arith.constant 0 : i32
      %dma_wait3A_369 = tpu.memref_slice %arg2[%dma_wait3A_367, %dma_wait3A_368] : memref<100096x16xf32, #tpu.memory_space<hbm>> -> memref<100096x16xf32, #tpu.memory_space<hbm>>
      tpu.wait_indirect_dma semaphore(%arg11 : memref<!tpu.dma_semaphore, #tpu.memory_space<semaphore_mem>>) src(%dma_wait3A_369 : memref<100096x16xf32, #tpu.memory_space<hbm>>) dst(%dma_wait3A_363 : memref<128x16xf32, #tpu.memory_space<vmem>>)
      %dma_start3A_370 = arith.constant 6 : i32
      %dma_start3A_371 = arith.constant 6 : i32
      %dma_start3A_372 = arith.constant 0 : i32
      %dma_start3A_373 = arith.constant 0 : i32
      %dma_start3A_374 = tpu.memref_slice %arg10[%dma_start3A_370, %dma_start3A_372, %dma_start3A_373] : memref<12x128x16xf32, #tpu.memory_space<vmem>> -> memref<1x128x16xf32, #tpu.memory_space<vmem>>
      %dma_start3A_375 = tpu.memref_squeeze %dma_start3A_374 : memref<1x128x16xf32, #tpu.memory_space<vmem>> -> memref<128x16xf32, #tpu.memory_space<vmem>>
      %dma_start3A_376 = arith.constant 0 : i32
      %dma_start3A_377 = tpu.memref_slice %arg9[%dma_start3A_371, %dma_start3A_376] : memref<12x128xi32, #tpu.memory_space<vmem>> -> memref<1x128xi32, #tpu.memory_space<vmem>>
      %dma_start3A_378 = tpu.memref_squeeze %dma_start3A_377 : memref<1x128xi32, #tpu.memory_space<vmem>> -> memref<128xi32, #tpu.memory_space<vmem>>
      %dma_start3A_379 = arith.constant 0 : i32
      %dma_start3A_380 = arith.constant 0 : i32
      %dma_start3A_381 = tpu.memref_slice %arg6[%dma_start3A_379, %dma_start3A_380] : memref<100096x16xf32, #tpu.memory_space<vmem_shared>> -> memref<100096x16xf32, #tpu.memory_space<vmem_shared>>
      tpu.enqueue_indirect_dma source(%dma_start3A_375 : memref<128x16xf32, #tpu.memory_space<vmem>>) target(%dma_start3A_381 : memref<100096x16xf32, #tpu.memory_space<vmem_shared>>) offsets(%dma_start3A_378 : memref<128xi32, #tpu.memory_space<vmem>>) semaphore(%arg12 : memref<!tpu.dma_semaphore, #tpu.memory_space<semaphore_mem>>) {add = true}
      %dma_start3A_382 = arith.constant 7 : i32
      %dma_start3A_383 = arith.constant 7 : i32
      %dma_start3A_384 = arith.constant 0 : i32
      %dma_start3A_385 = arith.constant 0 : i32
      %dma_start3A_386 = tpu.memref_slice %arg10[%dma_start3A_382, %dma_start3A_384, %dma_start3A_385] : memref<12x128x16xf32, #tpu.memory_space<vmem>> -> memref<1x128x16xf32, #tpu.memory_space<vmem>>
      %dma_start3A_387 = tpu.memref_squeeze %dma_start3A_386 : memref<1x128x16xf32, #tpu.memory_space<vmem>> -> memref<128x16xf32, #tpu.memory_space<vmem>>
      %dma_start3A_388 = arith.constant 0 : i32
      %dma_start3A_389 = tpu.memref_slice %arg9[%dma_start3A_383, %dma_start3A_388] : memref<12x128xi32, #tpu.memory_space<vmem>> -> memref<1x128xi32, #tpu.memory_space<vmem>>
      %dma_start3A_390 = tpu.memref_squeeze %dma_start3A_389 : memref<1x128xi32, #tpu.memory_space<vmem>> -> memref<128xi32, #tpu.memory_space<vmem>>
      %dma_start3A_391 = arith.constant 0 : i32
      %dma_start3A_392 = arith.constant 0 : i32
      %dma_start3A_393 = tpu.memref_slice %arg6[%dma_start3A_391, %dma_start3A_392] : memref<100096x16xf32, #tpu.memory_space<vmem_shared>> -> memref<100096x16xf32, #tpu.memory_space<vmem_shared>>
      tpu.enqueue_indirect_dma source(%dma_start3A_387 : memref<128x16xf32, #tpu.memory_space<vmem>>) target(%dma_start3A_393 : memref<100096x16xf32, #tpu.memory_space<vmem_shared>>) offsets(%dma_start3A_390 : memref<128xi32, #tpu.memory_space<vmem>>) semaphore(%arg12 : memref<!tpu.dma_semaphore, #tpu.memory_space<semaphore_mem>>) {add = true}
      %dma_start3A_394 = arith.constant 8 : i32
      %dma_start3A_395 = arith.constant 8 : i32
      %dma_start3A_396 = arith.constant 0 : i32
      %dma_start3A_397 = arith.constant 0 : i32
      %dma_start3A_398 = tpu.memref_slice %arg10[%dma_start3A_394, %dma_start3A_396, %dma_start3A_397] : memref<12x128x16xf32, #tpu.memory_space<vmem>> -> memref<1x128x16xf32, #tpu.memory_space<vmem>>
      %dma_start3A_399 = tpu.memref_squeeze %dma_start3A_398 : memref<1x128x16xf32, #tpu.memory_space<vmem>> -> memref<128x16xf32, #tpu.memory_space<vmem>>
      %dma_start3A_400 = arith.constant 0 : i32
      %dma_start3A_401 = tpu.memref_slice %arg9[%dma_start3A_395, %dma_start3A_400] : memref<12x128xi32, #tpu.memory_space<vmem>> -> memref<1x128xi32, #tpu.memory_space<vmem>>
      %dma_start3A_402 = tpu.memref_squeeze %dma_start3A_401 : memref<1x128xi32, #tpu.memory_space<vmem>> -> memref<128xi32, #tpu.memory_space<vmem>>
      %dma_start3A_403 = arith.constant 0 : i32
      %dma_start3A_404 = arith.constant 0 : i32
      %dma_start3A_405 = tpu.memref_slice %arg6[%dma_start3A_403, %dma_start3A_404] : memref<100096x16xf32, #tpu.memory_space<vmem_shared>> -> memref<100096x16xf32, #tpu.memory_space<vmem_shared>>
      tpu.enqueue_indirect_dma source(%dma_start3A_399 : memref<128x16xf32, #tpu.memory_space<vmem>>) target(%dma_start3A_405 : memref<100096x16xf32, #tpu.memory_space<vmem_shared>>) offsets(%dma_start3A_402 : memref<128xi32, #tpu.memory_space<vmem>>) semaphore(%arg12 : memref<!tpu.dma_semaphore, #tpu.memory_space<semaphore_mem>>) {add = true}
      %dma_wait3A_406 = arith.constant 9 : i32
      %dma_wait3A_407 = arith.constant 9 : i32
      %dma_wait3A_408 = arith.constant 0 : i32
      %dma_wait3A_409 = arith.constant 0 : i32
      %dma_wait3A_410 = tpu.memref_slice %arg10[%dma_wait3A_407, %dma_wait3A_408, %dma_wait3A_409] : memref<12x128x16xf32, #tpu.memory_space<vmem>> -> memref<1x128x16xf32, #tpu.memory_space<vmem>>
      %dma_wait3A_411 = tpu.memref_squeeze %dma_wait3A_410 : memref<1x128x16xf32, #tpu.memory_space<vmem>> -> memref<128x16xf32, #tpu.memory_space<vmem>>
      %dma_wait3A_412 = arith.constant 0 : i32
      %dma_wait3A_413 = tpu.memref_slice %arg8[%dma_wait3A_406, %dma_wait3A_412] : memref<12x128xi32, #tpu.memory_space<vmem>> -> memref<1x128xi32, #tpu.memory_space<vmem>>
      %dma_wait3A_414 = tpu.memref_squeeze %dma_wait3A_413 : memref<1x128xi32, #tpu.memory_space<vmem>> -> memref<128xi32, #tpu.memory_space<vmem>>
      %dma_wait3A_415 = arith.constant 0 : i32
      %dma_wait3A_416 = arith.constant 0 : i32
      %dma_wait3A_417 = tpu.memref_slice %arg2[%dma_wait3A_415, %dma_wait3A_416] : memref<100096x16xf32, #tpu.memory_space<hbm>> -> memref<100096x16xf32, #tpu.memory_space<hbm>>
      tpu.wait_indirect_dma semaphore(%arg11 : memref<!tpu.dma_semaphore, #tpu.memory_space<semaphore_mem>>) src(%dma_wait3A_417 : memref<100096x16xf32, #tpu.memory_space<hbm>>) dst(%dma_wait3A_411 : memref<128x16xf32, #tpu.memory_space<vmem>>)
      %dma_wait3A_418 = arith.constant 10 : i32
      %dma_wait3A_419 = arith.constant 10 : i32
      %dma_wait3A_420 = arith.constant 0 : i32
      %dma_wait3A_421 = arith.constant 0 : i32
      %dma_wait3A_422 = tpu.memref_slice %arg10[%dma_wait3A_419, %dma_wait3A_420, %dma_wait3A_421] : memref<12x128x16xf32, #tpu.memory_space<vmem>> -> memref<1x128x16xf32, #tpu.memory_space<vmem>>
      %dma_wait3A_423 = tpu.memref_squeeze %dma_wait3A_422 : memref<1x128x16xf32, #tpu.memory_space<vmem>> -> memref<128x16xf32, #tpu.memory_space<vmem>>
      %dma_wait3A_424 = arith.constant 0 : i32
      %dma_wait3A_425 = tpu.memref_slice %arg8[%dma_wait3A_418, %dma_wait3A_424] : memref<12x128xi32, #tpu.memory_space<vmem>> -> memref<1x128xi32, #tpu.memory_space<vmem>>
      %dma_wait3A_426 = tpu.memref_squeeze %dma_wait3A_425 : memref<1x128xi32, #tpu.memory_space<vmem>> -> memref<128xi32, #tpu.memory_space<vmem>>
      %dma_wait3A_427 = arith.constant 0 : i32
      %dma_wait3A_428 = arith.constant 0 : i32
      %dma_wait3A_429 = tpu.memref_slice %arg2[%dma_wait3A_427, %dma_wait3A_428] : memref<100096x16xf32, #tpu.memory_space<hbm>> -> memref<100096x16xf32, #tpu.memory_space<hbm>>
      tpu.wait_indirect_dma semaphore(%arg11 : memref<!tpu.dma_semaphore, #tpu.memory_space<semaphore_mem>>) src(%dma_wait3A_429 : memref<100096x16xf32, #tpu.memory_space<hbm>>) dst(%dma_wait3A_423 : memref<128x16xf32, #tpu.memory_space<vmem>>)
      %dma_wait3A_430 = arith.constant 11 : i32
      %dma_wait3A_431 = arith.constant 11 : i32
      %dma_wait3A_432 = arith.constant 0 : i32
      %dma_wait3A_433 = arith.constant 0 : i32
      %dma_wait3A_434 = tpu.memref_slice %arg10[%dma_wait3A_431, %dma_wait3A_432, %dma_wait3A_433] : memref<12x128x16xf32, #tpu.memory_space<vmem>> -> memref<1x128x16xf32, #tpu.memory_space<vmem>>
      %dma_wait3A_435 = tpu.memref_squeeze %dma_wait3A_434 : memref<1x128x16xf32, #tpu.memory_space<vmem>> -> memref<128x16xf32, #tpu.memory_space<vmem>>
      %dma_wait3A_436 = arith.constant 0 : i32
      %dma_wait3A_437 = tpu.memref_slice %arg8[%dma_wait3A_430, %dma_wait3A_436] : memref<12x128xi32, #tpu.memory_space<vmem>> -> memref<1x128xi32, #tpu.memory_space<vmem>>
      %dma_wait3A_438 = tpu.memref_squeeze %dma_wait3A_437 : memref<1x128xi32, #tpu.memory_space<vmem>> -> memref<128xi32, #tpu.memory_space<vmem>>
      %dma_wait3A_439 = arith.constant 0 : i32
      %dma_wait3A_440 = arith.constant 0 : i32
      %dma_wait3A_441 = tpu.memref_slice %arg2[%dma_wait3A_439, %dma_wait3A_440] : memref<100096x16xf32, #tpu.memory_space<hbm>> -> memref<100096x16xf32, #tpu.memory_space<hbm>>
      tpu.wait_indirect_dma semaphore(%arg11 : memref<!tpu.dma_semaphore, #tpu.memory_space<semaphore_mem>>) src(%dma_wait3A_441 : memref<100096x16xf32, #tpu.memory_space<hbm>>) dst(%dma_wait3A_435 : memref<128x16xf32, #tpu.memory_space<vmem>>)
      %dma_start3A_442 = arith.constant 9 : i32
      %dma_start3A_443 = arith.constant 9 : i32
      %dma_start3A_444 = arith.constant 0 : i32
      %dma_start3A_445 = arith.constant 0 : i32
      %dma_start3A_446 = tpu.memref_slice %arg10[%dma_start3A_442, %dma_start3A_444, %dma_start3A_445] : memref<12x128x16xf32, #tpu.memory_space<vmem>> -> memref<1x128x16xf32, #tpu.memory_space<vmem>>
      %dma_start3A_447 = tpu.memref_squeeze %dma_start3A_446 : memref<1x128x16xf32, #tpu.memory_space<vmem>> -> memref<128x16xf32, #tpu.memory_space<vmem>>
      %dma_start3A_448 = arith.constant 0 : i32
      %dma_start3A_449 = tpu.memref_slice %arg9[%dma_start3A_443, %dma_start3A_448] : memref<12x128xi32, #tpu.memory_space<vmem>> -> memref<1x128xi32, #tpu.memory_space<vmem>>
      %dma_start3A_450 = tpu.memref_squeeze %dma_start3A_449 : memref<1x128xi32, #tpu.memory_space<vmem>> -> memref<128xi32, #tpu.memory_space<vmem>>
      %dma_start3A_451 = arith.constant 0 : i32
      %dma_start3A_452 = arith.constant 0 : i32
      %dma_start3A_453 = tpu.memref_slice %arg6[%dma_start3A_451, %dma_start3A_452] : memref<100096x16xf32, #tpu.memory_space<vmem_shared>> -> memref<100096x16xf32, #tpu.memory_space<vmem_shared>>
      tpu.enqueue_indirect_dma source(%dma_start3A_447 : memref<128x16xf32, #tpu.memory_space<vmem>>) target(%dma_start3A_453 : memref<100096x16xf32, #tpu.memory_space<vmem_shared>>) offsets(%dma_start3A_450 : memref<128xi32, #tpu.memory_space<vmem>>) semaphore(%arg12 : memref<!tpu.dma_semaphore, #tpu.memory_space<semaphore_mem>>) {add = true}
      %dma_start3A_454 = arith.constant 10 : i32
      %dma_start3A_455 = arith.constant 10 : i32
      %dma_start3A_456 = arith.constant 0 : i32
      %dma_start3A_457 = arith.constant 0 : i32
      %dma_start3A_458 = tpu.memref_slice %arg10[%dma_start3A_454, %dma_start3A_456, %dma_start3A_457] : memref<12x128x16xf32, #tpu.memory_space<vmem>> -> memref<1x128x16xf32, #tpu.memory_space<vmem>>
      %dma_start3A_459 = tpu.memref_squeeze %dma_start3A_458 : memref<1x128x16xf32, #tpu.memory_space<vmem>> -> memref<128x16xf32, #tpu.memory_space<vmem>>
      %dma_start3A_460 = arith.constant 0 : i32
      %dma_start3A_461 = tpu.memref_slice %arg9[%dma_start3A_455, %dma_start3A_460] : memref<12x128xi32, #tpu.memory_space<vmem>> -> memref<1x128xi32, #tpu.memory_space<vmem>>
      %dma_start3A_462 = tpu.memref_squeeze %dma_start3A_461 : memref<1x128xi32, #tpu.memory_space<vmem>> -> memref<128xi32, #tpu.memory_space<vmem>>
      %dma_start3A_463 = arith.constant 0 : i32
      %dma_start3A_464 = arith.constant 0 : i32
      %dma_start3A_465 = tpu.memref_slice %arg6[%dma_start3A_463, %dma_start3A_464] : memref<100096x16xf32, #tpu.memory_space<vmem_shared>> -> memref<100096x16xf32, #tpu.memory_space<vmem_shared>>
      tpu.enqueue_indirect_dma source(%dma_start3A_459 : memref<128x16xf32, #tpu.memory_space<vmem>>) target(%dma_start3A_465 : memref<100096x16xf32, #tpu.memory_space<vmem_shared>>) offsets(%dma_start3A_462 : memref<128xi32, #tpu.memory_space<vmem>>) semaphore(%arg12 : memref<!tpu.dma_semaphore, #tpu.memory_space<semaphore_mem>>) {add = true}
      %dma_start3A_466 = arith.constant 11 : i32
      %dma_start3A_467 = arith.constant 11 : i32
      %dma_start3A_468 = arith.constant 0 : i32
      %dma_start3A_469 = arith.constant 0 : i32
      %dma_start3A_470 = tpu.memref_slice %arg10[%dma_start3A_466, %dma_start3A_468, %dma_start3A_469] : memref<12x128x16xf32, #tpu.memory_space<vmem>> -> memref<1x128x16xf32, #tpu.memory_space<vmem>>
      %dma_start3A_471 = tpu.memref_squeeze %dma_start3A_470 : memref<1x128x16xf32, #tpu.memory_space<vmem>> -> memref<128x16xf32, #tpu.memory_space<vmem>>
      %dma_start3A_472 = arith.constant 0 : i32
      %dma_start3A_473 = tpu.memref_slice %arg9[%dma_start3A_467, %dma_start3A_472] : memref<12x128xi32, #tpu.memory_space<vmem>> -> memref<1x128xi32, #tpu.memory_space<vmem>>
      %dma_start3A_474 = tpu.memref_squeeze %dma_start3A_473 : memref<1x128xi32, #tpu.memory_space<vmem>> -> memref<128xi32, #tpu.memory_space<vmem>>
      %dma_start3A_475 = arith.constant 0 : i32
      %dma_start3A_476 = arith.constant 0 : i32
      %dma_start3A_477 = tpu.memref_slice %arg6[%dma_start3A_475, %dma_start3A_476] : memref<100096x16xf32, #tpu.memory_space<vmem_shared>> -> memref<100096x16xf32, #tpu.memory_space<vmem_shared>>
      tpu.enqueue_indirect_dma source(%dma_start3A_471 : memref<128x16xf32, #tpu.memory_space<vmem>>) target(%dma_start3A_477 : memref<100096x16xf32, #tpu.memory_space<vmem_shared>>) offsets(%dma_start3A_474 : memref<128xi32, #tpu.memory_space<vmem>>) semaphore(%arg12 : memref<!tpu.dma_semaphore, #tpu.memory_space<semaphore_mem>>) {add = true}
      %dma_wait3A_478 = arith.constant 0 : i32
      %dma_wait3A_479 = arith.constant 0 : i32
      %dma_wait3A_480 = arith.constant 0 : i32
      %dma_wait3A_481 = arith.constant 0 : i32
      %dma_wait3A_482 = tpu.memref_slice %arg10[%dma_wait3A_478, %dma_wait3A_480, %dma_wait3A_481] : memref<12x128x16xf32, #tpu.memory_space<vmem>> -> memref<1x128x16xf32, #tpu.memory_space<vmem>>
      %dma_wait3A_483 = tpu.memref_squeeze %dma_wait3A_482 : memref<1x128x16xf32, #tpu.memory_space<vmem>> -> memref<128x16xf32, #tpu.memory_space<vmem>>
      %dma_wait3A_484 = arith.constant 0 : i32
      %dma_wait3A_485 = tpu.memref_slice %arg9[%dma_wait3A_479, %dma_wait3A_484] : memref<12x128xi32, #tpu.memory_space<vmem>> -> memref<1x128xi32, #tpu.memory_space<vmem>>
      %dma_wait3A_486 = tpu.memref_squeeze %dma_wait3A_485 : memref<1x128xi32, #tpu.memory_space<vmem>> -> memref<128xi32, #tpu.memory_space<vmem>>
      %dma_wait3A_487 = arith.constant 0 : i32
      %dma_wait3A_488 = arith.constant 0 : i32
      %dma_wait3A_489 = tpu.memref_slice %arg6[%dma_wait3A_487, %dma_wait3A_488] : memref<100096x16xf32, #tpu.memory_space<vmem_shared>> -> memref<100096x16xf32, #tpu.memory_space<vmem_shared>>
      tpu.wait_indirect_dma semaphore(%arg12 : memref<!tpu.dma_semaphore, #tpu.memory_space<semaphore_mem>>) src(%dma_wait3A_483 : memref<128x16xf32, #tpu.memory_space<vmem>>) dst(%dma_wait3A_489 : memref<100096x16xf32, #tpu.memory_space<vmem_shared>>)
      %dma_wait3A_490 = arith.constant 1 : i32
      %dma_wait3A_491 = arith.constant 1 : i32
      %dma_wait3A_492 = arith.constant 0 : i32
      %dma_wait3A_493 = arith.constant 0 : i32
      %dma_wait3A_494 = tpu.memref_slice %arg10[%dma_wait3A_490, %dma_wait3A_492, %dma_wait3A_493] : memref<12x128x16xf32, #tpu.memory_space<vmem>> -> memref<1x128x16xf32, #tpu.memory_space<vmem>>
      %dma_wait3A_495 = tpu.memref_squeeze %dma_wait3A_494 : memref<1x128x16xf32, #tpu.memory_space<vmem>> -> memref<128x16xf32, #tpu.memory_space<vmem>>
      %dma_wait3A_496 = arith.constant 0 : i32
      %dma_wait3A_497 = tpu.memref_slice %arg9[%dma_wait3A_491, %dma_wait3A_496] : memref<12x128xi32, #tpu.memory_space<vmem>> -> memref<1x128xi32, #tpu.memory_space<vmem>>
      %dma_wait3A_498 = tpu.memref_squeeze %dma_wait3A_497 : memref<1x128xi32, #tpu.memory_space<vmem>> -> memref<128xi32, #tpu.memory_space<vmem>>
      %dma_wait3A_499 = arith.constant 0 : i32
      %dma_wait3A_500 = arith.constant 0 : i32
      %dma_wait3A_501 = tpu.memref_slice %arg6[%dma_wait3A_499, %dma_wait3A_500] : memref<100096x16xf32, #tpu.memory_space<vmem_shared>> -> memref<100096x16xf32, #tpu.memory_space<vmem_shared>>
      tpu.wait_indirect_dma semaphore(%arg12 : memref<!tpu.dma_semaphore, #tpu.memory_space<semaphore_mem>>) src(%dma_wait3A_495 : memref<128x16xf32, #tpu.memory_space<vmem>>) dst(%dma_wait3A_501 : memref<100096x16xf32, #tpu.memory_space<vmem_shared>>)
      %dma_wait3A_502 = arith.constant 2 : i32
      %dma_wait3A_503 = arith.constant 2 : i32
      %dma_wait3A_504 = arith.constant 0 : i32
      %dma_wait3A_505 = arith.constant 0 : i32
      %dma_wait3A_506 = tpu.memref_slice %arg10[%dma_wait3A_502, %dma_wait3A_504, %dma_wait3A_505] : memref<12x128x16xf32, #tpu.memory_space<vmem>> -> memref<1x128x16xf32, #tpu.memory_space<vmem>>
      %dma_wait3A_507 = tpu.memref_squeeze %dma_wait3A_506 : memref<1x128x16xf32, #tpu.memory_space<vmem>> -> memref<128x16xf32, #tpu.memory_space<vmem>>
      %dma_wait3A_508 = arith.constant 0 : i32
      %dma_wait3A_509 = tpu.memref_slice %arg9[%dma_wait3A_503, %dma_wait3A_508] : memref<12x128xi32, #tpu.memory_space<vmem>> -> memref<1x128xi32, #tpu.memory_space<vmem>>
      %dma_wait3A_510 = tpu.memref_squeeze %dma_wait3A_509 : memref<1x128xi32, #tpu.memory_space<vmem>> -> memref<128xi32, #tpu.memory_space<vmem>>
      %dma_wait3A_511 = arith.constant 0 : i32
      %dma_wait3A_512 = arith.constant 0 : i32
      %dma_wait3A_513 = tpu.memref_slice %arg6[%dma_wait3A_511, %dma_wait3A_512] : memref<100096x16xf32, #tpu.memory_space<vmem_shared>> -> memref<100096x16xf32, #tpu.memory_space<vmem_shared>>
      tpu.wait_indirect_dma semaphore(%arg12 : memref<!tpu.dma_semaphore, #tpu.memory_space<semaphore_mem>>) src(%dma_wait3A_507 : memref<128x16xf32, #tpu.memory_space<vmem>>) dst(%dma_wait3A_513 : memref<100096x16xf32, #tpu.memory_space<vmem_shared>>)
      %dma_wait3A_514 = arith.constant 3 : i32
      %dma_wait3A_515 = arith.constant 3 : i32
      %dma_wait3A_516 = arith.constant 0 : i32
      %dma_wait3A_517 = arith.constant 0 : i32
      %dma_wait3A_518 = tpu.memref_slice %arg10[%dma_wait3A_514, %dma_wait3A_516, %dma_wait3A_517] : memref<12x128x16xf32, #tpu.memory_space<vmem>> -> memref<1x128x16xf32, #tpu.memory_space<vmem>>
      %dma_wait3A_519 = tpu.memref_squeeze %dma_wait3A_518 : memref<1x128x16xf32, #tpu.memory_space<vmem>> -> memref<128x16xf32, #tpu.memory_space<vmem>>
      %dma_wait3A_520 = arith.constant 0 : i32
      %dma_wait3A_521 = tpu.memref_slice %arg9[%dma_wait3A_515, %dma_wait3A_520] : memref<12x128xi32, #tpu.memory_space<vmem>> -> memref<1x128xi32, #tpu.memory_space<vmem>>
      %dma_wait3A_522 = tpu.memref_squeeze %dma_wait3A_521 : memref<1x128xi32, #tpu.memory_space<vmem>> -> memref<128xi32, #tpu.memory_space<vmem>>
      %dma_wait3A_523 = arith.constant 0 : i32
      %dma_wait3A_524 = arith.constant 0 : i32
      %dma_wait3A_525 = tpu.memref_slice %arg6[%dma_wait3A_523, %dma_wait3A_524] : memref<100096x16xf32, #tpu.memory_space<vmem_shared>> -> memref<100096x16xf32, #tpu.memory_space<vmem_shared>>
      tpu.wait_indirect_dma semaphore(%arg12 : memref<!tpu.dma_semaphore, #tpu.memory_space<semaphore_mem>>) src(%dma_wait3A_519 : memref<128x16xf32, #tpu.memory_space<vmem>>) dst(%dma_wait3A_525 : memref<100096x16xf32, #tpu.memory_space<vmem_shared>>)
      %dma_wait3A_526 = arith.constant 4 : i32
      %dma_wait3A_527 = arith.constant 4 : i32
      %dma_wait3A_528 = arith.constant 0 : i32
      %dma_wait3A_529 = arith.constant 0 : i32
      %dma_wait3A_530 = tpu.memref_slice %arg10[%dma_wait3A_526, %dma_wait3A_528, %dma_wait3A_529] : memref<12x128x16xf32, #tpu.memory_space<vmem>> -> memref<1x128x16xf32, #tpu.memory_space<vmem>>
      %dma_wait3A_531 = tpu.memref_squeeze %dma_wait3A_530 : memref<1x128x16xf32, #tpu.memory_space<vmem>> -> memref<128x16xf32, #tpu.memory_space<vmem>>
      %dma_wait3A_532 = arith.constant 0 : i32
      %dma_wait3A_533 = tpu.memref_slice %arg9[%dma_wait3A_527, %dma_wait3A_532] : memref<12x128xi32, #tpu.memory_space<vmem>> -> memref<1x128xi32, #tpu.memory_space<vmem>>
      %dma_wait3A_534 = tpu.memref_squeeze %dma_wait3A_533 : memref<1x128xi32, #tpu.memory_space<vmem>> -> memref<128xi32, #tpu.memory_space<vmem>>
      %dma_wait3A_535 = arith.constant 0 : i32
      %dma_wait3A_536 = arith.constant 0 : i32
      %dma_wait3A_537 = tpu.memref_slice %arg6[%dma_wait3A_535, %dma_wait3A_536] : memref<100096x16xf32, #tpu.memory_space<vmem_shared>> -> memref<100096x16xf32, #tpu.memory_space<vmem_shared>>
      tpu.wait_indirect_dma semaphore(%arg12 : memref<!tpu.dma_semaphore, #tpu.memory_space<semaphore_mem>>) src(%dma_wait3A_531 : memref<128x16xf32, #tpu.memory_space<vmem>>) dst(%dma_wait3A_537 : memref<100096x16xf32, #tpu.memory_space<vmem_shared>>)
      %dma_wait3A_538 = arith.constant 5 : i32
      %dma_wait3A_539 = arith.constant 5 : i32
      %dma_wait3A_540 = arith.constant 0 : i32
      %dma_wait3A_541 = arith.constant 0 : i32
      %dma_wait3A_542 = tpu.memref_slice %arg10[%dma_wait3A_538, %dma_wait3A_540, %dma_wait3A_541] : memref<12x128x16xf32, #tpu.memory_space<vmem>> -> memref<1x128x16xf32, #tpu.memory_space<vmem>>
      %dma_wait3A_543 = tpu.memref_squeeze %dma_wait3A_542 : memref<1x128x16xf32, #tpu.memory_space<vmem>> -> memref<128x16xf32, #tpu.memory_space<vmem>>
      %dma_wait3A_544 = arith.constant 0 : i32
      %dma_wait3A_545 = tpu.memref_slice %arg9[%dma_wait3A_539, %dma_wait3A_544] : memref<12x128xi32, #tpu.memory_space<vmem>> -> memref<1x128xi32, #tpu.memory_space<vmem>>
      %dma_wait3A_546 = tpu.memref_squeeze %dma_wait3A_545 : memref<1x128xi32, #tpu.memory_space<vmem>> -> memref<128xi32, #tpu.memory_space<vmem>>
      %dma_wait3A_547 = arith.constant 0 : i32
      %dma_wait3A_548 = arith.constant 0 : i32
      %dma_wait3A_549 = tpu.memref_slice %arg6[%dma_wait3A_547, %dma_wait3A_548] : memref<100096x16xf32, #tpu.memory_space<vmem_shared>> -> memref<100096x16xf32, #tpu.memory_space<vmem_shared>>
      tpu.wait_indirect_dma semaphore(%arg12 : memref<!tpu.dma_semaphore, #tpu.memory_space<semaphore_mem>>) src(%dma_wait3A_543 : memref<128x16xf32, #tpu.memory_space<vmem>>) dst(%dma_wait3A_549 : memref<100096x16xf32, #tpu.memory_space<vmem_shared>>)
      %dma_wait3A_550 = arith.constant 6 : i32
      %dma_wait3A_551 = arith.constant 6 : i32
      %dma_wait3A_552 = arith.constant 0 : i32
      %dma_wait3A_553 = arith.constant 0 : i32
      %dma_wait3A_554 = tpu.memref_slice %arg10[%dma_wait3A_550, %dma_wait3A_552, %dma_wait3A_553] : memref<12x128x16xf32, #tpu.memory_space<vmem>> -> memref<1x128x16xf32, #tpu.memory_space<vmem>>
      %dma_wait3A_555 = tpu.memref_squeeze %dma_wait3A_554 : memref<1x128x16xf32, #tpu.memory_space<vmem>> -> memref<128x16xf32, #tpu.memory_space<vmem>>
      %dma_wait3A_556 = arith.constant 0 : i32
      %dma_wait3A_557 = tpu.memref_slice %arg9[%dma_wait3A_551, %dma_wait3A_556] : memref<12x128xi32, #tpu.memory_space<vmem>> -> memref<1x128xi32, #tpu.memory_space<vmem>>
      %dma_wait3A_558 = tpu.memref_squeeze %dma_wait3A_557 : memref<1x128xi32, #tpu.memory_space<vmem>> -> memref<128xi32, #tpu.memory_space<vmem>>
      %dma_wait3A_559 = arith.constant 0 : i32
      %dma_wait3A_560 = arith.constant 0 : i32
      %dma_wait3A_561 = tpu.memref_slice %arg6[%dma_wait3A_559, %dma_wait3A_560] : memref<100096x16xf32, #tpu.memory_space<vmem_shared>> -> memref<100096x16xf32, #tpu.memory_space<vmem_shared>>
      tpu.wait_indirect_dma semaphore(%arg12 : memref<!tpu.dma_semaphore, #tpu.memory_space<semaphore_mem>>) src(%dma_wait3A_555 : memref<128x16xf32, #tpu.memory_space<vmem>>) dst(%dma_wait3A_561 : memref<100096x16xf32, #tpu.memory_space<vmem_shared>>)
      %dma_wait3A_562 = arith.constant 7 : i32
      %dma_wait3A_563 = arith.constant 7 : i32
      %dma_wait3A_564 = arith.constant 0 : i32
      %dma_wait3A_565 = arith.constant 0 : i32
      %dma_wait3A_566 = tpu.memref_slice %arg10[%dma_wait3A_562, %dma_wait3A_564, %dma_wait3A_565] : memref<12x128x16xf32, #tpu.memory_space<vmem>> -> memref<1x128x16xf32, #tpu.memory_space<vmem>>
      %dma_wait3A_567 = tpu.memref_squeeze %dma_wait3A_566 : memref<1x128x16xf32, #tpu.memory_space<vmem>> -> memref<128x16xf32, #tpu.memory_space<vmem>>
      %dma_wait3A_568 = arith.constant 0 : i32
      %dma_wait3A_569 = tpu.memref_slice %arg9[%dma_wait3A_563, %dma_wait3A_568] : memref<12x128xi32, #tpu.memory_space<vmem>> -> memref<1x128xi32, #tpu.memory_space<vmem>>
      %dma_wait3A_570 = tpu.memref_squeeze %dma_wait3A_569 : memref<1x128xi32, #tpu.memory_space<vmem>> -> memref<128xi32, #tpu.memory_space<vmem>>
      %dma_wait3A_571 = arith.constant 0 : i32
      %dma_wait3A_572 = arith.constant 0 : i32
      %dma_wait3A_573 = tpu.memref_slice %arg6[%dma_wait3A_571, %dma_wait3A_572] : memref<100096x16xf32, #tpu.memory_space<vmem_shared>> -> memref<100096x16xf32, #tpu.memory_space<vmem_shared>>
      tpu.wait_indirect_dma semaphore(%arg12 : memref<!tpu.dma_semaphore, #tpu.memory_space<semaphore_mem>>) src(%dma_wait3A_567 : memref<128x16xf32, #tpu.memory_space<vmem>>) dst(%dma_wait3A_573 : memref<100096x16xf32, #tpu.memory_space<vmem_shared>>)
      %dma_wait3A_574 = arith.constant 8 : i32
      %dma_wait3A_575 = arith.constant 8 : i32
      %dma_wait3A_576 = arith.constant 0 : i32
      %dma_wait3A_577 = arith.constant 0 : i32
      %dma_wait3A_578 = tpu.memref_slice %arg10[%dma_wait3A_574, %dma_wait3A_576, %dma_wait3A_577] : memref<12x128x16xf32, #tpu.memory_space<vmem>> -> memref<1x128x16xf32, #tpu.memory_space<vmem>>
      %dma_wait3A_579 = tpu.memref_squeeze %dma_wait3A_578 : memref<1x128x16xf32, #tpu.memory_space<vmem>> -> memref<128x16xf32, #tpu.memory_space<vmem>>
      %dma_wait3A_580 = arith.constant 0 : i32
      %dma_wait3A_581 = tpu.memref_slice %arg9[%dma_wait3A_575, %dma_wait3A_580] : memref<12x128xi32, #tpu.memory_space<vmem>> -> memref<1x128xi32, #tpu.memory_space<vmem>>
      %dma_wait3A_582 = tpu.memref_squeeze %dma_wait3A_581 : memref<1x128xi32, #tpu.memory_space<vmem>> -> memref<128xi32, #tpu.memory_space<vmem>>
      %dma_wait3A_583 = arith.constant 0 : i32
      %dma_wait3A_584 = arith.constant 0 : i32
      %dma_wait3A_585 = tpu.memref_slice %arg6[%dma_wait3A_583, %dma_wait3A_584] : memref<100096x16xf32, #tpu.memory_space<vmem_shared>> -> memref<100096x16xf32, #tpu.memory_space<vmem_shared>>
      tpu.wait_indirect_dma semaphore(%arg12 : memref<!tpu.dma_semaphore, #tpu.memory_space<semaphore_mem>>) src(%dma_wait3A_579 : memref<128x16xf32, #tpu.memory_space<vmem>>) dst(%dma_wait3A_585 : memref<100096x16xf32, #tpu.memory_space<vmem_shared>>)
      %dma_wait3A_586 = arith.constant 9 : i32
      %dma_wait3A_587 = arith.constant 9 : i32
      %dma_wait3A_588 = arith.constant 0 : i32
      %dma_wait3A_589 = arith.constant 0 : i32
      %dma_wait3A_590 = tpu.memref_slice %arg10[%dma_wait3A_586, %dma_wait3A_588, %dma_wait3A_589] : memref<12x128x16xf32, #tpu.memory_space<vmem>> -> memref<1x128x16xf32, #tpu.memory_space<vmem>>
      %dma_wait3A_591 = tpu.memref_squeeze %dma_wait3A_590 : memref<1x128x16xf32, #tpu.memory_space<vmem>> -> memref<128x16xf32, #tpu.memory_space<vmem>>
      %dma_wait3A_592 = arith.constant 0 : i32
      %dma_wait3A_593 = tpu.memref_slice %arg9[%dma_wait3A_587, %dma_wait3A_592] : memref<12x128xi32, #tpu.memory_space<vmem>> -> memref<1x128xi32, #tpu.memory_space<vmem>>
      %dma_wait3A_594 = tpu.memref_squeeze %dma_wait3A_593 : memref<1x128xi32, #tpu.memory_space<vmem>> -> memref<128xi32, #tpu.memory_space<vmem>>
      %dma_wait3A_595 = arith.constant 0 : i32
      %dma_wait3A_596 = arith.constant 0 : i32
      %dma_wait3A_597 = tpu.memref_slice %arg6[%dma_wait3A_595, %dma_wait3A_596] : memref<100096x16xf32, #tpu.memory_space<vmem_shared>> -> memref<100096x16xf32, #tpu.memory_space<vmem_shared>>
      tpu.wait_indirect_dma semaphore(%arg12 : memref<!tpu.dma_semaphore, #tpu.memory_space<semaphore_mem>>) src(%dma_wait3A_591 : memref<128x16xf32, #tpu.memory_space<vmem>>) dst(%dma_wait3A_597 : memref<100096x16xf32, #tpu.memory_space<vmem_shared>>)
      %dma_wait3A_598 = arith.constant 10 : i32
      %dma_wait3A_599 = arith.constant 10 : i32
      %dma_wait3A_600 = arith.constant 0 : i32
      %dma_wait3A_601 = arith.constant 0 : i32
      %dma_wait3A_602 = tpu.memref_slice %arg10[%dma_wait3A_598, %dma_wait3A_600, %dma_wait3A_601] : memref<12x128x16xf32, #tpu.memory_space<vmem>> -> memref<1x128x16xf32, #tpu.memory_space<vmem>>
      %dma_wait3A_603 = tpu.memref_squeeze %dma_wait3A_602 : memref<1x128x16xf32, #tpu.memory_space<vmem>> -> memref<128x16xf32, #tpu.memory_space<vmem>>
      %dma_wait3A_604 = arith.constant 0 : i32
      %dma_wait3A_605 = tpu.memref_slice %arg9[%dma_wait3A_599, %dma_wait3A_604] : memref<12x128xi32, #tpu.memory_space<vmem>> -> memref<1x128xi32, #tpu.memory_space<vmem>>
      %dma_wait3A_606 = tpu.memref_squeeze %dma_wait3A_605 : memref<1x128xi32, #tpu.memory_space<vmem>> -> memref<128xi32, #tpu.memory_space<vmem>>
      %dma_wait3A_607 = arith.constant 0 : i32
      %dma_wait3A_608 = arith.constant 0 : i32
      %dma_wait3A_609 = tpu.memref_slice %arg6[%dma_wait3A_607, %dma_wait3A_608] : memref<100096x16xf32, #tpu.memory_space<vmem_shared>> -> memref<100096x16xf32, #tpu.memory_space<vmem_shared>>
      tpu.wait_indirect_dma semaphore(%arg12 : memref<!tpu.dma_semaphore, #tpu.memory_space<semaphore_mem>>) src(%dma_wait3A_603 : memref<128x16xf32, #tpu.memory_space<vmem>>) dst(%dma_wait3A_609 : memref<100096x16xf32, #tpu.memory_space<vmem_shared>>)
      %dma_wait3A_610 = arith.constant 11 : i32
      %dma_wait3A_611 = arith.constant 11 : i32
      %dma_wait3A_612 = arith.constant 0 : i32
      %dma_wait3A_613 = arith.constant 0 : i32
      %dma_wait3A_614 = tpu.memref_slice %arg10[%dma_wait3A_610, %dma_wait3A_612, %dma_wait3A_613] : memref<12x128x16xf32, #tpu.memory_space<vmem>> -> memref<1x128x16xf32, #tpu.memory_space<vmem>>
      %dma_wait3A_615 = tpu.memref_squeeze %dma_wait3A_614 : memref<1x128x16xf32, #tpu.memory_space<vmem>> -> memref<128x16xf32, #tpu.memory_space<vmem>>
      %dma_wait3A_616 = arith.constant 0 : i32
      %dma_wait3A_617 = tpu.memref_slice %arg9[%dma_wait3A_611, %dma_wait3A_616] : memref<12x128xi32, #tpu.memory_space<vmem>> -> memref<1x128xi32, #tpu.memory_space<vmem>>
      %dma_wait3A_618 = tpu.memref_squeeze %dma_wait3A_617 : memref<1x128xi32, #tpu.memory_space<vmem>> -> memref<128xi32, #tpu.memory_space<vmem>>
      %dma_wait3A_619 = arith.constant 0 : i32
      %dma_wait3A_620 = arith.constant 0 : i32
      %dma_wait3A_621 = tpu.memref_slice %arg6[%dma_wait3A_619, %dma_wait3A_620] : memref<100096x16xf32, #tpu.memory_space<vmem_shared>> -> memref<100096x16xf32, #tpu.memory_space<vmem_shared>>
      tpu.wait_indirect_dma semaphore(%arg12 : memref<!tpu.dma_semaphore, #tpu.memory_space<semaphore_mem>>) src(%dma_wait3A_615 : memref<128x16xf32, #tpu.memory_space<vmem>>) dst(%dma_wait3A_621 : memref<100096x16xf32, #tpu.memory_space<vmem_shared>>)
    }
    %scan3A_18 = arith.constant 131 : i32
    %barrier3A_19 = arith.constant 0 : index
    tpu.barrier barrier_id(%barrier3A_19)
    %scan3A_20 = arith.constant 0 : i32
    %scan3A_21 = arith.constant 0 : i32
    %scan3A_22 = arith.constant 49 : i32
    %scan3A_23 = arith.addi %scan3A_21, %scan3A_22 : i32
    %scan3A_24 = arith.constant 1 : i32
    scf.for %scan3A_26 = %scan3A_21 to %scan3A_23 step %scan3A_24  : i32 {
      %mul3A_27 = arith.constant 16 : i32
      %mul3A_28 = arith.muli %scan3A_26, %mul3A_27 : i32
      %add3A_29 = arith.addi %arg1, %mul3A_28 : i32
      %lt3A = arith.constant 782 : i32
      %lt3A_30 = arith.cmpi slt, %add3A_29, %lt3A : i32
      %convert_element_type3A = arith.extui %lt3A_30 : i1 to i32
      %cond3A = arith.constant 0 : i32
      %cond3A_31 = arith.cmpi ne, %convert_element_type3A, %cond3A : i32
      scf.if %cond3A_31 {
        %mul3A_32 = arith.constant 128 : i32
        %mul3A_33 = arith.muli %add3A_29, %mul3A_32 : i32
        "tpu.region"() ({
          %run_scoped3A = tpu.sem_alloc : memref<!tpu.dma_semaphore, #tpu.memory_space<semaphore_mem>>
          %dma_start3A = arith.constant 0 : i32
          %dma_start3A_36 = tpu.memref_slice %arg6[%mul3A_33, %dma_start3A] : memref<100096x16xf32, #tpu.memory_space<vmem_shared>> -> memref<128x16xf32, #tpu.memory_space<vmem_shared>>
          %dma_start3A_37 = arith.constant 0 : i32
          %dma_start3A_38 = tpu.memref_slice %arg6[%mul3A_33, %dma_start3A_37] : memref<100096x16xf32, #tpu.memory_space<vmem_shared>> -> memref<128x16xf32, #tpu.memory_space<vmem_shared>>
          tpu.enqueue_dma source(%dma_start3A_38 : memref<128x16xf32, #tpu.memory_space<vmem_shared>>) target(%arg7 : memref<128x16xf32, #tpu.memory_space<vmem>>) target_semaphore(%run_scoped3A : memref<!tpu.dma_semaphore, #tpu.memory_space<semaphore_mem>>)
          %dma_wait3A = arith.constant 0 : i32
          %dma_wait3A_39 = tpu.memref_slice %arg6[%mul3A_33, %dma_wait3A] : memref<100096x16xf32, #tpu.memory_space<vmem_shared>> -> memref<128x16xf32, #tpu.memory_space<vmem_shared>>
          %dma_wait3A_40 = arith.constant 0 : i32
          %dma_wait3A_41 = tpu.memref_slice %arg6[%mul3A_33, %dma_wait3A_40] : memref<100096x16xf32, #tpu.memory_space<vmem_shared>> -> memref<128x16xf32, #tpu.memory_space<vmem_shared>>
          tpu.wait_dma2 semaphore(%run_scoped3A : memref<!tpu.dma_semaphore, #tpu.memory_space<semaphore_mem>>) src(%dma_wait3A_41 : memref<128x16xf32, #tpu.memory_space<vmem_shared>>) dst(%arg7 : memref<128x16xf32, #tpu.memory_space<vmem>>)
          tpu.yield
        }) : () -> ()
        %mul3A_34 = arith.constant 128 : i32
        %mul3A_35 = arith.muli %add3A_29, %mul3A_34 : i32
        "tpu.region"() ({
          %run_scoped3A = tpu.sem_alloc : memref<!tpu.dma_semaphore, #tpu.memory_space<semaphore_mem>>
          %dma_start3A = arith.constant 0 : i32
          %dma_start3A_36 = tpu.memref_slice %arg5[%arg0, %mul3A_35, %dma_start3A] : memref<2x100096x16xf32, #tpu.memory_space<hbm>> -> memref<1x128x16xf32, #tpu.memory_space<hbm>>
          %dma_start3A_37 = tpu.memref_squeeze %dma_start3A_36 : memref<1x128x16xf32, #tpu.memory_space<hbm>> -> memref<128x16xf32, #tpu.memory_space<hbm>>
          %dma_start3A_38 = arith.constant 0 : i32
          %dma_start3A_39 = tpu.memref_slice %arg5[%arg0, %mul3A_35, %dma_start3A_38] : memref<2x100096x16xf32, #tpu.memory_space<hbm>> -> memref<1x128x16xf32, #tpu.memory_space<hbm>>
          %dma_start3A_40 = tpu.memref_squeeze %dma_start3A_39 : memref<1x128x16xf32, #tpu.memory_space<hbm>> -> memref<128x16xf32, #tpu.memory_space<hbm>>
          tpu.enqueue_dma source(%arg7 : memref<128x16xf32, #tpu.memory_space<vmem>>) target(%dma_start3A_40 : memref<128x16xf32, #tpu.memory_space<hbm>>) target_semaphore(%run_scoped3A : memref<!tpu.dma_semaphore, #tpu.memory_space<semaphore_mem>>)
          %dma_wait3A = arith.constant 0 : i32
          %dma_wait3A_41 = tpu.memref_slice %arg5[%arg0, %mul3A_35, %dma_wait3A] : memref<2x100096x16xf32, #tpu.memory_space<hbm>> -> memref<1x128x16xf32, #tpu.memory_space<hbm>>
          %dma_wait3A_42 = tpu.memref_squeeze %dma_wait3A_41 : memref<1x128x16xf32, #tpu.memory_space<hbm>> -> memref<128x16xf32, #tpu.memory_space<hbm>>
          %dma_wait3A_43 = arith.constant 0 : i32
          %dma_wait3A_44 = tpu.memref_slice %arg5[%arg0, %mul3A_35, %dma_wait3A_43] : memref<2x100096x16xf32, #tpu.memory_space<hbm>> -> memref<1x128x16xf32, #tpu.memory_space<hbm>>
          %dma_wait3A_45 = tpu.memref_squeeze %dma_wait3A_44 : memref<1x128x16xf32, #tpu.memory_space<hbm>> -> memref<128x16xf32, #tpu.memory_space<hbm>>
          tpu.wait_dma2 semaphore(%run_scoped3A : memref<!tpu.dma_semaphore, #tpu.memory_space<semaphore_mem>>) src(%arg7 : memref<128x16xf32, #tpu.memory_space<vmem>>) dst(%dma_wait3A_45 : memref<128x16xf32, #tpu.memory_space<hbm>>)
          tpu.yield
        }) : () -> ()
      } else {
      }
    }
    %scan3A_25 = arith.constant 49 : i32
    return
  }
}

module attributes {stable_mosaic.version = 14 : i64} {
  func.func @body(%arg0: i32, %arg1: memref<2x5888xf32, #tpu.memory_space<vmem>>, %arg2: memref<5888x8xf32, #tpu.memory_space<vmem>>, %arg3: memref<8x16xf32, #tpu.memory_space<vmem>>, %arg4: memref<5888x1xf32, #tpu.memory_space<vmem>>, %arg5: memref<5888x16xf32, #tpu.memory_space<vmem>>) attributes {dimension_semantics = [#tpu.dimension_semantics<arbitrary>], iteration_bounds = array<i64: 17>, scalar_prefetch = 0 : i64, scratch_operands = 0 : i64, tpu.core_type = #tpu.core_type<tc>, window_params = [{transform_indices = @transform_0, window_bounds = array<i64: 2, 5888>}, {transform_indices = @transform_1, window_bounds = array<i64: 5888, 8>}, {pipeline_mode = #tpu.pipeline_mode<synchronous>, transform_indices = @transform_2, window_bounds = array<i64: 8, 16>}, {transform_indices = @transform_3, window_bounds = array<i64: 5888, 1>}, {transform_indices = @transform_4, window_bounds = array<i64: 5888, 16>}]} {
    %get3A = arith.constant 0 : index
    %get3A_0 = arith.constant 0 : index
    %get3A_1 = vector.load %arg1[%get3A, %get3A_0] : memref<2x5888xf32, #tpu.memory_space<vmem>>, vector<2x5888xf32>
    %reduce_sum3A = arith.constant dense<0.000000e+00> : vector<5888xf32>
    %reduce_sum3A_2 = vector.multi_reduction <add>, %get3A_1, %reduce_sum3A [0] : vector<2x5888xf32> to vector<5888xf32>
    %add3A = arith.constant 1.000000e+00 : f32
    %add3A_3 = vector.broadcast %add3A : f32 to vector<5888xf32>
    %add3A_4 = arith.addf %reduce_sum3A_2, %add3A_3 : vector<5888xf32>
    %rsqrt3A = math.rsqrt %add3A_4 : vector<5888xf32>
    %broadcast_in_dim3A = vector.shape_cast %rsqrt3A : vector<5888xf32> to vector<5888x1xf32>
    %get3A_5 = arith.constant 0 : index
    %get3A_6 = arith.constant 0 : index
    %get3A_7 = vector.load %arg2[%get3A_5, %get3A_6] : memref<5888x8xf32, #tpu.memory_space<vmem>>, vector<5888x8xf32>
    %get3A_8 = arith.constant 0 : index
    %get3A_9 = arith.constant 0 : index
    %get3A_10 = vector.load %arg3[%get3A_8, %get3A_9] : memref<8x16xf32, #tpu.memory_space<vmem>>, vector<8x16xf32>
    %dot_general3A = arith.constant dense<0.000000e+00> : vector<5888x16xf32>
    %dot_general3A_11 = tpu.matmul %get3A_7, %get3A_10, %dot_general3A {dimension_numbers = #tpu.dot_dimension_numbers<[1], [0], [0], [1], [0, 0, 1, 1], [], []>, transpose_lhs_hint = false} : vector<5888x8xf32>, vector<8x16xf32>, vector<5888x16xf32> -> vector<5888x16xf32>
    %swap3A = arith.constant 0 : index
    %swap3A_12 = arith.constant 0 : index
    %swap3A_13 = vector.load %arg4[%swap3A, %swap3A_12] : memref<5888x1xf32, #tpu.memory_space<vmem>>, vector<5888x1xf32>
    tpu.vector_store %arg4[%swap3A, %swap3A_12], %broadcast_in_dim3A {strides = array<i32>} : memref<5888x1xf32, #tpu.memory_space<vmem>>, vector<5888x1xf32>,
    %mul3A = vector.broadcast %broadcast_in_dim3A : vector<5888x1xf32> to vector<5888x16xf32>
    %mul3A_14 = arith.mulf %dot_general3A_11, %mul3A : vector<5888x16xf32>
    %swap3A_15 = arith.constant 0 : index
    %swap3A_16 = arith.constant 0 : index
    %swap3A_17 = vector.load %arg5[%swap3A_15, %swap3A_16] : memref<5888x16xf32, #tpu.memory_space<vmem>>, vector<5888x16xf32>
    tpu.vector_store %arg5[%swap3A_15, %swap3A_16], %mul3A_14 {strides = array<i32>} : memref<5888x16xf32, #tpu.memory_space<vmem>>, vector<5888x16xf32>,
    return
  }
  func.func @transform_0(%arg0: i32) -> (i32, i32) {
    %c0_i32 = arith.constant 0 : i32
    %c0_i32_0 = arith.constant 0 : i32
    return %c0_i32, %arg0 : i32, i32
  }
  func.func @transform_1(%arg0: i32) -> (i32, i32) {
    %c0_i32 = arith.constant 0 : i32
    %c0_i32_0 = arith.constant 0 : i32
    return %arg0, %c0_i32 : i32, i32
  }
  func.func @transform_2(%arg0: i32) -> (i32, i32) {
    %c0_i32 = arith.constant 0 : i32
    %c0_i32_0 = arith.constant 0 : i32
    %c0_i32_1 = arith.constant 0 : i32
    return %c0_i32, %c0_i32_0 : i32, i32
  }
  func.func @transform_3(%arg0: i32) -> (i32, i32) {
    %c0_i32 = arith.constant 0 : i32
    %c0_i32_0 = arith.constant 0 : i32
    return %arg0, %c0_i32 : i32, i32
  }
  func.func @transform_4(%arg0: i32) -> (i32, i32) {
    %c0_i32 = arith.constant 0 : i32
    %c0_i32_0 = arith.constant 0 : i32
    return %arg0, %c0_i32 : i32, i32
  }
}

module attributes {stable_mosaic.version = 14 : i64} {
  func.func @body(%arg0: i32, %arg1: memref<2x5888x16xf32, #tpu.memory_space<vmem>>, %arg2: memref<5888x16xf32, #tpu.memory_space<vmem>>, %arg3: memref<5888x1xf32, #tpu.memory_space<vmem>>, %arg4: memref<1x16xf32, #tpu.memory_space<vmem>>, %arg5: memref<16x16xf32, #tpu.memory_space<vmem>>, %arg6: memref<5888x16xf32, #tpu.memory_space<vmem>>) attributes {dimension_semantics = [#tpu.dimension_semantics<arbitrary>], iteration_bounds = array<i64: 17>, scalar_prefetch = 0 : i64, scratch_operands = 0 : i64, tpu.core_type = #tpu.core_type<tc>, window_params = [{transform_indices = @transform_0, window_bounds = array<i64: 2, 5888, 16>}, {transform_indices = @transform_1, window_bounds = array<i64: 5888, 16>}, {transform_indices = @transform_2, window_bounds = array<i64: 5888, 1>}, {pipeline_mode = #tpu.pipeline_mode<synchronous>, transform_indices = @transform_3, window_bounds = array<i64: 1, 16>}, {pipeline_mode = #tpu.pipeline_mode<synchronous>, transform_indices = @transform_4, window_bounds = array<i64: 16, 16>}, {transform_indices = @transform_5, window_bounds = array<i64: 5888, 16>}]} {
    %get3A = arith.constant 0 : index
    %get3A_0 = arith.constant 0 : index
    %get3A_1 = vector.load %arg3[%get3A, %get3A_0] : memref<5888x1xf32, #tpu.memory_space<vmem>>, vector<5888x1xf32>
    %get3A_2 = arith.constant 0 : index
    %get3A_3 = arith.constant 0 : index
    %get3A_4 = arith.constant 0 : index
    %get3A_5 = vector.load %arg1[%get3A_2, %get3A_3, %get3A_4] : memref<2x5888x16xf32, #tpu.memory_space<vmem>>, vector<1x5888x16xf32>
    %get3A_6 = vector.shape_cast %get3A_5 : vector<1x5888x16xf32> to vector<5888x16xf32>
    %get3A_7 = arith.constant 1 : index
    %get3A_8 = arith.constant 0 : index
    %get3A_9 = arith.constant 0 : index
    %get3A_10 = vector.load %arg1[%get3A_7, %get3A_8, %get3A_9] : memref<2x5888x16xf32, #tpu.memory_space<vmem>>, vector<1x5888x16xf32>
    %get3A_11 = vector.shape_cast %get3A_10 : vector<1x5888x16xf32> to vector<5888x16xf32>
    %add3A = arith.addf %get3A_6, %get3A_11 : vector<5888x16xf32>
    %get3A_12 = arith.constant 0 : index
    %get3A_13 = arith.constant 0 : index
    %get3A_14 = vector.load %arg2[%get3A_12, %get3A_13] : memref<5888x16xf32, #tpu.memory_space<vmem>>, vector<5888x16xf32>
    %add3A_15 = arith.addf %add3A, %get3A_14 : vector<5888x16xf32>
    %mul3A = vector.broadcast %get3A_1 : vector<5888x1xf32> to vector<5888x16xf32>
    %mul3A_16 = arith.mulf %add3A_15, %mul3A : vector<5888x16xf32>
    %get3A_17 = arith.constant 0 : index
    %get3A_18 = arith.constant 0 : index
    %get3A_19 = vector.load %arg4[%get3A_17, %get3A_18] : memref<1x16xf32, #tpu.memory_space<vmem>>, vector<1x16xf32>
    %add3A_20 = vector.broadcast %get3A_19 : vector<1x16xf32> to vector<5888x16xf32>
    %add3A_21 = arith.addf %mul3A_16, %add3A_20 : vector<5888x16xf32>
    %max3A = arith.constant 0.000000e+00 : f32
    %max3A_22 = vector.broadcast %max3A : f32 to vector<5888x16xf32>
    %max3A_23 = arith.maximumf %add3A_21, %max3A_22 : vector<5888x16xf32>
    %get3A_24 = arith.constant 0 : index
    %get3A_25 = arith.constant 0 : index
    %get3A_26 = vector.load %arg5[%get3A_24, %get3A_25] : memref<16x16xf32, #tpu.memory_space<vmem>>, vector<16x16xf32>
    %dot_general3A = arith.constant dense<0.000000e+00> : vector<5888x16xf32>
    %dot_general3A_27 = tpu.matmul %max3A_23, %get3A_26, %dot_general3A {dimension_numbers = #tpu.dot_dimension_numbers<[1], [0], [0], [1], [0, 0, 1, 1], [], []>, transpose_lhs_hint = false} : vector<5888x16xf32>, vector<16x16xf32>, vector<5888x16xf32> -> vector<5888x16xf32>
    %mul3A_28 = vector.broadcast %get3A_1 : vector<5888x1xf32> to vector<5888x16xf32>
    %mul3A_29 = arith.mulf %dot_general3A_27, %mul3A_28 : vector<5888x16xf32>
    %swap3A = arith.constant 0 : index
    %swap3A_30 = arith.constant 0 : index
    %swap3A_31 = vector.load %arg6[%swap3A, %swap3A_30] : memref<5888x16xf32, #tpu.memory_space<vmem>>, vector<5888x16xf32>
    tpu.vector_store %arg6[%swap3A, %swap3A_30], %mul3A_29 {strides = array<i32>} : memref<5888x16xf32, #tpu.memory_space<vmem>>, vector<5888x16xf32>,
    return
  }
  func.func @transform_0(%arg0: i32) -> (i32, i32, i32) {
    %c0_i32 = arith.constant 0 : i32
    %c0_i32_0 = arith.constant 0 : i32
    %c0_i32_1 = arith.constant 0 : i32
    return %c0_i32, %arg0, %c0_i32_0 : i32, i32, i32
  }
  func.func @transform_1(%arg0: i32) -> (i32, i32) {
    %c0_i32 = arith.constant 0 : i32
    %c0_i32_0 = arith.constant 0 : i32
    return %arg0, %c0_i32 : i32, i32
  }
  func.func @transform_2(%arg0: i32) -> (i32, i32) {
    %c0_i32 = arith.constant 0 : i32
    %c0_i32_0 = arith.constant 0 : i32
    return %arg0, %c0_i32 : i32, i32
  }
  func.func @transform_3(%arg0: i32) -> (i32, i32) {
    %c0_i32 = arith.constant 0 : i32
    %c0_i32_0 = arith.constant 0 : i32
    %c0_i32_1 = arith.constant 0 : i32
    return %c0_i32, %c0_i32_0 : i32, i32
  }
  func.func @transform_4(%arg0: i32) -> (i32, i32) {
    %c0_i32 = arith.constant 0 : i32
    %c0_i32_0 = arith.constant 0 : i32
    %c0_i32_1 = arith.constant 0 : i32
    return %c0_i32, %c0_i32_0 : i32, i32
  }
  func.func @transform_5(%arg0: i32) -> (i32, i32) {
    %c0_i32 = arith.constant 0 : i32
    %c0_i32_0 = arith.constant 0 : i32
    return %arg0, %c0_i32 : i32, i32
  }
}

module attributes {stable_mosaic.version = 14 : i64} {
  func.func @body(%arg0: i32, %arg1: memref<2x5888x16xf32, #tpu.memory_space<vmem>>, %arg2: memref<5888x16xf32, #tpu.memory_space<vmem>>, %arg3: memref<5888x1xf32, #tpu.memory_space<vmem>>, %arg4: memref<1x16xf32, #tpu.memory_space<vmem>>, %arg5: memref<5888x16xf32, #tpu.memory_space<vmem>>) attributes {dimension_semantics = [#tpu.dimension_semantics<arbitrary>], iteration_bounds = array<i64: 17>, scalar_prefetch = 0 : i64, scratch_operands = 0 : i64, tpu.core_type = #tpu.core_type<tc>, window_params = [{transform_indices = @transform_0, window_bounds = array<i64: 2, 5888, 16>}, {transform_indices = @transform_1, window_bounds = array<i64: 5888, 16>}, {transform_indices = @transform_2, window_bounds = array<i64: 5888, 1>}, {pipeline_mode = #tpu.pipeline_mode<synchronous>, transform_indices = @transform_3, window_bounds = array<i64: 1, 16>}, {transform_indices = @transform_4, window_bounds = array<i64: 5888, 16>}]} {
    %get3A = arith.constant 0 : index
    %get3A_0 = arith.constant 0 : index
    %get3A_1 = arith.constant 0 : index
    %get3A_2 = vector.load %arg1[%get3A, %get3A_0, %get3A_1] : memref<2x5888x16xf32, #tpu.memory_space<vmem>>, vector<1x5888x16xf32>
    %get3A_3 = vector.shape_cast %get3A_2 : vector<1x5888x16xf32> to vector<5888x16xf32>
    %get3A_4 = arith.constant 1 : index
    %get3A_5 = arith.constant 0 : index
    %get3A_6 = arith.constant 0 : index
    %get3A_7 = vector.load %arg1[%get3A_4, %get3A_5, %get3A_6] : memref<2x5888x16xf32, #tpu.memory_space<vmem>>, vector<1x5888x16xf32>
    %get3A_8 = vector.shape_cast %get3A_7 : vector<1x5888x16xf32> to vector<5888x16xf32>
    %add3A = arith.addf %get3A_3, %get3A_8 : vector<5888x16xf32>
    %get3A_9 = arith.constant 0 : index
    %get3A_10 = arith.constant 0 : index
    %get3A_11 = vector.load %arg2[%get3A_9, %get3A_10] : memref<5888x16xf32, #tpu.memory_space<vmem>>, vector<5888x16xf32>
    %add3A_12 = arith.addf %add3A, %get3A_11 : vector<5888x16xf32>
    %get3A_13 = arith.constant 0 : index
    %get3A_14 = arith.constant 0 : index
    %get3A_15 = vector.load %arg3[%get3A_13, %get3A_14] : memref<5888x1xf32, #tpu.memory_space<vmem>>, vector<5888x1xf32>
    %mul3A = vector.broadcast %get3A_15 : vector<5888x1xf32> to vector<5888x16xf32>
    %mul3A_16 = arith.mulf %add3A_12, %mul3A : vector<5888x16xf32>
    %get3A_17 = arith.constant 0 : index
    %get3A_18 = arith.constant 0 : index
    %get3A_19 = vector.load %arg4[%get3A_17, %get3A_18] : memref<1x16xf32, #tpu.memory_space<vmem>>, vector<1x16xf32>
    %add3A_20 = vector.broadcast %get3A_19 : vector<1x16xf32> to vector<5888x16xf32>
    %add3A_21 = arith.addf %mul3A_16, %add3A_20 : vector<5888x16xf32>
    %logistic3A = arith.negf %add3A_21 : vector<5888x16xf32>
    %logistic3A_22 = math.exp %logistic3A : vector<5888x16xf32>
    %logistic3A_23 = arith.constant 1.000000e+00 : f32
    %logistic3A_24 = vector.broadcast %logistic3A_23 : f32 to vector<5888x16xf32>
    %logistic3A_25 = arith.addf %logistic3A_24, %logistic3A_22 : vector<5888x16xf32>
    %logistic3A_26 = arith.divf %logistic3A_24, %logistic3A_25 : vector<5888x16xf32>
    %swap3A = arith.constant 0 : index
    %swap3A_27 = arith.constant 0 : index
    %swap3A_28 = vector.load %arg5[%swap3A, %swap3A_27] : memref<5888x16xf32, #tpu.memory_space<vmem>>, vector<5888x16xf32>
    tpu.vector_store %arg5[%swap3A, %swap3A_27], %logistic3A_26 {strides = array<i32>} : memref<5888x16xf32, #tpu.memory_space<vmem>>, vector<5888x16xf32>,
    return
  }
  func.func @transform_0(%arg0: i32) -> (i32, i32, i32) {
    %c0_i32 = arith.constant 0 : i32
    %c0_i32_0 = arith.constant 0 : i32
    %c0_i32_1 = arith.constant 0 : i32
    return %c0_i32, %arg0, %c0_i32_0 : i32, i32, i32
  }
  func.func @transform_1(%arg0: i32) -> (i32, i32) {
    %c0_i32 = arith.constant 0 : i32
    %c0_i32_0 = arith.constant 0 : i32
    return %arg0, %c0_i32 : i32, i32
  }
  func.func @transform_2(%arg0: i32) -> (i32, i32) {
    %c0_i32 = arith.constant 0 : i32
    %c0_i32_0 = arith.constant 0 : i32
    return %arg0, %c0_i32 : i32, i32
  }
  func.func @transform_3(%arg0: i32) -> (i32, i32) {
    %c0_i32 = arith.constant 0 : i32
    %c0_i32_0 = arith.constant 0 : i32
    %c0_i32_1 = arith.constant 0 : i32
    return %c0_i32, %c0_i32_0 : i32, i32
  }
  func.func @transform_4(%arg0: i32) -> (i32, i32) {
    %c0_i32 = arith.constant 0 : i32
    %c0_i32_0 = arith.constant 0 : i32
    return %arg0, %c0_i32 : i32, i32
  }
}

</mosaic_0001>

<sc_bundles>
// kernel: kernel.11.cloned.1.call-start
scs
__scs_entry_jumppad:
0x0: {  	(pc) =	sbr.rel $0x88, $3  }
0x1: {  	(tag) =	ssettag $0x0;
	lr =	simm.s32 $0x1  }
0x2: {  	[smem:$0x3F9B] =	sst lr;
	_ =	strace $0xD0000000  }
0x3: {  	_ = 	snop  }
0x4: {  	_ = 	snop  }
0x5: {  	_ = 	snop  }
0x6: {  	_ = 	snop  }
0x7: {  	_ = 	snop  }
__scs_overlays_trampoline_lowered:
0x8: {  	[smem:$0x3FAA] =	sst s0  }
0x9: {  	[smem:$0x3FAB] =	sst s1  }
0xa: {  	[smem:$0x3FAC] =	sst s2  }
0xb: {  	[smem:$0x3FAD] =	sst s3  }
0xc: {  	[smem:$0x3FAE] =	sst s4  }
0xd: {  	[smem:$0x3FAF] =	sst s5  }
0xe: {  	[smem:$0x3FB0] =	sst s6  }
0xf: {  	[smem:$0x3FB1] =	sst s7  }
0x10: {  	[smem:$0x3FB2] =	sst s8  }
0x11: {  	[smem:$0x3FB3] =	sst s9;
	s0 =	simm.s32 @!p0 $0x0  }
0x12: {  	s1 =	sld [smem:$0x3F99];
	s0 =	simm.s32 @p0 $0x1  }
0x13: {  	[smem:$0x3FB4] =	sst s0;
	s0 =	simm.s32 @!p1 $0x0  }
0x14: {  	s2 =	sld [smem:$0x3F98];
	s0 =	simm.s32 @p1 $0x1  }
0x15: {  	[smem:$0x3FB5] =	sst s0;
	s0 =	simm.s32 @!p2 $0x0  }
0x16: {  	s3 =	sld [smem:$0x3FDB];
	s0 =	simm.s32 @p2 $0x1  }
0x17: {  	s4 =	simm.s32 $0x1BF5;
	[smem:$0x3FB7] =	sst s0  }
0x18: {  	s0 =	sld [smem:$0x3F9A];
	_ =	swait.ge [sflag:s4], $0x0  }
0x19: {  	s7 =	sld [smem:$0x3F9B]  }
0x1a: {  	s8 =	sadd.s32 $0xFFFFE003, lr  }
0x1b: {  	s9 =	sadd.s32 $0xFFFFFEF7, lr;
	s5 =	simm.s32 $0xFFFFFFFF;
	p2 =	slt.u32 s8, $0xFFFFF086  }
0x1c: {  	p1 =	slt.u32 s9, $0xF7A;
	s5 =	simm.s32 @!p2 $0x0  }
0x1d: {  	s5 =	simm.s32 @p1 $0x1;
	p0 =	seq.s32 s7, s2  }
0x1e: {  	s7 =	smul.u32 @!p0 $0xF7A, s2;
	p2 =	seq.s32 @!p0 s5, $0x0  }
0x1f: {  	s9 =	smul.u32 $0xF7A, s1;
	s8 =	simm.s32 @!p0 $0x1BF5;
	p2 =	por !p2, p0  }
0x20: {  	[sflag:s8] =	ssyncset.s32 @!p0 $0xFFFFF086;
	s6 =	sadd.s32 @!p0 s3, s7;
	s7 =	simm.s32 @!p0 $0x108  }
0x21: {  	s3 =	sadd.s32 s3, s9;
	s6 =	sadd.s32 @!p0 $0x88, s6;
	s7 =	simm.s32 @p2 $0x1082  }
0x22: {  	[simem:s7], [sflag:s8] =	dma.local @!p0 [hbm:s6], $0xF7A  }
0x23: {  	s9 =	sor.u32 $0xD0000000, s2;
	s6 =	simm.s32 $0x108;
	_ =	swait.ge @!p0 [sflag:s8], $0x0  }
0x24: {  	s3 =	sadd.s32 $0x88, s3;
	s6 =	simm.s32 @!p1 $0x1082;
	[sflag:s4] =	ssyncset.s32 $0xFFFFF086  }
0x25: {  	[simem:s6], [sflag:s4] =	dma.local [hbm:s3], $0xF7A  }
0x26: {  	[smem:$0x3F9B] =	sst s1;
	(tag) =	ssettag s2;
	_ =	strace s9  }
0x27: {  	s1 =	sld [smem:$0x3FAB]  }
0x28: {  	s2 =	sld [smem:$0x3FAC]  }
0x29: {  	s4 =	sld [smem:$0x3FAE]  }
0x2a: {  	p0 =	seq.s32 s5, $0x0;
	s5 =	sld [smem:$0x3FAF]  }
0x2b: {  	s6 =	sld [smem:$0x3FB0]  }
0x2c: {  	s7 =	sld [smem:$0x3FB1]  }
0x2d: {  	s3 =	simm.s32 $0x108;
	s8 =	sld [smem:$0x3FB2]  }
0x2e: {  	s3 =	simm.s32 @!p0 $0x1082;
	s9 =	sld [smem:$0x3FB3]  }
0x2f: {  	lr =	sadd.s32 s0, s3;
	s0 =	sld [smem:$0x3FAA]  }
0x30: {  	s3 =	sld [smem:$0x3FAD]  }
0x31: {  	[smem:$0x3FB6] =	sst s10  }
0x32: {  	s10 =	sld [smem:$0x3FB4];
	_ =	sdelay $0x3  }
0x33: {  	p0 =	seq.s32 s10, $0x1;
	s10 =	sld [smem:$0x3FB6];
	_ =	sdelay $0x3  }
0x34: {  	[smem:$0x3FB6] =	sst s10  }
0x35: {  	s10 =	sld [smem:$0x3FB5];
	_ =	sdelay $0x3  }
0x36: {  	p1 =	seq.s32 s10, $0x1;
	s10 =	sld [smem:$0x3FB6];
	_ =	sdelay $0x3  }
0x37: {  	[smem:$0x3FB6] =	sst s10  }
0x38: {  	s10 =	sld [smem:$0x3FB7]  }
0x39: {  	_ = 	snop;
	(pc) =	sbr.ind lr, $3  }
0x3a: {  	_ = 	snop  }
0x3b: {  	_ = 	snop  }
0x3c: {  	p2 =	seq.s32 s10, $0x1;
	s10 =	sld [smem:$0x3FB6]  }
0x3d: {  	_ =	shalt  }
0x3e: {  	_ =	shalt  }
0x3f: {  	_ =	shalt  }
0x40: {  	_ =	shalt  }
0x41: {  	_ =	shalt  }
0x42: {  	_ =	shalt  }
0x43: {  	_ =	shalt  }
0x44: {  	_ =	shalt  }
0x45: {  	_ =	shalt  }
0x46: {  	_ =	shalt  }
0x47: {  	_ =	shalt  }
0x48: {  	_ =	shalt  }
0x49: {  	_ =	shalt  }
0x4a: {  	_ =	shalt  }
0x4b: {  	_ =	shalt  }
0x4c: {  	_ =	shalt  }
0x4d: {  	_ =	shalt  }
0x4e: {  	_ =	shalt  }
0x4f: {  	_ =	shalt  }
0x50: {  	_ =	shalt  }
0x51: {  	_ =	shalt  }
0x52: {  	_ =	shalt  }
0x53: {  	_ =	shalt  }
0x54: {  	_ =	shalt  }
0x55: {  	_ =	shalt  }
0x56: {  	_ =	shalt  }
0x57: {  	_ =	shalt  }
0x58: {  	_ =	shalt  }
0x59: {  	_ =	shalt  }
0x5a: {  	_ =	shalt  }
0x5b: {  	_ =	shalt  }
0x5c: {  	_ =	shalt  }
0x5d: {  	_ =	shalt  }
0x5e: {  	_ =	shalt  }
0x5f: {  	_ =	shalt  }
0x60: {  	_ =	shalt  }
0x61: {  	_ =	shalt  }
0x62: {  	_ =	shalt  }
0x63: {  	_ =	shalt  }
0x64: {  	_ =	shalt  }
0x65: {  	_ =	shalt  }
0x66: {  	_ =	shalt  }
0x67: {  	_ =	shalt  }
0x68: {  	_ =	shalt  }
0x69: {  	_ =	shalt  }
0x6a: {  	_ =	shalt  }
0x6b: {  	_ =	shalt  }
0x6c: {  	_ =	shalt  }
0x6d: {  	_ =	shalt  }
0x6e: {  	_ =	shalt  }
0x6f: {  	_ =	shalt  }
0x70: {  	_ =	shalt  }
0x71: {  	_ =	shalt  }
0x72: {  	_ =	shalt  }
0x73: {  	_ =	shalt  }
0x74: {  	_ =	shalt  }
0x75: {  	_ =	shalt  }
0x76: {  	_ =	shalt  }
0x77: {  	_ =	shalt  }
0x78: {  	_ =	shalt  }
0x79: {  	_ =	shalt  }
0x7a: {  	_ =	shalt  }
0x7b: {  	_ =	shalt  }
0x7c: {  	_ =	shalt  }
0x7d: {  	_ =	shalt  }
0x7e: {  	_ =	shalt  }
0x7f: {  	_ =	shalt  }
0x80: {  	_ =	shalt  }
0x81: {  	_ =	shalt  }
0x82: {  	_ =	shalt  }
0x83: {  	_ =	shalt  }
0x84: {  	_ =	shalt  }
0x85: {  	_ =	shalt  }
0x86: {  	_ =	shalt  }
0x87: {  	_ =	shalt  }
.Lfunc_end0:
.L_simem_size_0:
called_computation.1_lowered:
.L_overlay_start_0:
0x88: {  	s2 =	sld [smem:$0x3FD9]  }
0x89: {  	s3 =	sld [smem:$0x3FFE];
	_ =	sdelay $0x1  }
0x8a: {  	s1 =	srdreg.scid  }
0x8b: {  	s0 =	sand.u32 $0x1, s1  }
0x8c: {  	s17 =	sshll.u32 s0, $0xA;
	s2 =	sadd.s32 s3, s2  }
0x8d: {  	s2 =	sadd.s32 s2, s17  }
0x8e: {  	[smem:$0x3FC2] =	sst s2  }
0x8f: {  	_ = 	snop  }
0x90: {  	s2 =	sld [smem:$0x3FD0];
	(tm) =	ssettm $0x1  }
0x91: {  	s18 =	sld [smem:$0x3FFB];
	_ =	sdelay $0x3  }
0x92: {  	_ =	strace s18  }
0x93: {  	s3 =	sld [smem:$0x3FFC];
	_ =	sdelay $0x3  }
0x94: {  	_ =	strace s3  }
0x95: {  	s3 =	sld [smem:$0x3FFD];
	_ =	sdelay $0x3  }
0x96: {  	_ =	strace s3  }
0x97: {  	_ =	strace $0x8FFFFFFF  }
0x98: {  	s19 =	sld [smem:$0x3FDB];
	_ =	sdelay $0x1  }
0x99: {  	s4 =	simm.s32 $_scs_section_size  }
0x9a: {  	s5 =	simm.s32 $_size__tile_overlayer_lowered;
	s6 =	simm.s32 $_tile_overlayer_lowered  }
0x9b: {  	s22 =	simm.s32 $0x1BFF;
	s21 =	sshll.u32 s6, $0x1;
	s3 =	sadd.s32 s4, s19  }
0x9c: {  	s7 =	simm.s32 $0x0;
	s20 =	sshll.u32 s5, $0x1;
	s5 =	sadd.s32 s21, s3  }
0x9d: {  	[timem:s7], [sflag:s22] =	dma.local [hbm:s5], s20  }
0x9e: {  	_ =	swait.ge [sflag:s22], s20  }
0x9f: {  	s4 =	ssub.s32 $0x0, s20;
	[sflag:s22] =	ssyncset.done $0x0  }
0xa0: {  	[sflag:s22] =	ssyncadd.s32 s4;
	_ =	sdelay $0x1  }
0xa1: {  	s23 =	simm.s32 $0x1B8B  }
0xa2: {  	_ =	swait.ge [sflag:s23], $0x1  }
0xa3: {  	[sflag:s23] =	ssyncset.done $0x0  }
0xa4: {  	s25 =	simm.s32 $0x1B8E;
	s24 =	sld [smem:$0x3FFE];
	[sflag:s23] =	ssyncadd.s32 $0xFFFFFFFF  }
0xa5: {  	s26 =	simm.s32 $execute0_lowered;
	[smem:$0x3FD2] =	sst s25  }
0xa6: {  	s5 =	sshll.u32 s26, $0x1;
	_ =	strace $0x80000049;
	[dreg:$0x1] =	wrdreg $0xFFFFFFFF  }
0xa7: {  	s28 =	simm.s32 $_size_execute0_lowered;
	s3 =	sadd.s32 s3, s5;
	[dreg:$0x0] =	wrdreg $0x0  }
0xa8: {  	s5 =	sshll.u32 s28, $0x1;
	[dreg:$0x2] =	wrdreg s3  }
0xa9: {  	[dreg:$0x3] =	wrdreg s5  }
0xaa: {  	[dreg:$0x4] =	wrdreg $0xC0  }
0xab: {  	_ =	task [dreg:s7], $0x5FFFF  }
0xac: {  	[dreg:$0x1] =	wrdreg $0xFFFFFFFF  }
0xad: {  	[dreg:$0x0] =	wrdreg $0x60  }
0xae: {  	[dreg:$0x2] =	wrdreg s2  }
0xaf: {  	[dreg:$0x3] =	wrdreg s24  }
0xb0: {  	[dreg:$0x4] =	wrdreg $0x0  }
0xb1: {  	[dreg:$0x5] =	wrdreg $0x9  }
0xb2: {  	_ =	task.clear_ibuf [dreg:s7], $0x6FFFF;
	_ =	strace $0x90000049  }
0xb3: {  	s29 =	simm.s32 $0x9;
	_ =	strace $0x8000004B  }
0xb4: {  	_ =	swait.ge [sflag:s29], $0x1  }
0xb5: {  	[sflag:s29] =	ssyncadd.s32 $0xFFFFFFFF  }
0xb6: {  	_ =	strace $0x9000004B  }
0xb7: {  	_ =	sfence  }
0xb8: {  	s30 =	sld [smem:$0x0];
	_ =	sdelay $0x2  }
0xb9: {  	s31 =	sshll.u32 s1, $0xD;
	s1 =	sshrl.u32 s1, $0x2  }
0xba: {  	s3 =	sand.u32 $0x4000, s31;
	s1 =	sadd.s32 s1, s30  }
0xbb: {  	s0 =	sor.u32 s3, s0;
	s1 =	sshll.u32 s1, $0x11  }
0xbc: {  	s0 =	sor.u32 s1, s0  }
0xbd: {  	s0 =	sadd.s32 $0x8F2B, s0  }
0xbe: {  	[sflag:s0] =	ssyncadd.remote.s32 $0x1  }
0xbf: {  	_ =	sfence.sel $0xFFFF  }
0xc0: {  	[dreg:$0x0] =	wrdreg $0xFFFFFFFF;
	(pc) =	sbr.abs _section_cstart, $3  }
0xc1: {  	[dreg:$0x1] =	wrdreg $0xFFFFFFFF  }
0xc2: {  	_ =	task.clear_ibuf [dreg:s7], $0x2FFFF;
	_ =	strace $0x9FFFFFFF  }
0xc3: {  	(tm) =	ssettm $0x7FFFFFFF  }
tec
execute0_lowered:
.L_overlay_start_1:
0x0: {  	(tag) =	ssettag $0x1  }
0x1: {  	s1 =	rddreg [dreg:$0x0]  }
0x2: {  	s0 =	rddreg [dreg:$0x1]  }
0x3: {  	s2 =	rddreg [dreg:$0x2];
	s4 =	srdreg.scid;
	s3 =	simm.s32 $0x0  }
0x4: {  	s12 =	simm.s32 $0x18F80;
	s13 =	simm.s32 $0x19000;
	s14 =	simm.s32 $0x19080  }
0x5: {  	s15 =	simm.s32 $0x19100;
	s16 =	simm.s32 $0x19180;
	s17 =	simm.s32 $0x19200  }
0x6: {  	s18 =	simm.s32 $0x19280;
	s19 =	simm.s32 $0x19300;
	s20 =	simm.s32 $0x19380  }
0x7: {  	s21 =	simm.s32 $0x19400;
	s22 =	simm.s32 $0x19480;
	[smem:$0x7FF] =	sst s3  }
0x8: {  	s23 =	simm.s32 $0x19580;
	_ =	strace $0x8000004A;
	[dreg:$0x6] =	wrdreg s12  }
0x9: {  	s24 =	simm.s32 $0x19600;
	s25 =	simm.s32 $0x19680;
	[dreg:$0x7] =	wrdreg s13  }
0xa: {  	s28 =	simm.s32 $0x19700;
	s29 =	simm.s32 $0x19780;
	[dreg:$0x8] =	wrdreg s14  }
0xb: {  	s5 =	sand.u32 $0x1, s4;
	s4 =	stileid.u32;
	[dreg:$0x9] =	wrdreg s15  }
0xc: {  	s30 =	simm.s32 $0x19980;
	s6 =	smul.u32 $0x62400, s5;
	[dreg:$0xa] =	wrdreg s16  }
0xd: {  	s31 =	simm.s32 $0x19A00;
	s7 =	smul.u32 $0x187000, s5;
	[dreg:$0xb] =	wrdreg s17  }
0xe: {  	s8 =	sshll.u32 s4, $0xB;
	s5 =	ssub.s32 $0x2, s5;
	[dreg:$0xc] =	wrdreg s18  }
0xf: {  	s9 =	smul.u32 $0x6240, s4;
	s12 =	simm.s32 $0x19B00;
	[dreg:$0xd] =	wrdreg s19  }
0x10: {  	s13 =	simm.s32 $0x1A300;
	s14 =	simm.s32 $0x1AB00;
	[dreg:$0xe] =	wrdreg s20  }
0x11: {  	s15 =	simm.s32 $0x1B300;
	s16 =	simm.s32 $0x1BB00;
	[dreg:$0xf] =	wrdreg s21  }
0x12: {  	s17 =	simm.s32 $0x1C300;
	s18 =	simm.s32 $0x1CB00;
	[dreg:$0x10] =	wrdreg s22  }
0x13: {  	s19 =	simm.s32 $0x1D300;
	s20 =	simm.s32 $0x1DB00;
	[dreg:$0x11] =	wrdreg s23  }
0x14: {  	s21 =	simm.s32 $0x1E300;
	s22 =	simm.s32 $0x1EB00;
	[dreg:$0x12] =	wrdreg s24  }
0x15: {  	s23 =	simm.s32 $0x1F300;
	s24 =	simm.s32 $0x1;
	[dreg:$0x13] =	wrdreg s25  }
0x16: {  	[dreg:$0x14] =	wrdreg s28;
	s10 =	sshrl.u32 s5, $0x1;
	s26 =	sadd.s32 s8, s2  }
0x17: {  	s6 =	sadd.s32 s6, s0;
	s7 =	sadd.s32 s8, s7;
	s5 =	ssub.s32 s5, s10  }
0x18: {  	s8 =	simm.s32 $0x18F00;
	[dreg:$0x16] =	wrdreg s26;
	s7 =	sshrl.u32 s7, $0x3  }
0x19: {  	s6 =	sadd.s32 s9, s6;
	s5 =	smax.u32 s5, $0x1;
	s9 =	simm.s32 $0x19500  }
0x1a: {  	s0 =	sadd.s32 s7, s0;
	[dreg:$0x15] =	wrdreg s5;
	s10 =	sadd.s32 $0xC5000, s6  }
0x1b: {  	s11 =	sadd.s32 $0x310200, s6;
	s6 =	simm.s32 $0x0;
	[dreg:$0x4] =	wrdreg s10  }
0x1c: {  	[dreg:$0x5] =	wrdreg s11;
	s0 =	sadd.s32 $0x1A00, s0;
	s10 =	simm.s32 $0x2  }
0x1d: {  	v0 =	vimm.f32 $0.0e+00;
	s11 =	simm.s32 $0x80;
	[dreg:$0x17] =	wrdreg s0;
	s0 =	simm.s32 $0x19A80  }
.LBB2_1:
0x1e: {  	[dreg:$0x18] =	wrdreg s6;
	s5 =	simm.s32 $0x0  }
.LBB2_2:
0x1f: {  	p0 =	sne.s32 s5, $0x1FC0  }
.Ltmp0:
0x20: {  	_ = 	snop;
	(pc) =	sbr.rel @p0 .LBB2_2-.Ltmp0, $3  }
0x21: {  	_ =	sdelay $0x1  }
0x22: {  	s6 =	sshra.s32 s5, $0x2  }
0x23: {  	s5 =	sadd.s32 $0x40, s5;
	[tilespmem:s6+$0x18700] =	vst v0  }
0x24: {  	s5 =	sadd.s32 $0x0, s4  }
0x25: {  	p0 =	sgt.u32 s5, $0x30D  }
0x26: {  	s5 =	simm.s32 @!p0 $0x18700;
	s25 =	simm.s32 @!p0 $0x3  }
0x27: {  	[spmem:s26] =	stream.linear.scatter @!p0 [tilespmem:s5], [sflag:$0x3], $0x800, $0x38;
	[tilespmem:$0x1FB00] =	vst v63  }
0x28: {  	s6 =	simm.s32 $0x10;
	_ =	swait.ge @!p0 [sflag:s25], $0x800  }
0x29: {  	s7 =	simm.s32 $0x20;
	s5 =	sadd.s32 $0x8000, s26;
	[sflag:s25] =	ssyncset.done @!p0 $0x0  }
.LBB2_4:
0x2a: {  	s26 =	sadd.s32 s6, s4;
	s6 =	smov.u32 s7;
	s7 =	sadd.s32 $0x10, s7  }
0x2b: {  	[sflag:s25] =	ssyncadd.s32 @!p0 $0xFFFFF800;
	p1 =	sne.s32 s7, $0x310  }
.Ltmp1:
0x2c: {  	p0 =	sgt.u32 s26, $0x30D;
	(pc) =	sbr.rel @p1 .LBB2_4-.Ltmp1, $4  }
0x2d: {  	s26 =	simm.s32 @!p0 $0x18700;
	s25 =	simm.s32 @!p0 $0x3  }
0x2e: {  	[spmem:s5] =	stream.linear.scatter @!p0 [tilespmem:s26], [sflag:$0x3], $0x800, $0x38;
	[tilespmem:$0x1FB00] =	vst v63  }
0x2f: {  	_ =	swait.ge @!p0 [sflag:s25], $0x800  }
0x30: {  	s5 =	sadd.s32 $0x8000, s5;
	[sflag:s25] =	ssyncset.done @!p0 $0x0  }
0x31: {  	s6 =	sadd.s32 s6, s4  }
0x32: {  	p1 =	sgt.u32 s6, $0x30D  }
0x33: {  	[sflag:s25] =	ssyncadd.s32 @!p0 $0xFFFFF800;
	s6 =	simm.s32 @!p1 $0x18700;
	s7 =	simm.s32 @!p1 $0x3  }
0x34: {  	[spmem:s5] =	stream.linear.scatter @!p1 [tilespmem:s6], [sflag:$0x3], $0x800, $0x38;
	[tilespmem:$0x1FB00] =	vst v63  }
0x35: {  	_ =	swait.ge @!p1 [sflag:s7], $0x800  }
0x36: {  	[sflag:s7] =	ssyncset.done @!p1 $0x0  }
0x37: {  	[sflag:s7] =	ssyncadd.s32 @!p1 $0xFFFFF800  }
0x38: {  	[bflag:$0x0] =	sbarrier.arrive $0xFFFF  }
0x39: {  	s7 =	rddreg [dreg:$0x5]  }
0x3a: {  	s25 =	rddreg [dreg:$0x4];
	s5 =	sadd.s32 $0x0, s7  }
0x3b: {  	[tilespmem:s8], [sflag:$0x2] =	stream.linear.gather [hbm4b:s5+s3], $0x600, $0x38;
	[tilespmem:$0x1FB00] =	vst v63  }
0x3c: {  	s26 =	sadd.s32 $0x0, s25  }
0x3d: {  	[tilespmem:s9], [sflag:$0x2] =	stream.linear.gather [hbm4b:s26+s3], $0x600, $0x38;
	[tilespmem:$0x1FB00] =	vst v63  }
0x3e: {  	_ =	swait.ge [sflag:s10], $0x600  }
0x3f: {  	[sflag:s10] =	ssyncset.done $0x0  }
0x40: {  	[sflag:s10] =	ssyncadd.s32 $0xFFFFFA00  }
0x41: {  	_ =	swait.ge [sflag:s10], $0x600  }
0x42: {  	[sflag:s10] =	ssyncset.done $0x0  }
0x43: {  	[sflag:s10] =	ssyncadd.s32 $0xFFFFFA00  }
0x44: {  	[tilespmem:s12], [sflag:$0x1] =	stream.indirect.gather [hbm4b:s1+s11], $0x10, s8, s11, $0xb8;
	[tilespmem:$0x1FB00] =	vst v63  }
0x45: {  	s6 =	rddreg [dreg:$0x6]  }
0x46: {  	[tilespmem:s13], [sflag:$0x1] =	stream.indirect.gather [hbm4b:s1+s11], $0x10, s6, s11, $0xb8;
	[tilespmem:$0x1FB00] =	vst v63  }
0x47: {  	s7 =	rddreg [dreg:$0x7]  }
0x48: {  	[tilespmem:s14], [sflag:$0x1] =	stream.indirect.gather [hbm4b:s1+s11], $0x10, s7, s11, $0xb8;
	[tilespmem:$0x1FB00] =	vst v63  }
0x49: {  	s25 =	rddreg [dreg:$0x8]  }
0x4a: {  	[tilespmem:s15], [sflag:$0x1] =	stream.indirect.gather [hbm4b:s1+s11], $0x10, s25, s11, $0xb8;
	[tilespmem:$0x1FB00] =	vst v63  }
0x4b: {  	s26 =	rddreg [dreg:$0x9]  }
0x4c: {  	[tilespmem:s16], [sflag:$0x1] =	stream.indirect.gather [hbm4b:s1+s11], $0x10, s26, s11, $0xb8;
	[tilespmem:$0x1FB00] =	vst v63  }
0x4d: {  	s7 =	rddreg [dreg:$0xa]  }
0x4e: {  	[tilespmem:s17], [sflag:$0x1] =	stream.indirect.gather [hbm4b:s1+s11], $0x10, s7, s11, $0xb8;
	[tilespmem:$0x1FB00] =	vst v63  }
0x4f: {  	s25 =	rddreg [dreg:$0xb]  }
0x50: {  	[tilespmem:s18], [sflag:$0x1] =	stream.indirect.gather [hbm4b:s1+s11], $0x10, s25, s11, $0xb8;
	[tilespmem:$0x1FB00] =	vst v63  }
0x51: {  	s26 =	rddreg [dreg:$0xc]  }
0x52: {  	[tilespmem:s19], [sflag:$0x1] =	stream.indirect.gather [hbm4b:s1+s11], $0x10, s26, s11, $0xb8;
	[tilespmem:$0x1FB00] =	vst v63  }
0x53: {  	s7 =	rddreg [dreg:$0xd]  }
0x54: {  	[tilespmem:s20], [sflag:$0x1] =	stream.indirect.gather [hbm4b:s1+s11], $0x10, s7, s11, $0xb8;
	[tilespmem:$0x1FB00] =	vst v63  }
0x55: {  	s25 =	rddreg [dreg:$0xe]  }
0x56: {  	[tilespmem:s21], [sflag:$0x1] =	stream.indirect.gather [hbm4b:s1+s11], $0x10, s25, s11, $0xb8;
	[tilespmem:$0x1FB00] =	vst v63  }
0x57: {  	s26 =	rddreg [dreg:$0xf]  }
0x58: {  	[tilespmem:s22], [sflag:$0x1] =	stream.indirect.gather [hbm4b:s1+s11], $0x10, s26, s11, $0xb8;
	[tilespmem:$0x1FB00] =	vst v63  }
0x59: {  	s7 =	rddreg [dreg:$0x10]  }
0x5a: {  	[tilespmem:s23], [sflag:$0x1] =	stream.indirect.gather [hbm4b:s1+s11], $0x10, s7, s11, $0xb8;
	[tilespmem:$0x1FB00] =	vst v63  }
0x5b: {  	_ =	swait.ge [sflag:s24], $0x800  }
0x5c: {  	[sflag:s24] =	ssyncset.done $0x0  }
0x5d: {  	[sflag:s24] =	ssyncadd.s32 $0xFFFFF800  }
0x5e: {  	_ =	swait.ge [sflag:s24], $0x800  }
0x5f: {  	[sflag:s24] =	ssyncset.done $0x0  }
0x60: {  	[sflag:s24] =	ssyncadd.s32 $0xFFFFF800  }
0x61: {  	_ =	swait.ge [sflag:s24], $0x800  }
0x62: {  	[sflag:s24] =	ssyncset.done $0x0  }
0x63: {  	[sflag:s24] =	ssyncadd.s32 $0xFFFFF800  }
0x64: {  	[spmem:s2] =	stream.indirect.scatter.add.f32 [tilespmem:s12], [sflag:$0x2], $0x10, s9, s11, $0xb8;
	[tilespmem:$0x1FB00] =	vst v63  }
0x65: {  	s25 =	rddreg [dreg:$0x11]  }
0x66: {  	[spmem:s2] =	stream.indirect.scatter.add.f32 [tilespmem:s13], [sflag:$0x2], $0x10, s25, s11, $0xb8;
	[tilespmem:$0x1FB00] =	vst v63  }
0x67: {  	s26 =	rddreg [dreg:$0x12]  }
0x68: {  	[spmem:s2] =	stream.indirect.scatter.add.f32 [tilespmem:s14], [sflag:$0x2], $0x10, s26, s11, $0xb8;
	[tilespmem:$0x1FB00] =	vst v63  }
0x69: {  	_ =	swait.ge [sflag:s24], $0x800  }
0x6a: {  	[sflag:s24] =	ssyncset.done $0x0  }
0x6b: {  	[sflag:s24] =	ssyncadd.s32 $0xFFFFF800  }
0x6c: {  	_ =	swait.ge [sflag:s24], $0x800  }
0x6d: {  	[sflag:s24] =	ssyncset.done $0x0  }
0x6e: {  	[sflag:s24] =	ssyncadd.s32 $0xFFFFF800  }
0x6f: {  	_ =	swait.ge [sflag:s24], $0x800  }
0x70: {  	[sflag:s24] =	ssyncset.done $0x0  }
0x71: {  	s6 =	rddreg [dreg:$0x13];
	[sflag:s24] =	ssyncadd.s32 $0xFFFFF800  }
0x72: {  	[spmem:s2] =	stream.indirect.scatter.add.f32 [tilespmem:s15], [sflag:$0x2], $0x10, s6, s11, $0xb8;
	[tilespmem:$0x1FB00] =	vst v63  }
0x73: {  	s7 =	rddreg [dreg:$0x14]  }
0x74: {  	[spmem:s2] =	stream.indirect.scatter.add.f32 [tilespmem:s16], [sflag:$0x2], $0x10, s7, s11, $0xb8;
	[tilespmem:$0x1FB00] =	vst v63  }
0x75: {  	_ = 	snop  }
0x76: {  	[spmem:s2] =	stream.indirect.scatter.add.f32 [tilespmem:s17], [sflag:$0x2], $0x10, s29, s11, $0xb8;
	[tilespmem:$0x1FB00] =	vst v63  }
0x77: {  	_ =	swait.ge [sflag:s24], $0x800  }
0x78: {  	[sflag:s24] =	ssyncset.done $0x0  }
0x79: {  	[sflag:s24] =	ssyncadd.s32 $0xFFFFF800  }
0x7a: {  	_ =	swait.ge [sflag:s24], $0x800  }
0x7b: {  	[sflag:s24] =	ssyncset.done $0x0  }
0x7c: {  	[sflag:s24] =	ssyncadd.s32 $0xFFFFF800  }
0x7d: {  	_ =	swait.ge [sflag:s24], $0x800  }
0x7e: {  	[sflag:s24] =	ssyncset.done $0x0  }
0x7f: {  	s25 =	simm.s32 $0x19800;
	[sflag:s24] =	ssyncadd.s32 $0xFFFFF800  }
0x80: {  	[spmem:s2] =	stream.indirect.scatter.add.f32 [tilespmem:s18], [sflag:$0x2], $0x10, s25, s11, $0xb8;
	[tilespmem:$0x1FB00] =	vst v63  }
0x81: {  	s26 =	simm.s32 $0x19880  }
0x82: {  	[spmem:s2] =	stream.indirect.scatter.add.f32 [tilespmem:s19], [sflag:$0x2], $0x10, s26, s11, $0xb8;
	[tilespmem:$0x1FB00] =	vst v63  }
0x83: {  	s28 =	simm.s32 $0x19900  }
0x84: {  	[spmem:s2] =	stream.indirect.scatter.add.f32 [tilespmem:s20], [sflag:$0x2], $0x10, s28, s11, $0xb8;
	[tilespmem:$0x1FB00] =	vst v63  }
0x85: {  	_ =	swait.ge [sflag:s24], $0x800  }
0x86: {  	[sflag:s24] =	ssyncset.done $0x0  }
0x87: {  	[sflag:s24] =	ssyncadd.s32 $0xFFFFF800  }
0x88: {  	_ =	swait.ge [sflag:s24], $0x800  }
0x89: {  	[sflag:s24] =	ssyncset.done $0x0  }
0x8a: {  	[sflag:s24] =	ssyncadd.s32 $0xFFFFF800  }
0x8b: {  	_ =	swait.ge [sflag:s24], $0x800  }
0x8c: {  	[sflag:s24] =	ssyncset.done $0x0  }
0x8d: {  	[sflag:s24] =	ssyncadd.s32 $0xFFFFF800  }
0x8e: {  	[spmem:s2] =	stream.indirect.scatter.add.f32 [tilespmem:s21], [sflag:$0x2], $0x10, s30, s11, $0xb8;
	[tilespmem:$0x1FB00] =	vst v63  }
0x8f: {  	_ = 	snop  }
0x90: {  	[spmem:s2] =	stream.indirect.scatter.add.f32 [tilespmem:s22], [sflag:$0x2], $0x10, s31, s11, $0xb8;
	[tilespmem:$0x1FB00] =	vst v63  }
0x91: {  	_ = 	snop  }
0x92: {  	[spmem:s2] =	stream.indirect.scatter.add.f32 [tilespmem:s23], [sflag:$0x2], $0x10, s0, s11, $0xb8;
	[tilespmem:$0x1FB00] =	vst v63  }
0x93: {  	_ =	swait.ge [sflag:s10], $0x800  }
0x94: {  	[sflag:s10] =	ssyncset.done $0x0  }
0x95: {  	[sflag:s10] =	ssyncadd.s32 $0xFFFFF800  }
0x96: {  	_ =	swait.ge [sflag:s10], $0x800  }
0x97: {  	[sflag:s10] =	ssyncset.done $0x0  }
0x98: {  	[sflag:s10] =	ssyncadd.s32 $0xFFFFF800  }
0x99: {  	_ =	swait.ge [sflag:s10], $0x800  }
0x9a: {  	[sflag:s10] =	ssyncset.done $0x0  }
0x9b: {  	[sflag:s10] =	ssyncadd.s32 $0xFFFFF800  }
0x9c: {  	_ =	swait.ge [sflag:s10], $0x800  }
0x9d: {  	[sflag:s10] =	ssyncset.done $0x0  }
0x9e: {  	[sflag:s10] =	ssyncadd.s32 $0xFFFFF800  }
0x9f: {  	_ =	swait.ge [sflag:s10], $0x800  }
0xa0: {  	[sflag:s10] =	ssyncset.done $0x0  }
0xa1: {  	[sflag:s10] =	ssyncadd.s32 $0xFFFFF800  }
0xa2: {  	_ =	swait.ge [sflag:s10], $0x800  }
0xa3: {  	[sflag:s10] =	ssyncset.done $0x0  }
0xa4: {  	[sflag:s10] =	ssyncadd.s32 $0xFFFFF800  }
0xa5: {  	_ =	swait.ge [sflag:s10], $0x800  }
0xa6: {  	[sflag:s10] =	ssyncset.done $0x0  }
0xa7: {  	[sflag:s10] =	ssyncadd.s32 $0xFFFFF800  }
0xa8: {  	_ =	swait.ge [sflag:s10], $0x800  }
0xa9: {  	[sflag:s10] =	ssyncset.done $0x0  }
0xaa: {  	[sflag:s10] =	ssyncadd.s32 $0xFFFFF800  }
0xab: {  	_ =	swait.ge [sflag:s10], $0x800  }
0xac: {  	[sflag:s10] =	ssyncset.done $0x0  }
0xad: {  	[sflag:s10] =	ssyncadd.s32 $0xFFFFF800  }
0xae: {  	_ =	swait.ge [sflag:s10], $0x800  }
0xaf: {  	[sflag:s10] =	ssyncset.done $0x0  }
0xb0: {  	[sflag:s10] =	ssyncadd.s32 $0xFFFFF800  }
0xb1: {  	_ =	swait.ge [sflag:s10], $0x800  }
0xb2: {  	[sflag:s10] =	ssyncset.done $0x0  }
0xb3: {  	[sflag:s10] =	ssyncadd.s32 $0xFFFFF800  }
0xb4: {  	s6 =	simm.s32 $0x180;
	_ =	swait.ge [sflag:s10], $0x800  }
0xb5: {  	s7 =	simm.s32 $0xC0;
	s5 =	rddreg [dreg:$0x5];
	[sflag:s10] =	ssyncset.done $0x0  }
.LBB2_6:
0xb6: {  	[sflag:s10] =	ssyncadd.s32 $0xFFFFF800;
	s26 =	rddreg [dreg:$0x4];
	s5 =	sadd.s32 s7, s5  }
0xb7: {  	[tilespmem:s8], [sflag:$0x2] =	stream.linear.gather [hbm4b:s5+s3], $0x600, $0x38;
	[tilespmem:$0x1FB00] =	vst v63  }
0xb8: {  	s5 =	sadd.s32 s7, s26  }
0xb9: {  	[tilespmem:s9], [sflag:$0x2] =	stream.linear.gather [hbm4b:s5+s3], $0x600, $0x38;
	[tilespmem:$0x1FB00] =	vst v63  }
0xba: {  	_ =	swait.ge [sflag:s10], $0x600  }
0xbb: {  	[sflag:s10] =	ssyncset.done $0x0  }
0xbc: {  	[sflag:s10] =	ssyncadd.s32 $0xFFFFFA00  }
0xbd: {  	_ =	swait.ge [sflag:s10], $0x600  }
0xbe: {  	[sflag:s10] =	ssyncset.done $0x0  }
0xbf: {  	[sflag:s10] =	ssyncadd.s32 $0xFFFFFA00  }
0xc0: {  	[tilespmem:s12], [sflag:$0x1] =	stream.indirect.gather [hbm4b:s1+s11], $0x10, s8, s11, $0xb8;
	[tilespmem:$0x1FB00] =	vst v63  }
0xc1: {  	s25 =	smov.u32 s6;
	s5 =	rddreg [dreg:$0x6]  }
0xc2: {  	[tilespmem:s13], [sflag:$0x1] =	stream.indirect.gather [hbm4b:s1+s11], $0x10, s5, s11, $0xb8;
	[tilespmem:$0x1FB00] =	vst v63  }
0xc3: {  	s7 =	smov.u32 s25;
	s25 =	rddreg [dreg:$0x7]  }
0xc4: {  	[tilespmem:s14], [sflag:$0x1] =	stream.indirect.gather [hbm4b:s1+s11], $0x10, s25, s11, $0xb8;
	[tilespmem:$0x1FB00] =	vst v63  }
0xc5: {  	s5 =	rddreg [dreg:$0x8]  }
0xc6: {  	[tilespmem:s15], [sflag:$0x1] =	stream.indirect.gather [hbm4b:s1+s11], $0x10, s5, s11, $0xb8;
	[tilespmem:$0x1FB00] =	vst v63  }
0xc7: {  	s25 =	rddreg [dreg:$0x9]  }
0xc8: {  	[tilespmem:s16], [sflag:$0x1] =	stream.indirect.gather [hbm4b:s1+s11], $0x10, s25, s11, $0xb8;
	[tilespmem:$0x1FB00] =	vst v63  }
0xc9: {  	s5 =	rddreg [dreg:$0xa]  }
0xca: {  	[tilespmem:s17], [sflag:$0x1] =	stream.indirect.gather [hbm4b:s1+s11], $0x10, s5, s11, $0xb8;
	[tilespmem:$0x1FB00] =	vst v63  }
0xcb: {  	s25 =	rddreg [dreg:$0xb]  }
0xcc: {  	[tilespmem:s18], [sflag:$0x1] =	stream.indirect.gather [hbm4b:s1+s11], $0x10, s25, s11, $0xb8;
	[tilespmem:$0x1FB00] =	vst v63  }
0xcd: {  	s5 =	rddreg [dreg:$0xc]  }
0xce: {  	[tilespmem:s19], [sflag:$0x1] =	stream.indirect.gather [hbm4b:s1+s11], $0x10, s5, s11, $0xb8;
	[tilespmem:$0x1FB00] =	vst v63  }
0xcf: {  	s25 =	rddreg [dreg:$0xd]  }
0xd0: {  	[tilespmem:s20], [sflag:$0x1] =	stream.indirect.gather [hbm4b:s1+s11], $0x10, s25, s11, $0xb8;
	[tilespmem:$0x1FB00] =	vst v63  }
0xd1: {  	s5 =	rddreg [dreg:$0xe]  }
0xd2: {  	[tilespmem:s21], [sflag:$0x1] =	stream.indirect.gather [hbm4b:s1+s11], $0x10, s5, s11, $0xb8;
	[tilespmem:$0x1FB00] =	vst v63  }
0xd3: {  	s25 =	rddreg [dreg:$0xf]  }
0xd4: {  	[tilespmem:s22], [sflag:$0x1] =	stream.indirect.gather [hbm4b:s1+s11], $0x10, s25, s11, $0xb8;
	[tilespmem:$0x1FB00] =	vst v63  }
0xd5: {  	s5 =	rddreg [dreg:$0x10]  }
0xd6: {  	[tilespmem:s23], [sflag:$0x1] =	stream.indirect.gather [hbm4b:s1+s11], $0x10, s5, s11, $0xb8;
	[tilespmem:$0x1FB00] =	vst v63  }
0xd7: {  	_ =	swait.ge [sflag:s24], $0x800  }
0xd8: {  	[sflag:s24] =	ssyncset.done $0x0  }
0xd9: {  	[sflag:s24] =	ssyncadd.s32 $0xFFFFF800  }
0xda: {  	_ =	swait.ge [sflag:s24], $0x800  }
0xdb: {  	[sflag:s24] =	ssyncset.done $0x0  }
0xdc: {  	[sflag:s24] =	ssyncadd.s32 $0xFFFFF800  }
0xdd: {  	_ =	swait.ge [sflag:s24], $0x800  }
0xde: {  	[sflag:s24] =	ssyncset.done $0x0  }
0xdf: {  	[sflag:s24] =	ssyncadd.s32 $0xFFFFF800  }
0xe0: {  	[spmem:s2] =	stream.indirect.scatter.add.f32 [tilespmem:s12], [sflag:$0x2], $0x10, s9, s11, $0xb8;
	[tilespmem:$0x1FB00] =	vst v63  }
0xe1: {  	s5 =	rddreg [dreg:$0x11]  }
0xe2: {  	[spmem:s2] =	stream.indirect.scatter.add.f32 [tilespmem:s13], [sflag:$0x2], $0x10, s5, s11, $0xb8;
	[tilespmem:$0x1FB00] =	vst v63  }
0xe3: {  	s25 =	rddreg [dreg:$0x12]  }
0xe4: {  	[spmem:s2] =	stream.indirect.scatter.add.f32 [tilespmem:s14], [sflag:$0x2], $0x10, s25, s11, $0xb8;
	[tilespmem:$0x1FB00] =	vst v63  }
0xe5: {  	_ =	swait.ge [sflag:s24], $0x800  }
0xe6: {  	[sflag:s24] =	ssyncset.done $0x0  }
0xe7: {  	[sflag:s24] =	ssyncadd.s32 $0xFFFFF800  }
0xe8: {  	_ =	swait.ge [sflag:s24], $0x800  }
0xe9: {  	[sflag:s24] =	ssyncset.done $0x0  }
0xea: {  	[sflag:s24] =	ssyncadd.s32 $0xFFFFF800  }
0xeb: {  	_ =	swait.ge [sflag:s24], $0x800  }
0xec: {  	[sflag:s24] =	ssyncset.done $0x0  }
0xed: {  	s5 =	rddreg [dreg:$0x13];
	[sflag:s24] =	ssyncadd.s32 $0xFFFFF800  }
0xee: {  	[spmem:s2] =	stream.indirect.scatter.add.f32 [tilespmem:s15], [sflag:$0x2], $0x10, s5, s11, $0xb8;
	[tilespmem:$0x1FB00] =	vst v63  }
0xef: {  	s25 =	rddreg [dreg:$0x14]  }
0xf0: {  	[spmem:s2] =	stream.indirect.scatter.add.f32 [tilespmem:s16], [sflag:$0x2], $0x10, s25, s11, $0xb8;
	[tilespmem:$0x1FB00] =	vst v63  }
0xf1: {  	_ = 	snop  }
0xf2: {  	[spmem:s2] =	stream.indirect.scatter.add.f32 [tilespmem:s17], [sflag:$0x2], $0x10, s29, s11, $0xb8;
	[tilespmem:$0x1FB00] =	vst v63  }
0xf3: {  	_ =	swait.ge [sflag:s24], $0x800  }
0xf4: {  	[sflag:s24] =	ssyncset.done $0x0  }
0xf5: {  	[sflag:s24] =	ssyncadd.s32 $0xFFFFF800  }
0xf6: {  	_ =	swait.ge [sflag:s24], $0x800  }
0xf7: {  	[sflag:s24] =	ssyncset.done $0x0  }
0xf8: {  	[sflag:s24] =	ssyncadd.s32 $0xFFFFF800  }
0xf9: {  	_ =	swait.ge [sflag:s24], $0x800  }
0xfa: {  	[sflag:s24] =	ssyncset.done $0x0  }
0xfb: {  	s25 =	simm.s32 $0x19800;
	[sflag:s24] =	ssyncadd.s32 $0xFFFFF800  }
0xfc: {  	[spmem:s2] =	stream.indirect.scatter.add.f32 [tilespmem:s18], [sflag:$0x2], $0x10, s25, s11, $0xb8;
	[tilespmem:$0x1FB00] =	vst v63  }
0xfd: {  	s26 =	simm.s32 $0x19880  }
0xfe: {  	[spmem:s2] =	stream.indirect.scatter.add.f32 [tilespmem:s19], [sflag:$0x2], $0x10, s26, s11, $0xb8;
	[tilespmem:$0x1FB00] =	vst v63  }
0xff: {  	_ = 	snop  }
0x100: {  	[spmem:s2] =	stream.indirect.scatter.add.f32 [tilespmem:s20], [sflag:$0x2], $0x10, s28, s11, $0xb8;
	[tilespmem:$0x1FB00] =	vst v63  }
0x101: {  	_ =	swait.ge [sflag:s24], $0x800  }
0x102: {  	[sflag:s24] =	ssyncset.done $0x0  }
0x103: {  	[sflag:s24] =	ssyncadd.s32 $0xFFFFF800  }
0x104: {  	_ =	swait.ge [sflag:s24], $0x800  }
0x105: {  	[sflag:s24] =	ssyncset.done $0x0  }
0x106: {  	[sflag:s24] =	ssyncadd.s32 $0xFFFFF800  }
0x107: {  	_ =	swait.ge [sflag:s24], $0x800  }
0x108: {  	[sflag:s24] =	ssyncset.done $0x0  }
0x109: {  	[sflag:s24] =	ssyncadd.s32 $0xFFFFF800  }
0x10a: {  	[spmem:s2] =	stream.indirect.scatter.add.f32 [tilespmem:s21], [sflag:$0x2], $0x10, s30, s11, $0xb8;
	[tilespmem:$0x1FB00] =	vst v63  }
0x10b: {  	_ = 	snop  }
0x10c: {  	[spmem:s2] =	stream.indirect.scatter.add.f32 [tilespmem:s22], [sflag:$0x2], $0x10, s31, s11, $0xb8;
	[tilespmem:$0x1FB00] =	vst v63  }
0x10d: {  	_ = 	snop  }
0x10e: {  	[spmem:s2] =	stream.indirect.scatter.add.f32 [tilespmem:s23], [sflag:$0x2], $0x10, s0, s11, $0xb8;
	[tilespmem:$0x1FB00] =	vst v63  }
0x10f: {  	_ =	swait.ge [sflag:s10], $0x800  }
0x110: {  	[sflag:s10] =	ssyncset.done $0x0  }
0x111: {  	[sflag:s10] =	ssyncadd.s32 $0xFFFFF800  }
0x112: {  	_ =	swait.ge [sflag:s10], $0x800  }
0x113: {  	[sflag:s10] =	ssyncset.done $0x0  }
0x114: {  	[sflag:s10] =	ssyncadd.s32 $0xFFFFF800  }
0x115: {  	_ =	swait.ge [sflag:s10], $0x800  }
0x116: {  	[sflag:s10] =	ssyncset.done $0x0  }
0x117: {  	[sflag:s10] =	ssyncadd.s32 $0xFFFFF800  }
0x118: {  	_ =	swait.ge [sflag:s10], $0x800  }
0x119: {  	[sflag:s10] =	ssyncset.done $0x0  }
0x11a: {  	[sflag:s10] =	ssyncadd.s32 $0xFFFFF800  }
0x11b: {  	_ =	swait.ge [sflag:s10], $0x800  }
0x11c: {  	[sflag:s10] =	ssyncset.done $0x0  }
0x11d: {  	[sflag:s10] =	ssyncadd.s32 $0xFFFFF800  }
0x11e: {  	_ =	swait.ge [sflag:s10], $0x800  }
0x11f: {  	[sflag:s10] =	ssyncset.done $0x0  }
0x120: {  	[sflag:s10] =	ssyncadd.s32 $0xFFFFF800  }
0x121: {  	_ =	swait.ge [sflag:s10], $0x800  }
0x122: {  	[sflag:s10] =	ssyncset.done $0x0  }
0x123: {  	[sflag:s10] =	ssyncadd.s32 $0xFFFFF800  }
0x124: {  	_ =	swait.ge [sflag:s10], $0x800  }
0x125: {  	[sflag:s10] =	ssyncset.done $0x0  }
0x126: {  	[sflag:s10] =	ssyncadd.s32 $0xFFFFF800  }
0x127: {  	_ =	swait.ge [sflag:s10], $0x800  }
0x128: {  	[sflag:s10] =	ssyncset.done $0x0  }
0x129: {  	[sflag:s10] =	ssyncadd.s32 $0xFFFFF800  }
0x12a: {  	_ =	swait.ge [sflag:s10], $0x800  }
0x12b: {  	[sflag:s10] =	ssyncset.done $0x0  }
0x12c: {  	p0 =	sne.s32 s6, $0x6180;
	[sflag:s10] =	ssyncadd.s32 $0xFFFFF800  }
.Ltmp2:
0x12d: {  	_ =	swait.ge [sflag:s10], $0x800;
	(pc) =	sbr.rel @p0 .LBB2_6-.Ltmp2, $4  }
0x12e: {  	[sflag:s10] =	ssyncset.done $0x0  }
0x12f: {  	[sflag:s10] =	ssyncadd.s32 $0xFFFFF800  }
0x130: {  	_ =	swait.ge [sflag:s10], $0x800  }
0x131: {  	s6 =	sadd.s32 $0xC0, s6;
	s5 =	rddreg [dreg:$0x5];
	[sflag:s10] =	ssyncset.done $0x0  }
0x132: {  	s6 =	rddreg [dreg:$0x4];
	[sflag:s10] =	ssyncadd.s32 $0xFFFFF800;
	s5 =	sadd.s32 s7, s5  }
0x133: {  	[tilespmem:s8], [sflag:$0x2] =	stream.linear.gather [hbm4b:s5+s3], $0x600, $0x38;
	[tilespmem:$0x1FB00] =	vst v63  }
0x134: {  	s6 =	sadd.s32 s7, s6  }
0x135: {  	[tilespmem:s9], [sflag:$0x2] =	stream.linear.gather [hbm4b:s6+s3], $0x600, $0x38;
	[tilespmem:$0x1FB00] =	vst v63  }
0x136: {  	_ =	swait.ge [sflag:s10], $0x600  }
0x137: {  	[sflag:s10] =	ssyncset.done $0x0  }
0x138: {  	[sflag:s10] =	ssyncadd.s32 $0xFFFFFA00  }
0x139: {  	_ =	swait.ge [sflag:s10], $0x600  }
0x13a: {  	[sflag:s10] =	ssyncset.done $0x0  }
0x13b: {  	[sflag:s10] =	ssyncadd.s32 $0xFFFFFA00  }
0x13c: {  	[tilespmem:s12], [sflag:$0x1] =	stream.indirect.gather [hbm4b:s1+s11], $0x10, s8, s11, $0xb8;
	[tilespmem:$0x1FB00] =	vst v63  }
0x13d: {  	s7 =	rddreg [dreg:$0x6]  }
0x13e: {  	[tilespmem:s13], [sflag:$0x1] =	stream.indirect.gather [hbm4b:s1+s11], $0x10, s7, s11, $0xb8;
	[tilespmem:$0x1FB00] =	vst v63  }
0x13f: {  	s6 =	rddreg [dreg:$0x7]  }
0x140: {  	[tilespmem:s14], [sflag:$0x1] =	stream.indirect.gather [hbm4b:s1+s11], $0x10, s6, s11, $0xb8;
	[tilespmem:$0x1FB00] =	vst v63  }
0x141: {  	s7 =	rddreg [dreg:$0x8]  }
0x142: {  	[tilespmem:s15], [sflag:$0x1] =	stream.indirect.gather [hbm4b:s1+s11], $0x10, s7, s11, $0xb8;
	[tilespmem:$0x1FB00] =	vst v63  }
0x143: {  	s6 =	rddreg [dreg:$0x9]  }
0x144: {  	[tilespmem:s16], [sflag:$0x1] =	stream.indirect.gather [hbm4b:s1+s11], $0x10, s6, s11, $0xb8;
	[tilespmem:$0x1FB00] =	vst v63  }
0x145: {  	s7 =	rddreg [dreg:$0xa]  }
0x146: {  	[tilespmem:s17], [sflag:$0x1] =	stream.indirect.gather [hbm4b:s1+s11], $0x10, s7, s11, $0xb8;
	[tilespmem:$0x1FB00] =	vst v63  }
0x147: {  	s6 =	rddreg [dreg:$0xb]  }
0x148: {  	[tilespmem:s18], [sflag:$0x1] =	stream.indirect.gather [hbm4b:s1+s11], $0x10, s6, s11, $0xb8;
	[tilespmem:$0x1FB00] =	vst v63  }
0x149: {  	s7 =	rddreg [dreg:$0xc]  }
0x14a: {  	[tilespmem:s19], [sflag:$0x1] =	stream.indirect.gather [hbm4b:s1+s11], $0x10, s7, s11, $0xb8;
	[tilespmem:$0x1FB00] =	vst v63  }
0x14b: {  	s6 =	rddreg [dreg:$0xd]  }
0x14c: {  	[tilespmem:s20], [sflag:$0x1] =	stream.indirect.gather [hbm4b:s1+s11], $0x10, s6, s11, $0xb8;
	[tilespmem:$0x1FB00] =	vst v63  }
0x14d: {  	s7 =	rddreg [dreg:$0xe]  }
0x14e: {  	[tilespmem:s21], [sflag:$0x1] =	stream.indirect.gather [hbm4b:s1+s11], $0x10, s7, s11, $0xb8;
	[tilespmem:$0x1FB00] =	vst v63  }
0x14f: {  	s6 =	rddreg [dreg:$0xf]  }
0x150: {  	[tilespmem:s22], [sflag:$0x1] =	stream.indirect.gather [hbm4b:s1+s11], $0x10, s6, s11, $0xb8;
	[tilespmem:$0x1FB00] =	vst v63  }
0x151: {  	s7 =	rddreg [dreg:$0x10]  }
0x152: {  	[tilespmem:s23], [sflag:$0x1] =	stream.indirect.gather [hbm4b:s1+s11], $0x10, s7, s11, $0xb8;
	[tilespmem:$0x1FB00] =	vst v63  }
0x153: {  	_ =	swait.ge [sflag:s24], $0x800  }
0x154: {  	[sflag:s24] =	ssyncset.done $0x0  }
0x155: {  	[sflag:s24] =	ssyncadd.s32 $0xFFFFF800  }
0x156: {  	_ =	swait.ge [sflag:s24], $0x800  }
0x157: {  	[sflag:s24] =	ssyncset.done $0x0  }
0x158: {  	[sflag:s24] =	ssyncadd.s32 $0xFFFFF800  }
0x159: {  	_ =	swait.ge [sflag:s24], $0x800  }
0x15a: {  	[sflag:s24] =	ssyncset.done $0x0  }
0x15b: {  	[sflag:s24] =	ssyncadd.s32 $0xFFFFF800  }
0x15c: {  	[spmem:s2] =	stream.indirect.scatter.add.f32 [tilespmem:s12], [sflag:$0x2], $0x10, s9, s11, $0xb8;
	[tilespmem:$0x1FB00] =	vst v63  }
0x15d: {  	s6 =	rddreg [dreg:$0x11]  }
0x15e: {  	[spmem:s2] =	stream.indirect.scatter.add.f32 [tilespmem:s13], [sflag:$0x2], $0x10, s6, s11, $0xb8;
	[tilespmem:$0x1FB00] =	vst v63  }
0x15f: {  	s7 =	rddreg [dreg:$0x12]  }
0x160: {  	[spmem:s2] =	stream.indirect.scatter.add.f32 [tilespmem:s14], [sflag:$0x2], $0x10, s7, s11, $0xb8;
	[tilespmem:$0x1FB00] =	vst v63  }
0x161: {  	_ =	swait.ge [sflag:s24], $0x800  }
0x162: {  	[sflag:s24] =	ssyncset.done $0x0  }
0x163: {  	[sflag:s24] =	ssyncadd.s32 $0xFFFFF800  }
0x164: {  	_ =	swait.ge [sflag:s24], $0x800  }
0x165: {  	[sflag:s24] =	ssyncset.done $0x0  }
0x166: {  	[sflag:s24] =	ssyncadd.s32 $0xFFFFF800  }
0x167: {  	_ =	swait.ge [sflag:s24], $0x800  }
0x168: {  	[sflag:s24] =	ssyncset.done $0x0  }
0x169: {  	s6 =	rddreg [dreg:$0x13];
	[sflag:s24] =	ssyncadd.s32 $0xFFFFF800  }
0x16a: {  	[spmem:s2] =	stream.indirect.scatter.add.f32 [tilespmem:s15], [sflag:$0x2], $0x10, s6, s11, $0xb8;
	[tilespmem:$0x1FB00] =	vst v63  }
0x16b: {  	s7 =	rddreg [dreg:$0x14]  }
0x16c: {  	[spmem:s2] =	stream.indirect.scatter.add.f32 [tilespmem:s16], [sflag:$0x2], $0x10, s7, s11, $0xb8;
	[tilespmem:$0x1FB00] =	vst v63  }
0x16d: {  	_ = 	snop  }
0x16e: {  	[spmem:s2] =	stream.indirect.scatter.add.f32 [tilespmem:s17], [sflag:$0x2], $0x10, s29, s11, $0xb8;
	[tilespmem:$0x1FB00] =	vst v63  }
0x16f: {  	_ =	swait.ge [sflag:s24], $0x800  }
0x170: {  	[sflag:s24] =	ssyncset.done $0x0  }
0x171: {  	[sflag:s24] =	ssyncadd.s32 $0xFFFFF800  }
0x172: {  	_ =	swait.ge [sflag:s24], $0x800  }
0x173: {  	[sflag:s24] =	ssyncset.done $0x0  }
0x174: {  	[sflag:s24] =	ssyncadd.s32 $0xFFFFF800  }
0x175: {  	_ =	swait.ge [sflag:s24], $0x800  }
0x176: {  	[sflag:s24] =	ssyncset.done $0x0  }
0x177: {  	[sflag:s24] =	ssyncadd.s32 $0xFFFFF800  }
0x178: {  	[spmem:s2] =	stream.indirect.scatter.add.f32 [tilespmem:s18], [sflag:$0x2], $0x10, s25, s11, $0xb8;
	[tilespmem:$0x1FB00] =	vst v63  }
0x179: {  	_ = 	snop  }
0x17a: {  	[spmem:s2] =	stream.indirect.scatter.add.f32 [tilespmem:s19], [sflag:$0x2], $0x10, s26, s11, $0xb8;
	[tilespmem:$0x1FB00] =	vst v63  }
0x17b: {  	_ = 	snop  }
0x17c: {  	[spmem:s2] =	stream.indirect.scatter.add.f32 [tilespmem:s20], [sflag:$0x2], $0x10, s28, s11, $0xb8;
	[tilespmem:$0x1FB00] =	vst v63  }
0x17d: {  	_ =	swait.ge [sflag:s24], $0x800  }
0x17e: {  	[sflag:s24] =	ssyncset.done $0x0  }
0x17f: {  	[sflag:s24] =	ssyncadd.s32 $0xFFFFF800  }
0x180: {  	_ =	swait.ge [sflag:s24], $0x800  }
0x181: {  	[sflag:s24] =	ssyncset.done $0x0  }
0x182: {  	[sflag:s24] =	ssyncadd.s32 $0xFFFFF800  }
0x183: {  	_ =	swait.ge [sflag:s24], $0x800  }
0x184: {  	[sflag:s24] =	ssyncset.done $0x0  }
0x185: {  	[sflag:s24] =	ssyncadd.s32 $0xFFFFF800  }
0x186: {  	[spmem:s2] =	stream.indirect.scatter.add.f32 [tilespmem:s21], [sflag:$0x2], $0x10, s30, s11, $0xb8;
	[tilespmem:$0x1FB00] =	vst v63  }
0x187: {  	_ = 	snop  }
0x188: {  	[spmem:s2] =	stream.indirect.scatter.add.f32 [tilespmem:s22], [sflag:$0x2], $0x10, s31, s11, $0xb8;
	[tilespmem:$0x1FB00] =	vst v63  }
0x189: {  	_ = 	snop  }
0x18a: {  	[spmem:s2] =	stream.indirect.scatter.add.f32 [tilespmem:s23], [sflag:$0x2], $0x10, s0, s11, $0xb8;
	[tilespmem:$0x1FB00] =	vst v63  }
0x18b: {  	_ =	swait.ge [sflag:s10], $0x800  }
0x18c: {  	[sflag:s10] =	ssyncset.done $0x0  }
0x18d: {  	[sflag:s10] =	ssyncadd.s32 $0xFFFFF800  }
0x18e: {  	_ =	swait.ge [sflag:s10], $0x800  }
0x18f: {  	[sflag:s10] =	ssyncset.done $0x0  }
0x190: {  	[sflag:s10] =	ssyncadd.s32 $0xFFFFF800  }
0x191: {  	_ =	swait.ge [sflag:s10], $0x800  }
0x192: {  	[sflag:s10] =	ssyncset.done $0x0  }
0x193: {  	[sflag:s10] =	ssyncadd.s32 $0xFFFFF800  }
0x194: {  	_ =	swait.ge [sflag:s10], $0x800  }
0x195: {  	[sflag:s10] =	ssyncset.done $0x0  }
0x196: {  	[sflag:s10] =	ssyncadd.s32 $0xFFFFF800  }
0x197: {  	_ =	swait.ge [sflag:s10], $0x800  }
0x198: {  	[sflag:s10] =	ssyncset.done $0x0  }
0x199: {  	[sflag:s10] =	ssyncadd.s32 $0xFFFFF800  }
0x19a: {  	_ =	swait.ge [sflag:s10], $0x800  }
0x19b: {  	[sflag:s10] =	ssyncset.done $0x0  }
0x19c: {  	[sflag:s10] =	ssyncadd.s32 $0xFFFFF800  }
0x19d: {  	_ =	swait.ge [sflag:s10], $0x800  }
0x19e: {  	[sflag:s10] =	ssyncset.done $0x0  }
0x19f: {  	[sflag:s10] =	ssyncadd.s32 $0xFFFFF800  }
0x1a0: {  	_ =	swait.ge [sflag:s10], $0x800  }
0x1a1: {  	[sflag:s10] =	ssyncset.done $0x0  }
0x1a2: {  	[sflag:s10] =	ssyncadd.s32 $0xFFFFF800  }
0x1a3: {  	_ =	swait.ge [sflag:s10], $0x800  }
0x1a4: {  	[sflag:s10] =	ssyncset.done $0x0  }
0x1a5: {  	[sflag:s10] =	ssyncadd.s32 $0xFFFFF800  }
0x1a6: {  	_ =	swait.ge [sflag:s10], $0x800  }
0x1a7: {  	[sflag:s10] =	ssyncset.done $0x0  }
0x1a8: {  	[sflag:s10] =	ssyncadd.s32 $0xFFFFF800  }
0x1a9: {  	_ =	swait.ge [sflag:s10], $0x800  }
0x1aa: {  	[sflag:s10] =	ssyncset.done $0x0  }
0x1ab: {  	[sflag:s10] =	ssyncadd.s32 $0xFFFFF800  }
0x1ac: {  	_ =	swait.ge [sflag:s10], $0x800  }
0x1ad: {  	s28 =	sadd.s32 $0x0, s4;
	[sflag:s10] =	ssyncset.done $0x0  }
0x1ae: {  	p0 =	sgt.u32 s28, $0x30D;
	[sflag:s10] =	ssyncadd.s32 $0xFFFFF800  }
0x1af: {  	s5 =	simm.s32 @!p0 $0x18700;
	[bflag:$0x0] =	sbarrier.arrive $0xFFFF  }
0x1b0: {  	s6 =	simm.s32 @!p0 $0x4;
	p0 =	por p0, p0;
	s28 =	rddreg [dreg:$0x16]  }
0x1b1: {  	[tilespmem:s5], [sflag:$0x4] =	stream.linear.gather @!p0 [spmem:s28], $0x800, $0x38;
	[tilespmem:$0x1FB00] =	vst v63  }
0x1b2: {  	_ =	swait.ge @!p0 [sflag:s6], $0x800  }
0x1b3: {  	s29 =	sadd.s32 $0x10, s4;
	s25 =	simm.s32 @!p0 $0x3;
	[sflag:s6] =	ssyncset.done @!p0 $0x0  }
0x1b4: {  	s26 =	rddreg [dreg:$0x17];
	[sflag:s6] =	ssyncadd.s32 @!p0 $0xFFFFF800;
	s6 =	simm.s32 @!p0 $0x0  }
0x1b5: {  	[hbm4b:s26+s6] =	stream.linear.scatter @!p0 [tilespmem:s5], [sflag:$0x3], $0x800, $0x38;
	[tilespmem:$0x1FB00] =	vst v63  }
0x1b6: {  	s7 =	simm.s32 $0x20;
	p1 =	sgt.u32 s29, $0x30D;
	_ =	swait.ge @!p0 [sflag:s25], $0x800  }
0x1b7: {  	s5 =	sadd.s32 $0x8000, s28;
	s6 =	sadd.s32 $0x1000, s26;
	[sflag:s25] =	ssyncset.done @!p0 $0x0  }
.LBB2_8:
0x1b8: {  	s26 =	simm.s32 @!p1 $0x18700;
	s28 =	simm.s32 @!p1 $0x4;
	[sflag:s25] =	ssyncadd.s32 @!p0 $0xFFFFF800  }
0x1b9: {  	s29 =	smov.u32 s7;
	p0 =	por p1, p1;
	s7 =	sadd.s32 $0x10, s7  }
0x1ba: {  	[tilespmem:s26], [sflag:$0x4] =	stream.linear.gather @!p0 [spmem:s5], $0x800, $0x38;
	[tilespmem:$0x1FB00] =	vst v63  }
0x1bb: {  	p2 =	sne.s32 s7, $0x310;
	_ =	swait.ge @!p0 [sflag:s28], $0x800  }
.Ltmp3:
0x1bc: {  	[sflag:s28] =	ssyncset.done @!p0 $0x0;
	(pc) =	sbr.rel @p2 .LBB2_8-.Ltmp3, $4  }
0x1bd: {  	s25 =	simm.s32 @!p0 $0x3;
	[sflag:s28] =	ssyncadd.s32 @!p0 $0xFFFFF800;
	s28 =	simm.s32 @!p0 $0x0  }
0x1be: {  	[hbm4b:s6+s28] =	stream.linear.scatter @!p0 [tilespmem:s26], [sflag:$0x3], $0x800, $0x38;
	[tilespmem:$0x1FB00] =	vst v63  }
0x1bf: {  	s5 =	sadd.s32 $0x8000, s5;
	s26 =	sadd.s32 s29, s4;
	_ =	swait.ge @!p0 [sflag:s25], $0x800  }
0x1c0: {  	s6 =	sadd.s32 $0x1000, s6;
	p1 =	sgt.u32 s26, $0x30D;
	[sflag:s25] =	ssyncset.done @!p0 $0x0  }
0x1c1: {  	s7 =	simm.s32 @!p1 $0x18700  }
0x1c2: {  	s26 =	simm.s32 @!p1 $0x4;
	[sflag:s25] =	ssyncadd.s32 @!p0 $0xFFFFF800;
	p0 =	por p1, p1  }
0x1c3: {  	[tilespmem:s7], [sflag:$0x4] =	stream.linear.gather @!p0 [spmem:s5], $0x800, $0x38;
	[tilespmem:$0x1FB00] =	vst v63  }
0x1c4: {  	_ =	swait.ge @!p0 [sflag:s26], $0x800  }
0x1c5: {  	[sflag:s26] =	ssyncset.done @!p0 $0x0  }
0x1c6: {  	s5 =	simm.s32 @!p0 $0x0;
	s25 =	simm.s32 @!p0 $0x3;
	[sflag:s26] =	ssyncadd.s32 @!p0 $0xFFFFF800  }
0x1c7: {  	[hbm4b:s6+s5] =	stream.linear.scatter @!p0 [tilespmem:s7], [sflag:$0x3], $0x800, $0x38;
	[tilespmem:$0x1FB00] =	vst v63  }
0x1c8: {  	_ =	swait.ge @!p0 [sflag:s25], $0x800  }
0x1c9: {  	s26 =	rddreg [dreg:$0x18]  }
0x1ca: {  	s28 =	rddreg [dreg:$0x15];
	s6 =	sadd.s32 $0x1, s26  }
0x1cb: {  	p1 =	sne.s32 s6, s28  }
.Ltmp4:
0x1cc: {  	_ = 	snop;
	(pc) =	sbr.rel @p1 .LBB2_1-.Ltmp4, $3  }
0x1cd: {  	_ =	sdelay $0x1  }
0x1ce: {  	[sflag:s25] =	ssyncset.done @!p0 $0x0  }
0x1cf: {  	s29 =	simm.s32 $0x19780;
	[sflag:s25] =	ssyncadd.s32 @!p0 $0xFFFFF800;
	s26 =	rddreg [dreg:$0x16]  }
0x1d0: {  	_ =	sfence.sel $0x180000  }
0x1d1: {  	[bflag:$0x0] =	sbarrier.arrive $0xFFFF  }
0x1d2: {  	_ =	strace $0x9000004A  }
0x1d3: {  	[bflag:$0x2] =	sbarrier.arrive $0xFFFF  }
0x1d4: {  	p0 =	sne.s32 s4, $0x0;
	s0 =	rddreg [dreg:$0x3]  }
0x1d5: {  	s0 =	sadd.s32 @!p0 $0x100000, s0  }
0x1d6: {  	[sflag:s0] =	ssyncadd.tile.s32 @!p0 $0x1;
	_ =	shalt  }
.Lfunc_end2:
_tile_overlayer_lowered:
.L_overlay_start_2:
0x1d7: {  	(tag) =	ssettag $0x2  }
0x1d8: {  	s0 =	rddreg [dreg:$0x0];
	s2 =	stileid.u32  }
0x1d9: {  	s1 =	rddreg [dreg:$0x1];
	p0 =	sne.s32 s2, $0x0  }
0x1da: {  	s3 =	rddreg [dreg:$0x2];
	[bflag:$0x3] =	sbarrier.arrive $0xFFFF;
	s2 =	simm.s32 @!p0 $0x1C03  }
0x1db: {  	[timem:s3], [sflag:s2] =	dma.local @!p0 [hbm:s0], s1  }
0x1dc: {  	s0 =	simm.s32 @!p0 $0x3  }
0x1dd: {  	_ =	swait.ge @!p0 [sflag:s0], s1  }
0x1de: {  	s1 =	ssub.s32 @!p0 $0x0, s1;
	[sflag:s0] =	ssyncset.done @!p0 $0x0  }
0x1df: {  	[sflag:s0] =	ssyncadd.s32 @!p0 s1  }
0x1e0: {  	[bflag:$0x3] =	sbarrier.arrive $0xFFFF  }
0x1e1: {  	_ =	shalt  }

// kernel: kernel.14.cloned.1.call-start
scs
__scs_entry_jumppad:
0x0: {  	(pc) =	sbr.rel $0x88, $3  }
0x1: {  	(tag) =	ssettag $0x0;
	lr =	simm.s32 $0x1  }
0x2: {  	[smem:$0x3F9B] =	sst lr;
	_ =	strace $0xD0000000  }
0x3: {  	_ = 	snop  }
0x4: {  	_ = 	snop  }
0x5: {  	_ = 	snop  }
0x6: {  	_ = 	snop  }
0x7: {  	_ = 	snop  }
__scs_overlays_trampoline_lowered:
0x8: {  	[smem:$0x3FAA] =	sst s0  }
0x9: {  	[smem:$0x3FAB] =	sst s1  }
0xa: {  	[smem:$0x3FAC] =	sst s2  }
0xb: {  	[smem:$0x3FAD] =	sst s3  }
0xc: {  	[smem:$0x3FAE] =	sst s4  }
0xd: {  	[smem:$0x3FAF] =	sst s5  }
0xe: {  	[smem:$0x3FB0] =	sst s6  }
0xf: {  	[smem:$0x3FB1] =	sst s7  }
0x10: {  	[smem:$0x3FB2] =	sst s8  }
0x11: {  	[smem:$0x3FB3] =	sst s9;
	s0 =	simm.s32 @!p0 $0x0  }
0x12: {  	s1 =	sld [smem:$0x3F99];
	s0 =	simm.s32 @p0 $0x1  }
0x13: {  	[smem:$0x3FB4] =	sst s0;
	s0 =	simm.s32 @!p1 $0x0  }
0x14: {  	s2 =	sld [smem:$0x3F98];
	s0 =	simm.s32 @p1 $0x1  }
0x15: {  	[smem:$0x3FB5] =	sst s0;
	s0 =	simm.s32 @!p2 $0x0  }
0x16: {  	s3 =	sld [smem:$0x3FDB];
	s0 =	simm.s32 @p2 $0x1  }
0x17: {  	s4 =	simm.s32 $0x1BF5;
	[smem:$0x3FB7] =	sst s0  }
0x18: {  	s0 =	sld [smem:$0x3F9A];
	_ =	swait.ge [sflag:s4], $0x0  }
0x19: {  	s7 =	sld [smem:$0x3F9B]  }
0x1a: {  	s8 =	sadd.s32 $0xFFFFE003, lr  }
0x1b: {  	s9 =	sadd.s32 $0xFFFFFEF7, lr;
	s5 =	simm.s32 $0xFFFFFFFF;
	p2 =	slt.u32 s8, $0xFFFFF086  }
0x1c: {  	p1 =	slt.u32 s9, $0xF7A;
	s5 =	simm.s32 @!p2 $0x0  }
0x1d: {  	s5 =	simm.s32 @p1 $0x1;
	p0 =	seq.s32 s7, s2  }
0x1e: {  	s7 =	smul.u32 @!p0 $0xF7A, s2;
	p2 =	seq.s32 @!p0 s5, $0x0  }
0x1f: {  	s9 =	smul.u32 $0xF7A, s1;
	s8 =	simm.s32 @!p0 $0x1BF5;
	p2 =	por !p2, p0  }
0x20: {  	[sflag:s8] =	ssyncset.s32 @!p0 $0xFFFFF086;
	s6 =	sadd.s32 @!p0 s3, s7;
	s7 =	simm.s32 @!p0 $0x108  }
0x21: {  	s3 =	sadd.s32 s3, s9;
	s6 =	sadd.s32 @!p0 $0x88, s6;
	s7 =	simm.s32 @p2 $0x1082  }
0x22: {  	[simem:s7], [sflag:s8] =	dma.local @!p0 [hbm:s6], $0xF7A  }
0x23: {  	s9 =	sor.u32 $0xD0000000, s2;
	s6 =	simm.s32 $0x108;
	_ =	swait.ge @!p0 [sflag:s8], $0x0  }
0x24: {  	s3 =	sadd.s32 $0x88, s3;
	s6 =	simm.s32 @!p1 $0x1082;
	[sflag:s4] =	ssyncset.s32 $0xFFFFF086  }
0x25: {  	[simem:s6], [sflag:s4] =	dma.local [hbm:s3], $0xF7A  }
0x26: {  	[smem:$0x3F9B] =	sst s1;
	(tag) =	ssettag s2;
	_ =	strace s9  }
0x27: {  	s1 =	sld [smem:$0x3FAB]  }
0x28: {  	s2 =	sld [smem:$0x3FAC]  }
0x29: {  	s4 =	sld [smem:$0x3FAE]  }
0x2a: {  	p0 =	seq.s32 s5, $0x0;
	s5 =	sld [smem:$0x3FAF]  }
0x2b: {  	s6 =	sld [smem:$0x3FB0]  }
0x2c: {  	s7 =	sld [smem:$0x3FB1]  }
0x2d: {  	s3 =	simm.s32 $0x108;
	s8 =	sld [smem:$0x3FB2]  }
0x2e: {  	s3 =	simm.s32 @!p0 $0x1082;
	s9 =	sld [smem:$0x3FB3]  }
0x2f: {  	lr =	sadd.s32 s0, s3;
	s0 =	sld [smem:$0x3FAA]  }
0x30: {  	s3 =	sld [smem:$0x3FAD]  }
0x31: {  	[smem:$0x3FB6] =	sst s10  }
0x32: {  	s10 =	sld [smem:$0x3FB4];
	_ =	sdelay $0x3  }
0x33: {  	p0 =	seq.s32 s10, $0x1;
	s10 =	sld [smem:$0x3FB6];
	_ =	sdelay $0x3  }
0x34: {  	[smem:$0x3FB6] =	sst s10  }
0x35: {  	s10 =	sld [smem:$0x3FB5];
	_ =	sdelay $0x3  }
0x36: {  	p1 =	seq.s32 s10, $0x1;
	s10 =	sld [smem:$0x3FB6];
	_ =	sdelay $0x3  }
0x37: {  	[smem:$0x3FB6] =	sst s10  }
0x38: {  	s10 =	sld [smem:$0x3FB7]  }
0x39: {  	_ = 	snop;
	(pc) =	sbr.ind lr, $3  }
0x3a: {  	_ = 	snop  }
0x3b: {  	_ = 	snop  }
0x3c: {  	p2 =	seq.s32 s10, $0x1;
	s10 =	sld [smem:$0x3FB6]  }
0x3d: {  	_ =	shalt  }
0x3e: {  	_ =	shalt  }
0x3f: {  	_ =	shalt  }
0x40: {  	_ =	shalt  }
0x41: {  	_ =	shalt  }
0x42: {  	_ =	shalt  }
0x43: {  	_ =	shalt  }
0x44: {  	_ =	shalt  }
0x45: {  	_ =	shalt  }
0x46: {  	_ =	shalt  }
0x47: {  	_ =	shalt  }
0x48: {  	_ =	shalt  }
0x49: {  	_ =	shalt  }
0x4a: {  	_ =	shalt  }
0x4b: {  	_ =	shalt  }
0x4c: {  	_ =	shalt  }
0x4d: {  	_ =	shalt  }
0x4e: {  	_ =	shalt  }
0x4f: {  	_ =	shalt  }
0x50: {  	_ =	shalt  }
0x51: {  	_ =	shalt  }
0x52: {  	_ =	shalt  }
0x53: {  	_ =	shalt  }
0x54: {  	_ =	shalt  }
0x55: {  	_ =	shalt  }
0x56: {  	_ =	shalt  }
0x57: {  	_ =	shalt  }
0x58: {  	_ =	shalt  }
0x59: {  	_ =	shalt  }
0x5a: {  	_ =	shalt  }
0x5b: {  	_ =	shalt  }
0x5c: {  	_ =	shalt  }
0x5d: {  	_ =	shalt  }
0x5e: {  	_ =	shalt  }
0x5f: {  	_ =	shalt  }
0x60: {  	_ =	shalt  }
0x61: {  	_ =	shalt  }
0x62: {  	_ =	shalt  }
0x63: {  	_ =	shalt  }
0x64: {  	_ =	shalt  }
0x65: {  	_ =	shalt  }
0x66: {  	_ =	shalt  }
0x67: {  	_ =	shalt  }
0x68: {  	_ =	shalt  }
0x69: {  	_ =	shalt  }
0x6a: {  	_ =	shalt  }
0x6b: {  	_ =	shalt  }
0x6c: {  	_ =	shalt  }
0x6d: {  	_ =	shalt  }
0x6e: {  	_ =	shalt  }
0x6f: {  	_ =	shalt  }
0x70: {  	_ =	shalt  }
0x71: {  	_ =	shalt  }
0x72: {  	_ =	shalt  }
0x73: {  	_ =	shalt  }
0x74: {  	_ =	shalt  }
0x75: {  	_ =	shalt  }
0x76: {  	_ =	shalt  }
0x77: {  	_ =	shalt  }
0x78: {  	_ =	shalt  }
0x79: {  	_ =	shalt  }
0x7a: {  	_ =	shalt  }
0x7b: {  	_ =	shalt  }
0x7c: {  	_ =	shalt  }
0x7d: {  	_ =	shalt  }
0x7e: {  	_ =	shalt  }
0x7f: {  	_ =	shalt  }
0x80: {  	_ =	shalt  }
0x81: {  	_ =	shalt  }
0x82: {  	_ =	shalt  }
0x83: {  	_ =	shalt  }
0x84: {  	_ =	shalt  }
0x85: {  	_ =	shalt  }
0x86: {  	_ =	shalt  }
0x87: {  	_ =	shalt  }
.Lfunc_end0:
.L_simem_size_0:
called_computation.2_lowered:
.L_overlay_start_0:
0x88: {  	s2 =	sld [smem:$0x3FD9]  }
0x89: {  	s3 =	sld [smem:$0x3FFE];
	_ =	sdelay $0x1  }
0x8a: {  	s1 =	srdreg.scid  }
0x8b: {  	s0 =	sand.u32 $0x1, s1  }
0x8c: {  	s17 =	sshll.u32 s0, $0xA;
	s2 =	sadd.s32 s3, s2  }
0x8d: {  	s2 =	sadd.s32 s2, s17  }
0x8e: {  	[smem:$0x3FC2] =	sst s2  }
0x8f: {  	_ = 	snop  }
0x90: {  	s2 =	sld [smem:$0x3FD0];
	(tm) =	ssettm $0x1  }
0x91: {  	s18 =	sld [smem:$0x3FFB];
	_ =	sdelay $0x3  }
0x92: {  	_ =	strace s18  }
0x93: {  	s3 =	sld [smem:$0x3FFC];
	_ =	sdelay $0x3  }
0x94: {  	_ =	strace s3  }
0x95: {  	s3 =	sld [smem:$0x3FFD];
	_ =	sdelay $0x3  }
0x96: {  	_ =	strace s3  }
0x97: {  	_ =	strace $0x8FFFFFFF  }
0x98: {  	s19 =	sld [smem:$0x3FDB];
	_ =	sdelay $0x1  }
0x99: {  	s4 =	simm.s32 $_scs_section_size  }
0x9a: {  	s5 =	simm.s32 $_size__tile_overlayer_lowered;
	s6 =	simm.s32 $_tile_overlayer_lowered  }
0x9b: {  	s22 =	simm.s32 $0x1BFF;
	s21 =	sshll.u32 s6, $0x1;
	s3 =	sadd.s32 s4, s19  }
0x9c: {  	s7 =	simm.s32 $0x0;
	s20 =	sshll.u32 s5, $0x1;
	s5 =	sadd.s32 s21, s3  }
0x9d: {  	[timem:s7], [sflag:s22] =	dma.local [hbm:s5], s20  }
0x9e: {  	_ =	swait.ge [sflag:s22], s20  }
0x9f: {  	s4 =	ssub.s32 $0x0, s20;
	[sflag:s22] =	ssyncset.done $0x0  }
0xa0: {  	[sflag:s22] =	ssyncadd.s32 s4;
	_ =	sdelay $0x1  }
0xa1: {  	s23 =	simm.s32 $0x1B8B  }
0xa2: {  	_ =	swait.ge [sflag:s23], $0x1  }
0xa3: {  	[sflag:s23] =	ssyncset.done $0x0  }
0xa4: {  	s25 =	simm.s32 $0x1B8E;
	s24 =	sld [smem:$0x3FFE];
	[sflag:s23] =	ssyncadd.s32 $0xFFFFFFFF  }
0xa5: {  	s26 =	simm.s32 $execute0_lowered;
	[smem:$0x3FD2] =	sst s25  }
0xa6: {  	s5 =	sshll.u32 s26, $0x1;
	_ =	strace $0x8000004C;
	[dreg:$0x1] =	wrdreg $0xFFFFFFFF  }
0xa7: {  	s28 =	simm.s32 $_size_execute0_lowered;
	s3 =	sadd.s32 s3, s5;
	[dreg:$0x0] =	wrdreg $0x0  }
0xa8: {  	s5 =	sshll.u32 s28, $0x1;
	[dreg:$0x2] =	wrdreg s3  }
0xa9: {  	[dreg:$0x3] =	wrdreg s5  }
0xaa: {  	[dreg:$0x4] =	wrdreg $0xC0  }
0xab: {  	_ =	task [dreg:s7], $0x5FFFF  }
0xac: {  	[dreg:$0x1] =	wrdreg $0xFFFFFFFF  }
0xad: {  	[dreg:$0x0] =	wrdreg $0x60  }
0xae: {  	[dreg:$0x2] =	wrdreg s2  }
0xaf: {  	[dreg:$0x3] =	wrdreg s24  }
0xb0: {  	[dreg:$0x4] =	wrdreg $0x0  }
0xb1: {  	[dreg:$0x5] =	wrdreg $0x9  }
0xb2: {  	_ =	task.clear_ibuf [dreg:s7], $0x6FFFF;
	_ =	strace $0x9000004C  }
0xb3: {  	s29 =	simm.s32 $0x9;
	_ =	strace $0x8000004E  }
0xb4: {  	_ =	swait.ge [sflag:s29], $0x1  }
0xb5: {  	[sflag:s29] =	ssyncadd.s32 $0xFFFFFFFF  }
0xb6: {  	_ =	strace $0x9000004E  }
0xb7: {  	_ =	sfence  }
0xb8: {  	s30 =	sld [smem:$0x0];
	_ =	sdelay $0x2  }
0xb9: {  	s31 =	sshll.u32 s1, $0xD;
	s1 =	sshrl.u32 s1, $0x2  }
0xba: {  	s3 =	sand.u32 $0x4000, s31;
	s1 =	sadd.s32 s1, s30  }
0xbb: {  	s0 =	sor.u32 s3, s0;
	s1 =	sshll.u32 s1, $0x11  }
0xbc: {  	s0 =	sor.u32 s1, s0  }
0xbd: {  	s0 =	sadd.s32 $0x8F2B, s0  }
0xbe: {  	[sflag:s0] =	ssyncadd.remote.s32 $0x1  }
0xbf: {  	_ =	sfence.sel $0xFFFF  }
0xc0: {  	[dreg:$0x0] =	wrdreg $0xFFFFFFFF;
	(pc) =	sbr.abs _section_cstart, $3  }
0xc1: {  	[dreg:$0x1] =	wrdreg $0xFFFFFFFF  }
0xc2: {  	_ =	task.clear_ibuf [dreg:s7], $0x2FFFF;
	_ =	strace $0x9FFFFFFF  }
0xc3: {  	(tm) =	ssettm $0x7FFFFFFF  }
tec
execute0_lowered:
.L_overlay_start_1:
0x0: {  	(tag) =	ssettag $0x1  }
0x1: {  	s1 =	rddreg [dreg:$0x0]  }
0x2: {  	s0 =	rddreg [dreg:$0x1]  }
0x3: {  	s2 =	rddreg [dreg:$0x2];
	s4 =	srdreg.scid;
	s3 =	simm.s32 $0x0  }
0x4: {  	s12 =	simm.s32 $0x18F80;
	s13 =	simm.s32 $0x19000;
	s14 =	simm.s32 $0x19080  }
0x5: {  	s15 =	simm.s32 $0x19100;
	s16 =	simm.s32 $0x19180;
	s17 =	simm.s32 $0x19200  }
0x6: {  	s18 =	simm.s32 $0x19280;
	s19 =	simm.s32 $0x19300;
	s20 =	simm.s32 $0x19380  }
0x7: {  	s21 =	simm.s32 $0x19400;
	s22 =	simm.s32 $0x19480;
	[smem:$0x7FF] =	sst s3  }
0x8: {  	s23 =	simm.s32 $0x19580;
	_ =	strace $0x8000004D;
	[dreg:$0x6] =	wrdreg s12  }
0x9: {  	s24 =	simm.s32 $0x19600;
	s25 =	simm.s32 $0x19680;
	[dreg:$0x7] =	wrdreg s13  }
0xa: {  	s28 =	simm.s32 $0x19700;
	s29 =	simm.s32 $0x19780;
	[dreg:$0x8] =	wrdreg s14  }
0xb: {  	s5 =	sand.u32 $0x1, s4;
	s4 =	stileid.u32;
	[dreg:$0x9] =	wrdreg s15  }
0xc: {  	s30 =	simm.s32 $0x19980;
	s6 =	smul.u32 $0x62400, s5;
	[dreg:$0xa] =	wrdreg s16  }
0xd: {  	s31 =	simm.s32 $0x19A00;
	s7 =	smul.u32 $0x187000, s5;
	[dreg:$0xb] =	wrdreg s17  }
0xe: {  	s8 =	sshll.u32 s4, $0xB;
	s5 =	ssub.s32 $0x2, s5;
	[dreg:$0xc] =	wrdreg s18  }
0xf: {  	s9 =	smul.u32 $0x6240, s4;
	s12 =	simm.s32 $0x19B00;
	[dreg:$0xd] =	wrdreg s19  }
0x10: {  	s13 =	simm.s32 $0x1A300;
	s14 =	simm.s32 $0x1AB00;
	[dreg:$0xe] =	wrdreg s20  }
0x11: {  	s15 =	simm.s32 $0x1B300;
	s16 =	simm.s32 $0x1BB00;
	[dreg:$0xf] =	wrdreg s21  }
0x12: {  	s17 =	simm.s32 $0x1C300;
	s18 =	simm.s32 $0x1CB00;
	[dreg:$0x10] =	wrdreg s22  }
0x13: {  	s19 =	simm.s32 $0x1D300;
	s20 =	simm.s32 $0x1DB00;
	[dreg:$0x11] =	wrdreg s23  }
0x14: {  	s21 =	simm.s32 $0x1E300;
	s22 =	simm.s32 $0x1EB00;
	[dreg:$0x12] =	wrdreg s24  }
0x15: {  	s23 =	simm.s32 $0x1F300;
	s24 =	simm.s32 $0x1;
	[dreg:$0x13] =	wrdreg s25  }
0x16: {  	[dreg:$0x14] =	wrdreg s28;
	s10 =	sshrl.u32 s5, $0x1;
	s26 =	sadd.s32 s8, s2  }
0x17: {  	s6 =	sadd.s32 s6, s0;
	s7 =	sadd.s32 s8, s7;
	s5 =	ssub.s32 s5, s10  }
0x18: {  	s8 =	simm.s32 $0x18F00;
	[dreg:$0x16] =	wrdreg s26;
	s7 =	sshrl.u32 s7, $0x3  }
0x19: {  	s6 =	sadd.s32 s9, s6;
	s5 =	smax.u32 s5, $0x1;
	s9 =	simm.s32 $0x19500  }
0x1a: {  	s0 =	sadd.s32 s7, s0;
	[dreg:$0x15] =	wrdreg s5;
	s10 =	sadd.s32 $0xC5000, s6  }
0x1b: {  	s11 =	sadd.s32 $0x310200, s6;
	s6 =	simm.s32 $0x0;
	[dreg:$0x4] =	wrdreg s10  }
0x1c: {  	[dreg:$0x5] =	wrdreg s11;
	s0 =	sadd.s32 $0x1A00, s0;
	s10 =	simm.s32 $0x2  }
0x1d: {  	v0 =	vimm.f32 $0.0e+00;
	s11 =	simm.s32 $0x80;
	[dreg:$0x17] =	wrdreg s0;
	s0 =	simm.s32 $0x19A80  }
.LBB2_1:
0x1e: {  	[dreg:$0x18] =	wrdreg s6;
	s5 =	simm.s32 $0x0  }
.LBB2_2:
0x1f: {  	p0 =	sne.s32 s5, $0x1FC0  }
.Ltmp0:
0x20: {  	_ = 	snop;
	(pc) =	sbr.rel @p0 .LBB2_2-.Ltmp0, $3  }
0x21: {  	_ =	sdelay $0x1  }
0x22: {  	s6 =	sshra.s32 s5, $0x2  }
0x23: {  	s5 =	sadd.s32 $0x40, s5;
	[tilespmem:s6+$0x18700] =	vst v0  }
0x24: {  	s5 =	sadd.s32 $0x0, s4  }
0x25: {  	p0 =	sgt.u32 s5, $0x30D  }
0x26: {  	s5 =	simm.s32 @!p0 $0x18700;
	s25 =	simm.s32 @!p0 $0x3  }
0x27: {  	[spmem:s26] =	stream.linear.scatter @!p0 [tilespmem:s5], [sflag:$0x3], $0x800, $0x38;
	[tilespmem:$0x1FB00] =	vst v63  }
0x28: {  	s6 =	simm.s32 $0x10;
	_ =	swait.ge @!p0 [sflag:s25], $0x800  }
0x29: {  	s7 =	simm.s32 $0x20;
	s5 =	sadd.s32 $0x8000, s26;
	[sflag:s25] =	ssyncset.done @!p0 $0x0  }
.LBB2_4:
0x2a: {  	s26 =	sadd.s32 s6, s4;
	s6 =	smov.u32 s7;
	s7 =	sadd.s32 $0x10, s7  }
0x2b: {  	[sflag:s25] =	ssyncadd.s32 @!p0 $0xFFFFF800;
	p1 =	sne.s32 s7, $0x310  }
.Ltmp1:
0x2c: {  	p0 =	sgt.u32 s26, $0x30D;
	(pc) =	sbr.rel @p1 .LBB2_4-.Ltmp1, $4  }
0x2d: {  	s26 =	simm.s32 @!p0 $0x18700;
	s25 =	simm.s32 @!p0 $0x3  }
0x2e: {  	[spmem:s5] =	stream.linear.scatter @!p0 [tilespmem:s26], [sflag:$0x3], $0x800, $0x38;
	[tilespmem:$0x1FB00] =	vst v63  }
0x2f: {  	_ =	swait.ge @!p0 [sflag:s25], $0x800  }
0x30: {  	s5 =	sadd.s32 $0x8000, s5;
	[sflag:s25] =	ssyncset.done @!p0 $0x0  }
0x31: {  	s6 =	sadd.s32 s6, s4  }
0x32: {  	p1 =	sgt.u32 s6, $0x30D  }
0x33: {  	[sflag:s25] =	ssyncadd.s32 @!p0 $0xFFFFF800;
	s6 =	simm.s32 @!p1 $0x18700;
	s7 =	simm.s32 @!p1 $0x3  }
0x34: {  	[spmem:s5] =	stream.linear.scatter @!p1 [tilespmem:s6], [sflag:$0x3], $0x800, $0x38;
	[tilespmem:$0x1FB00] =	vst v63  }
0x35: {  	_ =	swait.ge @!p1 [sflag:s7], $0x800  }
0x36: {  	[sflag:s7] =	ssyncset.done @!p1 $0x0  }
0x37: {  	[sflag:s7] =	ssyncadd.s32 @!p1 $0xFFFFF800  }
0x38: {  	[bflag:$0x0] =	sbarrier.arrive $0xFFFF  }
0x39: {  	s7 =	rddreg [dreg:$0x5]  }
0x3a: {  	s25 =	rddreg [dreg:$0x4];
	s5 =	sadd.s32 $0x0, s7  }
0x3b: {  	[tilespmem:s8], [sflag:$0x2] =	stream.linear.gather [hbm4b:s5+s3], $0x600, $0x38;
	[tilespmem:$0x1FB00] =	vst v63  }
0x3c: {  	s26 =	sadd.s32 $0x0, s25  }
0x3d: {  	[tilespmem:s9], [sflag:$0x2] =	stream.linear.gather [hbm4b:s26+s3], $0x600, $0x38;
	[tilespmem:$0x1FB00] =	vst v63  }
0x3e: {  	_ =	swait.ge [sflag:s10], $0x600  }
0x3f: {  	[sflag:s10] =	ssyncset.done $0x0  }
0x40: {  	[sflag:s10] =	ssyncadd.s32 $0xFFFFFA00  }
0x41: {  	_ =	swait.ge [sflag:s10], $0x600  }
0x42: {  	[sflag:s10] =	ssyncset.done $0x0  }
0x43: {  	[sflag:s10] =	ssyncadd.s32 $0xFFFFFA00  }
0x44: {  	[tilespmem:s12], [sflag:$0x1] =	stream.indirect.gather [hbm4b:s1+s11], $0x10, s8, s11, $0xb8;
	[tilespmem:$0x1FB00] =	vst v63  }
0x45: {  	s6 =	rddreg [dreg:$0x6]  }
0x46: {  	[tilespmem:s13], [sflag:$0x1] =	stream.indirect.gather [hbm4b:s1+s11], $0x10, s6, s11, $0xb8;
	[tilespmem:$0x1FB00] =	vst v63  }
0x47: {  	s7 =	rddreg [dreg:$0x7]  }
0x48: {  	[tilespmem:s14], [sflag:$0x1] =	stream.indirect.gather [hbm4b:s1+s11], $0x10, s7, s11, $0xb8;
	[tilespmem:$0x1FB00] =	vst v63  }
0x49: {  	s25 =	rddreg [dreg:$0x8]  }
0x4a: {  	[tilespmem:s15], [sflag:$0x1] =	stream.indirect.gather [hbm4b:s1+s11], $0x10, s25, s11, $0xb8;
	[tilespmem:$0x1FB00] =	vst v63  }
0x4b: {  	s26 =	rddreg [dreg:$0x9]  }
0x4c: {  	[tilespmem:s16], [sflag:$0x1] =	stream.indirect.gather [hbm4b:s1+s11], $0x10, s26, s11, $0xb8;
	[tilespmem:$0x1FB00] =	vst v63  }
0x4d: {  	s7 =	rddreg [dreg:$0xa]  }
0x4e: {  	[tilespmem:s17], [sflag:$0x1] =	stream.indirect.gather [hbm4b:s1+s11], $0x10, s7, s11, $0xb8;
	[tilespmem:$0x1FB00] =	vst v63  }
0x4f: {  	s25 =	rddreg [dreg:$0xb]  }
0x50: {  	[tilespmem:s18], [sflag:$0x1] =	stream.indirect.gather [hbm4b:s1+s11], $0x10, s25, s11, $0xb8;
	[tilespmem:$0x1FB00] =	vst v63  }
0x51: {  	s26 =	rddreg [dreg:$0xc]  }
0x52: {  	[tilespmem:s19], [sflag:$0x1] =	stream.indirect.gather [hbm4b:s1+s11], $0x10, s26, s11, $0xb8;
	[tilespmem:$0x1FB00] =	vst v63  }
0x53: {  	s7 =	rddreg [dreg:$0xd]  }
0x54: {  	[tilespmem:s20], [sflag:$0x1] =	stream.indirect.gather [hbm4b:s1+s11], $0x10, s7, s11, $0xb8;
	[tilespmem:$0x1FB00] =	vst v63  }
0x55: {  	s25 =	rddreg [dreg:$0xe]  }
0x56: {  	[tilespmem:s21], [sflag:$0x1] =	stream.indirect.gather [hbm4b:s1+s11], $0x10, s25, s11, $0xb8;
	[tilespmem:$0x1FB00] =	vst v63  }
0x57: {  	s26 =	rddreg [dreg:$0xf]  }
0x58: {  	[tilespmem:s22], [sflag:$0x1] =	stream.indirect.gather [hbm4b:s1+s11], $0x10, s26, s11, $0xb8;
	[tilespmem:$0x1FB00] =	vst v63  }
0x59: {  	s7 =	rddreg [dreg:$0x10]  }
0x5a: {  	[tilespmem:s23], [sflag:$0x1] =	stream.indirect.gather [hbm4b:s1+s11], $0x10, s7, s11, $0xb8;
	[tilespmem:$0x1FB00] =	vst v63  }
0x5b: {  	_ =	swait.ge [sflag:s24], $0x800  }
0x5c: {  	[sflag:s24] =	ssyncset.done $0x0  }
0x5d: {  	[sflag:s24] =	ssyncadd.s32 $0xFFFFF800  }
0x5e: {  	_ =	swait.ge [sflag:s24], $0x800  }
0x5f: {  	[sflag:s24] =	ssyncset.done $0x0  }
0x60: {  	[sflag:s24] =	ssyncadd.s32 $0xFFFFF800  }
0x61: {  	_ =	swait.ge [sflag:s24], $0x800  }
0x62: {  	[sflag:s24] =	ssyncset.done $0x0  }
0x63: {  	[sflag:s24] =	ssyncadd.s32 $0xFFFFF800  }
0x64: {  	[spmem:s2] =	stream.indirect.scatter.add.f32 [tilespmem:s12], [sflag:$0x2], $0x10, s9, s11, $0xb8;
	[tilespmem:$0x1FB00] =	vst v63  }
0x65: {  	s25 =	rddreg [dreg:$0x11]  }
0x66: {  	[spmem:s2] =	stream.indirect.scatter.add.f32 [tilespmem:s13], [sflag:$0x2], $0x10, s25, s11, $0xb8;
	[tilespmem:$0x1FB00] =	vst v63  }
0x67: {  	s26 =	rddreg [dreg:$0x12]  }
0x68: {  	[spmem:s2] =	stream.indirect.scatter.add.f32 [tilespmem:s14], [sflag:$0x2], $0x10, s26, s11, $0xb8;
	[tilespmem:$0x1FB00] =	vst v63  }
0x69: {  	_ =	swait.ge [sflag:s24], $0x800  }
0x6a: {  	[sflag:s24] =	ssyncset.done $0x0  }
0x6b: {  	[sflag:s24] =	ssyncadd.s32 $0xFFFFF800  }
0x6c: {  	_ =	swait.ge [sflag:s24], $0x800  }
0x6d: {  	[sflag:s24] =	ssyncset.done $0x0  }
0x6e: {  	[sflag:s24] =	ssyncadd.s32 $0xFFFFF800  }
0x6f: {  	_ =	swait.ge [sflag:s24], $0x800  }
0x70: {  	[sflag:s24] =	ssyncset.done $0x0  }
0x71: {  	s6 =	rddreg [dreg:$0x13];
	[sflag:s24] =	ssyncadd.s32 $0xFFFFF800  }
0x72: {  	[spmem:s2] =	stream.indirect.scatter.add.f32 [tilespmem:s15], [sflag:$0x2], $0x10, s6, s11, $0xb8;
	[tilespmem:$0x1FB00] =	vst v63  }
0x73: {  	s7 =	rddreg [dreg:$0x14]  }
0x74: {  	[spmem:s2] =	stream.indirect.scatter.add.f32 [tilespmem:s16], [sflag:$0x2], $0x10, s7, s11, $0xb8;
	[tilespmem:$0x1FB00] =	vst v63  }
0x75: {  	_ = 	snop  }
0x76: {  	[spmem:s2] =	stream.indirect.scatter.add.f32 [tilespmem:s17], [sflag:$0x2], $0x10, s29, s11, $0xb8;
	[tilespmem:$0x1FB00] =	vst v63  }
0x77: {  	_ =	swait.ge [sflag:s24], $0x800  }
0x78: {  	[sflag:s24] =	ssyncset.done $0x0  }
0x79: {  	[sflag:s24] =	ssyncadd.s32 $0xFFFFF800  }
0x7a: {  	_ =	swait.ge [sflag:s24], $0x800  }
0x7b: {  	[sflag:s24] =	ssyncset.done $0x0  }
0x7c: {  	[sflag:s24] =	ssyncadd.s32 $0xFFFFF800  }
0x7d: {  	_ =	swait.ge [sflag:s24], $0x800  }
0x7e: {  	[sflag:s24] =	ssyncset.done $0x0  }
0x7f: {  	s25 =	simm.s32 $0x19800;
	[sflag:s24] =	ssyncadd.s32 $0xFFFFF800  }
0x80: {  	[spmem:s2] =	stream.indirect.scatter.add.f32 [tilespmem:s18], [sflag:$0x2], $0x10, s25, s11, $0xb8;
	[tilespmem:$0x1FB00] =	vst v63  }
0x81: {  	s26 =	simm.s32 $0x19880  }
0x82: {  	[spmem:s2] =	stream.indirect.scatter.add.f32 [tilespmem:s19], [sflag:$0x2], $0x10, s26, s11, $0xb8;
	[tilespmem:$0x1FB00] =	vst v63  }
0x83: {  	s28 =	simm.s32 $0x19900  }
0x84: {  	[spmem:s2] =	stream.indirect.scatter.add.f32 [tilespmem:s20], [sflag:$0x2], $0x10, s28, s11, $0xb8;
	[tilespmem:$0x1FB00] =	vst v63  }
0x85: {  	_ =	swait.ge [sflag:s24], $0x800  }
0x86: {  	[sflag:s24] =	ssyncset.done $0x0  }
0x87: {  	[sflag:s24] =	ssyncadd.s32 $0xFFFFF800  }
0x88: {  	_ =	swait.ge [sflag:s24], $0x800  }
0x89: {  	[sflag:s24] =	ssyncset.done $0x0  }
0x8a: {  	[sflag:s24] =	ssyncadd.s32 $0xFFFFF800  }
0x8b: {  	_ =	swait.ge [sflag:s24], $0x800  }
0x8c: {  	[sflag:s24] =	ssyncset.done $0x0  }
0x8d: {  	[sflag:s24] =	ssyncadd.s32 $0xFFFFF800  }
0x8e: {  	[spmem:s2] =	stream.indirect.scatter.add.f32 [tilespmem:s21], [sflag:$0x2], $0x10, s30, s11, $0xb8;
	[tilespmem:$0x1FB00] =	vst v63  }
0x8f: {  	_ = 	snop  }
0x90: {  	[spmem:s2] =	stream.indirect.scatter.add.f32 [tilespmem:s22], [sflag:$0x2], $0x10, s31, s11, $0xb8;
	[tilespmem:$0x1FB00] =	vst v63  }
0x91: {  	_ = 	snop  }
0x92: {  	[spmem:s2] =	stream.indirect.scatter.add.f32 [tilespmem:s23], [sflag:$0x2], $0x10, s0, s11, $0xb8;
	[tilespmem:$0x1FB00] =	vst v63  }
0x93: {  	_ =	swait.ge [sflag:s10], $0x800  }
0x94: {  	[sflag:s10] =	ssyncset.done $0x0  }
0x95: {  	[sflag:s10] =	ssyncadd.s32 $0xFFFFF800  }
0x96: {  	_ =	swait.ge [sflag:s10], $0x800  }
0x97: {  	[sflag:s10] =	ssyncset.done $0x0  }
0x98: {  	[sflag:s10] =	ssyncadd.s32 $0xFFFFF800  }
0x99: {  	_ =	swait.ge [sflag:s10], $0x800  }
0x9a: {  	[sflag:s10] =	ssyncset.done $0x0  }
0x9b: {  	[sflag:s10] =	ssyncadd.s32 $0xFFFFF800  }
0x9c: {  	_ =	swait.ge [sflag:s10], $0x800  }
0x9d: {  	[sflag:s10] =	ssyncset.done $0x0  }
0x9e: {  	[sflag:s10] =	ssyncadd.s32 $0xFFFFF800  }
0x9f: {  	_ =	swait.ge [sflag:s10], $0x800  }
0xa0: {  	[sflag:s10] =	ssyncset.done $0x0  }
0xa1: {  	[sflag:s10] =	ssyncadd.s32 $0xFFFFF800  }
0xa2: {  	_ =	swait.ge [sflag:s10], $0x800  }
0xa3: {  	[sflag:s10] =	ssyncset.done $0x0  }
0xa4: {  	[sflag:s10] =	ssyncadd.s32 $0xFFFFF800  }
0xa5: {  	_ =	swait.ge [sflag:s10], $0x800  }
0xa6: {  	[sflag:s10] =	ssyncset.done $0x0  }
0xa7: {  	[sflag:s10] =	ssyncadd.s32 $0xFFFFF800  }
0xa8: {  	_ =	swait.ge [sflag:s10], $0x800  }
0xa9: {  	[sflag:s10] =	ssyncset.done $0x0  }
0xaa: {  	[sflag:s10] =	ssyncadd.s32 $0xFFFFF800  }
0xab: {  	_ =	swait.ge [sflag:s10], $0x800  }
0xac: {  	[sflag:s10] =	ssyncset.done $0x0  }
0xad: {  	[sflag:s10] =	ssyncadd.s32 $0xFFFFF800  }
0xae: {  	_ =	swait.ge [sflag:s10], $0x800  }
0xaf: {  	[sflag:s10] =	ssyncset.done $0x0  }
0xb0: {  	[sflag:s10] =	ssyncadd.s32 $0xFFFFF800  }
0xb1: {  	_ =	swait.ge [sflag:s10], $0x800  }
0xb2: {  	[sflag:s10] =	ssyncset.done $0x0  }
0xb3: {  	[sflag:s10] =	ssyncadd.s32 $0xFFFFF800  }
0xb4: {  	s6 =	simm.s32 $0x180;
	_ =	swait.ge [sflag:s10], $0x800  }
0xb5: {  	s7 =	simm.s32 $0xC0;
	s5 =	rddreg [dreg:$0x5];
	[sflag:s10] =	ssyncset.done $0x0  }
.LBB2_6:
0xb6: {  	[sflag:s10] =	ssyncadd.s32 $0xFFFFF800;
	s26 =	rddreg [dreg:$0x4];
	s5 =	sadd.s32 s7, s5  }
0xb7: {  	[tilespmem:s8], [sflag:$0x2] =	stream.linear.gather [hbm4b:s5+s3], $0x600, $0x38;
	[tilespmem:$0x1FB00] =	vst v63  }
0xb8: {  	s5 =	sadd.s32 s7, s26  }
0xb9: {  	[tilespmem:s9], [sflag:$0x2] =	stream.linear.gather [hbm4b:s5+s3], $0x600, $0x38;
	[tilespmem:$0x1FB00] =	vst v63  }
0xba: {  	_ =	swait.ge [sflag:s10], $0x600  }
0xbb: {  	[sflag:s10] =	ssyncset.done $0x0  }
0xbc: {  	[sflag:s10] =	ssyncadd.s32 $0xFFFFFA00  }
0xbd: {  	_ =	swait.ge [sflag:s10], $0x600  }
0xbe: {  	[sflag:s10] =	ssyncset.done $0x0  }
0xbf: {  	[sflag:s10] =	ssyncadd.s32 $0xFFFFFA00  }
0xc0: {  	[tilespmem:s12], [sflag:$0x1] =	stream.indirect.gather [hbm4b:s1+s11], $0x10, s8, s11, $0xb8;
	[tilespmem:$0x1FB00] =	vst v63  }
0xc1: {  	s25 =	smov.u32 s6;
	s5 =	rddreg [dreg:$0x6]  }
0xc2: {  	[tilespmem:s13], [sflag:$0x1] =	stream.indirect.gather [hbm4b:s1+s11], $0x10, s5, s11, $0xb8;
	[tilespmem:$0x1FB00] =	vst v63  }
0xc3: {  	s7 =	smov.u32 s25;
	s25 =	rddreg [dreg:$0x7]  }
0xc4: {  	[tilespmem:s14], [sflag:$0x1] =	stream.indirect.gather [hbm4b:s1+s11], $0x10, s25, s11, $0xb8;
	[tilespmem:$0x1FB00] =	vst v63  }
0xc5: {  	s5 =	rddreg [dreg:$0x8]  }
0xc6: {  	[tilespmem:s15], [sflag:$0x1] =	stream.indirect.gather [hbm4b:s1+s11], $0x10, s5, s11, $0xb8;
	[tilespmem:$0x1FB00] =	vst v63  }
0xc7: {  	s25 =	rddreg [dreg:$0x9]  }
0xc8: {  	[tilespmem:s16], [sflag:$0x1] =	stream.indirect.gather [hbm4b:s1+s11], $0x10, s25, s11, $0xb8;
	[tilespmem:$0x1FB00] =	vst v63  }
0xc9: {  	s5 =	rddreg [dreg:$0xa]  }
0xca: {  	[tilespmem:s17], [sflag:$0x1] =	stream.indirect.gather [hbm4b:s1+s11], $0x10, s5, s11, $0xb8;
	[tilespmem:$0x1FB00] =	vst v63  }
0xcb: {  	s25 =	rddreg [dreg:$0xb]  }
0xcc: {  	[tilespmem:s18], [sflag:$0x1] =	stream.indirect.gather [hbm4b:s1+s11], $0x10, s25, s11, $0xb8;
	[tilespmem:$0x1FB00] =	vst v63  }
0xcd: {  	s5 =	rddreg [dreg:$0xc]  }
0xce: {  	[tilespmem:s19], [sflag:$0x1] =	stream.indirect.gather [hbm4b:s1+s11], $0x10, s5, s11, $0xb8;
	[tilespmem:$0x1FB00] =	vst v63  }
0xcf: {  	s25 =	rddreg [dreg:$0xd]  }
0xd0: {  	[tilespmem:s20], [sflag:$0x1] =	stream.indirect.gather [hbm4b:s1+s11], $0x10, s25, s11, $0xb8;
	[tilespmem:$0x1FB00] =	vst v63  }
0xd1: {  	s5 =	rddreg [dreg:$0xe]  }
0xd2: {  	[tilespmem:s21], [sflag:$0x1] =	stream.indirect.gather [hbm4b:s1+s11], $0x10, s5, s11, $0xb8;
	[tilespmem:$0x1FB00] =	vst v63  }
0xd3: {  	s25 =	rddreg [dreg:$0xf]  }
0xd4: {  	[tilespmem:s22], [sflag:$0x1] =	stream.indirect.gather [hbm4b:s1+s11], $0x10, s25, s11, $0xb8;
	[tilespmem:$0x1FB00] =	vst v63  }
0xd5: {  	s5 =	rddreg [dreg:$0x10]  }
0xd6: {  	[tilespmem:s23], [sflag:$0x1] =	stream.indirect.gather [hbm4b:s1+s11], $0x10, s5, s11, $0xb8;
	[tilespmem:$0x1FB00] =	vst v63  }
0xd7: {  	_ =	swait.ge [sflag:s24], $0x800  }
0xd8: {  	[sflag:s24] =	ssyncset.done $0x0  }
0xd9: {  	[sflag:s24] =	ssyncadd.s32 $0xFFFFF800  }
0xda: {  	_ =	swait.ge [sflag:s24], $0x800  }
0xdb: {  	[sflag:s24] =	ssyncset.done $0x0  }
0xdc: {  	[sflag:s24] =	ssyncadd.s32 $0xFFFFF800  }
0xdd: {  	_ =	swait.ge [sflag:s24], $0x800  }
0xde: {  	[sflag:s24] =	ssyncset.done $0x0  }
0xdf: {  	[sflag:s24] =	ssyncadd.s32 $0xFFFFF800  }
0xe0: {  	[spmem:s2] =	stream.indirect.scatter.add.f32 [tilespmem:s12], [sflag:$0x2], $0x10, s9, s11, $0xb8;
	[tilespmem:$0x1FB00] =	vst v63  }
0xe1: {  	s5 =	rddreg [dreg:$0x11]  }
0xe2: {  	[spmem:s2] =	stream.indirect.scatter.add.f32 [tilespmem:s13], [sflag:$0x2], $0x10, s5, s11, $0xb8;
	[tilespmem:$0x1FB00] =	vst v63  }
0xe3: {  	s25 =	rddreg [dreg:$0x12]  }
0xe4: {  	[spmem:s2] =	stream.indirect.scatter.add.f32 [tilespmem:s14], [sflag:$0x2], $0x10, s25, s11, $0xb8;
	[tilespmem:$0x1FB00] =	vst v63  }
0xe5: {  	_ =	swait.ge [sflag:s24], $0x800  }
0xe6: {  	[sflag:s24] =	ssyncset.done $0x0  }
0xe7: {  	[sflag:s24] =	ssyncadd.s32 $0xFFFFF800  }
0xe8: {  	_ =	swait.ge [sflag:s24], $0x800  }
0xe9: {  	[sflag:s24] =	ssyncset.done $0x0  }
0xea: {  	[sflag:s24] =	ssyncadd.s32 $0xFFFFF800  }
0xeb: {  	_ =	swait.ge [sflag:s24], $0x800  }
0xec: {  	[sflag:s24] =	ssyncset.done $0x0  }
0xed: {  	s5 =	rddreg [dreg:$0x13];
	[sflag:s24] =	ssyncadd.s32 $0xFFFFF800  }
0xee: {  	[spmem:s2] =	stream.indirect.scatter.add.f32 [tilespmem:s15], [sflag:$0x2], $0x10, s5, s11, $0xb8;
	[tilespmem:$0x1FB00] =	vst v63  }
0xef: {  	s25 =	rddreg [dreg:$0x14]  }
0xf0: {  	[spmem:s2] =	stream.indirect.scatter.add.f32 [tilespmem:s16], [sflag:$0x2], $0x10, s25, s11, $0xb8;
	[tilespmem:$0x1FB00] =	vst v63  }
0xf1: {  	_ = 	snop  }
0xf2: {  	[spmem:s2] =	stream.indirect.scatter.add.f32 [tilespmem:s17], [sflag:$0x2], $0x10, s29, s11, $0xb8;
	[tilespmem:$0x1FB00] =	vst v63  }
0xf3: {  	_ =	swait.ge [sflag:s24], $0x800  }
0xf4: {  	[sflag:s24] =	ssyncset.done $0x0  }
0xf5: {  	[sflag:s24] =	ssyncadd.s32 $0xFFFFF800  }
0xf6: {  	_ =	swait.ge [sflag:s24], $0x800  }
0xf7: {  	[sflag:s24] =	ssyncset.done $0x0  }
0xf8: {  	[sflag:s24] =	ssyncadd.s32 $0xFFFFF800  }
0xf9: {  	_ =	swait.ge [sflag:s24], $0x800  }
0xfa: {  	[sflag:s24] =	ssyncset.done $0x0  }
0xfb: {  	s25 =	simm.s32 $0x19800;
	[sflag:s24] =	ssyncadd.s32 $0xFFFFF800  }
0xfc: {  	[spmem:s2] =	stream.indirect.scatter.add.f32 [tilespmem:s18], [sflag:$0x2], $0x10, s25, s11, $0xb8;
	[tilespmem:$0x1FB00] =	vst v63  }
0xfd: {  	s26 =	simm.s32 $0x19880  }
0xfe: {  	[spmem:s2] =	stream.indirect.scatter.add.f32 [tilespmem:s19], [sflag:$0x2], $0x10, s26, s11, $0xb8;
	[tilespmem:$0x1FB00] =	vst v63  }
0xff: {  	_ = 	snop  }
0x100: {  	[spmem:s2] =	stream.indirect.scatter.add.f32 [tilespmem:s20], [sflag:$0x2], $0x10, s28, s11, $0xb8;
	[tilespmem:$0x1FB00] =	vst v63  }
0x101: {  	_ =	swait.ge [sflag:s24], $0x800  }
0x102: {  	[sflag:s24] =	ssyncset.done $0x0  }
0x103: {  	[sflag:s24] =	ssyncadd.s32 $0xFFFFF800  }
0x104: {  	_ =	swait.ge [sflag:s24], $0x800  }
0x105: {  	[sflag:s24] =	ssyncset.done $0x0  }
0x106: {  	[sflag:s24] =	ssyncadd.s32 $0xFFFFF800  }
0x107: {  	_ =	swait.ge [sflag:s24], $0x800  }
0x108: {  	[sflag:s24] =	ssyncset.done $0x0  }
0x109: {  	[sflag:s24] =	ssyncadd.s32 $0xFFFFF800  }
0x10a: {  	[spmem:s2] =	stream.indirect.scatter.add.f32 [tilespmem:s21], [sflag:$0x2], $0x10, s30, s11, $0xb8;
	[tilespmem:$0x1FB00] =	vst v63  }
0x10b: {  	_ = 	snop  }
0x10c: {  	[spmem:s2] =	stream.indirect.scatter.add.f32 [tilespmem:s22], [sflag:$0x2], $0x10, s31, s11, $0xb8;
	[tilespmem:$0x1FB00] =	vst v63  }
0x10d: {  	_ = 	snop  }
0x10e: {  	[spmem:s2] =	stream.indirect.scatter.add.f32 [tilespmem:s23], [sflag:$0x2], $0x10, s0, s11, $0xb8;
	[tilespmem:$0x1FB00] =	vst v63  }
0x10f: {  	_ =	swait.ge [sflag:s10], $0x800  }
0x110: {  	[sflag:s10] =	ssyncset.done $0x0  }
0x111: {  	[sflag:s10] =	ssyncadd.s32 $0xFFFFF800  }
0x112: {  	_ =	swait.ge [sflag:s10], $0x800  }
0x113: {  	[sflag:s10] =	ssyncset.done $0x0  }
0x114: {  	[sflag:s10] =	ssyncadd.s32 $0xFFFFF800  }
0x115: {  	_ =	swait.ge [sflag:s10], $0x800  }
0x116: {  	[sflag:s10] =	ssyncset.done $0x0  }
0x117: {  	[sflag:s10] =	ssyncadd.s32 $0xFFFFF800  }
0x118: {  	_ =	swait.ge [sflag:s10], $0x800  }
0x119: {  	[sflag:s10] =	ssyncset.done $0x0  }
0x11a: {  	[sflag:s10] =	ssyncadd.s32 $0xFFFFF800  }
0x11b: {  	_ =	swait.ge [sflag:s10], $0x800  }
0x11c: {  	[sflag:s10] =	ssyncset.done $0x0  }
0x11d: {  	[sflag:s10] =	ssyncadd.s32 $0xFFFFF800  }
0x11e: {  	_ =	swait.ge [sflag:s10], $0x800  }
0x11f: {  	[sflag:s10] =	ssyncset.done $0x0  }
0x120: {  	[sflag:s10] =	ssyncadd.s32 $0xFFFFF800  }
0x121: {  	_ =	swait.ge [sflag:s10], $0x800  }
0x122: {  	[sflag:s10] =	ssyncset.done $0x0  }
0x123: {  	[sflag:s10] =	ssyncadd.s32 $0xFFFFF800  }
0x124: {  	_ =	swait.ge [sflag:s10], $0x800  }
0x125: {  	[sflag:s10] =	ssyncset.done $0x0  }
0x126: {  	[sflag:s10] =	ssyncadd.s32 $0xFFFFF800  }
0x127: {  	_ =	swait.ge [sflag:s10], $0x800  }
0x128: {  	[sflag:s10] =	ssyncset.done $0x0  }
0x129: {  	[sflag:s10] =	ssyncadd.s32 $0xFFFFF800  }
0x12a: {  	_ =	swait.ge [sflag:s10], $0x800  }
0x12b: {  	[sflag:s10] =	ssyncset.done $0x0  }
0x12c: {  	p0 =	sne.s32 s6, $0x6180;
	[sflag:s10] =	ssyncadd.s32 $0xFFFFF800  }
.Ltmp2:
0x12d: {  	_ =	swait.ge [sflag:s10], $0x800;
	(pc) =	sbr.rel @p0 .LBB2_6-.Ltmp2, $4  }
0x12e: {  	[sflag:s10] =	ssyncset.done $0x0  }
0x12f: {  	[sflag:s10] =	ssyncadd.s32 $0xFFFFF800  }
0x130: {  	_ =	swait.ge [sflag:s10], $0x800  }
0x131: {  	s6 =	sadd.s32 $0xC0, s6;
	s5 =	rddreg [dreg:$0x5];
	[sflag:s10] =	ssyncset.done $0x0  }
0x132: {  	s6 =	rddreg [dreg:$0x4];
	[sflag:s10] =	ssyncadd.s32 $0xFFFFF800;
	s5 =	sadd.s32 s7, s5  }
0x133: {  	[tilespmem:s8], [sflag:$0x2] =	stream.linear.gather [hbm4b:s5+s3], $0x600, $0x38;
	[tilespmem:$0x1FB00] =	vst v63  }
0x134: {  	s6 =	sadd.s32 s7, s6  }
0x135: {  	[tilespmem:s9], [sflag:$0x2] =	stream.linear.gather [hbm4b:s6+s3], $0x600, $0x38;
	[tilespmem:$0x1FB00] =	vst v63  }
0x136: {  	_ =	swait.ge [sflag:s10], $0x600  }
0x137: {  	[sflag:s10] =	ssyncset.done $0x0  }
0x138: {  	[sflag:s10] =	ssyncadd.s32 $0xFFFFFA00  }
0x139: {  	_ =	swait.ge [sflag:s10], $0x600  }
0x13a: {  	[sflag:s10] =	ssyncset.done $0x0  }
0x13b: {  	[sflag:s10] =	ssyncadd.s32 $0xFFFFFA00  }
0x13c: {  	[tilespmem:s12], [sflag:$0x1] =	stream.indirect.gather [hbm4b:s1+s11], $0x10, s8, s11, $0xb8;
	[tilespmem:$0x1FB00] =	vst v63  }
0x13d: {  	s7 =	rddreg [dreg:$0x6]  }
0x13e: {  	[tilespmem:s13], [sflag:$0x1] =	stream.indirect.gather [hbm4b:s1+s11], $0x10, s7, s11, $0xb8;
	[tilespmem:$0x1FB00] =	vst v63  }
0x13f: {  	s6 =	rddreg [dreg:$0x7]  }
0x140: {  	[tilespmem:s14], [sflag:$0x1] =	stream.indirect.gather [hbm4b:s1+s11], $0x10, s6, s11, $0xb8;
	[tilespmem:$0x1FB00] =	vst v63  }
0x141: {  	s7 =	rddreg [dreg:$0x8]  }
0x142: {  	[tilespmem:s15], [sflag:$0x1] =	stream.indirect.gather [hbm4b:s1+s11], $0x10, s7, s11, $0xb8;
	[tilespmem:$0x1FB00] =	vst v63  }
0x143: {  	s6 =	rddreg [dreg:$0x9]  }
0x144: {  	[tilespmem:s16], [sflag:$0x1] =	stream.indirect.gather [hbm4b:s1+s11], $0x10, s6, s11, $0xb8;
	[tilespmem:$0x1FB00] =	vst v63  }
0x145: {  	s7 =	rddreg [dreg:$0xa]  }
0x146: {  	[tilespmem:s17], [sflag:$0x1] =	stream.indirect.gather [hbm4b:s1+s11], $0x10, s7, s11, $0xb8;
	[tilespmem:$0x1FB00] =	vst v63  }
0x147: {  	s6 =	rddreg [dreg:$0xb]  }
0x148: {  	[tilespmem:s18], [sflag:$0x1] =	stream.indirect.gather [hbm4b:s1+s11], $0x10, s6, s11, $0xb8;
	[tilespmem:$0x1FB00] =	vst v63  }
0x149: {  	s7 =	rddreg [dreg:$0xc]  }
0x14a: {  	[tilespmem:s19], [sflag:$0x1] =	stream.indirect.gather [hbm4b:s1+s11], $0x10, s7, s11, $0xb8;
	[tilespmem:$0x1FB00] =	vst v63  }
0x14b: {  	s6 =	rddreg [dreg:$0xd]  }
0x14c: {  	[tilespmem:s20], [sflag:$0x1] =	stream.indirect.gather [hbm4b:s1+s11], $0x10, s6, s11, $0xb8;
	[tilespmem:$0x1FB00] =	vst v63  }
0x14d: {  	s7 =	rddreg [dreg:$0xe]  }
0x14e: {  	[tilespmem:s21], [sflag:$0x1] =	stream.indirect.gather [hbm4b:s1+s11], $0x10, s7, s11, $0xb8;
	[tilespmem:$0x1FB00] =	vst v63  }
0x14f: {  	s6 =	rddreg [dreg:$0xf]  }
0x150: {  	[tilespmem:s22], [sflag:$0x1] =	stream.indirect.gather [hbm4b:s1+s11], $0x10, s6, s11, $0xb8;
	[tilespmem:$0x1FB00] =	vst v63  }
0x151: {  	s7 =	rddreg [dreg:$0x10]  }
0x152: {  	[tilespmem:s23], [sflag:$0x1] =	stream.indirect.gather [hbm4b:s1+s11], $0x10, s7, s11, $0xb8;
	[tilespmem:$0x1FB00] =	vst v63  }
0x153: {  	_ =	swait.ge [sflag:s24], $0x800  }
0x154: {  	[sflag:s24] =	ssyncset.done $0x0  }
0x155: {  	[sflag:s24] =	ssyncadd.s32 $0xFFFFF800  }
0x156: {  	_ =	swait.ge [sflag:s24], $0x800  }
0x157: {  	[sflag:s24] =	ssyncset.done $0x0  }
0x158: {  	[sflag:s24] =	ssyncadd.s32 $0xFFFFF800  }
0x159: {  	_ =	swait.ge [sflag:s24], $0x800  }
0x15a: {  	[sflag:s24] =	ssyncset.done $0x0  }
0x15b: {  	[sflag:s24] =	ssyncadd.s32 $0xFFFFF800  }
0x15c: {  	[spmem:s2] =	stream.indirect.scatter.add.f32 [tilespmem:s12], [sflag:$0x2], $0x10, s9, s11, $0xb8;
	[tilespmem:$0x1FB00] =	vst v63  }
0x15d: {  	s6 =	rddreg [dreg:$0x11]  }
0x15e: {  	[spmem:s2] =	stream.indirect.scatter.add.f32 [tilespmem:s13], [sflag:$0x2], $0x10, s6, s11, $0xb8;
	[tilespmem:$0x1FB00] =	vst v63  }
0x15f: {  	s7 =	rddreg [dreg:$0x12]  }
0x160: {  	[spmem:s2] =	stream.indirect.scatter.add.f32 [tilespmem:s14], [sflag:$0x2], $0x10, s7, s11, $0xb8;
	[tilespmem:$0x1FB00] =	vst v63  }
0x161: {  	_ =	swait.ge [sflag:s24], $0x800  }
0x162: {  	[sflag:s24] =	ssyncset.done $0x0  }
0x163: {  	[sflag:s24] =	ssyncadd.s32 $0xFFFFF800  }
0x164: {  	_ =	swait.ge [sflag:s24], $0x800  }
0x165: {  	[sflag:s24] =	ssyncset.done $0x0  }
0x166: {  	[sflag:s24] =	ssyncadd.s32 $0xFFFFF800  }
0x167: {  	_ =	swait.ge [sflag:s24], $0x800  }
0x168: {  	[sflag:s24] =	ssyncset.done $0x0  }
0x169: {  	s6 =	rddreg [dreg:$0x13];
	[sflag:s24] =	ssyncadd.s32 $0xFFFFF800  }
0x16a: {  	[spmem:s2] =	stream.indirect.scatter.add.f32 [tilespmem:s15], [sflag:$0x2], $0x10, s6, s11, $0xb8;
	[tilespmem:$0x1FB00] =	vst v63  }
0x16b: {  	s7 =	rddreg [dreg:$0x14]  }
0x16c: {  	[spmem:s2] =	stream.indirect.scatter.add.f32 [tilespmem:s16], [sflag:$0x2], $0x10, s7, s11, $0xb8;
	[tilespmem:$0x1FB00] =	vst v63  }
0x16d: {  	_ = 	snop  }
0x16e: {  	[spmem:s2] =	stream.indirect.scatter.add.f32 [tilespmem:s17], [sflag:$0x2], $0x10, s29, s11, $0xb8;
	[tilespmem:$0x1FB00] =	vst v63  }
0x16f: {  	_ =	swait.ge [sflag:s24], $0x800  }
0x170: {  	[sflag:s24] =	ssyncset.done $0x0  }
0x171: {  	[sflag:s24] =	ssyncadd.s32 $0xFFFFF800  }
0x172: {  	_ =	swait.ge [sflag:s24], $0x800  }
0x173: {  	[sflag:s24] =	ssyncset.done $0x0  }
0x174: {  	[sflag:s24] =	ssyncadd.s32 $0xFFFFF800  }
0x175: {  	_ =	swait.ge [sflag:s24], $0x800  }
0x176: {  	[sflag:s24] =	ssyncset.done $0x0  }
0x177: {  	[sflag:s24] =	ssyncadd.s32 $0xFFFFF800  }
0x178: {  	[spmem:s2] =	stream.indirect.scatter.add.f32 [tilespmem:s18], [sflag:$0x2], $0x10, s25, s11, $0xb8;
	[tilespmem:$0x1FB00] =	vst v63  }
0x179: {  	_ = 	snop  }
0x17a: {  	[spmem:s2] =	stream.indirect.scatter.add.f32 [tilespmem:s19], [sflag:$0x2], $0x10, s26, s11, $0xb8;
	[tilespmem:$0x1FB00] =	vst v63  }
0x17b: {  	_ = 	snop  }
0x17c: {  	[spmem:s2] =	stream.indirect.scatter.add.f32 [tilespmem:s20], [sflag:$0x2], $0x10, s28, s11, $0xb8;
	[tilespmem:$0x1FB00] =	vst v63  }
0x17d: {  	_ =	swait.ge [sflag:s24], $0x800  }
0x17e: {  	[sflag:s24] =	ssyncset.done $0x0  }
0x17f: {  	[sflag:s24] =	ssyncadd.s32 $0xFFFFF800  }
0x180: {  	_ =	swait.ge [sflag:s24], $0x800  }
0x181: {  	[sflag:s24] =	ssyncset.done $0x0  }
0x182: {  	[sflag:s24] =	ssyncadd.s32 $0xFFFFF800  }
0x183: {  	_ =	swait.ge [sflag:s24], $0x800  }
0x184: {  	[sflag:s24] =	ssyncset.done $0x0  }
0x185: {  	[sflag:s24] =	ssyncadd.s32 $0xFFFFF800  }
0x186: {  	[spmem:s2] =	stream.indirect.scatter.add.f32 [tilespmem:s21], [sflag:$0x2], $0x10, s30, s11, $0xb8;
	[tilespmem:$0x1FB00] =	vst v63  }
0x187: {  	_ = 	snop  }
0x188: {  	[spmem:s2] =	stream.indirect.scatter.add.f32 [tilespmem:s22], [sflag:$0x2], $0x10, s31, s11, $0xb8;
	[tilespmem:$0x1FB00] =	vst v63  }
0x189: {  	_ = 	snop  }
0x18a: {  	[spmem:s2] =	stream.indirect.scatter.add.f32 [tilespmem:s23], [sflag:$0x2], $0x10, s0, s11, $0xb8;
	[tilespmem:$0x1FB00] =	vst v63  }
0x18b: {  	_ =	swait.ge [sflag:s10], $0x800  }
0x18c: {  	[sflag:s10] =	ssyncset.done $0x0  }
0x18d: {  	[sflag:s10] =	ssyncadd.s32 $0xFFFFF800  }
0x18e: {  	_ =	swait.ge [sflag:s10], $0x800  }
0x18f: {  	[sflag:s10] =	ssyncset.done $0x0  }
0x190: {  	[sflag:s10] =	ssyncadd.s32 $0xFFFFF800  }
0x191: {  	_ =	swait.ge [sflag:s10], $0x800  }
0x192: {  	[sflag:s10] =	ssyncset.done $0x0  }
0x193: {  	[sflag:s10] =	ssyncadd.s32 $0xFFFFF800  }
0x194: {  	_ =	swait.ge [sflag:s10], $0x800  }
0x195: {  	[sflag:s10] =	ssyncset.done $0x0  }
0x196: {  	[sflag:s10] =	ssyncadd.s32 $0xFFFFF800  }
0x197: {  	_ =	swait.ge [sflag:s10], $0x800  }
0x198: {  	[sflag:s10] =	ssyncset.done $0x0  }
0x199: {  	[sflag:s10] =	ssyncadd.s32 $0xFFFFF800  }
0x19a: {  	_ =	swait.ge [sflag:s10], $0x800  }
0x19b: {  	[sflag:s10] =	ssyncset.done $0x0  }
0x19c: {  	[sflag:s10] =	ssyncadd.s32 $0xFFFFF800  }
0x19d: {  	_ =	swait.ge [sflag:s10], $0x800  }
0x19e: {  	[sflag:s10] =	ssyncset.done $0x0  }
0x19f: {  	[sflag:s10] =	ssyncadd.s32 $0xFFFFF800  }
0x1a0: {  	_ =	swait.ge [sflag:s10], $0x800  }
0x1a1: {  	[sflag:s10] =	ssyncset.done $0x0  }
0x1a2: {  	[sflag:s10] =	ssyncadd.s32 $0xFFFFF800  }
0x1a3: {  	_ =	swait.ge [sflag:s10], $0x800  }
0x1a4: {  	[sflag:s10] =	ssyncset.done $0x0  }
0x1a5: {  	[sflag:s10] =	ssyncadd.s32 $0xFFFFF800  }
0x1a6: {  	_ =	swait.ge [sflag:s10], $0x800  }
0x1a7: {  	[sflag:s10] =	ssyncset.done $0x0  }
0x1a8: {  	[sflag:s10] =	ssyncadd.s32 $0xFFFFF800  }
0x1a9: {  	_ =	swait.ge [sflag:s10], $0x800  }
0x1aa: {  	[sflag:s10] =	ssyncset.done $0x0  }
0x1ab: {  	[sflag:s10] =	ssyncadd.s32 $0xFFFFF800  }
0x1ac: {  	_ =	swait.ge [sflag:s10], $0x800  }
0x1ad: {  	s28 =	sadd.s32 $0x0, s4;
	[sflag:s10] =	ssyncset.done $0x0  }
0x1ae: {  	p0 =	sgt.u32 s28, $0x30D;
	[sflag:s10] =	ssyncadd.s32 $0xFFFFF800  }
0x1af: {  	s5 =	simm.s32 @!p0 $0x18700;
	[bflag:$0x0] =	sbarrier.arrive $0xFFFF  }
0x1b0: {  	s6 =	simm.s32 @!p0 $0x4;
	p0 =	por p0, p0;
	s28 =	rddreg [dreg:$0x16]  }
0x1b1: {  	[tilespmem:s5], [sflag:$0x4] =	stream.linear.gather @!p0 [spmem:s28], $0x800, $0x38;
	[tilespmem:$0x1FB00] =	vst v63  }
0x1b2: {  	_ =	swait.ge @!p0 [sflag:s6], $0x800  }
0x1b3: {  	s29 =	sadd.s32 $0x10, s4;
	s25 =	simm.s32 @!p0 $0x3;
	[sflag:s6] =	ssyncset.done @!p0 $0x0  }
0x1b4: {  	s26 =	rddreg [dreg:$0x17];
	[sflag:s6] =	ssyncadd.s32 @!p0 $0xFFFFF800;
	s6 =	simm.s32 @!p0 $0x0  }
0x1b5: {  	[hbm4b:s26+s6] =	stream.linear.scatter @!p0 [tilespmem:s5], [sflag:$0x3], $0x800, $0x38;
	[tilespmem:$0x1FB00] =	vst v63  }
0x1b6: {  	s7 =	simm.s32 $0x20;
	p1 =	sgt.u32 s29, $0x30D;
	_ =	swait.ge @!p0 [sflag:s25], $0x800  }
0x1b7: {  	s5 =	sadd.s32 $0x8000, s28;
	s6 =	sadd.s32 $0x1000, s26;
	[sflag:s25] =	ssyncset.done @!p0 $0x0  }
.LBB2_8:
0x1b8: {  	s26 =	simm.s32 @!p1 $0x18700;
	s28 =	simm.s32 @!p1 $0x4;
	[sflag:s25] =	ssyncadd.s32 @!p0 $0xFFFFF800  }
0x1b9: {  	s29 =	smov.u32 s7;
	p0 =	por p1, p1;
	s7 =	sadd.s32 $0x10, s7  }
0x1ba: {  	[tilespmem:s26], [sflag:$0x4] =	stream.linear.gather @!p0 [spmem:s5], $0x800, $0x38;
	[tilespmem:$0x1FB00] =	vst v63  }
0x1bb: {  	p2 =	sne.s32 s7, $0x310;
	_ =	swait.ge @!p0 [sflag:s28], $0x800  }
.Ltmp3:
0x1bc: {  	[sflag:s28] =	ssyncset.done @!p0 $0x0;
	(pc) =	sbr.rel @p2 .LBB2_8-.Ltmp3, $4  }
0x1bd: {  	s25 =	simm.s32 @!p0 $0x3;
	[sflag:s28] =	ssyncadd.s32 @!p0 $0xFFFFF800;
	s28 =	simm.s32 @!p0 $0x0  }
0x1be: {  	[hbm4b:s6+s28] =	stream.linear.scatter @!p0 [tilespmem:s26], [sflag:$0x3], $0x800, $0x38;
	[tilespmem:$0x1FB00] =	vst v63  }
0x1bf: {  	s5 =	sadd.s32 $0x8000, s5;
	s26 =	sadd.s32 s29, s4;
	_ =	swait.ge @!p0 [sflag:s25], $0x800  }
0x1c0: {  	s6 =	sadd.s32 $0x1000, s6;
	p1 =	sgt.u32 s26, $0x30D;
	[sflag:s25] =	ssyncset.done @!p0 $0x0  }
0x1c1: {  	s7 =	simm.s32 @!p1 $0x18700  }
0x1c2: {  	s26 =	simm.s32 @!p1 $0x4;
	[sflag:s25] =	ssyncadd.s32 @!p0 $0xFFFFF800;
	p0 =	por p1, p1  }
0x1c3: {  	[tilespmem:s7], [sflag:$0x4] =	stream.linear.gather @!p0 [spmem:s5], $0x800, $0x38;
	[tilespmem:$0x1FB00] =	vst v63  }
0x1c4: {  	_ =	swait.ge @!p0 [sflag:s26], $0x800  }
0x1c5: {  	[sflag:s26] =	ssyncset.done @!p0 $0x0  }
0x1c6: {  	s5 =	simm.s32 @!p0 $0x0;
	s25 =	simm.s32 @!p0 $0x3;
	[sflag:s26] =	ssyncadd.s32 @!p0 $0xFFFFF800  }
0x1c7: {  	[hbm4b:s6+s5] =	stream.linear.scatter @!p0 [tilespmem:s7], [sflag:$0x3], $0x800, $0x38;
	[tilespmem:$0x1FB00] =	vst v63  }
0x1c8: {  	_ =	swait.ge @!p0 [sflag:s25], $0x800  }
0x1c9: {  	s26 =	rddreg [dreg:$0x18]  }
0x1ca: {  	s28 =	rddreg [dreg:$0x15];
	s6 =	sadd.s32 $0x1, s26  }
0x1cb: {  	p1 =	sne.s32 s6, s28  }
.Ltmp4:
0x1cc: {  	_ = 	snop;
	(pc) =	sbr.rel @p1 .LBB2_1-.Ltmp4, $3  }
0x1cd: {  	_ =	sdelay $0x1  }
0x1ce: {  	[sflag:s25] =	ssyncset.done @!p0 $0x0  }
0x1cf: {  	s29 =	simm.s32 $0x19780;
	[sflag:s25] =	ssyncadd.s32 @!p0 $0xFFFFF800;
	s26 =	rddreg [dreg:$0x16]  }
0x1d0: {  	_ =	sfence.sel $0x180000  }
0x1d1: {  	[bflag:$0x0] =	sbarrier.arrive $0xFFFF  }
0x1d2: {  	_ =	strace $0x9000004D  }
0x1d3: {  	[bflag:$0x2] =	sbarrier.arrive $0xFFFF  }
0x1d4: {  	p0 =	sne.s32 s4, $0x0;
	s0 =	rddreg [dreg:$0x3]  }
0x1d5: {  	s0 =	sadd.s32 @!p0 $0x100000, s0  }
0x1d6: {  	[sflag:s0] =	ssyncadd.tile.s32 @!p0 $0x1;
	_ =	shalt  }
.Lfunc_end2:
_tile_overlayer_lowered:
.L_overlay_start_2:
0x1d7: {  	(tag) =	ssettag $0x2  }
0x1d8: {  	s0 =	rddreg [dreg:$0x0];
	s2 =	stileid.u32  }
0x1d9: {  	s1 =	rddreg [dreg:$0x1];
	p0 =	sne.s32 s2, $0x0  }
0x1da: {  	s3 =	rddreg [dreg:$0x2];
	[bflag:$0x3] =	sbarrier.arrive $0xFFFF;
	s2 =	simm.s32 @!p0 $0x1C03  }
0x1db: {  	[timem:s3], [sflag:s2] =	dma.local @!p0 [hbm:s0], s1  }
0x1dc: {  	s0 =	simm.s32 @!p0 $0x3  }
0x1dd: {  	_ =	swait.ge @!p0 [sflag:s0], s1  }
0x1de: {  	s1 =	ssub.s32 @!p0 $0x0, s1;
	[sflag:s0] =	ssyncset.done @!p0 $0x0  }
0x1df: {  	[sflag:s0] =	ssyncadd.s32 @!p0 s1  }
0x1e0: {  	[bflag:$0x3] =	sbarrier.arrive $0xFFFF  }
0x1e1: {  	_ =	shalt  }

// kernel: kernel.8.cloned.1.call-start
scs
__scs_entry_jumppad:
0x0: {  	(pc) =	sbr.rel $0x88, $3  }
0x1: {  	(tag) =	ssettag $0x0;
	lr =	simm.s32 $0x1  }
0x2: {  	[smem:$0x3F9B] =	sst lr;
	_ =	strace $0xD0000000  }
0x3: {  	_ = 	snop  }
0x4: {  	_ = 	snop  }
0x5: {  	_ = 	snop  }
0x6: {  	_ = 	snop  }
0x7: {  	_ = 	snop  }
__scs_overlays_trampoline_lowered:
0x8: {  	[smem:$0x3FAA] =	sst s0  }
0x9: {  	[smem:$0x3FAB] =	sst s1  }
0xa: {  	[smem:$0x3FAC] =	sst s2  }
0xb: {  	[smem:$0x3FAD] =	sst s3  }
0xc: {  	[smem:$0x3FAE] =	sst s4  }
0xd: {  	[smem:$0x3FAF] =	sst s5  }
0xe: {  	[smem:$0x3FB0] =	sst s6  }
0xf: {  	[smem:$0x3FB1] =	sst s7  }
0x10: {  	[smem:$0x3FB2] =	sst s8  }
0x11: {  	[smem:$0x3FB3] =	sst s9;
	s0 =	simm.s32 @!p0 $0x0  }
0x12: {  	s1 =	sld [smem:$0x3F99];
	s0 =	simm.s32 @p0 $0x1  }
0x13: {  	[smem:$0x3FB4] =	sst s0;
	s0 =	simm.s32 @!p1 $0x0  }
0x14: {  	s2 =	sld [smem:$0x3F98];
	s0 =	simm.s32 @p1 $0x1  }
0x15: {  	[smem:$0x3FB5] =	sst s0;
	s0 =	simm.s32 @!p2 $0x0  }
0x16: {  	s3 =	sld [smem:$0x3FDB];
	s0 =	simm.s32 @p2 $0x1  }
0x17: {  	s4 =	simm.s32 $0x1BF5;
	[smem:$0x3FB7] =	sst s0  }
0x18: {  	s0 =	sld [smem:$0x3F9A];
	_ =	swait.ge [sflag:s4], $0x0  }
0x19: {  	s7 =	sld [smem:$0x3F9B]  }
0x1a: {  	s8 =	sadd.s32 $0xFFFFE003, lr  }
0x1b: {  	s9 =	sadd.s32 $0xFFFFFEF7, lr;
	s5 =	simm.s32 $0xFFFFFFFF;
	p2 =	slt.u32 s8, $0xFFFFF086  }
0x1c: {  	p1 =	slt.u32 s9, $0xF7A;
	s5 =	simm.s32 @!p2 $0x0  }
0x1d: {  	s5 =	simm.s32 @p1 $0x1;
	p0 =	seq.s32 s7, s2  }
0x1e: {  	s7 =	smul.u32 @!p0 $0xF7A, s2;
	p2 =	seq.s32 @!p0 s5, $0x0  }
0x1f: {  	s9 =	smul.u32 $0xF7A, s1;
	s8 =	simm.s32 @!p0 $0x1BF5;
	p2 =	por !p2, p0  }
0x20: {  	[sflag:s8] =	ssyncset.s32 @!p0 $0xFFFFF086;
	s6 =	sadd.s32 @!p0 s3, s7;
	s7 =	simm.s32 @!p0 $0x108  }
0x21: {  	s3 =	sadd.s32 s3, s9;
	s6 =	sadd.s32 @!p0 $0x88, s6;
	s7 =	simm.s32 @p2 $0x1082  }
0x22: {  	[simem:s7], [sflag:s8] =	dma.local @!p0 [hbm:s6], $0xF7A  }
0x23: {  	s9 =	sor.u32 $0xD0000000, s2;
	s6 =	simm.s32 $0x108;
	_ =	swait.ge @!p0 [sflag:s8], $0x0  }
0x24: {  	s3 =	sadd.s32 $0x88, s3;
	s6 =	simm.s32 @!p1 $0x1082;
	[sflag:s4] =	ssyncset.s32 $0xFFFFF086  }
0x25: {  	[simem:s6], [sflag:s4] =	dma.local [hbm:s3], $0xF7A  }
0x26: {  	[smem:$0x3F9B] =	sst s1;
	(tag) =	ssettag s2;
	_ =	strace s9  }
0x27: {  	s1 =	sld [smem:$0x3FAB]  }
0x28: {  	s2 =	sld [smem:$0x3FAC]  }
0x29: {  	s4 =	sld [smem:$0x3FAE]  }
0x2a: {  	p0 =	seq.s32 s5, $0x0;
	s5 =	sld [smem:$0x3FAF]  }
0x2b: {  	s6 =	sld [smem:$0x3FB0]  }
0x2c: {  	s7 =	sld [smem:$0x3FB1]  }
0x2d: {  	s3 =	simm.s32 $0x108;
	s8 =	sld [smem:$0x3FB2]  }
0x2e: {  	s3 =	simm.s32 @!p0 $0x1082;
	s9 =	sld [smem:$0x3FB3]  }
0x2f: {  	lr =	sadd.s32 s0, s3;
	s0 =	sld [smem:$0x3FAA]  }
0x30: {  	s3 =	sld [smem:$0x3FAD]  }
0x31: {  	[smem:$0x3FB6] =	sst s10  }
0x32: {  	s10 =	sld [smem:$0x3FB4];
	_ =	sdelay $0x3  }
0x33: {  	p0 =	seq.s32 s10, $0x1;
	s10 =	sld [smem:$0x3FB6];
	_ =	sdelay $0x3  }
0x34: {  	[smem:$0x3FB6] =	sst s10  }
0x35: {  	s10 =	sld [smem:$0x3FB5];
	_ =	sdelay $0x3  }
0x36: {  	p1 =	seq.s32 s10, $0x1;
	s10 =	sld [smem:$0x3FB6];
	_ =	sdelay $0x3  }
0x37: {  	[smem:$0x3FB6] =	sst s10  }
0x38: {  	s10 =	sld [smem:$0x3FB7]  }
0x39: {  	_ = 	snop;
	(pc) =	sbr.ind lr, $3  }
0x3a: {  	_ = 	snop  }
0x3b: {  	_ = 	snop  }
0x3c: {  	p2 =	seq.s32 s10, $0x1;
	s10 =	sld [smem:$0x3FB6]  }
0x3d: {  	_ =	shalt  }
0x3e: {  	_ =	shalt  }
0x3f: {  	_ =	shalt  }
0x40: {  	_ =	shalt  }
0x41: {  	_ =	shalt  }
0x42: {  	_ =	shalt  }
0x43: {  	_ =	shalt  }
0x44: {  	_ =	shalt  }
0x45: {  	_ =	shalt  }
0x46: {  	_ =	shalt  }
0x47: {  	_ =	shalt  }
0x48: {  	_ =	shalt  }
0x49: {  	_ =	shalt  }
0x4a: {  	_ =	shalt  }
0x4b: {  	_ =	shalt  }
0x4c: {  	_ =	shalt  }
0x4d: {  	_ =	shalt  }
0x4e: {  	_ =	shalt  }
0x4f: {  	_ =	shalt  }
0x50: {  	_ =	shalt  }
0x51: {  	_ =	shalt  }
0x52: {  	_ =	shalt  }
0x53: {  	_ =	shalt  }
0x54: {  	_ =	shalt  }
0x55: {  	_ =	shalt  }
0x56: {  	_ =	shalt  }
0x57: {  	_ =	shalt  }
0x58: {  	_ =	shalt  }
0x59: {  	_ =	shalt  }
0x5a: {  	_ =	shalt  }
0x5b: {  	_ =	shalt  }
0x5c: {  	_ =	shalt  }
0x5d: {  	_ =	shalt  }
0x5e: {  	_ =	shalt  }
0x5f: {  	_ =	shalt  }
0x60: {  	_ =	shalt  }
0x61: {  	_ =	shalt  }
0x62: {  	_ =	shalt  }
0x63: {  	_ =	shalt  }
0x64: {  	_ =	shalt  }
0x65: {  	_ =	shalt  }
0x66: {  	_ =	shalt  }
0x67: {  	_ =	shalt  }
0x68: {  	_ =	shalt  }
0x69: {  	_ =	shalt  }
0x6a: {  	_ =	shalt  }
0x6b: {  	_ =	shalt  }
0x6c: {  	_ =	shalt  }
0x6d: {  	_ =	shalt  }
0x6e: {  	_ =	shalt  }
0x6f: {  	_ =	shalt  }
0x70: {  	_ =	shalt  }
0x71: {  	_ =	shalt  }
0x72: {  	_ =	shalt  }
0x73: {  	_ =	shalt  }
0x74: {  	_ =	shalt  }
0x75: {  	_ =	shalt  }
0x76: {  	_ =	shalt  }
0x77: {  	_ =	shalt  }
0x78: {  	_ =	shalt  }
0x79: {  	_ =	shalt  }
0x7a: {  	_ =	shalt  }
0x7b: {  	_ =	shalt  }
0x7c: {  	_ =	shalt  }
0x7d: {  	_ =	shalt  }
0x7e: {  	_ =	shalt  }
0x7f: {  	_ =	shalt  }
0x80: {  	_ =	shalt  }
0x81: {  	_ =	shalt  }
0x82: {  	_ =	shalt  }
0x83: {  	_ =	shalt  }
0x84: {  	_ =	shalt  }
0x85: {  	_ =	shalt  }
0x86: {  	_ =	shalt  }
0x87: {  	_ =	shalt  }
.Lfunc_end0:
.L_simem_size_0:
called_computation_lowered:
.L_overlay_start_0:
0x88: {  	s2 =	sld [smem:$0x3FD9]  }
0x89: {  	s3 =	sld [smem:$0x3FFE];
	_ =	sdelay $0x1  }
0x8a: {  	s1 =	srdreg.scid  }
0x8b: {  	s0 =	sand.u32 $0x1, s1  }
0x8c: {  	s17 =	sshll.u32 s0, $0xA;
	s2 =	sadd.s32 s3, s2  }
0x8d: {  	s2 =	sadd.s32 s2, s17  }
0x8e: {  	[smem:$0x3FC2] =	sst s2  }
0x8f: {  	_ = 	snop  }
0x90: {  	s2 =	sld [smem:$0x3FD0];
	(tm) =	ssettm $0x1  }
0x91: {  	s18 =	sld [smem:$0x3FFB];
	_ =	sdelay $0x3  }
0x92: {  	_ =	strace s18  }
0x93: {  	s3 =	sld [smem:$0x3FFC];
	_ =	sdelay $0x3  }
0x94: {  	_ =	strace s3  }
0x95: {  	s3 =	sld [smem:$0x3FFD];
	_ =	sdelay $0x3  }
0x96: {  	_ =	strace s3  }
0x97: {  	_ =	strace $0x8FFFFFFF  }
0x98: {  	s19 =	sld [smem:$0x3FDB];
	_ =	sdelay $0x1  }
0x99: {  	s4 =	simm.s32 $_scs_section_size  }
0x9a: {  	s5 =	simm.s32 $_size__tile_overlayer_lowered;
	s6 =	simm.s32 $_tile_overlayer_lowered  }
0x9b: {  	s22 =	simm.s32 $0x1BFF;
	s21 =	sshll.u32 s6, $0x1;
	s3 =	sadd.s32 s4, s19  }
0x9c: {  	s7 =	simm.s32 $0x0;
	s20 =	sshll.u32 s5, $0x1;
	s5 =	sadd.s32 s21, s3  }
0x9d: {  	[timem:s7], [sflag:s22] =	dma.local [hbm:s5], s20  }
0x9e: {  	_ =	swait.ge [sflag:s22], s20  }
0x9f: {  	s4 =	ssub.s32 $0x0, s20;
	[sflag:s22] =	ssyncset.done $0x0  }
0xa0: {  	[sflag:s22] =	ssyncadd.s32 s4;
	_ =	sdelay $0x1  }
0xa1: {  	s23 =	simm.s32 $0x1B8B  }
0xa2: {  	_ =	swait.ge [sflag:s23], $0x1  }
0xa3: {  	[sflag:s23] =	ssyncset.done $0x0  }
0xa4: {  	s25 =	simm.s32 $0x1B8E;
	s24 =	sld [smem:$0x3FFE];
	[sflag:s23] =	ssyncadd.s32 $0xFFFFFFFF  }
0xa5: {  	s26 =	simm.s32 $execute0_lowered;
	[smem:$0x3FD2] =	sst s25  }
0xa6: {  	s5 =	sshll.u32 s26, $0x1;
	_ =	strace $0x80000046;
	[dreg:$0x1] =	wrdreg $0xFFFFFFFF  }
0xa7: {  	s28 =	simm.s32 $_size_execute0_lowered;
	s3 =	sadd.s32 s3, s5;
	[dreg:$0x0] =	wrdreg $0x0  }
0xa8: {  	s5 =	sshll.u32 s28, $0x1;
	[dreg:$0x2] =	wrdreg s3  }
0xa9: {  	[dreg:$0x3] =	wrdreg s5  }
0xaa: {  	[dreg:$0x4] =	wrdreg $0xC0  }
0xab: {  	_ =	task [dreg:s7], $0x5FFFF  }
0xac: {  	[dreg:$0x1] =	wrdreg $0xFFFFFFFF  }
0xad: {  	[dreg:$0x0] =	wrdreg $0x60  }
0xae: {  	[dreg:$0x2] =	wrdreg s24  }
0xaf: {  	[dreg:$0x3] =	wrdreg s2  }
0xb0: {  	[dreg:$0x4] =	wrdreg $0x0  }
0xb1: {  	[dreg:$0x5] =	wrdreg $0x9  }
0xb2: {  	_ =	task.clear_ibuf [dreg:s7], $0x6FFFF;
	_ =	strace $0x90000046  }
0xb3: {  	s29 =	simm.s32 $0x9;
	_ =	strace $0x80000048  }
0xb4: {  	_ =	swait.ge [sflag:s29], $0x1  }
0xb5: {  	[sflag:s29] =	ssyncadd.s32 $0xFFFFFFFF  }
0xb6: {  	_ =	strace $0x90000048  }
0xb7: {  	_ =	sfence  }
0xb8: {  	s30 =	sld [smem:$0x0];
	_ =	sdelay $0x2  }
0xb9: {  	s31 =	sshll.u32 s1, $0xD;
	s1 =	sshrl.u32 s1, $0x2  }
0xba: {  	s3 =	sand.u32 $0x4000, s31;
	s1 =	sadd.s32 s1, s30  }
0xbb: {  	s0 =	sor.u32 s3, s0;
	s1 =	sshll.u32 s1, $0x11  }
0xbc: {  	s0 =	sor.u32 s1, s0  }
0xbd: {  	s0 =	sadd.s32 $0x8F2B, s0  }
0xbe: {  	[sflag:s0] =	ssyncadd.remote.s32 $0x1  }
0xbf: {  	_ =	sfence.sel $0xFFFF  }
0xc0: {  	[dreg:$0x0] =	wrdreg $0xFFFFFFFF;
	(pc) =	sbr.abs _section_cstart, $3  }
0xc1: {  	[dreg:$0x1] =	wrdreg $0xFFFFFFFF  }
0xc2: {  	_ =	task.clear_ibuf [dreg:s7], $0x2FFFF;
	_ =	strace $0x9FFFFFFF  }
0xc3: {  	(tm) =	ssettm $0x7FFFFFFF  }
tec
execute0_lowered:
.L_overlay_start_1:
0x0: {  	(tag) =	ssettag $0x1  }
0x1: {  	s4 =	rddreg [dreg:$0x0]  }
0x2: {  	s5 =	rddreg [dreg:$0x1]  }
0x3: {  	s2 =	rddreg [dreg:$0x2]  }
0x4: {  	s0 =	rddreg [dreg:$0x3];
	s6 =	srdreg.scid  }
0x5: {  	s1 =	stileid.u32;
	s3 =	simm.s32 $0x0;
	s12 =	simm.s32 $0x4F50  }
0x6: {  	s13 =	simm.s32 $0x49D0;
	s14 =	simm.s32 $0x4A50;
	s15 =	simm.s32 $0x4AD0  }
0x7: {  	s16 =	simm.s32 $0x4B50;
	s17 =	simm.s32 $0x4BD0;
	s18 =	simm.s32 $0x4C50  }
0x8: {  	s19 =	simm.s32 $0x4CD0;
	s20 =	simm.s32 $0x4D50;
	s21 =	simm.s32 $0x4DD0  }
0x9: {  	s22 =	simm.s32 $0x4E50;
	s23 =	simm.s32 $0x4ED0;
	s7 =	smul.u32 $0x1870, s1  }
0xa: {  	s24 =	simm.s32 $0x1;
	s6 =	sand.u32 $0x1, s6;
	s11 =	smul.u32 $0x6240, s1  }
0xb: {  	s25 =	simm.s32 $0x30E0;
	s26 =	simm.s32 $0x0;
	s8 =	smul.u32 $0x18700, s6  }
0xc: {  	[smem:$0x7FF] =	sst s3;
	s9 =	smul.u32 $0x62400, s6;
	s6 =	ssub.s32 $0x2, s6  }
0xd: {  	_ =	strace $0x80000047;
	s10 =	sshrl.u32 s6, $0x1;
	s8 =	sadd.s32 s7, s8  }
0xe: {  	s9 =	sadd.s32 s9, s4;
	s6 =	ssub.s32 s6, s10;
	s4 =	sadd.s32 s7, s2  }
0xf: {  	s10 =	simm.s32 $0x4950;
	s8 =	sshrl.u32 s8, $0x3;
	s31 =	sadd.s32 s11, s9  }
0x10: {  	s6 =	smax.u32 s6, $0x1;
	s9 =	simm.s32 $0x2;
	s11 =	simm.s32 $0x80  }
0x11: {  	v0 =	vimm.f32 $0.0e+00;
	v1 =	vimm.f32 $1.000000000e+00;
	s5 =	sadd.s32 s5, s8;
	s7 =	sadd.s32 $0xC5000, s31;
	s8 =	simm.s32 $0x1870  }
.LBB2_1:
0x12: {  	s28 =	simm.s32 $0x40;
	s29 =	simm.s32 $0x0  }
.LBB2_2:
0x13: {  	p0 =	sne.s32 s28, $0x6180;
	[tilespmem:s29+$0x1870] =	vst v0;
	s29 =	smov.u32 s28;
	s28 =	sadd.s32 $0x40, s28  }
.Ltmp0:
0x14: {  	(pc) =	sbr.rel @p0 .LBB2_2-.Ltmp0, $2  }
0x15: {  	_ =	sdelay $0x2  }
0x16: {  	s29 =	sshra.s32 s29, $0x2  }
0x17: {  	[tilespmem:s29+$0x1870] =	vst v0  }
0x18: {  	[tilespmem:$0x4F50] =	vst v1  }
0x19: {  	[tilespmem:$0x4F60] =	vst v1  }
0x1a: {  	[tilespmem:$0x4F70] =	vst v1  }
0x1b: {  	[tilespmem:$0x4F80] =	vst v1  }
0x1c: {  	[tilespmem:$0x4F90] =	vst v1  }
0x1d: {  	[tilespmem:$0x4FA0] =	vst v1  }
0x1e: {  	[tilespmem:$0x4FB0] =	vst v1  }
0x1f: {  	[tilespmem:$0x4FC0] =	vst v1  }
0x20: {  	[spmem:s4] =	stream.linear.scatter [tilespmem:s8], [sflag:$0x2], $0x1870, $0x38;
	[tilespmem:$0x4FD0] =	vst v63  }
0x21: {  	_ =	swait.ge [sflag:s9], $0x1870  }
0x22: {  	[sflag:s9] =	ssyncset.done $0x0  }
0x23: {  	[sflag:s9] =	ssyncadd.s32 $0xFFFFE790  }
0x24: {  	s28 =	sadd.s32 $0x0, s7;
	[bflag:$0x0] =	sbarrier.arrive $0xFFFF  }
0x25: {  	[tilespmem:s10], [sflag:$0x2] =	stream.linear.gather [hbm4b:s28+s3], $0x600, $0x38;
	[tilespmem:$0x4FD0] =	vst v63  }
0x26: {  	_ =	swait.ge [sflag:s9], $0x600  }
0x27: {  	[sflag:s9] =	ssyncset.done $0x0  }
0x28: {  	[sflag:s9] =	ssyncadd.s32 $0xFFFFFA00  }
0x29: {  	[spmem:s2] =	stream.indirect.scatter.add.f32 [tilespmem:s12], [sflag:$0x1], $0x1, s10, s11, $0xb8;
	[tilespmem:$0x4FD0] =	vst v63  }
0x2a: {  	_ = 	snop  }
0x2b: {  	[spmem:s2] =	stream.indirect.scatter.add.f32 [tilespmem:s12], [sflag:$0x1], $0x1, s13, s11, $0xb8;
	[tilespmem:$0x4FD0] =	vst v63  }
0x2c: {  	_ = 	snop  }
0x2d: {  	[spmem:s2] =	stream.indirect.scatter.add.f32 [tilespmem:s12], [sflag:$0x1], $0x1, s14, s11, $0xb8;
	[tilespmem:$0x4FD0] =	vst v63  }
0x2e: {  	_ = 	snop  }
0x2f: {  	[spmem:s2] =	stream.indirect.scatter.add.f32 [tilespmem:s12], [sflag:$0x1], $0x1, s15, s11, $0xb8;
	[tilespmem:$0x4FD0] =	vst v63  }
0x30: {  	_ = 	snop  }
0x31: {  	[spmem:s2] =	stream.indirect.scatter.add.f32 [tilespmem:s12], [sflag:$0x1], $0x1, s16, s11, $0xb8;
	[tilespmem:$0x4FD0] =	vst v63  }
0x32: {  	_ = 	snop  }
0x33: {  	[spmem:s2] =	stream.indirect.scatter.add.f32 [tilespmem:s12], [sflag:$0x1], $0x1, s17, s11, $0xb8;
	[tilespmem:$0x4FD0] =	vst v63  }
0x34: {  	_ = 	snop  }
0x35: {  	[spmem:s2] =	stream.indirect.scatter.add.f32 [tilespmem:s12], [sflag:$0x1], $0x1, s18, s11, $0xb8;
	[tilespmem:$0x4FD0] =	vst v63  }
0x36: {  	_ = 	snop  }
0x37: {  	[spmem:s2] =	stream.indirect.scatter.add.f32 [tilespmem:s12], [sflag:$0x1], $0x1, s19, s11, $0xb8;
	[tilespmem:$0x4FD0] =	vst v63  }
0x38: {  	_ = 	snop  }
0x39: {  	[spmem:s2] =	stream.indirect.scatter.add.f32 [tilespmem:s12], [sflag:$0x1], $0x1, s20, s11, $0xb8;
	[tilespmem:$0x4FD0] =	vst v63  }
0x3a: {  	_ = 	snop  }
0x3b: {  	[spmem:s2] =	stream.indirect.scatter.add.f32 [tilespmem:s12], [sflag:$0x1], $0x1, s21, s11, $0xb8;
	[tilespmem:$0x4FD0] =	vst v63  }
0x3c: {  	_ = 	snop  }
0x3d: {  	[spmem:s2] =	stream.indirect.scatter.add.f32 [tilespmem:s12], [sflag:$0x1], $0x1, s22, s11, $0xb8;
	[tilespmem:$0x4FD0] =	vst v63  }
0x3e: {  	_ = 	snop  }
0x3f: {  	[spmem:s2] =	stream.indirect.scatter.add.f32 [tilespmem:s12], [sflag:$0x1], $0x1, s23, s11, $0xb8;
	[tilespmem:$0x4FD0] =	vst v63  }
0x40: {  	_ =	swait.ge [sflag:s24], $0x80  }
0x41: {  	[sflag:s24] =	ssyncset.done $0x0  }
0x42: {  	[sflag:s24] =	ssyncadd.s32 $0xFFFFFF80  }
0x43: {  	_ =	swait.ge [sflag:s24], $0x80  }
0x44: {  	[sflag:s24] =	ssyncset.done $0x0  }
0x45: {  	[sflag:s24] =	ssyncadd.s32 $0xFFFFFF80  }
0x46: {  	_ =	swait.ge [sflag:s24], $0x80  }
0x47: {  	[sflag:s24] =	ssyncset.done $0x0  }
0x48: {  	[sflag:s24] =	ssyncadd.s32 $0xFFFFFF80  }
0x49: {  	_ =	swait.ge [sflag:s24], $0x80  }
0x4a: {  	[sflag:s24] =	ssyncset.done $0x0  }
0x4b: {  	[sflag:s24] =	ssyncadd.s32 $0xFFFFFF80  }
0x4c: {  	_ =	swait.ge [sflag:s24], $0x80  }
0x4d: {  	[sflag:s24] =	ssyncset.done $0x0  }
0x4e: {  	[sflag:s24] =	ssyncadd.s32 $0xFFFFFF80  }
0x4f: {  	_ =	swait.ge [sflag:s24], $0x80  }
0x50: {  	[sflag:s24] =	ssyncset.done $0x0  }
0x51: {  	[sflag:s24] =	ssyncadd.s32 $0xFFFFFF80  }
0x52: {  	_ =	swait.ge [sflag:s24], $0x80  }
0x53: {  	[sflag:s24] =	ssyncset.done $0x0  }
0x54: {  	[sflag:s24] =	ssyncadd.s32 $0xFFFFFF80  }
0x55: {  	_ =	swait.ge [sflag:s24], $0x80  }
0x56: {  	[sflag:s24] =	ssyncset.done $0x0  }
0x57: {  	[sflag:s24] =	ssyncadd.s32 $0xFFFFFF80  }
0x58: {  	_ =	swait.ge [sflag:s24], $0x80  }
0x59: {  	[sflag:s24] =	ssyncset.done $0x0  }
0x5a: {  	[sflag:s24] =	ssyncadd.s32 $0xFFFFFF80  }
0x5b: {  	_ =	swait.ge [sflag:s24], $0x80  }
0x5c: {  	[sflag:s24] =	ssyncset.done $0x0  }
0x5d: {  	[sflag:s24] =	ssyncadd.s32 $0xFFFFFF80  }
0x5e: {  	_ =	swait.ge [sflag:s24], $0x80  }
0x5f: {  	[sflag:s24] =	ssyncset.done $0x0  }
0x60: {  	[sflag:s24] =	ssyncadd.s32 $0xFFFFFF80  }
0x61: {  	_ =	swait.ge [sflag:s24], $0x80  }
0x62: {  	s30 =	simm.s32 $0x180;
	s28 =	simm.s32 $0xC0;
	[sflag:s24] =	ssyncset.done $0x0  }
.LBB2_4:
0x63: {  	s31 =	sadd.s32 s28, s7  }
0x64: {  	[sflag:s24] =	ssyncadd.s32 $0xFFFFFF80;
	s28 =	smov.u32 s30;
	s29 =	sadd.s32 $0xC0, s30  }
0x65: {  	[tilespmem:s10], [sflag:$0x2] =	stream.linear.gather [hbm4b:s31+s3], $0x600, $0x38;
	[tilespmem:$0x4FD0] =	vst v63  }
0x66: {  	p0 =	sne.s32 s30, $0x6180;
	_ =	swait.ge [sflag:s9], $0x600  }
0x67: {  	[sflag:s9] =	ssyncset.done $0x0  }
0x68: {  	[sflag:s9] =	ssyncadd.s32 $0xFFFFFA00  }
0x69: {  	[spmem:s2] =	stream.indirect.scatter.add.f32 [tilespmem:s12], [sflag:$0x1], $0x1, s10, s11, $0xb8;
	[tilespmem:$0x4FD0] =	vst v63  }
0x6a: {  	_ = 	snop  }
0x6b: {  	[spmem:s2] =	stream.indirect.scatter.add.f32 [tilespmem:s12], [sflag:$0x1], $0x1, s13, s11, $0xb8;
	[tilespmem:$0x4FD0] =	vst v63  }
0x6c: {  	_ = 	snop  }
0x6d: {  	[spmem:s2] =	stream.indirect.scatter.add.f32 [tilespmem:s12], [sflag:$0x1], $0x1, s14, s11, $0xb8;
	[tilespmem:$0x4FD0] =	vst v63  }
0x6e: {  	_ = 	snop  }
0x6f: {  	[spmem:s2] =	stream.indirect.scatter.add.f32 [tilespmem:s12], [sflag:$0x1], $0x1, s15, s11, $0xb8;
	[tilespmem:$0x4FD0] =	vst v63  }
0x70: {  	_ = 	snop  }
0x71: {  	[spmem:s2] =	stream.indirect.scatter.add.f32 [tilespmem:s12], [sflag:$0x1], $0x1, s16, s11, $0xb8;
	[tilespmem:$0x4FD0] =	vst v63  }
0x72: {  	_ = 	snop  }
0x73: {  	[spmem:s2] =	stream.indirect.scatter.add.f32 [tilespmem:s12], [sflag:$0x1], $0x1, s17, s11, $0xb8;
	[tilespmem:$0x4FD0] =	vst v63  }
0x74: {  	_ = 	snop  }
0x75: {  	[spmem:s2] =	stream.indirect.scatter.add.f32 [tilespmem:s12], [sflag:$0x1], $0x1, s18, s11, $0xb8;
	[tilespmem:$0x4FD0] =	vst v63  }
0x76: {  	_ = 	snop  }
0x77: {  	[spmem:s2] =	stream.indirect.scatter.add.f32 [tilespmem:s12], [sflag:$0x1], $0x1, s19, s11, $0xb8;
	[tilespmem:$0x4FD0] =	vst v63  }
0x78: {  	_ = 	snop  }
0x79: {  	[spmem:s2] =	stream.indirect.scatter.add.f32 [tilespmem:s12], [sflag:$0x1], $0x1, s20, s11, $0xb8;
	[tilespmem:$0x4FD0] =	vst v63  }
0x7a: {  	_ = 	snop  }
0x7b: {  	[spmem:s2] =	stream.indirect.scatter.add.f32 [tilespmem:s12], [sflag:$0x1], $0x1, s21, s11, $0xb8;
	[tilespmem:$0x4FD0] =	vst v63  }
0x7c: {  	_ = 	snop  }
0x7d: {  	[spmem:s2] =	stream.indirect.scatter.add.f32 [tilespmem:s12], [sflag:$0x1], $0x1, s22, s11, $0xb8;
	[tilespmem:$0x4FD0] =	vst v63  }
0x7e: {  	_ = 	snop  }
0x7f: {  	[spmem:s2] =	stream.indirect.scatter.add.f32 [tilespmem:s12], [sflag:$0x1], $0x1, s23, s11, $0xb8;
	[tilespmem:$0x4FD0] =	vst v63  }
0x80: {  	_ =	swait.ge [sflag:s24], $0x80  }
0x81: {  	[sflag:s24] =	ssyncset.done $0x0  }
0x82: {  	[sflag:s24] =	ssyncadd.s32 $0xFFFFFF80  }
0x83: {  	_ =	swait.ge [sflag:s24], $0x80  }
0x84: {  	[sflag:s24] =	ssyncset.done $0x0  }
0x85: {  	[sflag:s24] =	ssyncadd.s32 $0xFFFFFF80  }
0x86: {  	_ =	swait.ge [sflag:s24], $0x80  }
0x87: {  	[sflag:s24] =	ssyncset.done $0x0  }
0x88: {  	[sflag:s24] =	ssyncadd.s32 $0xFFFFFF80  }
0x89: {  	_ =	swait.ge [sflag:s24], $0x80  }
0x8a: {  	[sflag:s24] =	ssyncset.done $0x0  }
0x8b: {  	[sflag:s24] =	ssyncadd.s32 $0xFFFFFF80  }
0x8c: {  	_ =	swait.ge [sflag:s24], $0x80  }
0x8d: {  	[sflag:s24] =	ssyncset.done $0x0  }
0x8e: {  	[sflag:s24] =	ssyncadd.s32 $0xFFFFFF80  }
0x8f: {  	_ =	swait.ge [sflag:s24], $0x80  }
0x90: {  	[sflag:s24] =	ssyncset.done $0x0  }
0x91: {  	[sflag:s24] =	ssyncadd.s32 $0xFFFFFF80  }
0x92: {  	_ =	swait.ge [sflag:s24], $0x80  }
0x93: {  	[sflag:s24] =	ssyncset.done $0x0  }
0x94: {  	[sflag:s24] =	ssyncadd.s32 $0xFFFFFF80  }
0x95: {  	_ =	swait.ge [sflag:s24], $0x80  }
0x96: {  	[sflag:s24] =	ssyncset.done $0x0  }
0x97: {  	[sflag:s24] =	ssyncadd.s32 $0xFFFFFF80  }
0x98: {  	_ =	swait.ge [sflag:s24], $0x80  }
0x99: {  	[sflag:s24] =	ssyncset.done $0x0  }
0x9a: {  	[sflag:s24] =	ssyncadd.s32 $0xFFFFFF80  }
0x9b: {  	_ =	swait.ge [sflag:s24], $0x80  }
0x9c: {  	[sflag:s24] =	ssyncset.done $0x0  }
0x9d: {  	[sflag:s24] =	ssyncadd.s32 $0xFFFFFF80  }
.Ltmp1:
0x9e: {  	_ =	swait.ge [sflag:s24], $0x80;
	(pc) =	sbr.rel @p0 .LBB2_4-.Ltmp1, $4  }
0x9f: {  	[sflag:s24] =	ssyncset.done $0x0  }
0xa0: {  	[sflag:s24] =	ssyncadd.s32 $0xFFFFFF80  }
0xa1: {  	_ =	swait.ge [sflag:s24], $0x80  }
0xa2: {  	s30 =	smov.u32 s29;
	[sflag:s24] =	ssyncset.done $0x0  }
0xa3: {  	s28 =	sadd.s32 s28, s7;
	[sflag:s24] =	ssyncadd.s32 $0xFFFFFF80  }
0xa4: {  	[tilespmem:s10], [sflag:$0x2] =	stream.linear.gather [hbm4b:s28+s3], $0x600, $0x38;
	[tilespmem:$0x4FD0] =	vst v63  }
0xa5: {  	_ =	swait.ge [sflag:s9], $0x600  }
0xa6: {  	[sflag:s9] =	ssyncset.done $0x0  }
0xa7: {  	[sflag:s9] =	ssyncadd.s32 $0xFFFFFA00  }
0xa8: {  	[spmem:s2] =	stream.indirect.scatter.add.f32 [tilespmem:s12], [sflag:$0x1], $0x1, s10, s11, $0xb8;
	[tilespmem:$0x4FD0] =	vst v63  }
0xa9: {  	_ = 	snop  }
0xaa: {  	[spmem:s2] =	stream.indirect.scatter.add.f32 [tilespmem:s12], [sflag:$0x1], $0x1, s13, s11, $0xb8;
	[tilespmem:$0x4FD0] =	vst v63  }
0xab: {  	_ = 	snop  }
0xac: {  	[spmem:s2] =	stream.indirect.scatter.add.f32 [tilespmem:s12], [sflag:$0x1], $0x1, s14, s11, $0xb8;
	[tilespmem:$0x4FD0] =	vst v63  }
0xad: {  	_ = 	snop  }
0xae: {  	[spmem:s2] =	stream.indirect.scatter.add.f32 [tilespmem:s12], [sflag:$0x1], $0x1, s15, s11, $0xb8;
	[tilespmem:$0x4FD0] =	vst v63  }
0xaf: {  	_ = 	snop  }
0xb0: {  	[spmem:s2] =	stream.indirect.scatter.add.f32 [tilespmem:s12], [sflag:$0x1], $0x1, s16, s11, $0xb8;
	[tilespmem:$0x4FD0] =	vst v63  }
0xb1: {  	_ = 	snop  }
0xb2: {  	[spmem:s2] =	stream.indirect.scatter.add.f32 [tilespmem:s12], [sflag:$0x1], $0x1, s17, s11, $0xb8;
	[tilespmem:$0x4FD0] =	vst v63  }
0xb3: {  	_ = 	snop  }
0xb4: {  	[spmem:s2] =	stream.indirect.scatter.add.f32 [tilespmem:s12], [sflag:$0x1], $0x1, s18, s11, $0xb8;
	[tilespmem:$0x4FD0] =	vst v63  }
0xb5: {  	_ = 	snop  }
0xb6: {  	[spmem:s2] =	stream.indirect.scatter.add.f32 [tilespmem:s12], [sflag:$0x1], $0x1, s19, s11, $0xb8;
	[tilespmem:$0x4FD0] =	vst v63  }
0xb7: {  	_ = 	snop  }
0xb8: {  	[spmem:s2] =	stream.indirect.scatter.add.f32 [tilespmem:s12], [sflag:$0x1], $0x1, s20, s11, $0xb8;
	[tilespmem:$0x4FD0] =	vst v63  }
0xb9: {  	_ = 	snop  }
0xba: {  	[spmem:s2] =	stream.indirect.scatter.add.f32 [tilespmem:s12], [sflag:$0x1], $0x1, s21, s11, $0xb8;
	[tilespmem:$0x4FD0] =	vst v63  }
0xbb: {  	_ = 	snop  }
0xbc: {  	[spmem:s2] =	stream.indirect.scatter.add.f32 [tilespmem:s12], [sflag:$0x1], $0x1, s22, s11, $0xb8;
	[tilespmem:$0x4FD0] =	vst v63  }
0xbd: {  	_ = 	snop  }
0xbe: {  	[spmem:s2] =	stream.indirect.scatter.add.f32 [tilespmem:s12], [sflag:$0x1], $0x1, s23, s11, $0xb8;
	[tilespmem:$0x4FD0] =	vst v63  }
0xbf: {  	_ =	swait.ge [sflag:s24], $0x80  }
0xc0: {  	[sflag:s24] =	ssyncset.done $0x0  }
0xc1: {  	[sflag:s24] =	ssyncadd.s32 $0xFFFFFF80  }
0xc2: {  	_ =	swait.ge [sflag:s24], $0x80  }
0xc3: {  	[sflag:s24] =	ssyncset.done $0x0  }
0xc4: {  	[sflag:s24] =	ssyncadd.s32 $0xFFFFFF80  }
0xc5: {  	_ =	swait.ge [sflag:s24], $0x80  }
0xc6: {  	[sflag:s24] =	ssyncset.done $0x0  }
0xc7: {  	[sflag:s24] =	ssyncadd.s32 $0xFFFFFF80  }
0xc8: {  	_ =	swait.ge [sflag:s24], $0x80  }
0xc9: {  	[sflag:s24] =	ssyncset.done $0x0  }
0xca: {  	[sflag:s24] =	ssyncadd.s32 $0xFFFFFF80  }
0xcb: {  	_ =	swait.ge [sflag:s24], $0x80  }
0xcc: {  	[sflag:s24] =	ssyncset.done $0x0  }
0xcd: {  	[sflag:s24] =	ssyncadd.s32 $0xFFFFFF80  }
0xce: {  	_ =	swait.ge [sflag:s24], $0x80  }
0xcf: {  	[sflag:s24] =	ssyncset.done $0x0  }
0xd0: {  	[sflag:s24] =	ssyncadd.s32 $0xFFFFFF80  }
0xd1: {  	_ =	swait.ge [sflag:s24], $0x80  }
0xd2: {  	[sflag:s24] =	ssyncset.done $0x0  }
0xd3: {  	[sflag:s24] =	ssyncadd.s32 $0xFFFFFF80  }
0xd4: {  	_ =	swait.ge [sflag:s24], $0x80  }
0xd5: {  	[sflag:s24] =	ssyncset.done $0x0  }
0xd6: {  	[sflag:s24] =	ssyncadd.s32 $0xFFFFFF80  }
0xd7: {  	_ =	swait.ge [sflag:s24], $0x80  }
0xd8: {  	[sflag:s24] =	ssyncset.done $0x0  }
0xd9: {  	[sflag:s24] =	ssyncadd.s32 $0xFFFFFF80  }
0xda: {  	_ =	swait.ge [sflag:s24], $0x80  }
0xdb: {  	[sflag:s24] =	ssyncset.done $0x0  }
0xdc: {  	[sflag:s24] =	ssyncadd.s32 $0xFFFFFF80  }
0xdd: {  	_ =	swait.ge [sflag:s24], $0x80  }
0xde: {  	[sflag:s24] =	ssyncset.done $0x0  }
0xdf: {  	[sflag:s24] =	ssyncadd.s32 $0xFFFFFF80  }
0xe0: {  	_ =	swait.ge [sflag:s24], $0x80  }
0xe1: {  	[sflag:s24] =	ssyncset.done $0x0  }
0xe2: {  	[sflag:s24] =	ssyncadd.s32 $0xFFFFFF80  }
0xe3: {  	[bflag:$0x0] =	sbarrier.arrive $0xFFFF  }
0xe4: {  	[tilespmem:s8], [sflag:$0x2] =	stream.linear.gather [spmem:s4], $0x1870, $0x38;
	[tilespmem:$0x4FD0] =	vst v63  }
0xe5: {  	_ =	swait.ge [sflag:s9], $0x1870  }
0xe6: {  	[sflag:s9] =	ssyncset.done $0x0  }
0xe7: {  	s28 =	simm.s32 $0x0;
	[sflag:s9] =	ssyncadd.s32 $0xFFFFE790  }
0xe8: {  	s29 =	simm.s32 $0x40;
	v2 =	vld [tilespmem:s28+$0x1870]  }
.LBB2_6:
0xe9: {  	p0 =	sne.s32 s29, $0x6180  }
.Ltmp2:
0xea: {  	_ = 	snop;
	(pc) =	sbr.rel @p0 .LBB2_6-.Ltmp2, $3  }
0xeb: {  	_ =	sdelay $0x1  }
0xec: {  	[tilespmem:s28+$0x30E0] =	vst v2;
	s28 =	sshra.s32 s29, $0x2;
	s29 =	sadd.s32 $0x40, s29  }
0xed: {  	v2 =	vld [tilespmem:s28+$0x1870]  }
0xee: {  	_ =	sdelay $0x1  }
0xef: {  	s26 =	sadd.s32 $0x1, s26  }
0xf0: {  	p0 =	sne.s32 s26, s6  }
.Ltmp3:
0xf1: {  	[tilespmem:s28+$0x30E0] =	vst v2;
	(pc) =	sbr.rel @p0 .LBB2_1-.Ltmp3, $4  }
0xf2: {  	[hbm4b:s5+s3] =	stream.linear.scatter [tilespmem:s25], [sflag:$0x2], $0x1870, $0x38;
	[tilespmem:$0x4FD0] =	vst v63  }
0xf3: {  	_ =	swait.ge [sflag:s9], $0x1870  }
0xf4: {  	[sflag:s9] =	ssyncset.done $0x0  }
0xf5: {  	[sflag:s9] =	ssyncadd.s32 $0xFFFFE790  }
0xf6: {  	_ =	sfence.sel $0x180000  }
0xf7: {  	[bflag:$0x0] =	sbarrier.arrive $0xFFFF  }
0xf8: {  	p0 =	sne.s32 s1, $0x0;
	_ =	strace $0x90000047  }
0xf9: {  	s0 =	sadd.s32 @!p0 $0x100000, s0;
	[bflag:$0x2] =	sbarrier.arrive $0xFFFF  }
0xfa: {  	[sflag:s0] =	ssyncadd.tile.s32 @!p0 $0x1;
	_ =	shalt  }
.Lfunc_end2:
_tile_overlayer_lowered:
.L_overlay_start_2:
0xfb: {  	(tag) =	ssettag $0x2  }
0xfc: {  	s0 =	rddreg [dreg:$0x0];
	s2 =	stileid.u32  }
0xfd: {  	s1 =	rddreg [dreg:$0x1];
	p0 =	sne.s32 s2, $0x0  }
0xfe: {  	s3 =	rddreg [dreg:$0x2];
	[bflag:$0x3] =	sbarrier.arrive $0xFFFF;
	s2 =	simm.s32 @!p0 $0x1C02  }
0xff: {  	[timem:s3], [sflag:s2] =	dma.local @!p0 [hbm:s0], s1  }
0x100: {  	s0 =	simm.s32 @!p0 $0x2  }
0x101: {  	_ =	swait.ge @!p0 [sflag:s0], s1  }
0x102: {  	s1 =	ssub.s32 @!p0 $0x0, s1;
	[sflag:s0] =	ssyncset.done @!p0 $0x0  }
0x103: {  	[sflag:s0] =	ssyncadd.s32 @!p0 s1  }
0x104: {  	[bflag:$0x3] =	sbarrier.arrive $0xFFFF  }
0x105: {  	_ =	shalt  }

</sc_bundles>
